<compile_context>
chip_gen: v7x
topology: tpu7x:2x2x1
jax: 0.10.2.dev20260603
libtpu: 0.0.44.dev20260713+nightly
codegen_flags: <defaults>
</compile_context>

<pallas_src>
import jax
import jax.numpy as jnp
from jax import lax
from jax.experimental import pallas as pl
from jax.experimental.pallas import tpu as pltpu
from jax.experimental.pallas import tpu_sc as plsc

N = 10000
K = 32
NE = N * K
H = 128
XE = 128

NW = 32
NPW = 320
CH = 64
NCHUNK = NPW // CH
N_PAD = NW * NPW
NE_PAD = N_PAD * K
BLK = 128
SUB = BLK // 16
NB = CH * K // BLK
NBUF = 2


def _sc_body(h_hbm, c_hbm, type_hbm, src_hbm, zeros_hbm,
             mail_hbm, cout_hbm, tout_hbm,
             typev, idx_all, tbuf_all, didx, idxb, hrows, crows, accsh,
             semg, semsc, semcw):
    sid = lax.axis_index("s")
    wid = lax.axis_index("c") * 16 + sid
    abase = sid * (2 * CH)
    pltpu.sync_copy(type_hbm, typev)
    iota16 = lax.iota(jnp.int32, 16)

    def _chunk(ci, carry):
        node_start = wid * NPW + ci * CH
        e0c = node_start * K
        pltpu.sync_copy(src_hbm.at[pl.ds(e0c, CH * K)], idx_all)
        pltpu.sync_copy(zeros_hbm, accsh.at[pl.ds(abase, 2 * CH)])

        gh = [None] * NB
        gc = [None] * NB
        outs = [None] * NB

        def compute_idx(bi):
            b = bi % NBUF
            for j in range(SUB):
                base = bi * BLK + j * 16
                src16 = idx_all[pl.ds(base, 16)]
                idxb[b][pl.ds(j * 16, 16)] = src16
                r16 = lax.shift_right_logical(src16, 7)
                c16 = jnp.bitwise_and(src16, 127)
                t16 = plsc.load_gather(typev, [r16, c16])
                tbuf_all[pl.ds(base, 16)] = t16
                nl = lax.shift_right_logical(base + iota16, 5)
                didx[b][pl.ds(j * 16, 16)] = abase + nl * 2 + t16

        def launch_gathers(bi):
            b = bi % NBUF
            gh[bi] = pltpu.async_copy(h_hbm.at[idxb[b]], hrows[b], semg[b])
            gc[bi] = pltpu.async_copy(c_hbm.at[idxb[b]], crows[b], semg[b])

        def launch_outputs(bi):
            b = bi % NBUF
            o1 = pltpu.async_copy(hrows[b], accsh.at[didx[b]], semsc[b],
                                  add=True)
            o2 = pltpu.async_copy(crows[b],
                                  cout_hbm.at[pl.ds(e0c + bi * BLK, BLK)],
                                  semcw[b])
            outs[bi] = (o1, o2)

        for bi in range(NB + 1):
            if bi < NB:
                if bi >= NBUF:
                    for o in outs[bi - NBUF]:
                        o.wait()
                compute_idx(bi)
                launch_gathers(bi)
            if bi >= 1:
                gh[bi - 1].wait()
                gc[bi - 1].wait()
                launch_outputs(bi - 1)
        for bi in range(NB - NBUF, NB):
            for o in outs[bi]:
                o.wait()

        pltpu.sync_copy(tbuf_all, tout_hbm.at[pl.ds(e0c, CH * K)])
        pltpu.sync_copy(accsh.at[pl.ds(abase, 2 * CH)],
                        mail_hbm.at[pl.ds(node_start * 2, 2 * CH)])
        return carry

    lax.fori_loop(0, NCHUNK, _chunk, jnp.int32(0))


_sc_gather = pl.kernel(
    _sc_body,
    out_type=(
        jax.ShapeDtypeStruct((2 * N_PAD, H), jnp.float32),
        jax.ShapeDtypeStruct((NE_PAD, H), jnp.float32),
        jax.ShapeDtypeStruct((NE_PAD,), jnp.int32),
    ),
    mesh=plsc.VectorSubcoreMesh(core_axis_name="c", subcore_axis_name="s"),
    scratch_types=[
        pltpu.VMEM((80, 128), jnp.int32),
        pltpu.VMEM((CH * K,), jnp.int32),
        pltpu.VMEM((CH * K,), jnp.int32),
        [pltpu.VMEM((BLK,), jnp.int32) for _ in range(NBUF)],
        [pltpu.VMEM((BLK,), jnp.int32) for _ in range(NBUF)],
        [pltpu.VMEM((BLK, H), jnp.float32) for _ in range(NBUF)],
        [pltpu.VMEM((BLK, H), jnp.float32) for _ in range(NBUF)],
        pltpu.VMEM_SHARED((16 * 2 * CH, H), jnp.float32),
        [pltpu.SemaphoreType.DMA for _ in range(NBUF)],
        [pltpu.SemaphoreType.DMA for _ in range(NBUF)],
        [pltpu.SemaphoreType.DMA for _ in range(NBUF)],
    ],
    compiler_params=pltpu.CompilerParams(needs_layout_passes=False),
)

BN = 400
BE = BN * K
GRID = N // BN


def _tc_body(emb3_ref, mail_ref, crows_ref, t_ref,
             W_iou_ref, U_iou_ref, b_iou_ref, W_f_ref, U_f_ref, U_f_b_ref,
             b_f_ref, h_out, c_out):
    i = pl.program_id(0)

    def matT(x, w):
        return lax.dot_general(x, w, (((1,), (1,)), ((), ())),
                               preferred_element_type=jnp.float32)

    h_iou = mail_ref[...]
    f = matT(h_iou, U_f_ref[...]) + U_f_b_ref[...]
    b_f = b_f_ref[...]
    f0 = f[:, :H] + b_f
    f1 = f[:, H:] + b_f

    emb_blk = emb3_ref[pl.ds(i * BN, BN), :]
    iou = (matT(emb_blk, W_iou_ref[...]) + matT(h_iou, U_iou_ref[...])
           + b_iou_ref[...])

    s = (i * BE) % N
    embe = emb3_ref[pl.ds(s, BE), :]
    Xe = matT(embe, W_f_ref[...]).reshape(BN, K, H)
    tb = lax.broadcast_in_dim(t_ref[...].astype(jnp.float32),
                              (BN, K, H), (0, 1))
    f0b = lax.broadcast_in_dim(f0, (BN, K, H), (0, 2))
    dfb = lax.broadcast_in_dim(f1 - f0, (BN, K, H), (0, 2))
    w = jax.nn.sigmoid(Xe + f0b + tb * dfb)
    c_cell = jnp.sum(w * crows_ref[...].reshape(BN, K, H), axis=1)

    ig = jax.nn.sigmoid(iou[:, :H])
    og = jax.nn.sigmoid(iou[:, H:2 * H])
    ug = jnp.tanh(iou[:, 2 * H:])
    c_new = ig * ug + c_cell
    h_out[...] = og * jnp.tanh(c_new)
    c_out[...] = c_new


_tc_dense = pl.pallas_call(
    _tc_body,
    grid=(GRID,),
    in_specs=[
        pl.BlockSpec((3 * N, XE), lambda i: (0, 0)),
        pl.BlockSpec((BN, 2 * H), lambda i: (i, 0)),
        pl.BlockSpec((BE, H), lambda i: (i, 0)),
        pl.BlockSpec((BN, K), lambda i: (i, 0)),
        pl.BlockSpec((3 * H, XE), lambda i: (0, 0)),
        pl.BlockSpec((3 * H, 2 * H), lambda i: (0, 0)),
        pl.BlockSpec((1, 3 * H), lambda i: (0, 0)),
        pl.BlockSpec((H, XE), lambda i: (0, 0)),
        pl.BlockSpec((2 * H, 2 * H), lambda i: (0, 0)),
        pl.BlockSpec((1, 2 * H), lambda i: (0, 0)),
        pl.BlockSpec((1, H), lambda i: (0, 0)),
    ],
    out_specs=[
        pl.BlockSpec((BN, H), lambda i: (i, 0)),
        pl.BlockSpec((BN, H), lambda i: (i, 0)),
    ],
    out_shape=[
        jax.ShapeDtypeStruct((N, H), jnp.float32),
        jax.ShapeDtypeStruct((N, H), jnp.float32),
    ],
)


def kernel(emb, h, c, type_n, edge_index, W_iou_w, U_iou_w, b_iou, W_f_w,
           U_f_w, U_f_b, b_f):
    src = edge_index[0]
    src_pad = jnp.concatenate(
        [src, (jnp.arange(NE_PAD - NE, dtype=src.dtype) * 53) % N])
    zeros = jnp.zeros((2 * CH, H), jnp.float32)
    type_pad = jnp.concatenate(
        [type_n, jnp.zeros((80 * 128 - N,), jnp.int32)]).reshape(80, 128)
    mail, c_rows, t_child = _sc_gather(h, c, type_pad, src_pad, zeros)
    mail2 = mail.reshape(N_PAD, 2 * H)
    t_nk = t_child[:NE].reshape(N, K)
    emb3 = jnp.concatenate([emb, emb, emb], axis=0)
    h_new, c_new = _tc_dense(emb3, mail2, c_rows, t_nk,
                             W_iou_w, U_iou_w, b_iou.reshape(1, 3 * H),
                             W_f_w, U_f_w, U_f_b.reshape(1, 2 * H),
                             b_f.reshape(1, H))
    return (h_new, c_new)

# --- scband reference (transcript-rebuilt; emitter-appended) ---
"""Pipeline reference for scband-tree-lstmcell-12343736009152 (READ-ONLY COPY).

The authoritative reference and input builder live on the scoring server;
editing this copy changes nothing except your own understanding.
"""

import jax, jax.numpy as jnp
import numpy as np

N = 10000   # n_nodes
K = 32      # children per node (avg_degree)
XE = 128    # xemb_size
H = 128     # h_size


def setup_inputs(seed: int = 0) -> dict:
    key = jax.random.key(seed)
    ks = jax.random.split(key, 12)
    emb = jax.random.normal(ks[0], (N, XE), dtype=jnp.float32)
    h = jax.random.normal(ks[1], (N, H), dtype=jnp.float32)
    c = jax.random.normal(ks[2], (N, H), dtype=jnp.float32)
    type_n = jax.random.randint(ks[3], (N,), 0, 2, dtype=jnp.int32)
    # edges grouped by destination: node n receives messages from edge_index[0, n*K:(n+1)*K]
    edge_index = jax.random.randint(ks[4], (2, N * K), 0, N, dtype=jnp.int32)
    # parameters (PyTorch Linear stores weight as [out, in])
    W_iou_w = jax.random.normal(ks[5], (3 * H, XE), dtype=jnp.float32) / np.sqrt(XE)
    U_iou_w = jax.random.normal(ks[6], (3 * H, 2 * H), dtype=jnp.float32) / np.sqrt(2 * H)
    b_iou = jnp.zeros((1, 3 * H), dtype=jnp.float32)
    W_f_w = jax.random.normal(ks[7], (H, XE), dtype=jnp.float32) / np.sqrt(XE)
    U_f_w = jax.random.normal(ks[8], (2 * H, 2 * H), dtype=jnp.float32) / np.sqrt(2 * H)
    U_f_b = jax.random.normal(ks[9], (2 * H,), dtype=jnp.float32) / np.sqrt(2 * H)
    b_f = jnp.zeros((1, H), dtype=jnp.float32)
    return {"emb": emb, "h": h, "c": c, "type_n": type_n, "edge_index": edge_index,
            "W_iou_w": W_iou_w, "U_iou_w": U_iou_w, "b_iou": b_iou,
            "W_f_w": W_f_w, "U_f_w": U_f_w, "U_f_b": U_f_b, "b_f": b_f}


def reference(emb, h, c, type_n, edge_index, W_iou_w, U_iou_w, b_iou, W_f_w, U_f_w, U_f_b, b_f):
    src = edge_index[0]
    # message_func: gather child states along edges (mailbox of K children per node)
    h_child = jnp.take(h, src, axis=0).reshape(N, K, H)
    c_child = jnp.take(c, src, axis=0).reshape(N, K, H)
    t_child = jnp.take(type_n, src, axis=0).reshape(N, K)
    # reduce_func
    mask0 = (t_child == 0)[..., None].astype(h_child.dtype)
    mask1 = (t_child == 1)[..., None].astype(h_child.dtype)
    ht_0 = jnp.sum(mask0 * h_child, axis=1)
    ht_1 = jnp.sum(mask1 * h_child, axis=1)
    h_iou = jnp.concatenate([ht_0, ht_1], axis=1)            # [N, 2H]
    f = (h_iou @ U_f_w.T + U_f_b).reshape(N, 2, H)
    f_cell = f[jnp.arange(N)[:, None], t_child]              # [N, K, H]
    X = emb @ W_f_w.T                                        # [N, H]
    X_t = jnp.tile(X, (K, 1)).reshape(N, K, H)               # faithful to torch X.repeat(K,1).view(N,K,H)
    f_tk = jax.nn.sigmoid(X_t + f_cell + b_f)
    c_cell = jnp.sum(f_tk * c_child, axis=1)                 # [N, H]
    # apply_node_func (internal nodes: h_cell = h_iou, already 2H wide)
    iou = emb @ W_iou_w.T + h_iou @ U_iou_w.T + b_iou
    i, o, u = jnp.split(iou, 3, axis=1)
    i = jax.nn.sigmoid(i)
    o = jax.nn.sigmoid(o)
    u = jnp.tanh(u)
    c_new = i * u + c_cell
    h_new = o * jnp.tanh(c_new)
    return (h_new, c_new)

if __name__ == "__main__":
    import jax
    _d = setup_inputs()
    print(jax.jit(kernel)(*tuple(_d.values())))

</pallas_src>

<mosaic_0001>
#map = affine_map<(d0, d1) -> (0, 0)>
#map1 = affine_map<(d0, d1) -> (0)>
module attributes {stable_mosaic.version = 14 : i64} {
  func.func @_sc_body(%arg0: i32, %arg1: i32, %arg2: memref<10000x128xf32, #tpu.memory_space<hbm>>, %arg3: memref<10000x128xf32, #tpu.memory_space<hbm>>, %arg4: memref<80x128xi32, #tpu.memory_space<hbm>>, %arg5: memref<327680xi32, #tpu.memory_space<hbm>>, %arg6: memref<128x128xf32, #tpu.memory_space<hbm>>, %arg7: memref<20480x128xf32, #tpu.memory_space<hbm>>, %arg8: memref<327680x128xf32, #tpu.memory_space<hbm>>, %arg9: memref<327680xi32, #tpu.memory_space<hbm>>, %arg10: memref<80x128xi32, #tpu.memory_space<vmem>>, %arg11: memref<2048xi32, #tpu.memory_space<vmem>>, %arg12: memref<2048xi32, #tpu.memory_space<vmem>>, %arg13: memref<128xi32, #tpu.memory_space<vmem>>, %arg14: memref<128xi32, #tpu.memory_space<vmem>>, %arg15: memref<128xi32, #tpu.memory_space<vmem>>, %arg16: memref<128xi32, #tpu.memory_space<vmem>>, %arg17: memref<128x128xf32, #tpu.memory_space<vmem>>, %arg18: memref<128x128xf32, #tpu.memory_space<vmem>>, %arg19: memref<128x128xf32, #tpu.memory_space<vmem>>, %arg20: memref<128x128xf32, #tpu.memory_space<vmem>>, %arg21: memref<2048x128xf32, #tpu.memory_space<vmem_shared>>, %arg22: memref<!tpu.dma_semaphore, #tpu.memory_space<semaphore_mem>>, %arg23: memref<!tpu.dma_semaphore, #tpu.memory_space<semaphore_mem>>, %arg24: memref<!tpu.dma_semaphore, #tpu.memory_space<semaphore_mem>>, %arg25: memref<!tpu.dma_semaphore, #tpu.memory_space<semaphore_mem>>, %arg26: memref<!tpu.dma_semaphore, #tpu.memory_space<semaphore_mem>>, %arg27: memref<!tpu.dma_semaphore, #tpu.memory_space<semaphore_mem>>) attributes {dimension_semantics = [#tpu.dimension_semantics<core_parallel>, #tpu.dimension_semantics<subcore_parallel>], iteration_bounds = array<i64: 2, 16>, scalar_prefetch = 0 : i64, scratch_operands = 18 : i64, tpu.core_type = #tpu.core_type<sc_vector_subcore>, window_params = [{transform_indices = #map}, {transform_indices = #map}, {transform_indices = #map}, {transform_indices = #map1}, {transform_indices = #map}, {transform_indices = #map}, {transform_indices = #map}, {transform_indices = #map1}]} {
    %mul3A = arith.constant 16 : i32
    %mul3A_0 = arith.muli %arg0, %mul3A : i32
    %add3A = arith.addi %mul3A_0, %arg1 : i32
    %mul3A_1 = arith.constant 128 : i32
    %mul3A_2 = arith.muli %arg1, %mul3A_1 : i32
    "tpu.region"() ({
      %run_scoped3A = tpu.sem_alloc : memref<!tpu.dma_semaphore, #tpu.memory_space<semaphore_mem>>
      tpu.enqueue_dma source(%arg4 : memref<80x128xi32, #tpu.memory_space<hbm>>) target(%arg10 : memref<80x128xi32, #tpu.memory_space<vmem>>) target_semaphore(%run_scoped3A : memref<!tpu.dma_semaphore, #tpu.memory_space<semaphore_mem>>)
      tpu.wait_dma2 semaphore(%run_scoped3A : memref<!tpu.dma_semaphore, #tpu.memory_space<semaphore_mem>>) src(%arg4 : memref<80x128xi32, #tpu.memory_space<hbm>>) dst(%arg10 : memref<80x128xi32, #tpu.memory_space<vmem>>)
      tpu.yield
    }) : () -> ()
    %iota3A = tpu.iota {dimensions = array<i32: 0>} : vector<16xi32>
    %scan3A = arith.constant 0 : i32
    %scan3A_3 = arith.constant 0 : i32
    %scan3A_4 = arith.constant 5 : i32
    %scan3A_5 = arith.addi %scan3A_3, %scan3A_4 : i32
    %scan3A_6 = arith.constant 1 : i32
    scf.for %scan3A_8 = %scan3A_3 to %scan3A_5 step %scan3A_6  : i32 {
      %mul3A_9 = arith.constant 320 : i32
      %mul3A_10 = arith.muli %add3A, %mul3A_9 : i32
      %mul3A_11 = arith.constant 64 : i32
      %mul3A_12 = arith.muli %scan3A_8, %mul3A_11 : i32
      %add3A_13 = arith.addi %mul3A_10, %mul3A_12 : i32
      %mul3A_14 = arith.constant 32 : i32
      %mul3A_15 = arith.muli %add3A_13, %mul3A_14 : i32
      "tpu.region"() ({
        %run_scoped3A = tpu.sem_alloc : memref<!tpu.dma_semaphore, #tpu.memory_space<semaphore_mem>>
        %dma_start3A_3915 = tpu.memref_slice %arg5[%mul3A_15] : memref<327680xi32, #tpu.memory_space<hbm>> -> memref<2048xi32, #tpu.memory_space<hbm>>
        %dma_start3A_3916 = tpu.memref_slice %arg5[%mul3A_15] : memref<327680xi32, #tpu.memory_space<hbm>> -> memref<2048xi32, #tpu.memory_space<hbm>>
        tpu.enqueue_dma source(%dma_start3A_3916 : memref<2048xi32, #tpu.memory_space<hbm>>) target(%arg11 : memref<2048xi32, #tpu.memory_space<vmem>>) target_semaphore(%run_scoped3A : memref<!tpu.dma_semaphore, #tpu.memory_space<semaphore_mem>>)
        %dma_wait3A_3917 = tpu.memref_slice %arg5[%mul3A_15] : memref<327680xi32, #tpu.memory_space<hbm>> -> memref<2048xi32, #tpu.memory_space<hbm>>
        %dma_wait3A_3918 = tpu.memref_slice %arg5[%mul3A_15] : memref<327680xi32, #tpu.memory_space<hbm>> -> memref<2048xi32, #tpu.memory_space<hbm>>
        tpu.wait_dma2 semaphore(%run_scoped3A : memref<!tpu.dma_semaphore, #tpu.memory_space<semaphore_mem>>) src(%dma_wait3A_3918 : memref<2048xi32, #tpu.memory_space<hbm>>) dst(%arg11 : memref<2048xi32, #tpu.memory_space<vmem>>)
        tpu.yield
      }) : () -> ()
      "tpu.region"() ({
        %run_scoped3A = tpu.sem_alloc : memref<!tpu.dma_semaphore, #tpu.memory_space<semaphore_mem>>
        %dma_start3A_3915 = arith.constant 0 : i32
        %dma_start3A_3916 = tpu.memref_slice %arg21[%mul3A_2, %dma_start3A_3915] : memref<2048x128xf32, #tpu.memory_space<vmem_shared>> -> memref<128x128xf32, #tpu.memory_space<vmem_shared>>
        tpu.enqueue_dma source(%arg6 : memref<128x128xf32, #tpu.memory_space<hbm>>) target(%dma_start3A_3916 : memref<128x128xf32, #tpu.memory_space<vmem_shared>>) target_semaphore(%run_scoped3A : memref<!tpu.dma_semaphore, #tpu.memory_space<semaphore_mem>>)
        %dma_wait3A_3917 = arith.constant 0 : i32
        %dma_wait3A_3918 = tpu.memref_slice %arg21[%mul3A_2, %dma_wait3A_3917] : memref<2048x128xf32, #tpu.memory_space<vmem_shared>> -> memref<128x128xf32, #tpu.memory_space<vmem_shared>>
        tpu.wait_dma2 semaphore(%run_scoped3A : memref<!tpu.dma_semaphore, #tpu.memory_space<semaphore_mem>>) src(%arg6 : memref<128x128xf32, #tpu.memory_space<hbm>>) dst(%dma_wait3A_3918 : memref<128x128xf32, #tpu.memory_space<vmem_shared>>)
        tpu.yield
      }) : () -> ()
      %get3A = arith.constant 0 : index
      %get3A_16 = tpu.vector_load %arg11[%get3A] {strides = array<i32>} : memref<2048xi32, #tpu.memory_space<vmem>>, vector<16xi32>,
      %swap3A = arith.constant 0 : index
      %swap3A_17 = tpu.vector_load %arg15[%swap3A] {strides = array<i32>} : memref<128xi32, #tpu.memory_space<vmem>>, vector<16xi32>,
      tpu.vector_store %arg15[%swap3A], %get3A_16 {strides = array<i32>} : memref<128xi32, #tpu.memory_space<vmem>>, vector<16xi32>,
      %shift_right_logical3A = arith.constant 7 : i32
      %shift_right_logical3A_18 = vector.broadcast %shift_right_logical3A : i32 to vector<16xi32>
      %shift_right_logical3A_19 = arith.shrui %get3A_16, %shift_right_logical3A_18 : vector<16xi32>
      %and3A = arith.constant 127 : i32
      %and3A_20 = vector.broadcast %and3A : i32 to vector<16xi32>
      %and3A_21 = arith.andi %get3A_16, %and3A_20 : vector<16xi32>
      %gather3A = tpu.vector_load_idx %arg10[%shift_right_logical3A_19, %and3A_21] : memref<80x128xi32, #tpu.memory_space<vmem>>[vector<16xi32>, vector<16xi32>], vector<16xi32>,
      %swap3A_22 = arith.constant 0 : index
      %swap3A_23 = tpu.vector_load %arg12[%swap3A_22] {strides = array<i32>} : memref<2048xi32, #tpu.memory_space<vmem>>, vector<16xi32>,
      tpu.vector_store %arg12[%swap3A_22], %gather3A {strides = array<i32>} : memref<2048xi32, #tpu.memory_space<vmem>>, vector<16xi32>,
      %add3A_24 = arith.constant 0 : i32
      %add3A_25 = vector.broadcast %add3A_24 : i32 to vector<16xi32>
      %add3A_26 = arith.addi %add3A_25, %iota3A : vector<16xi32>
      %shift_right_logical3A_27 = arith.constant 5 : i32
      %shift_right_logical3A_28 = vector.broadcast %shift_right_logical3A_27 : i32 to vector<16xi32>
      %shift_right_logical3A_29 = arith.shrui %add3A_26, %shift_right_logical3A_28 : vector<16xi32>
      %mul3A_30 = arith.constant 2 : i32
      %mul3A_31 = vector.broadcast %mul3A_30 : i32 to vector<16xi32>
      %mul3A_32 = arith.muli %shift_right_logical3A_29, %mul3A_31 : vector<16xi32>
      %add3A_33 = vector.broadcast %mul3A_2 : i32 to vector<16xi32>
      %add3A_34 = arith.addi %add3A_33, %mul3A_32 : vector<16xi32>
      %add3A_35 = arith.addi %add3A_34, %gather3A : vector<16xi32>
      %swap3A_36 = arith.constant 0 : index
      %swap3A_37 = tpu.vector_load %arg13[%swap3A_36] {strides = array<i32>} : memref<128xi32, #tpu.memory_space<vmem>>, vector<16xi32>,
      tpu.vector_store %arg13[%swap3A_36], %add3A_35 {strides = array<i32>} : memref<128xi32, #tpu.memory_space<vmem>>, vector<16xi32>,
      %get3A_38 = arith.constant 16 : index
      %get3A_39 = tpu.vector_load %arg11[%get3A_38] {strides = array<i32>} : memref<2048xi32, #tpu.memory_space<vmem>>, vector<16xi32>,
      %swap3A_40 = arith.constant 16 : index
      %swap3A_41 = tpu.vector_load %arg15[%swap3A_40] {strides = array<i32>} : memref<128xi32, #tpu.memory_space<vmem>>, vector<16xi32>,
      tpu.vector_store %arg15[%swap3A_40], %get3A_39 {strides = array<i32>} : memref<128xi32, #tpu.memory_space<vmem>>, vector<16xi32>,
      %shift_right_logical3A_42 = arith.constant 7 : i32
      %shift_right_logical3A_43 = vector.broadcast %shift_right_logical3A_42 : i32 to vector<16xi32>
      %shift_right_logical3A_44 = arith.shrui %get3A_39, %shift_right_logical3A_43 : vector<16xi32>
      %and3A_45 = arith.constant 127 : i32
      %and3A_46 = vector.broadcast %and3A_45 : i32 to vector<16xi32>
      %and3A_47 = arith.andi %get3A_39, %and3A_46 : vector<16xi32>
      %gather3A_48 = tpu.vector_load_idx %arg10[%shift_right_logical3A_44, %and3A_47] : memref<80x128xi32, #tpu.memory_space<vmem>>[vector<16xi32>, vector<16xi32>], vector<16xi32>,
      %swap3A_49 = arith.constant 16 : index
      %swap3A_50 = tpu.vector_load %arg12[%swap3A_49] {strides = array<i32>} : memref<2048xi32, #tpu.memory_space<vmem>>, vector<16xi32>,
      tpu.vector_store %arg12[%swap3A_49], %gather3A_48 {strides = array<i32>} : memref<2048xi32, #tpu.memory_space<vmem>>, vector<16xi32>,
      %add3A_51 = arith.constant 16 : i32
      %add3A_52 = vector.broadcast %add3A_51 : i32 to vector<16xi32>
      %add3A_53 = arith.addi %add3A_52, %iota3A : vector<16xi32>
      %shift_right_logical3A_54 = arith.constant 5 : i32
      %shift_right_logical3A_55 = vector.broadcast %shift_right_logical3A_54 : i32 to vector<16xi32>
      %shift_right_logical3A_56 = arith.shrui %add3A_53, %shift_right_logical3A_55 : vector<16xi32>
      %mul3A_57 = arith.constant 2 : i32
      %mul3A_58 = vector.broadcast %mul3A_57 : i32 to vector<16xi32>
      %mul3A_59 = arith.muli %shift_right_logical3A_56, %mul3A_58 : vector<16xi32>
      %add3A_60 = vector.broadcast %mul3A_2 : i32 to vector<16xi32>
      %add3A_61 = arith.addi %add3A_60, %mul3A_59 : vector<16xi32>
      %add3A_62 = arith.addi %add3A_61, %gather3A_48 : vector<16xi32>
      %swap3A_63 = arith.constant 16 : index
      %swap3A_64 = tpu.vector_load %arg13[%swap3A_63] {strides = array<i32>} : memref<128xi32, #tpu.memory_space<vmem>>, vector<16xi32>,
      tpu.vector_store %arg13[%swap3A_63], %add3A_62 {strides = array<i32>} : memref<128xi32, #tpu.memory_space<vmem>>, vector<16xi32>,
      %get3A_65 = arith.constant 32 : index
      %get3A_66 = tpu.vector_load %arg11[%get3A_65] {strides = array<i32>} : memref<2048xi32, #tpu.memory_space<vmem>>, vector<16xi32>,
      %swap3A_67 = arith.constant 32 : index
      %swap3A_68 = tpu.vector_load %arg15[%swap3A_67] {strides = array<i32>} : memref<128xi32, #tpu.memory_space<vmem>>, vector<16xi32>,
      tpu.vector_store %arg15[%swap3A_67], %get3A_66 {strides = array<i32>} : memref<128xi32, #tpu.memory_space<vmem>>, vector<16xi32>,
      %shift_right_logical3A_69 = arith.constant 7 : i32
      %shift_right_logical3A_70 = vector.broadcast %shift_right_logical3A_69 : i32 to vector<16xi32>
      %shift_right_logical3A_71 = arith.shrui %get3A_66, %shift_right_logical3A_70 : vector<16xi32>
      %and3A_72 = arith.constant 127 : i32
      %and3A_73 = vector.broadcast %and3A_72 : i32 to vector<16xi32>
      %and3A_74 = arith.andi %get3A_66, %and3A_73 : vector<16xi32>
      %gather3A_75 = tpu.vector_load_idx %arg10[%shift_right_logical3A_71, %and3A_74] : memref<80x128xi32, #tpu.memory_space<vmem>>[vector<16xi32>, vector<16xi32>], vector<16xi32>,
      %swap3A_76 = arith.constant 32 : index
      %swap3A_77 = tpu.vector_load %arg12[%swap3A_76] {strides = array<i32>} : memref<2048xi32, #tpu.memory_space<vmem>>, vector<16xi32>,
      tpu.vector_store %arg12[%swap3A_76], %gather3A_75 {strides = array<i32>} : memref<2048xi32, #tpu.memory_space<vmem>>, vector<16xi32>,
      %add3A_78 = arith.constant 32 : i32
      %add3A_79 = vector.broadcast %add3A_78 : i32 to vector<16xi32>
      %add3A_80 = arith.addi %add3A_79, %iota3A : vector<16xi32>
      %shift_right_logical3A_81 = arith.constant 5 : i32
      %shift_right_logical3A_82 = vector.broadcast %shift_right_logical3A_81 : i32 to vector<16xi32>
      %shift_right_logical3A_83 = arith.shrui %add3A_80, %shift_right_logical3A_82 : vector<16xi32>
      %mul3A_84 = arith.constant 2 : i32
      %mul3A_85 = vector.broadcast %mul3A_84 : i32 to vector<16xi32>
      %mul3A_86 = arith.muli %shift_right_logical3A_83, %mul3A_85 : vector<16xi32>
      %add3A_87 = vector.broadcast %mul3A_2 : i32 to vector<16xi32>
      %add3A_88 = arith.addi %add3A_87, %mul3A_86 : vector<16xi32>
      %add3A_89 = arith.addi %add3A_88, %gather3A_75 : vector<16xi32>
      %swap3A_90 = arith.constant 32 : index
      %swap3A_91 = tpu.vector_load %arg13[%swap3A_90] {strides = array<i32>} : memref<128xi32, #tpu.memory_space<vmem>>, vector<16xi32>,
      tpu.vector_store %arg13[%swap3A_90], %add3A_89 {strides = array<i32>} : memref<128xi32, #tpu.memory_space<vmem>>, vector<16xi32>,
      %get3A_92 = arith.constant 48 : index
      %get3A_93 = tpu.vector_load %arg11[%get3A_92] {strides = array<i32>} : memref<2048xi32, #tpu.memory_space<vmem>>, vector<16xi32>,
      %swap3A_94 = arith.constant 48 : index
      %swap3A_95 = tpu.vector_load %arg15[%swap3A_94] {strides = array<i32>} : memref<128xi32, #tpu.memory_space<vmem>>, vector<16xi32>,
      tpu.vector_store %arg15[%swap3A_94], %get3A_93 {strides = array<i32>} : memref<128xi32, #tpu.memory_space<vmem>>, vector<16xi32>,
      %shift_right_logical3A_96 = arith.constant 7 : i32
      %shift_right_logical3A_97 = vector.broadcast %shift_right_logical3A_96 : i32 to vector<16xi32>
      %shift_right_logical3A_98 = arith.shrui %get3A_93, %shift_right_logical3A_97 : vector<16xi32>
      %and3A_99 = arith.constant 127 : i32
      %and3A_100 = vector.broadcast %and3A_99 : i32 to vector<16xi32>
      %and3A_101 = arith.andi %get3A_93, %and3A_100 : vector<16xi32>
      %gather3A_102 = tpu.vector_load_idx %arg10[%shift_right_logical3A_98, %and3A_101] : memref<80x128xi32, #tpu.memory_space<vmem>>[vector<16xi32>, vector<16xi32>], vector<16xi32>,
      %swap3A_103 = arith.constant 48 : index
      %swap3A_104 = tpu.vector_load %arg12[%swap3A_103] {strides = array<i32>} : memref<2048xi32, #tpu.memory_space<vmem>>, vector<16xi32>,
      tpu.vector_store %arg12[%swap3A_103], %gather3A_102 {strides = array<i32>} : memref<2048xi32, #tpu.memory_space<vmem>>, vector<16xi32>,
      %add3A_105 = arith.constant 48 : i32
      %add3A_106 = vector.broadcast %add3A_105 : i32 to vector<16xi32>
      %add3A_107 = arith.addi %add3A_106, %iota3A : vector<16xi32>
      %shift_right_logical3A_108 = arith.constant 5 : i32
      %shift_right_logical3A_109 = vector.broadcast %shift_right_logical3A_108 : i32 to vector<16xi32>
      %shift_right_logical3A_110 = arith.shrui %add3A_107, %shift_right_logical3A_109 : vector<16xi32>
      %mul3A_111 = arith.constant 2 : i32
      %mul3A_112 = vector.broadcast %mul3A_111 : i32 to vector<16xi32>
      %mul3A_113 = arith.muli %shift_right_logical3A_110, %mul3A_112 : vector<16xi32>
      %add3A_114 = vector.broadcast %mul3A_2 : i32 to vector<16xi32>
      %add3A_115 = arith.addi %add3A_114, %mul3A_113 : vector<16xi32>
      %add3A_116 = arith.addi %add3A_115, %gather3A_102 : vector<16xi32>
      %swap3A_117 = arith.constant 48 : index
      %swap3A_118 = tpu.vector_load %arg13[%swap3A_117] {strides = array<i32>} : memref<128xi32, #tpu.memory_space<vmem>>, vector<16xi32>,
      tpu.vector_store %arg13[%swap3A_117], %add3A_116 {strides = array<i32>} : memref<128xi32, #tpu.memory_space<vmem>>, vector<16xi32>,
      %get3A_119 = arith.constant 64 : index
      %get3A_120 = tpu.vector_load %arg11[%get3A_119] {strides = array<i32>} : memref<2048xi32, #tpu.memory_space<vmem>>, vector<16xi32>,
      %swap3A_121 = arith.constant 64 : index
      %swap3A_122 = tpu.vector_load %arg15[%swap3A_121] {strides = array<i32>} : memref<128xi32, #tpu.memory_space<vmem>>, vector<16xi32>,
      tpu.vector_store %arg15[%swap3A_121], %get3A_120 {strides = array<i32>} : memref<128xi32, #tpu.memory_space<vmem>>, vector<16xi32>,
      %shift_right_logical3A_123 = arith.constant 7 : i32
      %shift_right_logical3A_124 = vector.broadcast %shift_right_logical3A_123 : i32 to vector<16xi32>
      %shift_right_logical3A_125 = arith.shrui %get3A_120, %shift_right_logical3A_124 : vector<16xi32>
      %and3A_126 = arith.constant 127 : i32
      %and3A_127 = vector.broadcast %and3A_126 : i32 to vector<16xi32>
      %and3A_128 = arith.andi %get3A_120, %and3A_127 : vector<16xi32>
      %gather3A_129 = tpu.vector_load_idx %arg10[%shift_right_logical3A_125, %and3A_128] : memref<80x128xi32, #tpu.memory_space<vmem>>[vector<16xi32>, vector<16xi32>], vector<16xi32>,
      %swap3A_130 = arith.constant 64 : index
      %swap3A_131 = tpu.vector_load %arg12[%swap3A_130] {strides = array<i32>} : memref<2048xi32, #tpu.memory_space<vmem>>, vector<16xi32>,
      tpu.vector_store %arg12[%swap3A_130], %gather3A_129 {strides = array<i32>} : memref<2048xi32, #tpu.memory_space<vmem>>, vector<16xi32>,
      %add3A_132 = arith.constant 64 : i32
      %add3A_133 = vector.broadcast %add3A_132 : i32 to vector<16xi32>
      %add3A_134 = arith.addi %add3A_133, %iota3A : vector<16xi32>
      %shift_right_logical3A_135 = arith.constant 5 : i32
      %shift_right_logical3A_136 = vector.broadcast %shift_right_logical3A_135 : i32 to vector<16xi32>
      %shift_right_logical3A_137 = arith.shrui %add3A_134, %shift_right_logical3A_136 : vector<16xi32>
      %mul3A_138 = arith.constant 2 : i32
      %mul3A_139 = vector.broadcast %mul3A_138 : i32 to vector<16xi32>
      %mul3A_140 = arith.muli %shift_right_logical3A_137, %mul3A_139 : vector<16xi32>
      %add3A_141 = vector.broadcast %mul3A_2 : i32 to vector<16xi32>
      %add3A_142 = arith.addi %add3A_141, %mul3A_140 : vector<16xi32>
      %add3A_143 = arith.addi %add3A_142, %gather3A_129 : vector<16xi32>
      %swap3A_144 = arith.constant 64 : index
      %swap3A_145 = tpu.vector_load %arg13[%swap3A_144] {strides = array<i32>} : memref<128xi32, #tpu.memory_space<vmem>>, vector<16xi32>,
      tpu.vector_store %arg13[%swap3A_144], %add3A_143 {strides = array<i32>} : memref<128xi32, #tpu.memory_space<vmem>>, vector<16xi32>,
      %get3A_146 = arith.constant 80 : index
      %get3A_147 = tpu.vector_load %arg11[%get3A_146] {strides = array<i32>} : memref<2048xi32, #tpu.memory_space<vmem>>, vector<16xi32>,
      %swap3A_148 = arith.constant 80 : index
      %swap3A_149 = tpu.vector_load %arg15[%swap3A_148] {strides = array<i32>} : memref<128xi32, #tpu.memory_space<vmem>>, vector<16xi32>,
      tpu.vector_store %arg15[%swap3A_148], %get3A_147 {strides = array<i32>} : memref<128xi32, #tpu.memory_space<vmem>>, vector<16xi32>,
      %shift_right_logical3A_150 = arith.constant 7 : i32
      %shift_right_logical3A_151 = vector.broadcast %shift_right_logical3A_150 : i32 to vector<16xi32>
      %shift_right_logical3A_152 = arith.shrui %get3A_147, %shift_right_logical3A_151 : vector<16xi32>
      %and3A_153 = arith.constant 127 : i32
      %and3A_154 = vector.broadcast %and3A_153 : i32 to vector<16xi32>
      %and3A_155 = arith.andi %get3A_147, %and3A_154 : vector<16xi32>
      %gather3A_156 = tpu.vector_load_idx %arg10[%shift_right_logical3A_152, %and3A_155] : memref<80x128xi32, #tpu.memory_space<vmem>>[vector<16xi32>, vector<16xi32>], vector<16xi32>,
      %swap3A_157 = arith.constant 80 : index
      %swap3A_158 = tpu.vector_load %arg12[%swap3A_157] {strides = array<i32>} : memref<2048xi32, #tpu.memory_space<vmem>>, vector<16xi32>,
      tpu.vector_store %arg12[%swap3A_157], %gather3A_156 {strides = array<i32>} : memref<2048xi32, #tpu.memory_space<vmem>>, vector<16xi32>,
      %add3A_159 = arith.constant 80 : i32
      %add3A_160 = vector.broadcast %add3A_159 : i32 to vector<16xi32>
      %add3A_161 = arith.addi %add3A_160, %iota3A : vector<16xi32>
      %shift_right_logical3A_162 = arith.constant 5 : i32
      %shift_right_logical3A_163 = vector.broadcast %shift_right_logical3A_162 : i32 to vector<16xi32>
      %shift_right_logical3A_164 = arith.shrui %add3A_161, %shift_right_logical3A_163 : vector<16xi32>
      %mul3A_165 = arith.constant 2 : i32
      %mul3A_166 = vector.broadcast %mul3A_165 : i32 to vector<16xi32>
      %mul3A_167 = arith.muli %shift_right_logical3A_164, %mul3A_166 : vector<16xi32>
      %add3A_168 = vector.broadcast %mul3A_2 : i32 to vector<16xi32>
      %add3A_169 = arith.addi %add3A_168, %mul3A_167 : vector<16xi32>
      %add3A_170 = arith.addi %add3A_169, %gather3A_156 : vector<16xi32>
      %swap3A_171 = arith.constant 80 : index
      %swap3A_172 = tpu.vector_load %arg13[%swap3A_171] {strides = array<i32>} : memref<128xi32, #tpu.memory_space<vmem>>, vector<16xi32>,
      tpu.vector_store %arg13[%swap3A_171], %add3A_170 {strides = array<i32>} : memref<128xi32, #tpu.memory_space<vmem>>, vector<16xi32>,
      %get3A_173 = arith.constant 96 : index
      %get3A_174 = tpu.vector_load %arg11[%get3A_173] {strides = array<i32>} : memref<2048xi32, #tpu.memory_space<vmem>>, vector<16xi32>,
      %swap3A_175 = arith.constant 96 : index
      %swap3A_176 = tpu.vector_load %arg15[%swap3A_175] {strides = array<i32>} : memref<128xi32, #tpu.memory_space<vmem>>, vector<16xi32>,
      tpu.vector_store %arg15[%swap3A_175], %get3A_174 {strides = array<i32>} : memref<128xi32, #tpu.memory_space<vmem>>, vector<16xi32>,
      %shift_right_logical3A_177 = arith.constant 7 : i32
      %shift_right_logical3A_178 = vector.broadcast %shift_right_logical3A_177 : i32 to vector<16xi32>
      %shift_right_logical3A_179 = arith.shrui %get3A_174, %shift_right_logical3A_178 : vector<16xi32>
      %and3A_180 = arith.constant 127 : i32
      %and3A_181 = vector.broadcast %and3A_180 : i32 to vector<16xi32>
      %and3A_182 = arith.andi %get3A_174, %and3A_181 : vector<16xi32>
      %gather3A_183 = tpu.vector_load_idx %arg10[%shift_right_logical3A_179, %and3A_182] : memref<80x128xi32, #tpu.memory_space<vmem>>[vector<16xi32>, vector<16xi32>], vector<16xi32>,
      %swap3A_184 = arith.constant 96 : index
      %swap3A_185 = tpu.vector_load %arg12[%swap3A_184] {strides = array<i32>} : memref<2048xi32, #tpu.memory_space<vmem>>, vector<16xi32>,
      tpu.vector_store %arg12[%swap3A_184], %gather3A_183 {strides = array<i32>} : memref<2048xi32, #tpu.memory_space<vmem>>, vector<16xi32>,
      %add3A_186 = arith.constant 96 : i32
      %add3A_187 = vector.broadcast %add3A_186 : i32 to vector<16xi32>
      %add3A_188 = arith.addi %add3A_187, %iota3A : vector<16xi32>
      %shift_right_logical3A_189 = arith.constant 5 : i32
      %shift_right_logical3A_190 = vector.broadcast %shift_right_logical3A_189 : i32 to vector<16xi32>
      %shift_right_logical3A_191 = arith.shrui %add3A_188, %shift_right_logical3A_190 : vector<16xi32>
      %mul3A_192 = arith.constant 2 : i32
      %mul3A_193 = vector.broadcast %mul3A_192 : i32 to vector<16xi32>
      %mul3A_194 = arith.muli %shift_right_logical3A_191, %mul3A_193 : vector<16xi32>
      %add3A_195 = vector.broadcast %mul3A_2 : i32 to vector<16xi32>
      %add3A_196 = arith.addi %add3A_195, %mul3A_194 : vector<16xi32>
      %add3A_197 = arith.addi %add3A_196, %gather3A_183 : vector<16xi32>
      %swap3A_198 = arith.constant 96 : index
      %swap3A_199 = tpu.vector_load %arg13[%swap3A_198] {strides = array<i32>} : memref<128xi32, #tpu.memory_space<vmem>>, vector<16xi32>,
      tpu.vector_store %arg13[%swap3A_198], %add3A_197 {strides = array<i32>} : memref<128xi32, #tpu.memory_space<vmem>>, vector<16xi32>,
      %get3A_200 = arith.constant 112 : index
      %get3A_201 = tpu.vector_load %arg11[%get3A_200] {strides = array<i32>} : memref<2048xi32, #tpu.memory_space<vmem>>, vector<16xi32>,
      %swap3A_202 = arith.constant 112 : index
      %swap3A_203 = tpu.vector_load %arg15[%swap3A_202] {strides = array<i32>} : memref<128xi32, #tpu.memory_space<vmem>>, vector<16xi32>,
      tpu.vector_store %arg15[%swap3A_202], %get3A_201 {strides = array<i32>} : memref<128xi32, #tpu.memory_space<vmem>>, vector<16xi32>,
      %shift_right_logical3A_204 = arith.constant 7 : i32
      %shift_right_logical3A_205 = vector.broadcast %shift_right_logical3A_204 : i32 to vector<16xi32>
      %shift_right_logical3A_206 = arith.shrui %get3A_201, %shift_right_logical3A_205 : vector<16xi32>
      %and3A_207 = arith.constant 127 : i32
      %and3A_208 = vector.broadcast %and3A_207 : i32 to vector<16xi32>
      %and3A_209 = arith.andi %get3A_201, %and3A_208 : vector<16xi32>
      %gather3A_210 = tpu.vector_load_idx %arg10[%shift_right_logical3A_206, %and3A_209] : memref<80x128xi32, #tpu.memory_space<vmem>>[vector<16xi32>, vector<16xi32>], vector<16xi32>,
      %swap3A_211 = arith.constant 112 : index
      %swap3A_212 = tpu.vector_load %arg12[%swap3A_211] {strides = array<i32>} : memref<2048xi32, #tpu.memory_space<vmem>>, vector<16xi32>,
      tpu.vector_store %arg12[%swap3A_211], %gather3A_210 {strides = array<i32>} : memref<2048xi32, #tpu.memory_space<vmem>>, vector<16xi32>,
      %add3A_213 = arith.constant 112 : i32
      %add3A_214 = vector.broadcast %add3A_213 : i32 to vector<16xi32>
      %add3A_215 = arith.addi %add3A_214, %iota3A : vector<16xi32>
      %shift_right_logical3A_216 = arith.constant 5 : i32
      %shift_right_logical3A_217 = vector.broadcast %shift_right_logical3A_216 : i32 to vector<16xi32>
      %shift_right_logical3A_218 = arith.shrui %add3A_215, %shift_right_logical3A_217 : vector<16xi32>
      %mul3A_219 = arith.constant 2 : i32
      %mul3A_220 = vector.broadcast %mul3A_219 : i32 to vector<16xi32>
      %mul3A_221 = arith.muli %shift_right_logical3A_218, %mul3A_220 : vector<16xi32>
      %add3A_222 = vector.broadcast %mul3A_2 : i32 to vector<16xi32>
      %add3A_223 = arith.addi %add3A_222, %mul3A_221 : vector<16xi32>
      %add3A_224 = arith.addi %add3A_223, %gather3A_210 : vector<16xi32>
      %swap3A_225 = arith.constant 112 : index
      %swap3A_226 = tpu.vector_load %arg13[%swap3A_225] {strides = array<i32>} : memref<128xi32, #tpu.memory_space<vmem>>, vector<16xi32>,
      tpu.vector_store %arg13[%swap3A_225], %add3A_224 {strides = array<i32>} : memref<128xi32, #tpu.memory_space<vmem>>, vector<16xi32>,
      %dma_start3A = arith.constant 0 : i32
      %dma_start3A_227 = arith.constant 0 : i32
      %dma_start3A_228 = tpu.memref_slice %arg2[%dma_start3A, %dma_start3A_227] : memref<10000x128xf32, #tpu.memory_space<hbm>> -> memref<10000x128xf32, #tpu.memory_space<hbm>>
      tpu.enqueue_indirect_dma source(%dma_start3A_228 : memref<10000x128xf32, #tpu.memory_space<hbm>>) target(%arg17 : memref<128x128xf32, #tpu.memory_space<vmem>>) offsets(%arg15 : memref<128xi32, #tpu.memory_space<vmem>>) semaphore(%arg22 : memref<!tpu.dma_semaphore, #tpu.memory_space<semaphore_mem>>)
      %dma_start3A_229 = arith.constant 0 : i32
      %dma_start3A_230 = arith.constant 0 : i32
      %dma_start3A_231 = tpu.memref_slice %arg3[%dma_start3A_229, %dma_start3A_230] : memref<10000x128xf32, #tpu.memory_space<hbm>> -> memref<10000x128xf32, #tpu.memory_space<hbm>>
      tpu.enqueue_indirect_dma source(%dma_start3A_231 : memref<10000x128xf32, #tpu.memory_space<hbm>>) target(%arg19 : memref<128x128xf32, #tpu.memory_space<vmem>>) offsets(%arg15 : memref<128xi32, #tpu.memory_space<vmem>>) semaphore(%arg22 : memref<!tpu.dma_semaphore, #tpu.memory_space<semaphore_mem>>)
      %get3A_232 = arith.constant 128 : index
      %get3A_233 = tpu.vector_load %arg11[%get3A_232] {strides = array<i32>} : memref<2048xi32, #tpu.memory_space<vmem>>, vector<16xi32>,
      %swap3A_234 = arith.constant 0 : index
      %swap3A_235 = tpu.vector_load %arg16[%swap3A_234] {strides = array<i32>} : memref<128xi32, #tpu.memory_space<vmem>>, vector<16xi32>,
      tpu.vector_store %arg16[%swap3A_234], %get3A_233 {strides = array<i32>} : memref<128xi32, #tpu.memory_space<vmem>>, vector<16xi32>,
      %shift_right_logical3A_236 = arith.constant 7 : i32
      %shift_right_logical3A_237 = vector.broadcast %shift_right_logical3A_236 : i32 to vector<16xi32>
      %shift_right_logical3A_238 = arith.shrui %get3A_233, %shift_right_logical3A_237 : vector<16xi32>
      %and3A_239 = arith.constant 127 : i32
      %and3A_240 = vector.broadcast %and3A_239 : i32 to vector<16xi32>
      %and3A_241 = arith.andi %get3A_233, %and3A_240 : vector<16xi32>
      %gather3A_242 = tpu.vector_load_idx %arg10[%shift_right_logical3A_238, %and3A_241] : memref<80x128xi32, #tpu.memory_space<vmem>>[vector<16xi32>, vector<16xi32>], vector<16xi32>,
      %swap3A_243 = arith.constant 128 : index
      %swap3A_244 = tpu.vector_load %arg12[%swap3A_243] {strides = array<i32>} : memref<2048xi32, #tpu.memory_space<vmem>>, vector<16xi32>,
      tpu.vector_store %arg12[%swap3A_243], %gather3A_242 {strides = array<i32>} : memref<2048xi32, #tpu.memory_space<vmem>>, vector<16xi32>,
      %add3A_245 = arith.constant 128 : i32
      %add3A_246 = vector.broadcast %add3A_245 : i32 to vector<16xi32>
      %add3A_247 = arith.addi %add3A_246, %iota3A : vector<16xi32>
      %shift_right_logical3A_248 = arith.constant 5 : i32
      %shift_right_logical3A_249 = vector.broadcast %shift_right_logical3A_248 : i32 to vector<16xi32>
      %shift_right_logical3A_250 = arith.shrui %add3A_247, %shift_right_logical3A_249 : vector<16xi32>
      %mul3A_251 = arith.constant 2 : i32
      %mul3A_252 = vector.broadcast %mul3A_251 : i32 to vector<16xi32>
      %mul3A_253 = arith.muli %shift_right_logical3A_250, %mul3A_252 : vector<16xi32>
      %add3A_254 = vector.broadcast %mul3A_2 : i32 to vector<16xi32>
      %add3A_255 = arith.addi %add3A_254, %mul3A_253 : vector<16xi32>
      %add3A_256 = arith.addi %add3A_255, %gather3A_242 : vector<16xi32>
      %swap3A_257 = arith.constant 0 : index
      %swap3A_258 = tpu.vector_load %arg14[%swap3A_257] {strides = array<i32>} : memref<128xi32, #tpu.memory_space<vmem>>, vector<16xi32>,
      tpu.vector_store %arg14[%swap3A_257], %add3A_256 {strides = array<i32>} : memref<128xi32, #tpu.memory_space<vmem>>, vector<16xi32>,
      %get3A_259 = arith.constant 144 : index
      %get3A_260 = tpu.vector_load %arg11[%get3A_259] {strides = array<i32>} : memref<2048xi32, #tpu.memory_space<vmem>>, vector<16xi32>,
      %swap3A_261 = arith.constant 16 : index
      %swap3A_262 = tpu.vector_load %arg16[%swap3A_261] {strides = array<i32>} : memref<128xi32, #tpu.memory_space<vmem>>, vector<16xi32>,
      tpu.vector_store %arg16[%swap3A_261], %get3A_260 {strides = array<i32>} : memref<128xi32, #tpu.memory_space<vmem>>, vector<16xi32>,
      %shift_right_logical3A_263 = arith.constant 7 : i32
      %shift_right_logical3A_264 = vector.broadcast %shift_right_logical3A_263 : i32 to vector<16xi32>
      %shift_right_logical3A_265 = arith.shrui %get3A_260, %shift_right_logical3A_264 : vector<16xi32>
      %and3A_266 = arith.constant 127 : i32
      %and3A_267 = vector.broadcast %and3A_266 : i32 to vector<16xi32>
      %and3A_268 = arith.andi %get3A_260, %and3A_267 : vector<16xi32>
      %gather3A_269 = tpu.vector_load_idx %arg10[%shift_right_logical3A_265, %and3A_268] : memref<80x128xi32, #tpu.memory_space<vmem>>[vector<16xi32>, vector<16xi32>], vector<16xi32>,
      %swap3A_270 = arith.constant 144 : index
      %swap3A_271 = tpu.vector_load %arg12[%swap3A_270] {strides = array<i32>} : memref<2048xi32, #tpu.memory_space<vmem>>, vector<16xi32>,
      tpu.vector_store %arg12[%swap3A_270], %gather3A_269 {strides = array<i32>} : memref<2048xi32, #tpu.memory_space<vmem>>, vector<16xi32>,
      %add3A_272 = arith.constant 144 : i32
      %add3A_273 = vector.broadcast %add3A_272 : i32 to vector<16xi32>
      %add3A_274 = arith.addi %add3A_273, %iota3A : vector<16xi32>
      %shift_right_logical3A_275 = arith.constant 5 : i32
      %shift_right_logical3A_276 = vector.broadcast %shift_right_logical3A_275 : i32 to vector<16xi32>
      %shift_right_logical3A_277 = arith.shrui %add3A_274, %shift_right_logical3A_276 : vector<16xi32>
      %mul3A_278 = arith.constant 2 : i32
      %mul3A_279 = vector.broadcast %mul3A_278 : i32 to vector<16xi32>
      %mul3A_280 = arith.muli %shift_right_logical3A_277, %mul3A_279 : vector<16xi32>
      %add3A_281 = vector.broadcast %mul3A_2 : i32 to vector<16xi32>
      %add3A_282 = arith.addi %add3A_281, %mul3A_280 : vector<16xi32>
      %add3A_283 = arith.addi %add3A_282, %gather3A_269 : vector<16xi32>
      %swap3A_284 = arith.constant 16 : index
      %swap3A_285 = tpu.vector_load %arg14[%swap3A_284] {strides = array<i32>} : memref<128xi32, #tpu.memory_space<vmem>>, vector<16xi32>,
      tpu.vector_store %arg14[%swap3A_284], %add3A_283 {strides = array<i32>} : memref<128xi32, #tpu.memory_space<vmem>>, vector<16xi32>,
      %get3A_286 = arith.constant 160 : index
      %get3A_287 = tpu.vector_load %arg11[%get3A_286] {strides = array<i32>} : memref<2048xi32, #tpu.memory_space<vmem>>, vector<16xi32>,
      %swap3A_288 = arith.constant 32 : index
      %swap3A_289 = tpu.vector_load %arg16[%swap3A_288] {strides = array<i32>} : memref<128xi32, #tpu.memory_space<vmem>>, vector<16xi32>,
      tpu.vector_store %arg16[%swap3A_288], %get3A_287 {strides = array<i32>} : memref<128xi32, #tpu.memory_space<vmem>>, vector<16xi32>,
      %shift_right_logical3A_290 = arith.constant 7 : i32
      %shift_right_logical3A_291 = vector.broadcast %shift_right_logical3A_290 : i32 to vector<16xi32>
      %shift_right_logical3A_292 = arith.shrui %get3A_287, %shift_right_logical3A_291 : vector<16xi32>
      %and3A_293 = arith.constant 127 : i32
      %and3A_294 = vector.broadcast %and3A_293 : i32 to vector<16xi32>
      %and3A_295 = arith.andi %get3A_287, %and3A_294 : vector<16xi32>
      %gather3A_296 = tpu.vector_load_idx %arg10[%shift_right_logical3A_292, %and3A_295] : memref<80x128xi32, #tpu.memory_space<vmem>>[vector<16xi32>, vector<16xi32>], vector<16xi32>,
      %swap3A_297 = arith.constant 160 : index
      %swap3A_298 = tpu.vector_load %arg12[%swap3A_297] {strides = array<i32>} : memref<2048xi32, #tpu.memory_space<vmem>>, vector<16xi32>,
      tpu.vector_store %arg12[%swap3A_297], %gather3A_296 {strides = array<i32>} : memref<2048xi32, #tpu.memory_space<vmem>>, vector<16xi32>,
      %add3A_299 = arith.constant 160 : i32
      %add3A_300 = vector.broadcast %add3A_299 : i32 to vector<16xi32>
      %add3A_301 = arith.addi %add3A_300, %iota3A : vector<16xi32>
      %shift_right_logical3A_302 = arith.constant 5 : i32
      %shift_right_logical3A_303 = vector.broadcast %shift_right_logical3A_302 : i32 to vector<16xi32>
      %shift_right_logical3A_304 = arith.shrui %add3A_301, %shift_right_logical3A_303 : vector<16xi32>
      %mul3A_305 = arith.constant 2 : i32
      %mul3A_306 = vector.broadcast %mul3A_305 : i32 to vector<16xi32>
      %mul3A_307 = arith.muli %shift_right_logical3A_304, %mul3A_306 : vector<16xi32>
      %add3A_308 = vector.broadcast %mul3A_2 : i32 to vector<16xi32>
      %add3A_309 = arith.addi %add3A_308, %mul3A_307 : vector<16xi32>
      %add3A_310 = arith.addi %add3A_309, %gather3A_296 : vector<16xi32>
      %swap3A_311 = arith.constant 32 : index
      %swap3A_312 = tpu.vector_load %arg14[%swap3A_311] {strides = array<i32>} : memref<128xi32, #tpu.memory_space<vmem>>, vector<16xi32>,
      tpu.vector_store %arg14[%swap3A_311], %add3A_310 {strides = array<i32>} : memref<128xi32, #tpu.memory_space<vmem>>, vector<16xi32>,
      %get3A_313 = arith.constant 176 : index
      %get3A_314 = tpu.vector_load %arg11[%get3A_313] {strides = array<i32>} : memref<2048xi32, #tpu.memory_space<vmem>>, vector<16xi32>,
      %swap3A_315 = arith.constant 48 : index
      %swap3A_316 = tpu.vector_load %arg16[%swap3A_315] {strides = array<i32>} : memref<128xi32, #tpu.memory_space<vmem>>, vector<16xi32>,
      tpu.vector_store %arg16[%swap3A_315], %get3A_314 {strides = array<i32>} : memref<128xi32, #tpu.memory_space<vmem>>, vector<16xi32>,
      %shift_right_logical3A_317 = arith.constant 7 : i32
      %shift_right_logical3A_318 = vector.broadcast %shift_right_logical3A_317 : i32 to vector<16xi32>
      %shift_right_logical3A_319 = arith.shrui %get3A_314, %shift_right_logical3A_318 : vector<16xi32>
      %and3A_320 = arith.constant 127 : i32
      %and3A_321 = vector.broadcast %and3A_320 : i32 to vector<16xi32>
      %and3A_322 = arith.andi %get3A_314, %and3A_321 : vector<16xi32>
      %gather3A_323 = tpu.vector_load_idx %arg10[%shift_right_logical3A_319, %and3A_322] : memref<80x128xi32, #tpu.memory_space<vmem>>[vector<16xi32>, vector<16xi32>], vector<16xi32>,
      %swap3A_324 = arith.constant 176 : index
      %swap3A_325 = tpu.vector_load %arg12[%swap3A_324] {strides = array<i32>} : memref<2048xi32, #tpu.memory_space<vmem>>, vector<16xi32>,
      tpu.vector_store %arg12[%swap3A_324], %gather3A_323 {strides = array<i32>} : memref<2048xi32, #tpu.memory_space<vmem>>, vector<16xi32>,
      %add3A_326 = arith.constant 176 : i32
      %add3A_327 = vector.broadcast %add3A_326 : i32 to vector<16xi32>
      %add3A_328 = arith.addi %add3A_327, %iota3A : vector<16xi32>
      %shift_right_logical3A_329 = arith.constant 5 : i32
      %shift_right_logical3A_330 = vector.broadcast %shift_right_logical3A_329 : i32 to vector<16xi32>
      %shift_right_logical3A_331 = arith.shrui %add3A_328, %shift_right_logical3A_330 : vector<16xi32>
      %mul3A_332 = arith.constant 2 : i32
      %mul3A_333 = vector.broadcast %mul3A_332 : i32 to vector<16xi32>
      %mul3A_334 = arith.muli %shift_right_logical3A_331, %mul3A_333 : vector<16xi32>
      %add3A_335 = vector.broadcast %mul3A_2 : i32 to vector<16xi32>
      %add3A_336 = arith.addi %add3A_335, %mul3A_334 : vector<16xi32>
      %add3A_337 = arith.addi %add3A_336, %gather3A_323 : vector<16xi32>
      %swap3A_338 = arith.constant 48 : index
      %swap3A_339 = tpu.vector_load %arg14[%swap3A_338] {strides = array<i32>} : memref<128xi32, #tpu.memory_space<vmem>>, vector<16xi32>,
      tpu.vector_store %arg14[%swap3A_338], %add3A_337 {strides = array<i32>} : memref<128xi32, #tpu.memory_space<vmem>>, vector<16xi32>,
      %get3A_340 = arith.constant 192 : index
      %get3A_341 = tpu.vector_load %arg11[%get3A_340] {strides = array<i32>} : memref<2048xi32, #tpu.memory_space<vmem>>, vector<16xi32>,
      %swap3A_342 = arith.constant 64 : index
      %swap3A_343 = tpu.vector_load %arg16[%swap3A_342] {strides = array<i32>} : memref<128xi32, #tpu.memory_space<vmem>>, vector<16xi32>,
      tpu.vector_store %arg16[%swap3A_342], %get3A_341 {strides = array<i32>} : memref<128xi32, #tpu.memory_space<vmem>>, vector<16xi32>,
      %shift_right_logical3A_344 = arith.constant 7 : i32
      %shift_right_logical3A_345 = vector.broadcast %shift_right_logical3A_344 : i32 to vector<16xi32>
      %shift_right_logical3A_346 = arith.shrui %get3A_341, %shift_right_logical3A_345 : vector<16xi32>
      %and3A_347 = arith.constant 127 : i32
      %and3A_348 = vector.broadcast %and3A_347 : i32 to vector<16xi32>
      %and3A_349 = arith.andi %get3A_341, %and3A_348 : vector<16xi32>
      %gather3A_350 = tpu.vector_load_idx %arg10[%shift_right_logical3A_346, %and3A_349] : memref<80x128xi32, #tpu.memory_space<vmem>>[vector<16xi32>, vector<16xi32>], vector<16xi32>,
      %swap3A_351 = arith.constant 192 : index
      %swap3A_352 = tpu.vector_load %arg12[%swap3A_351] {strides = array<i32>} : memref<2048xi32, #tpu.memory_space<vmem>>, vector<16xi32>,
      tpu.vector_store %arg12[%swap3A_351], %gather3A_350 {strides = array<i32>} : memref<2048xi32, #tpu.memory_space<vmem>>, vector<16xi32>,
      %add3A_353 = arith.constant 192 : i32
      %add3A_354 = vector.broadcast %add3A_353 : i32 to vector<16xi32>
      %add3A_355 = arith.addi %add3A_354, %iota3A : vector<16xi32>
      %shift_right_logical3A_356 = arith.constant 5 : i32
      %shift_right_logical3A_357 = vector.broadcast %shift_right_logical3A_356 : i32 to vector<16xi32>
      %shift_right_logical3A_358 = arith.shrui %add3A_355, %shift_right_logical3A_357 : vector<16xi32>
      %mul3A_359 = arith.constant 2 : i32
      %mul3A_360 = vector.broadcast %mul3A_359 : i32 to vector<16xi32>
      %mul3A_361 = arith.muli %shift_right_logical3A_358, %mul3A_360 : vector<16xi32>
      %add3A_362 = vector.broadcast %mul3A_2 : i32 to vector<16xi32>
      %add3A_363 = arith.addi %add3A_362, %mul3A_361 : vector<16xi32>
      %add3A_364 = arith.addi %add3A_363, %gather3A_350 : vector<16xi32>
      %swap3A_365 = arith.constant 64 : index
      %swap3A_366 = tpu.vector_load %arg14[%swap3A_365] {strides = array<i32>} : memref<128xi32, #tpu.memory_space<vmem>>, vector<16xi32>,
      tpu.vector_store %arg14[%swap3A_365], %add3A_364 {strides = array<i32>} : memref<128xi32, #tpu.memory_space<vmem>>, vector<16xi32>,
      %get3A_367 = arith.constant 208 : index
      %get3A_368 = tpu.vector_load %arg11[%get3A_367] {strides = array<i32>} : memref<2048xi32, #tpu.memory_space<vmem>>, vector<16xi32>,
      %swap3A_369 = arith.constant 80 : index
      %swap3A_370 = tpu.vector_load %arg16[%swap3A_369] {strides = array<i32>} : memref<128xi32, #tpu.memory_space<vmem>>, vector<16xi32>,
      tpu.vector_store %arg16[%swap3A_369], %get3A_368 {strides = array<i32>} : memref<128xi32, #tpu.memory_space<vmem>>, vector<16xi32>,
      %shift_right_logical3A_371 = arith.constant 7 : i32
      %shift_right_logical3A_372 = vector.broadcast %shift_right_logical3A_371 : i32 to vector<16xi32>
      %shift_right_logical3A_373 = arith.shrui %get3A_368, %shift_right_logical3A_372 : vector<16xi32>
      %and3A_374 = arith.constant 127 : i32
      %and3A_375 = vector.broadcast %and3A_374 : i32 to vector<16xi32>
      %and3A_376 = arith.andi %get3A_368, %and3A_375 : vector<16xi32>
      %gather3A_377 = tpu.vector_load_idx %arg10[%shift_right_logical3A_373, %and3A_376] : memref<80x128xi32, #tpu.memory_space<vmem>>[vector<16xi32>, vector<16xi32>], vector<16xi32>,
      %swap3A_378 = arith.constant 208 : index
      %swap3A_379 = tpu.vector_load %arg12[%swap3A_378] {strides = array<i32>} : memref<2048xi32, #tpu.memory_space<vmem>>, vector<16xi32>,
      tpu.vector_store %arg12[%swap3A_378], %gather3A_377 {strides = array<i32>} : memref<2048xi32, #tpu.memory_space<vmem>>, vector<16xi32>,
      %add3A_380 = arith.constant 208 : i32
      %add3A_381 = vector.broadcast %add3A_380 : i32 to vector<16xi32>
      %add3A_382 = arith.addi %add3A_381, %iota3A : vector<16xi32>
      %shift_right_logical3A_383 = arith.constant 5 : i32
      %shift_right_logical3A_384 = vector.broadcast %shift_right_logical3A_383 : i32 to vector<16xi32>
      %shift_right_logical3A_385 = arith.shrui %add3A_382, %shift_right_logical3A_384 : vector<16xi32>
      %mul3A_386 = arith.constant 2 : i32
      %mul3A_387 = vector.broadcast %mul3A_386 : i32 to vector<16xi32>
      %mul3A_388 = arith.muli %shift_right_logical3A_385, %mul3A_387 : vector<16xi32>
      %add3A_389 = vector.broadcast %mul3A_2 : i32 to vector<16xi32>
      %add3A_390 = arith.addi %add3A_389, %mul3A_388 : vector<16xi32>
      %add3A_391 = arith.addi %add3A_390, %gather3A_377 : vector<16xi32>
      %swap3A_392 = arith.constant 80 : index
      %swap3A_393 = tpu.vector_load %arg14[%swap3A_392] {strides = array<i32>} : memref<128xi32, #tpu.memory_space<vmem>>, vector<16xi32>,
      tpu.vector_store %arg14[%swap3A_392], %add3A_391 {strides = array<i32>} : memref<128xi32, #tpu.memory_space<vmem>>, vector<16xi32>,
      %get3A_394 = arith.constant 224 : index
      %get3A_395 = tpu.vector_load %arg11[%get3A_394] {strides = array<i32>} : memref<2048xi32, #tpu.memory_space<vmem>>, vector<16xi32>,
      %swap3A_396 = arith.constant 96 : index
      %swap3A_397 = tpu.vector_load %arg16[%swap3A_396] {strides = array<i32>} : memref<128xi32, #tpu.memory_space<vmem>>, vector<16xi32>,
      tpu.vector_store %arg16[%swap3A_396], %get3A_395 {strides = array<i32>} : memref<128xi32, #tpu.memory_space<vmem>>, vector<16xi32>,
      %shift_right_logical3A_398 = arith.constant 7 : i32
      %shift_right_logical3A_399 = vector.broadcast %shift_right_logical3A_398 : i32 to vector<16xi32>
      %shift_right_logical3A_400 = arith.shrui %get3A_395, %shift_right_logical3A_399 : vector<16xi32>
      %and3A_401 = arith.constant 127 : i32
      %and3A_402 = vector.broadcast %and3A_401 : i32 to vector<16xi32>
      %and3A_403 = arith.andi %get3A_395, %and3A_402 : vector<16xi32>
      %gather3A_404 = tpu.vector_load_idx %arg10[%shift_right_logical3A_400, %and3A_403] : memref<80x128xi32, #tpu.memory_space<vmem>>[vector<16xi32>, vector<16xi32>], vector<16xi32>,
      %swap3A_405 = arith.constant 224 : index
      %swap3A_406 = tpu.vector_load %arg12[%swap3A_405] {strides = array<i32>} : memref<2048xi32, #tpu.memory_space<vmem>>, vector<16xi32>,
      tpu.vector_store %arg12[%swap3A_405], %gather3A_404 {strides = array<i32>} : memref<2048xi32, #tpu.memory_space<vmem>>, vector<16xi32>,
      %add3A_407 = arith.constant 224 : i32
      %add3A_408 = vector.broadcast %add3A_407 : i32 to vector<16xi32>
      %add3A_409 = arith.addi %add3A_408, %iota3A : vector<16xi32>
      %shift_right_logical3A_410 = arith.constant 5 : i32
      %shift_right_logical3A_411 = vector.broadcast %shift_right_logical3A_410 : i32 to vector<16xi32>
      %shift_right_logical3A_412 = arith.shrui %add3A_409, %shift_right_logical3A_411 : vector<16xi32>
      %mul3A_413 = arith.constant 2 : i32
      %mul3A_414 = vector.broadcast %mul3A_413 : i32 to vector<16xi32>
      %mul3A_415 = arith.muli %shift_right_logical3A_412, %mul3A_414 : vector<16xi32>
      %add3A_416 = vector.broadcast %mul3A_2 : i32 to vector<16xi32>
      %add3A_417 = arith.addi %add3A_416, %mul3A_415 : vector<16xi32>
      %add3A_418 = arith.addi %add3A_417, %gather3A_404 : vector<16xi32>
      %swap3A_419 = arith.constant 96 : index
      %swap3A_420 = tpu.vector_load %arg14[%swap3A_419] {strides = array<i32>} : memref<128xi32, #tpu.memory_space<vmem>>, vector<16xi32>,
      tpu.vector_store %arg14[%swap3A_419], %add3A_418 {strides = array<i32>} : memref<128xi32, #tpu.memory_space<vmem>>, vector<16xi32>,
      %get3A_421 = arith.constant 240 : index
      %get3A_422 = tpu.vector_load %arg11[%get3A_421] {strides = array<i32>} : memref<2048xi32, #tpu.memory_space<vmem>>, vector<16xi32>,
      %swap3A_423 = arith.constant 112 : index
      %swap3A_424 = tpu.vector_load %arg16[%swap3A_423] {strides = array<i32>} : memref<128xi32, #tpu.memory_space<vmem>>, vector<16xi32>,
      tpu.vector_store %arg16[%swap3A_423], %get3A_422 {strides = array<i32>} : memref<128xi32, #tpu.memory_space<vmem>>, vector<16xi32>,
      %shift_right_logical3A_425 = arith.constant 7 : i32
      %shift_right_logical3A_426 = vector.broadcast %shift_right_logical3A_425 : i32 to vector<16xi32>
      %shift_right_logical3A_427 = arith.shrui %get3A_422, %shift_right_logical3A_426 : vector<16xi32>
      %and3A_428 = arith.constant 127 : i32
      %and3A_429 = vector.broadcast %and3A_428 : i32 to vector<16xi32>
      %and3A_430 = arith.andi %get3A_422, %and3A_429 : vector<16xi32>
      %gather3A_431 = tpu.vector_load_idx %arg10[%shift_right_logical3A_427, %and3A_430] : memref<80x128xi32, #tpu.memory_space<vmem>>[vector<16xi32>, vector<16xi32>], vector<16xi32>,
      %swap3A_432 = arith.constant 240 : index
      %swap3A_433 = tpu.vector_load %arg12[%swap3A_432] {strides = array<i32>} : memref<2048xi32, #tpu.memory_space<vmem>>, vector<16xi32>,
      tpu.vector_store %arg12[%swap3A_432], %gather3A_431 {strides = array<i32>} : memref<2048xi32, #tpu.memory_space<vmem>>, vector<16xi32>,
      %add3A_434 = arith.constant 240 : i32
      %add3A_435 = vector.broadcast %add3A_434 : i32 to vector<16xi32>
      %add3A_436 = arith.addi %add3A_435, %iota3A : vector<16xi32>
      %shift_right_logical3A_437 = arith.constant 5 : i32
      %shift_right_logical3A_438 = vector.broadcast %shift_right_logical3A_437 : i32 to vector<16xi32>
      %shift_right_logical3A_439 = arith.shrui %add3A_436, %shift_right_logical3A_438 : vector<16xi32>
      %mul3A_440 = arith.constant 2 : i32
      %mul3A_441 = vector.broadcast %mul3A_440 : i32 to vector<16xi32>
      %mul3A_442 = arith.muli %shift_right_logical3A_439, %mul3A_441 : vector<16xi32>
      %add3A_443 = vector.broadcast %mul3A_2 : i32 to vector<16xi32>
      %add3A_444 = arith.addi %add3A_443, %mul3A_442 : vector<16xi32>
      %add3A_445 = arith.addi %add3A_444, %gather3A_431 : vector<16xi32>
      %swap3A_446 = arith.constant 112 : index
      %swap3A_447 = tpu.vector_load %arg14[%swap3A_446] {strides = array<i32>} : memref<128xi32, #tpu.memory_space<vmem>>, vector<16xi32>,
      tpu.vector_store %arg14[%swap3A_446], %add3A_445 {strides = array<i32>} : memref<128xi32, #tpu.memory_space<vmem>>, vector<16xi32>,
      %dma_start3A_448 = arith.constant 0 : i32
      %dma_start3A_449 = arith.constant 0 : i32
      %dma_start3A_450 = tpu.memref_slice %arg2[%dma_start3A_448, %dma_start3A_449] : memref<10000x128xf32, #tpu.memory_space<hbm>> -> memref<10000x128xf32, #tpu.memory_space<hbm>>
      tpu.enqueue_indirect_dma source(%dma_start3A_450 : memref<10000x128xf32, #tpu.memory_space<hbm>>) target(%arg18 : memref<128x128xf32, #tpu.memory_space<vmem>>) offsets(%arg16 : memref<128xi32, #tpu.memory_space<vmem>>) semaphore(%arg23 : memref<!tpu.dma_semaphore, #tpu.memory_space<semaphore_mem>>)
      %dma_start3A_451 = arith.constant 0 : i32
      %dma_start3A_452 = arith.constant 0 : i32
      %dma_start3A_453 = tpu.memref_slice %arg3[%dma_start3A_451, %dma_start3A_452] : memref<10000x128xf32, #tpu.memory_space<hbm>> -> memref<10000x128xf32, #tpu.memory_space<hbm>>
      tpu.enqueue_indirect_dma source(%dma_start3A_453 : memref<10000x128xf32, #tpu.memory_space<hbm>>) target(%arg20 : memref<128x128xf32, #tpu.memory_space<vmem>>) offsets(%arg16 : memref<128xi32, #tpu.memory_space<vmem>>) semaphore(%arg23 : memref<!tpu.dma_semaphore, #tpu.memory_space<semaphore_mem>>)
      %dma_wait3A = arith.constant 0 : i32
      %dma_wait3A_454 = arith.constant 0 : i32
      %dma_wait3A_455 = tpu.memref_slice %arg2[%dma_wait3A, %dma_wait3A_454] : memref<10000x128xf32, #tpu.memory_space<hbm>> -> memref<10000x128xf32, #tpu.memory_space<hbm>>
      tpu.wait_indirect_dma semaphore(%arg22 : memref<!tpu.dma_semaphore, #tpu.memory_space<semaphore_mem>>) src(%dma_wait3A_455 : memref<10000x128xf32, #tpu.memory_space<hbm>>) dst(%arg17 : memref<128x128xf32, #tpu.memory_space<vmem>>)
      %dma_wait3A_456 = arith.constant 0 : i32
      %dma_wait3A_457 = arith.constant 0 : i32
      %dma_wait3A_458 = tpu.memref_slice %arg3[%dma_wait3A_456, %dma_wait3A_457] : memref<10000x128xf32, #tpu.memory_space<hbm>> -> memref<10000x128xf32, #tpu.memory_space<hbm>>
      tpu.wait_indirect_dma semaphore(%arg22 : memref<!tpu.dma_semaphore, #tpu.memory_space<semaphore_mem>>) src(%dma_wait3A_458 : memref<10000x128xf32, #tpu.memory_space<hbm>>) dst(%arg19 : memref<128x128xf32, #tpu.memory_space<vmem>>)
      %dma_start3A_459 = arith.constant 0 : i32
      %dma_start3A_460 = arith.constant 0 : i32
      %dma_start3A_461 = tpu.memref_slice %arg21[%dma_start3A_459, %dma_start3A_460] : memref<2048x128xf32, #tpu.memory_space<vmem_shared>> -> memref<2048x128xf32, #tpu.memory_space<vmem_shared>>
      tpu.enqueue_indirect_dma source(%arg17 : memref<128x128xf32, #tpu.memory_space<vmem>>) target(%dma_start3A_461 : memref<2048x128xf32, #tpu.memory_space<vmem_shared>>) offsets(%arg13 : memref<128xi32, #tpu.memory_space<vmem>>) semaphore(%arg24 : memref<!tpu.dma_semaphore, #tpu.memory_space<semaphore_mem>>) {add = true}
      %add3A_462 = arith.constant 0 : i32
      %add3A_463 = arith.addi %mul3A_15, %add3A_462 : i32
      %dma_start3A_464 = arith.constant 0 : i32
      %dma_start3A_465 = tpu.memref_slice %arg8[%add3A_463, %dma_start3A_464] : memref<327680x128xf32, #tpu.memory_space<hbm>> -> memref<128x128xf32, #tpu.memory_space<hbm>>
      %dma_start3A_466 = arith.constant 0 : i32
      %dma_start3A_467 = tpu.memref_slice %arg8[%add3A_463, %dma_start3A_466] : memref<327680x128xf32, #tpu.memory_space<hbm>> -> memref<128x128xf32, #tpu.memory_space<hbm>>
      tpu.enqueue_dma source(%arg19 : memref<128x128xf32, #tpu.memory_space<vmem>>) target(%dma_start3A_467 : memref<128x128xf32, #tpu.memory_space<hbm>>) target_semaphore(%arg26 : memref<!tpu.dma_semaphore, #tpu.memory_space<semaphore_mem>>)
      %dma_wait3A_468 = arith.constant 0 : i32
      %dma_wait3A_469 = arith.constant 0 : i32
      %dma_wait3A_470 = tpu.memref_slice %arg21[%dma_wait3A_468, %dma_wait3A_469] : memref<2048x128xf32, #tpu.memory_space<vmem_shared>> -> memref<2048x128xf32, #tpu.memory_space<vmem_shared>>
      tpu.wait_indirect_dma semaphore(%arg24 : memref<!tpu.dma_semaphore, #tpu.memory_space<semaphore_mem>>) src(%arg17 : memref<128x128xf32, #tpu.memory_space<vmem>>) dst(%dma_wait3A_470 : memref<2048x128xf32, #tpu.memory_space<vmem_shared>>)
      %dma_wait3A_471 = arith.constant 0 : i32
      %dma_wait3A_472 = tpu.memref_slice %arg8[%add3A_463, %dma_wait3A_471] : memref<327680x128xf32, #tpu.memory_space<hbm>> -> memref<128x128xf32, #tpu.memory_space<hbm>>
      %dma_wait3A_473 = arith.constant 0 : i32
      %dma_wait3A_474 = tpu.memref_slice %arg8[%add3A_463, %dma_wait3A_473] : memref<327680x128xf32, #tpu.memory_space<hbm>> -> memref<128x128xf32, #tpu.memory_space<hbm>>
      tpu.wait_dma2 semaphore(%arg26 : memref<!tpu.dma_semaphore, #tpu.memory_space<semaphore_mem>>) src(%arg19 : memref<128x128xf32, #tpu.memory_space<vmem>>) dst(%dma_wait3A_474 : memref<128x128xf32, #tpu.memory_space<hbm>>)
      %get3A_475 = arith.constant 256 : index
      %get3A_476 = tpu.vector_load %arg11[%get3A_475] {strides = array<i32>} : memref<2048xi32, #tpu.memory_space<vmem>>, vector<16xi32>,
      %swap3A_477 = arith.constant 0 : index
      %swap3A_478 = tpu.vector_load %arg15[%swap3A_477] {strides = array<i32>} : memref<128xi32, #tpu.memory_space<vmem>>, vector<16xi32>,
      tpu.vector_store %arg15[%swap3A_477], %get3A_476 {strides = array<i32>} : memref<128xi32, #tpu.memory_space<vmem>>, vector<16xi32>,
      %shift_right_logical3A_479 = arith.constant 7 : i32
      %shift_right_logical3A_480 = vector.broadcast %shift_right_logical3A_479 : i32 to vector<16xi32>
      %shift_right_logical3A_481 = arith.shrui %get3A_476, %shift_right_logical3A_480 : vector<16xi32>
      %and3A_482 = arith.constant 127 : i32
      %and3A_483 = vector.broadcast %and3A_482 : i32 to vector<16xi32>
      %and3A_484 = arith.andi %get3A_476, %and3A_483 : vector<16xi32>
      %gather3A_485 = tpu.vector_load_idx %arg10[%shift_right_logical3A_481, %and3A_484] : memref<80x128xi32, #tpu.memory_space<vmem>>[vector<16xi32>, vector<16xi32>], vector<16xi32>,
      %swap3A_486 = arith.constant 256 : index
      %swap3A_487 = tpu.vector_load %arg12[%swap3A_486] {strides = array<i32>} : memref<2048xi32, #tpu.memory_space<vmem>>, vector<16xi32>,
      tpu.vector_store %arg12[%swap3A_486], %gather3A_485 {strides = array<i32>} : memref<2048xi32, #tpu.memory_space<vmem>>, vector<16xi32>,
      %add3A_488 = arith.constant 256 : i32
      %add3A_489 = vector.broadcast %add3A_488 : i32 to vector<16xi32>
      %add3A_490 = arith.addi %add3A_489, %iota3A : vector<16xi32>
      %shift_right_logical3A_491 = arith.constant 5 : i32
      %shift_right_logical3A_492 = vector.broadcast %shift_right_logical3A_491 : i32 to vector<16xi32>
      %shift_right_logical3A_493 = arith.shrui %add3A_490, %shift_right_logical3A_492 : vector<16xi32>
      %mul3A_494 = arith.constant 2 : i32
      %mul3A_495 = vector.broadcast %mul3A_494 : i32 to vector<16xi32>
      %mul3A_496 = arith.muli %shift_right_logical3A_493, %mul3A_495 : vector<16xi32>
      %add3A_497 = vector.broadcast %mul3A_2 : i32 to vector<16xi32>
      %add3A_498 = arith.addi %add3A_497, %mul3A_496 : vector<16xi32>
      %add3A_499 = arith.addi %add3A_498, %gather3A_485 : vector<16xi32>
      %swap3A_500 = arith.constant 0 : index
      %swap3A_501 = tpu.vector_load %arg13[%swap3A_500] {strides = array<i32>} : memref<128xi32, #tpu.memory_space<vmem>>, vector<16xi32>,
      tpu.vector_store %arg13[%swap3A_500], %add3A_499 {strides = array<i32>} : memref<128xi32, #tpu.memory_space<vmem>>, vector<16xi32>,
      %get3A_502 = arith.constant 272 : index
      %get3A_503 = tpu.vector_load %arg11[%get3A_502] {strides = array<i32>} : memref<2048xi32, #tpu.memory_space<vmem>>, vector<16xi32>,
      %swap3A_504 = arith.constant 16 : index
      %swap3A_505 = tpu.vector_load %arg15[%swap3A_504] {strides = array<i32>} : memref<128xi32, #tpu.memory_space<vmem>>, vector<16xi32>,
      tpu.vector_store %arg15[%swap3A_504], %get3A_503 {strides = array<i32>} : memref<128xi32, #tpu.memory_space<vmem>>, vector<16xi32>,
      %shift_right_logical3A_506 = arith.constant 7 : i32
      %shift_right_logical3A_507 = vector.broadcast %shift_right_logical3A_506 : i32 to vector<16xi32>
      %shift_right_logical3A_508 = arith.shrui %get3A_503, %shift_right_logical3A_507 : vector<16xi32>
      %and3A_509 = arith.constant 127 : i32
      %and3A_510 = vector.broadcast %and3A_509 : i32 to vector<16xi32>
      %and3A_511 = arith.andi %get3A_503, %and3A_510 : vector<16xi32>
      %gather3A_512 = tpu.vector_load_idx %arg10[%shift_right_logical3A_508, %and3A_511] : memref<80x128xi32, #tpu.memory_space<vmem>>[vector<16xi32>, vector<16xi32>], vector<16xi32>,
      %swap3A_513 = arith.constant 272 : index
      %swap3A_514 = tpu.vector_load %arg12[%swap3A_513] {strides = array<i32>} : memref<2048xi32, #tpu.memory_space<vmem>>, vector<16xi32>,
      tpu.vector_store %arg12[%swap3A_513], %gather3A_512 {strides = array<i32>} : memref<2048xi32, #tpu.memory_space<vmem>>, vector<16xi32>,
      %add3A_515 = arith.constant 272 : i32
      %add3A_516 = vector.broadcast %add3A_515 : i32 to vector<16xi32>
      %add3A_517 = arith.addi %add3A_516, %iota3A : vector<16xi32>
      %shift_right_logical3A_518 = arith.constant 5 : i32
      %shift_right_logical3A_519 = vector.broadcast %shift_right_logical3A_518 : i32 to vector<16xi32>
      %shift_right_logical3A_520 = arith.shrui %add3A_517, %shift_right_logical3A_519 : vector<16xi32>
      %mul3A_521 = arith.constant 2 : i32
      %mul3A_522 = vector.broadcast %mul3A_521 : i32 to vector<16xi32>
      %mul3A_523 = arith.muli %shift_right_logical3A_520, %mul3A_522 : vector<16xi32>
      %add3A_524 = vector.broadcast %mul3A_2 : i32 to vector<16xi32>
      %add3A_525 = arith.addi %add3A_524, %mul3A_523 : vector<16xi32>
      %add3A_526 = arith.addi %add3A_525, %gather3A_512 : vector<16xi32>
      %swap3A_527 = arith.constant 16 : index
      %swap3A_528 = tpu.vector_load %arg13[%swap3A_527] {strides = array<i32>} : memref<128xi32, #tpu.memory_space<vmem>>, vector<16xi32>,
      tpu.vector_store %arg13[%swap3A_527], %add3A_526 {strides = array<i32>} : memref<128xi32, #tpu.memory_space<vmem>>, vector<16xi32>,
      %get3A_529 = arith.constant 288 : index
      %get3A_530 = tpu.vector_load %arg11[%get3A_529] {strides = array<i32>} : memref<2048xi32, #tpu.memory_space<vmem>>, vector<16xi32>,
      %swap3A_531 = arith.constant 32 : index
      %swap3A_532 = tpu.vector_load %arg15[%swap3A_531] {strides = array<i32>} : memref<128xi32, #tpu.memory_space<vmem>>, vector<16xi32>,
      tpu.vector_store %arg15[%swap3A_531], %get3A_530 {strides = array<i32>} : memref<128xi32, #tpu.memory_space<vmem>>, vector<16xi32>,
      %shift_right_logical3A_533 = arith.constant 7 : i32
      %shift_right_logical3A_534 = vector.broadcast %shift_right_logical3A_533 : i32 to vector<16xi32>
      %shift_right_logical3A_535 = arith.shrui %get3A_530, %shift_right_logical3A_534 : vector<16xi32>
      %and3A_536 = arith.constant 127 : i32
      %and3A_537 = vector.broadcast %and3A_536 : i32 to vector<16xi32>
      %and3A_538 = arith.andi %get3A_530, %and3A_537 : vector<16xi32>
      %gather3A_539 = tpu.vector_load_idx %arg10[%shift_right_logical3A_535, %and3A_538] : memref<80x128xi32, #tpu.memory_space<vmem>>[vector<16xi32>, vector<16xi32>], vector<16xi32>,
      %swap3A_540 = arith.constant 288 : index
      %swap3A_541 = tpu.vector_load %arg12[%swap3A_540] {strides = array<i32>} : memref<2048xi32, #tpu.memory_space<vmem>>, vector<16xi32>,
      tpu.vector_store %arg12[%swap3A_540], %gather3A_539 {strides = array<i32>} : memref<2048xi32, #tpu.memory_space<vmem>>, vector<16xi32>,
      %add3A_542 = arith.constant 288 : i32
      %add3A_543 = vector.broadcast %add3A_542 : i32 to vector<16xi32>
      %add3A_544 = arith.addi %add3A_543, %iota3A : vector<16xi32>
      %shift_right_logical3A_545 = arith.constant 5 : i32
      %shift_right_logical3A_546 = vector.broadcast %shift_right_logical3A_545 : i32 to vector<16xi32>
      %shift_right_logical3A_547 = arith.shrui %add3A_544, %shift_right_logical3A_546 : vector<16xi32>
      %mul3A_548 = arith.constant 2 : i32
      %mul3A_549 = vector.broadcast %mul3A_548 : i32 to vector<16xi32>
      %mul3A_550 = arith.muli %shift_right_logical3A_547, %mul3A_549 : vector<16xi32>
      %add3A_551 = vector.broadcast %mul3A_2 : i32 to vector<16xi32>
      %add3A_552 = arith.addi %add3A_551, %mul3A_550 : vector<16xi32>
      %add3A_553 = arith.addi %add3A_552, %gather3A_539 : vector<16xi32>
      %swap3A_554 = arith.constant 32 : index
      %swap3A_555 = tpu.vector_load %arg13[%swap3A_554] {strides = array<i32>} : memref<128xi32, #tpu.memory_space<vmem>>, vector<16xi32>,
      tpu.vector_store %arg13[%swap3A_554], %add3A_553 {strides = array<i32>} : memref<128xi32, #tpu.memory_space<vmem>>, vector<16xi32>,
      %get3A_556 = arith.constant 304 : index
      %get3A_557 = tpu.vector_load %arg11[%get3A_556] {strides = array<i32>} : memref<2048xi32, #tpu.memory_space<vmem>>, vector<16xi32>,
      %swap3A_558 = arith.constant 48 : index
      %swap3A_559 = tpu.vector_load %arg15[%swap3A_558] {strides = array<i32>} : memref<128xi32, #tpu.memory_space<vmem>>, vector<16xi32>,
      tpu.vector_store %arg15[%swap3A_558], %get3A_557 {strides = array<i32>} : memref<128xi32, #tpu.memory_space<vmem>>, vector<16xi32>,
      %shift_right_logical3A_560 = arith.constant 7 : i32
      %shift_right_logical3A_561 = vector.broadcast %shift_right_logical3A_560 : i32 to vector<16xi32>
      %shift_right_logical3A_562 = arith.shrui %get3A_557, %shift_right_logical3A_561 : vector<16xi32>
      %and3A_563 = arith.constant 127 : i32
      %and3A_564 = vector.broadcast %and3A_563 : i32 to vector<16xi32>
      %and3A_565 = arith.andi %get3A_557, %and3A_564 : vector<16xi32>
      %gather3A_566 = tpu.vector_load_idx %arg10[%shift_right_logical3A_562, %and3A_565] : memref<80x128xi32, #tpu.memory_space<vmem>>[vector<16xi32>, vector<16xi32>], vector<16xi32>,
      %swap3A_567 = arith.constant 304 : index
      %swap3A_568 = tpu.vector_load %arg12[%swap3A_567] {strides = array<i32>} : memref<2048xi32, #tpu.memory_space<vmem>>, vector<16xi32>,
      tpu.vector_store %arg12[%swap3A_567], %gather3A_566 {strides = array<i32>} : memref<2048xi32, #tpu.memory_space<vmem>>, vector<16xi32>,
      %add3A_569 = arith.constant 304 : i32
      %add3A_570 = vector.broadcast %add3A_569 : i32 to vector<16xi32>
      %add3A_571 = arith.addi %add3A_570, %iota3A : vector<16xi32>
      %shift_right_logical3A_572 = arith.constant 5 : i32
      %shift_right_logical3A_573 = vector.broadcast %shift_right_logical3A_572 : i32 to vector<16xi32>
      %shift_right_logical3A_574 = arith.shrui %add3A_571, %shift_right_logical3A_573 : vector<16xi32>
      %mul3A_575 = arith.constant 2 : i32
      %mul3A_576 = vector.broadcast %mul3A_575 : i32 to vector<16xi32>
      %mul3A_577 = arith.muli %shift_right_logical3A_574, %mul3A_576 : vector<16xi32>
      %add3A_578 = vector.broadcast %mul3A_2 : i32 to vector<16xi32>
      %add3A_579 = arith.addi %add3A_578, %mul3A_577 : vector<16xi32>
      %add3A_580 = arith.addi %add3A_579, %gather3A_566 : vector<16xi32>
      %swap3A_581 = arith.constant 48 : index
      %swap3A_582 = tpu.vector_load %arg13[%swap3A_581] {strides = array<i32>} : memref<128xi32, #tpu.memory_space<vmem>>, vector<16xi32>,
      tpu.vector_store %arg13[%swap3A_581], %add3A_580 {strides = array<i32>} : memref<128xi32, #tpu.memory_space<vmem>>, vector<16xi32>,
      %get3A_583 = arith.constant 320 : index
      %get3A_584 = tpu.vector_load %arg11[%get3A_583] {strides = array<i32>} : memref<2048xi32, #tpu.memory_space<vmem>>, vector<16xi32>,
      %swap3A_585 = arith.constant 64 : index
      %swap3A_586 = tpu.vector_load %arg15[%swap3A_585] {strides = array<i32>} : memref<128xi32, #tpu.memory_space<vmem>>, vector<16xi32>,
      tpu.vector_store %arg15[%swap3A_585], %get3A_584 {strides = array<i32>} : memref<128xi32, #tpu.memory_space<vmem>>, vector<16xi32>,
      %shift_right_logical3A_587 = arith.constant 7 : i32
      %shift_right_logical3A_588 = vector.broadcast %shift_right_logical3A_587 : i32 to vector<16xi32>
      %shift_right_logical3A_589 = arith.shrui %get3A_584, %shift_right_logical3A_588 : vector<16xi32>
      %and3A_590 = arith.constant 127 : i32
      %and3A_591 = vector.broadcast %and3A_590 : i32 to vector<16xi32>
      %and3A_592 = arith.andi %get3A_584, %and3A_591 : vector<16xi32>
      %gather3A_593 = tpu.vector_load_idx %arg10[%shift_right_logical3A_589, %and3A_592] : memref<80x128xi32, #tpu.memory_space<vmem>>[vector<16xi32>, vector<16xi32>], vector<16xi32>,
      %swap3A_594 = arith.constant 320 : index
      %swap3A_595 = tpu.vector_load %arg12[%swap3A_594] {strides = array<i32>} : memref<2048xi32, #tpu.memory_space<vmem>>, vector<16xi32>,
      tpu.vector_store %arg12[%swap3A_594], %gather3A_593 {strides = array<i32>} : memref<2048xi32, #tpu.memory_space<vmem>>, vector<16xi32>,
      %add3A_596 = arith.constant 320 : i32
      %add3A_597 = vector.broadcast %add3A_596 : i32 to vector<16xi32>
      %add3A_598 = arith.addi %add3A_597, %iota3A : vector<16xi32>
      %shift_right_logical3A_599 = arith.constant 5 : i32
      %shift_right_logical3A_600 = vector.broadcast %shift_right_logical3A_599 : i32 to vector<16xi32>
      %shift_right_logical3A_601 = arith.shrui %add3A_598, %shift_right_logical3A_600 : vector<16xi32>
      %mul3A_602 = arith.constant 2 : i32
      %mul3A_603 = vector.broadcast %mul3A_602 : i32 to vector<16xi32>
      %mul3A_604 = arith.muli %shift_right_logical3A_601, %mul3A_603 : vector<16xi32>
      %add3A_605 = vector.broadcast %mul3A_2 : i32 to vector<16xi32>
      %add3A_606 = arith.addi %add3A_605, %mul3A_604 : vector<16xi32>
      %add3A_607 = arith.addi %add3A_606, %gather3A_593 : vector<16xi32>
      %swap3A_608 = arith.constant 64 : index
      %swap3A_609 = tpu.vector_load %arg13[%swap3A_608] {strides = array<i32>} : memref<128xi32, #tpu.memory_space<vmem>>, vector<16xi32>,
      tpu.vector_store %arg13[%swap3A_608], %add3A_607 {strides = array<i32>} : memref<128xi32, #tpu.memory_space<vmem>>, vector<16xi32>,
      %get3A_610 = arith.constant 336 : index
      %get3A_611 = tpu.vector_load %arg11[%get3A_610] {strides = array<i32>} : memref<2048xi32, #tpu.memory_space<vmem>>, vector<16xi32>,
      %swap3A_612 = arith.constant 80 : index
      %swap3A_613 = tpu.vector_load %arg15[%swap3A_612] {strides = array<i32>} : memref<128xi32, #tpu.memory_space<vmem>>, vector<16xi32>,
      tpu.vector_store %arg15[%swap3A_612], %get3A_611 {strides = array<i32>} : memref<128xi32, #tpu.memory_space<vmem>>, vector<16xi32>,
      %shift_right_logical3A_614 = arith.constant 7 : i32
      %shift_right_logical3A_615 = vector.broadcast %shift_right_logical3A_614 : i32 to vector<16xi32>
      %shift_right_logical3A_616 = arith.shrui %get3A_611, %shift_right_logical3A_615 : vector<16xi32>
      %and3A_617 = arith.constant 127 : i32
      %and3A_618 = vector.broadcast %and3A_617 : i32 to vector<16xi32>
      %and3A_619 = arith.andi %get3A_611, %and3A_618 : vector<16xi32>
      %gather3A_620 = tpu.vector_load_idx %arg10[%shift_right_logical3A_616, %and3A_619] : memref<80x128xi32, #tpu.memory_space<vmem>>[vector<16xi32>, vector<16xi32>], vector<16xi32>,
      %swap3A_621 = arith.constant 336 : index
      %swap3A_622 = tpu.vector_load %arg12[%swap3A_621] {strides = array<i32>} : memref<2048xi32, #tpu.memory_space<vmem>>, vector<16xi32>,
      tpu.vector_store %arg12[%swap3A_621], %gather3A_620 {strides = array<i32>} : memref<2048xi32, #tpu.memory_space<vmem>>, vector<16xi32>,
      %add3A_623 = arith.constant 336 : i32
      %add3A_624 = vector.broadcast %add3A_623 : i32 to vector<16xi32>
      %add3A_625 = arith.addi %add3A_624, %iota3A : vector<16xi32>
      %shift_right_logical3A_626 = arith.constant 5 : i32
      %shift_right_logical3A_627 = vector.broadcast %shift_right_logical3A_626 : i32 to vector<16xi32>
      %shift_right_logical3A_628 = arith.shrui %add3A_625, %shift_right_logical3A_627 : vector<16xi32>
      %mul3A_629 = arith.constant 2 : i32
      %mul3A_630 = vector.broadcast %mul3A_629 : i32 to vector<16xi32>
      %mul3A_631 = arith.muli %shift_right_logical3A_628, %mul3A_630 : vector<16xi32>
      %add3A_632 = vector.broadcast %mul3A_2 : i32 to vector<16xi32>
      %add3A_633 = arith.addi %add3A_632, %mul3A_631 : vector<16xi32>
      %add3A_634 = arith.addi %add3A_633, %gather3A_620 : vector<16xi32>
      %swap3A_635 = arith.constant 80 : index
      %swap3A_636 = tpu.vector_load %arg13[%swap3A_635] {strides = array<i32>} : memref<128xi32, #tpu.memory_space<vmem>>, vector<16xi32>,
      tpu.vector_store %arg13[%swap3A_635], %add3A_634 {strides = array<i32>} : memref<128xi32, #tpu.memory_space<vmem>>, vector<16xi32>,
      %get3A_637 = arith.constant 352 : index
      %get3A_638 = tpu.vector_load %arg11[%get3A_637] {strides = array<i32>} : memref<2048xi32, #tpu.memory_space<vmem>>, vector<16xi32>,
      %swap3A_639 = arith.constant 96 : index
      %swap3A_640 = tpu.vector_load %arg15[%swap3A_639] {strides = array<i32>} : memref<128xi32, #tpu.memory_space<vmem>>, vector<16xi32>,
      tpu.vector_store %arg15[%swap3A_639], %get3A_638 {strides = array<i32>} : memref<128xi32, #tpu.memory_space<vmem>>, vector<16xi32>,
      %shift_right_logical3A_641 = arith.constant 7 : i32
      %shift_right_logical3A_642 = vector.broadcast %shift_right_logical3A_641 : i32 to vector<16xi32>
      %shift_right_logical3A_643 = arith.shrui %get3A_638, %shift_right_logical3A_642 : vector<16xi32>
      %and3A_644 = arith.constant 127 : i32
      %and3A_645 = vector.broadcast %and3A_644 : i32 to vector<16xi32>
      %and3A_646 = arith.andi %get3A_638, %and3A_645 : vector<16xi32>
      %gather3A_647 = tpu.vector_load_idx %arg10[%shift_right_logical3A_643, %and3A_646] : memref<80x128xi32, #tpu.memory_space<vmem>>[vector<16xi32>, vector<16xi32>], vector<16xi32>,
      %swap3A_648 = arith.constant 352 : index
      %swap3A_649 = tpu.vector_load %arg12[%swap3A_648] {strides = array<i32>} : memref<2048xi32, #tpu.memory_space<vmem>>, vector<16xi32>,
      tpu.vector_store %arg12[%swap3A_648], %gather3A_647 {strides = array<i32>} : memref<2048xi32, #tpu.memory_space<vmem>>, vector<16xi32>,
      %add3A_650 = arith.constant 352 : i32
      %add3A_651 = vector.broadcast %add3A_650 : i32 to vector<16xi32>
      %add3A_652 = arith.addi %add3A_651, %iota3A : vector<16xi32>
      %shift_right_logical3A_653 = arith.constant 5 : i32
      %shift_right_logical3A_654 = vector.broadcast %shift_right_logical3A_653 : i32 to vector<16xi32>
      %shift_right_logical3A_655 = arith.shrui %add3A_652, %shift_right_logical3A_654 : vector<16xi32>
      %mul3A_656 = arith.constant 2 : i32
      %mul3A_657 = vector.broadcast %mul3A_656 : i32 to vector<16xi32>
      %mul3A_658 = arith.muli %shift_right_logical3A_655, %mul3A_657 : vector<16xi32>
      %add3A_659 = vector.broadcast %mul3A_2 : i32 to vector<16xi32>
      %add3A_660 = arith.addi %add3A_659, %mul3A_658 : vector<16xi32>
      %add3A_661 = arith.addi %add3A_660, %gather3A_647 : vector<16xi32>
      %swap3A_662 = arith.constant 96 : index
      %swap3A_663 = tpu.vector_load %arg13[%swap3A_662] {strides = array<i32>} : memref<128xi32, #tpu.memory_space<vmem>>, vector<16xi32>,
      tpu.vector_store %arg13[%swap3A_662], %add3A_661 {strides = array<i32>} : memref<128xi32, #tpu.memory_space<vmem>>, vector<16xi32>,
      %get3A_664 = arith.constant 368 : index
      %get3A_665 = tpu.vector_load %arg11[%get3A_664] {strides = array<i32>} : memref<2048xi32, #tpu.memory_space<vmem>>, vector<16xi32>,
      %swap3A_666 = arith.constant 112 : index
      %swap3A_667 = tpu.vector_load %arg15[%swap3A_666] {strides = array<i32>} : memref<128xi32, #tpu.memory_space<vmem>>, vector<16xi32>,
      tpu.vector_store %arg15[%swap3A_666], %get3A_665 {strides = array<i32>} : memref<128xi32, #tpu.memory_space<vmem>>, vector<16xi32>,
      %shift_right_logical3A_668 = arith.constant 7 : i32
      %shift_right_logical3A_669 = vector.broadcast %shift_right_logical3A_668 : i32 to vector<16xi32>
      %shift_right_logical3A_670 = arith.shrui %get3A_665, %shift_right_logical3A_669 : vector<16xi32>
      %and3A_671 = arith.constant 127 : i32
      %and3A_672 = vector.broadcast %and3A_671 : i32 to vector<16xi32>
      %and3A_673 = arith.andi %get3A_665, %and3A_672 : vector<16xi32>
      %gather3A_674 = tpu.vector_load_idx %arg10[%shift_right_logical3A_670, %and3A_673] : memref<80x128xi32, #tpu.memory_space<vmem>>[vector<16xi32>, vector<16xi32>], vector<16xi32>,
      %swap3A_675 = arith.constant 368 : index
      %swap3A_676 = tpu.vector_load %arg12[%swap3A_675] {strides = array<i32>} : memref<2048xi32, #tpu.memory_space<vmem>>, vector<16xi32>,
      tpu.vector_store %arg12[%swap3A_675], %gather3A_674 {strides = array<i32>} : memref<2048xi32, #tpu.memory_space<vmem>>, vector<16xi32>,
      %add3A_677 = arith.constant 368 : i32
      %add3A_678 = vector.broadcast %add3A_677 : i32 to vector<16xi32>
      %add3A_679 = arith.addi %add3A_678, %iota3A : vector<16xi32>
      %shift_right_logical3A_680 = arith.constant 5 : i32
      %shift_right_logical3A_681 = vector.broadcast %shift_right_logical3A_680 : i32 to vector<16xi32>
      %shift_right_logical3A_682 = arith.shrui %add3A_679, %shift_right_logical3A_681 : vector<16xi32>
      %mul3A_683 = arith.constant 2 : i32
      %mul3A_684 = vector.broadcast %mul3A_683 : i32 to vector<16xi32>
      %mul3A_685 = arith.muli %shift_right_logical3A_682, %mul3A_684 : vector<16xi32>
      %add3A_686 = vector.broadcast %mul3A_2 : i32 to vector<16xi32>
      %add3A_687 = arith.addi %add3A_686, %mul3A_685 : vector<16xi32>
      %add3A_688 = arith.addi %add3A_687, %gather3A_674 : vector<16xi32>
      %swap3A_689 = arith.constant 112 : index
      %swap3A_690 = tpu.vector_load %arg13[%swap3A_689] {strides = array<i32>} : memref<128xi32, #tpu.memory_space<vmem>>, vector<16xi32>,
      tpu.vector_store %arg13[%swap3A_689], %add3A_688 {strides = array<i32>} : memref<128xi32, #tpu.memory_space<vmem>>, vector<16xi32>,
      %dma_start3A_691 = arith.constant 0 : i32
      %dma_start3A_692 = arith.constant 0 : i32
      %dma_start3A_693 = tpu.memref_slice %arg2[%dma_start3A_691, %dma_start3A_692] : memref<10000x128xf32, #tpu.memory_space<hbm>> -> memref<10000x128xf32, #tpu.memory_space<hbm>>
      tpu.enqueue_indirect_dma source(%dma_start3A_693 : memref<10000x128xf32, #tpu.memory_space<hbm>>) target(%arg17 : memref<128x128xf32, #tpu.memory_space<vmem>>) offsets(%arg15 : memref<128xi32, #tpu.memory_space<vmem>>) semaphore(%arg22 : memref<!tpu.dma_semaphore, #tpu.memory_space<semaphore_mem>>)
      %dma_start3A_694 = arith.constant 0 : i32
      %dma_start3A_695 = arith.constant 0 : i32
      %dma_start3A_696 = tpu.memref_slice %arg3[%dma_start3A_694, %dma_start3A_695] : memref<10000x128xf32, #tpu.memory_space<hbm>> -> memref<10000x128xf32, #tpu.memory_space<hbm>>
      tpu.enqueue_indirect_dma source(%dma_start3A_696 : memref<10000x128xf32, #tpu.memory_space<hbm>>) target(%arg19 : memref<128x128xf32, #tpu.memory_space<vmem>>) offsets(%arg15 : memref<128xi32, #tpu.memory_space<vmem>>) semaphore(%arg22 : memref<!tpu.dma_semaphore, #tpu.memory_space<semaphore_mem>>)
      %dma_wait3A_697 = arith.constant 0 : i32
      %dma_wait3A_698 = arith.constant 0 : i32
      %dma_wait3A_699 = tpu.memref_slice %arg2[%dma_wait3A_697, %dma_wait3A_698] : memref<10000x128xf32, #tpu.memory_space<hbm>> -> memref<10000x128xf32, #tpu.memory_space<hbm>>
      tpu.wait_indirect_dma semaphore(%arg23 : memref<!tpu.dma_semaphore, #tpu.memory_space<semaphore_mem>>) src(%dma_wait3A_699 : memref<10000x128xf32, #tpu.memory_space<hbm>>) dst(%arg18 : memref<128x128xf32, #tpu.memory_space<vmem>>)
      %dma_wait3A_700 = arith.constant 0 : i32
      %dma_wait3A_701 = arith.constant 0 : i32
      %dma_wait3A_702 = tpu.memref_slice %arg3[%dma_wait3A_700, %dma_wait3A_701] : memref<10000x128xf32, #tpu.memory_space<hbm>> -> memref<10000x128xf32, #tpu.memory_space<hbm>>
      tpu.wait_indirect_dma semaphore(%arg23 : memref<!tpu.dma_semaphore, #tpu.memory_space<semaphore_mem>>) src(%dma_wait3A_702 : memref<10000x128xf32, #tpu.memory_space<hbm>>) dst(%arg20 : memref<128x128xf32, #tpu.memory_space<vmem>>)
      %dma_start3A_703 = arith.constant 0 : i32
      %dma_start3A_704 = arith.constant 0 : i32
      %dma_start3A_705 = tpu.memref_slice %arg21[%dma_start3A_703, %dma_start3A_704] : memref<2048x128xf32, #tpu.memory_space<vmem_shared>> -> memref<2048x128xf32, #tpu.memory_space<vmem_shared>>
      tpu.enqueue_indirect_dma source(%arg18 : memref<128x128xf32, #tpu.memory_space<vmem>>) target(%dma_start3A_705 : memref<2048x128xf32, #tpu.memory_space<vmem_shared>>) offsets(%arg14 : memref<128xi32, #tpu.memory_space<vmem>>) semaphore(%arg25 : memref<!tpu.dma_semaphore, #tpu.memory_space<semaphore_mem>>) {add = true}
      %add3A_706 = arith.constant 128 : i32
      %add3A_707 = arith.addi %mul3A_15, %add3A_706 : i32
      %dma_start3A_708 = arith.constant 0 : i32
      %dma_start3A_709 = tpu.memref_slice %arg8[%add3A_707, %dma_start3A_708] : memref<327680x128xf32, #tpu.memory_space<hbm>> -> memref<128x128xf32, #tpu.memory_space<hbm>>
      %dma_start3A_710 = arith.constant 0 : i32
      %dma_start3A_711 = tpu.memref_slice %arg8[%add3A_707, %dma_start3A_710] : memref<327680x128xf32, #tpu.memory_space<hbm>> -> memref<128x128xf32, #tpu.memory_space<hbm>>
      tpu.enqueue_dma source(%arg20 : memref<128x128xf32, #tpu.memory_space<vmem>>) target(%dma_start3A_711 : memref<128x128xf32, #tpu.memory_space<hbm>>) target_semaphore(%arg27 : memref<!tpu.dma_semaphore, #tpu.memory_space<semaphore_mem>>)
      %dma_wait3A_712 = arith.constant 0 : i32
      %dma_wait3A_713 = arith.constant 0 : i32
      %dma_wait3A_714 = tpu.memref_slice %arg21[%dma_wait3A_712, %dma_wait3A_713] : memref<2048x128xf32, #tpu.memory_space<vmem_shared>> -> memref<2048x128xf32, #tpu.memory_space<vmem_shared>>
      tpu.wait_indirect_dma semaphore(%arg25 : memref<!tpu.dma_semaphore, #tpu.memory_space<semaphore_mem>>) src(%arg18 : memref<128x128xf32, #tpu.memory_space<vmem>>) dst(%dma_wait3A_714 : memref<2048x128xf32, #tpu.memory_space<vmem_shared>>)
      %dma_wait3A_715 = arith.constant 0 : i32
      %dma_wait3A_716 = tpu.memref_slice %arg8[%add3A_707, %dma_wait3A_715] : memref<327680x128xf32, #tpu.memory_space<hbm>> -> memref<128x128xf32, #tpu.memory_space<hbm>>
      %dma_wait3A_717 = arith.constant 0 : i32
      %dma_wait3A_718 = tpu.memref_slice %arg8[%add3A_707, %dma_wait3A_717] : memref<327680x128xf32, #tpu.memory_space<hbm>> -> memref<128x128xf32, #tpu.memory_space<hbm>>
      tpu.wait_dma2 semaphore(%arg27 : memref<!tpu.dma_semaphore, #tpu.memory_space<semaphore_mem>>) src(%arg20 : memref<128x128xf32, #tpu.memory_space<vmem>>) dst(%dma_wait3A_718 : memref<128x128xf32, #tpu.memory_space<hbm>>)
      %get3A_719 = arith.constant 384 : index
      %get3A_720 = tpu.vector_load %arg11[%get3A_719] {strides = array<i32>} : memref<2048xi32, #tpu.memory_space<vmem>>, vector<16xi32>,
      %swap3A_721 = arith.constant 0 : index
      %swap3A_722 = tpu.vector_load %arg16[%swap3A_721] {strides = array<i32>} : memref<128xi32, #tpu.memory_space<vmem>>, vector<16xi32>,
      tpu.vector_store %arg16[%swap3A_721], %get3A_720 {strides = array<i32>} : memref<128xi32, #tpu.memory_space<vmem>>, vector<16xi32>,
      %shift_right_logical3A_723 = arith.constant 7 : i32
      %shift_right_logical3A_724 = vector.broadcast %shift_right_logical3A_723 : i32 to vector<16xi32>
      %shift_right_logical3A_725 = arith.shrui %get3A_720, %shift_right_logical3A_724 : vector<16xi32>
      %and3A_726 = arith.constant 127 : i32
      %and3A_727 = vector.broadcast %and3A_726 : i32 to vector<16xi32>
      %and3A_728 = arith.andi %get3A_720, %and3A_727 : vector<16xi32>
      %gather3A_729 = tpu.vector_load_idx %arg10[%shift_right_logical3A_725, %and3A_728] : memref<80x128xi32, #tpu.memory_space<vmem>>[vector<16xi32>, vector<16xi32>], vector<16xi32>,
      %swap3A_730 = arith.constant 384 : index
      %swap3A_731 = tpu.vector_load %arg12[%swap3A_730] {strides = array<i32>} : memref<2048xi32, #tpu.memory_space<vmem>>, vector<16xi32>,
      tpu.vector_store %arg12[%swap3A_730], %gather3A_729 {strides = array<i32>} : memref<2048xi32, #tpu.memory_space<vmem>>, vector<16xi32>,
      %add3A_732 = arith.constant 384 : i32
      %add3A_733 = vector.broadcast %add3A_732 : i32 to vector<16xi32>
      %add3A_734 = arith.addi %add3A_733, %iota3A : vector<16xi32>
      %shift_right_logical3A_735 = arith.constant 5 : i32
      %shift_right_logical3A_736 = vector.broadcast %shift_right_logical3A_735 : i32 to vector<16xi32>
      %shift_right_logical3A_737 = arith.shrui %add3A_734, %shift_right_logical3A_736 : vector<16xi32>
      %mul3A_738 = arith.constant 2 : i32
      %mul3A_739 = vector.broadcast %mul3A_738 : i32 to vector<16xi32>
      %mul3A_740 = arith.muli %shift_right_logical3A_737, %mul3A_739 : vector<16xi32>
      %add3A_741 = vector.broadcast %mul3A_2 : i32 to vector<16xi32>
      %add3A_742 = arith.addi %add3A_741, %mul3A_740 : vector<16xi32>
      %add3A_743 = arith.addi %add3A_742, %gather3A_729 : vector<16xi32>
      %swap3A_744 = arith.constant 0 : index
      %swap3A_745 = tpu.vector_load %arg14[%swap3A_744] {strides = array<i32>} : memref<128xi32, #tpu.memory_space<vmem>>, vector<16xi32>,
      tpu.vector_store %arg14[%swap3A_744], %add3A_743 {strides = array<i32>} : memref<128xi32, #tpu.memory_space<vmem>>, vector<16xi32>,
      %get3A_746 = arith.constant 400 : index
      %get3A_747 = tpu.vector_load %arg11[%get3A_746] {strides = array<i32>} : memref<2048xi32, #tpu.memory_space<vmem>>, vector<16xi32>,
      %swap3A_748 = arith.constant 16 : index
      %swap3A_749 = tpu.vector_load %arg16[%swap3A_748] {strides = array<i32>} : memref<128xi32, #tpu.memory_space<vmem>>, vector<16xi32>,
      tpu.vector_store %arg16[%swap3A_748], %get3A_747 {strides = array<i32>} : memref<128xi32, #tpu.memory_space<vmem>>, vector<16xi32>,
      %shift_right_logical3A_750 = arith.constant 7 : i32
      %shift_right_logical3A_751 = vector.broadcast %shift_right_logical3A_750 : i32 to vector<16xi32>
      %shift_right_logical3A_752 = arith.shrui %get3A_747, %shift_right_logical3A_751 : vector<16xi32>
      %and3A_753 = arith.constant 127 : i32
      %and3A_754 = vector.broadcast %and3A_753 : i32 to vector<16xi32>
      %and3A_755 = arith.andi %get3A_747, %and3A_754 : vector<16xi32>
      %gather3A_756 = tpu.vector_load_idx %arg10[%shift_right_logical3A_752, %and3A_755] : memref<80x128xi32, #tpu.memory_space<vmem>>[vector<16xi32>, vector<16xi32>], vector<16xi32>,
      %swap3A_757 = arith.constant 400 : index
      %swap3A_758 = tpu.vector_load %arg12[%swap3A_757] {strides = array<i32>} : memref<2048xi32, #tpu.memory_space<vmem>>, vector<16xi32>,
      tpu.vector_store %arg12[%swap3A_757], %gather3A_756 {strides = array<i32>} : memref<2048xi32, #tpu.memory_space<vmem>>, vector<16xi32>,
      %add3A_759 = arith.constant 400 : i32
      %add3A_760 = vector.broadcast %add3A_759 : i32 to vector<16xi32>
      %add3A_761 = arith.addi %add3A_760, %iota3A : vector<16xi32>
      %shift_right_logical3A_762 = arith.constant 5 : i32
      %shift_right_logical3A_763 = vector.broadcast %shift_right_logical3A_762 : i32 to vector<16xi32>
      %shift_right_logical3A_764 = arith.shrui %add3A_761, %shift_right_logical3A_763 : vector<16xi32>
      %mul3A_765 = arith.constant 2 : i32
      %mul3A_766 = vector.broadcast %mul3A_765 : i32 to vector<16xi32>
      %mul3A_767 = arith.muli %shift_right_logical3A_764, %mul3A_766 : vector<16xi32>
      %add3A_768 = vector.broadcast %mul3A_2 : i32 to vector<16xi32>
      %add3A_769 = arith.addi %add3A_768, %mul3A_767 : vector<16xi32>
      %add3A_770 = arith.addi %add3A_769, %gather3A_756 : vector<16xi32>
      %swap3A_771 = arith.constant 16 : index
      %swap3A_772 = tpu.vector_load %arg14[%swap3A_771] {strides = array<i32>} : memref<128xi32, #tpu.memory_space<vmem>>, vector<16xi32>,
      tpu.vector_store %arg14[%swap3A_771], %add3A_770 {strides = array<i32>} : memref<128xi32, #tpu.memory_space<vmem>>, vector<16xi32>,
      %get3A_773 = arith.constant 416 : index
      %get3A_774 = tpu.vector_load %arg11[%get3A_773] {strides = array<i32>} : memref<2048xi32, #tpu.memory_space<vmem>>, vector<16xi32>,
      %swap3A_775 = arith.constant 32 : index
      %swap3A_776 = tpu.vector_load %arg16[%swap3A_775] {strides = array<i32>} : memref<128xi32, #tpu.memory_space<vmem>>, vector<16xi32>,
      tpu.vector_store %arg16[%swap3A_775], %get3A_774 {strides = array<i32>} : memref<128xi32, #tpu.memory_space<vmem>>, vector<16xi32>,
      %shift_right_logical3A_777 = arith.constant 7 : i32
      %shift_right_logical3A_778 = vector.broadcast %shift_right_logical3A_777 : i32 to vector<16xi32>
      %shift_right_logical3A_779 = arith.shrui %get3A_774, %shift_right_logical3A_778 : vector<16xi32>
      %and3A_780 = arith.constant 127 : i32
      %and3A_781 = vector.broadcast %and3A_780 : i32 to vector<16xi32>
      %and3A_782 = arith.andi %get3A_774, %and3A_781 : vector<16xi32>
      %gather3A_783 = tpu.vector_load_idx %arg10[%shift_right_logical3A_779, %and3A_782] : memref<80x128xi32, #tpu.memory_space<vmem>>[vector<16xi32>, vector<16xi32>], vector<16xi32>,
      %swap3A_784 = arith.constant 416 : index
      %swap3A_785 = tpu.vector_load %arg12[%swap3A_784] {strides = array<i32>} : memref<2048xi32, #tpu.memory_space<vmem>>, vector<16xi32>,
      tpu.vector_store %arg12[%swap3A_784], %gather3A_783 {strides = array<i32>} : memref<2048xi32, #tpu.memory_space<vmem>>, vector<16xi32>,
      %add3A_786 = arith.constant 416 : i32
      %add3A_787 = vector.broadcast %add3A_786 : i32 to vector<16xi32>
      %add3A_788 = arith.addi %add3A_787, %iota3A : vector<16xi32>
      %shift_right_logical3A_789 = arith.constant 5 : i32
      %shift_right_logical3A_790 = vector.broadcast %shift_right_logical3A_789 : i32 to vector<16xi32>
      %shift_right_logical3A_791 = arith.shrui %add3A_788, %shift_right_logical3A_790 : vector<16xi32>
      %mul3A_792 = arith.constant 2 : i32
      %mul3A_793 = vector.broadcast %mul3A_792 : i32 to vector<16xi32>
      %mul3A_794 = arith.muli %shift_right_logical3A_791, %mul3A_793 : vector<16xi32>
      %add3A_795 = vector.broadcast %mul3A_2 : i32 to vector<16xi32>
      %add3A_796 = arith.addi %add3A_795, %mul3A_794 : vector<16xi32>
      %add3A_797 = arith.addi %add3A_796, %gather3A_783 : vector<16xi32>
      %swap3A_798 = arith.constant 32 : index
      %swap3A_799 = tpu.vector_load %arg14[%swap3A_798] {strides = array<i32>} : memref<128xi32, #tpu.memory_space<vmem>>, vector<16xi32>,
      tpu.vector_store %arg14[%swap3A_798], %add3A_797 {strides = array<i32>} : memref<128xi32, #tpu.memory_space<vmem>>, vector<16xi32>,
      %get3A_800 = arith.constant 432 : index
      %get3A_801 = tpu.vector_load %arg11[%get3A_800] {strides = array<i32>} : memref<2048xi32, #tpu.memory_space<vmem>>, vector<16xi32>,
      %swap3A_802 = arith.constant 48 : index
      %swap3A_803 = tpu.vector_load %arg16[%swap3A_802] {strides = array<i32>} : memref<128xi32, #tpu.memory_space<vmem>>, vector<16xi32>,
      tpu.vector_store %arg16[%swap3A_802], %get3A_801 {strides = array<i32>} : memref<128xi32, #tpu.memory_space<vmem>>, vector<16xi32>,
      %shift_right_logical3A_804 = arith.constant 7 : i32
      %shift_right_logical3A_805 = vector.broadcast %shift_right_logical3A_804 : i32 to vector<16xi32>
      %shift_right_logical3A_806 = arith.shrui %get3A_801, %shift_right_logical3A_805 : vector<16xi32>
      %and3A_807 = arith.constant 127 : i32
      %and3A_808 = vector.broadcast %and3A_807 : i32 to vector<16xi32>
      %and3A_809 = arith.andi %get3A_801, %and3A_808 : vector<16xi32>
      %gather3A_810 = tpu.vector_load_idx %arg10[%shift_right_logical3A_806, %and3A_809] : memref<80x128xi32, #tpu.memory_space<vmem>>[vector<16xi32>, vector<16xi32>], vector<16xi32>,
      %swap3A_811 = arith.constant 432 : index
      %swap3A_812 = tpu.vector_load %arg12[%swap3A_811] {strides = array<i32>} : memref<2048xi32, #tpu.memory_space<vmem>>, vector<16xi32>,
      tpu.vector_store %arg12[%swap3A_811], %gather3A_810 {strides = array<i32>} : memref<2048xi32, #tpu.memory_space<vmem>>, vector<16xi32>,
      %add3A_813 = arith.constant 432 : i32
      %add3A_814 = vector.broadcast %add3A_813 : i32 to vector<16xi32>
      %add3A_815 = arith.addi %add3A_814, %iota3A : vector<16xi32>
      %shift_right_logical3A_816 = arith.constant 5 : i32
      %shift_right_logical3A_817 = vector.broadcast %shift_right_logical3A_816 : i32 to vector<16xi32>
      %shift_right_logical3A_818 = arith.shrui %add3A_815, %shift_right_logical3A_817 : vector<16xi32>
      %mul3A_819 = arith.constant 2 : i32
      %mul3A_820 = vector.broadcast %mul3A_819 : i32 to vector<16xi32>
      %mul3A_821 = arith.muli %shift_right_logical3A_818, %mul3A_820 : vector<16xi32>
      %add3A_822 = vector.broadcast %mul3A_2 : i32 to vector<16xi32>
      %add3A_823 = arith.addi %add3A_822, %mul3A_821 : vector<16xi32>
      %add3A_824 = arith.addi %add3A_823, %gather3A_810 : vector<16xi32>
      %swap3A_825 = arith.constant 48 : index
      %swap3A_826 = tpu.vector_load %arg14[%swap3A_825] {strides = array<i32>} : memref<128xi32, #tpu.memory_space<vmem>>, vector<16xi32>,
      tpu.vector_store %arg14[%swap3A_825], %add3A_824 {strides = array<i32>} : memref<128xi32, #tpu.memory_space<vmem>>, vector<16xi32>,
      %get3A_827 = arith.constant 448 : index
      %get3A_828 = tpu.vector_load %arg11[%get3A_827] {strides = array<i32>} : memref<2048xi32, #tpu.memory_space<vmem>>, vector<16xi32>,
      %swap3A_829 = arith.constant 64 : index
      %swap3A_830 = tpu.vector_load %arg16[%swap3A_829] {strides = array<i32>} : memref<128xi32, #tpu.memory_space<vmem>>, vector<16xi32>,
      tpu.vector_store %arg16[%swap3A_829], %get3A_828 {strides = array<i32>} : memref<128xi32, #tpu.memory_space<vmem>>, vector<16xi32>,
      %shift_right_logical3A_831 = arith.constant 7 : i32
      %shift_right_logical3A_832 = vector.broadcast %shift_right_logical3A_831 : i32 to vector<16xi32>
      %shift_right_logical3A_833 = arith.shrui %get3A_828, %shift_right_logical3A_832 : vector<16xi32>
      %and3A_834 = arith.constant 127 : i32
      %and3A_835 = vector.broadcast %and3A_834 : i32 to vector<16xi32>
      %and3A_836 = arith.andi %get3A_828, %and3A_835 : vector<16xi32>
      %gather3A_837 = tpu.vector_load_idx %arg10[%shift_right_logical3A_833, %and3A_836] : memref<80x128xi32, #tpu.memory_space<vmem>>[vector<16xi32>, vector<16xi32>], vector<16xi32>,
      %swap3A_838 = arith.constant 448 : index
      %swap3A_839 = tpu.vector_load %arg12[%swap3A_838] {strides = array<i32>} : memref<2048xi32, #tpu.memory_space<vmem>>, vector<16xi32>,
      tpu.vector_store %arg12[%swap3A_838], %gather3A_837 {strides = array<i32>} : memref<2048xi32, #tpu.memory_space<vmem>>, vector<16xi32>,
      %add3A_840 = arith.constant 448 : i32
      %add3A_841 = vector.broadcast %add3A_840 : i32 to vector<16xi32>
      %add3A_842 = arith.addi %add3A_841, %iota3A : vector<16xi32>
      %shift_right_logical3A_843 = arith.constant 5 : i32
      %shift_right_logical3A_844 = vector.broadcast %shift_right_logical3A_843 : i32 to vector<16xi32>
      %shift_right_logical3A_845 = arith.shrui %add3A_842, %shift_right_logical3A_844 : vector<16xi32>
      %mul3A_846 = arith.constant 2 : i32
      %mul3A_847 = vector.broadcast %mul3A_846 : i32 to vector<16xi32>
      %mul3A_848 = arith.muli %shift_right_logical3A_845, %mul3A_847 : vector<16xi32>
      %add3A_849 = vector.broadcast %mul3A_2 : i32 to vector<16xi32>
      %add3A_850 = arith.addi %add3A_849, %mul3A_848 : vector<16xi32>
      %add3A_851 = arith.addi %add3A_850, %gather3A_837 : vector<16xi32>
      %swap3A_852 = arith.constant 64 : index
      %swap3A_853 = tpu.vector_load %arg14[%swap3A_852] {strides = array<i32>} : memref<128xi32, #tpu.memory_space<vmem>>, vector<16xi32>,
      tpu.vector_store %arg14[%swap3A_852], %add3A_851 {strides = array<i32>} : memref<128xi32, #tpu.memory_space<vmem>>, vector<16xi32>,
      %get3A_854 = arith.constant 464 : index
      %get3A_855 = tpu.vector_load %arg11[%get3A_854] {strides = array<i32>} : memref<2048xi32, #tpu.memory_space<vmem>>, vector<16xi32>,
      %swap3A_856 = arith.constant 80 : index
      %swap3A_857 = tpu.vector_load %arg16[%swap3A_856] {strides = array<i32>} : memref<128xi32, #tpu.memory_space<vmem>>, vector<16xi32>,
      tpu.vector_store %arg16[%swap3A_856], %get3A_855 {strides = array<i32>} : memref<128xi32, #tpu.memory_space<vmem>>, vector<16xi32>,
      %shift_right_logical3A_858 = arith.constant 7 : i32
      %shift_right_logical3A_859 = vector.broadcast %shift_right_logical3A_858 : i32 to vector<16xi32>
      %shift_right_logical3A_860 = arith.shrui %get3A_855, %shift_right_logical3A_859 : vector<16xi32>
      %and3A_861 = arith.constant 127 : i32
      %and3A_862 = vector.broadcast %and3A_861 : i32 to vector<16xi32>
      %and3A_863 = arith.andi %get3A_855, %and3A_862 : vector<16xi32>
      %gather3A_864 = tpu.vector_load_idx %arg10[%shift_right_logical3A_860, %and3A_863] : memref<80x128xi32, #tpu.memory_space<vmem>>[vector<16xi32>, vector<16xi32>], vector<16xi32>,
      %swap3A_865 = arith.constant 464 : index
      %swap3A_866 = tpu.vector_load %arg12[%swap3A_865] {strides = array<i32>} : memref<2048xi32, #tpu.memory_space<vmem>>, vector<16xi32>,
      tpu.vector_store %arg12[%swap3A_865], %gather3A_864 {strides = array<i32>} : memref<2048xi32, #tpu.memory_space<vmem>>, vector<16xi32>,
      %add3A_867 = arith.constant 464 : i32
      %add3A_868 = vector.broadcast %add3A_867 : i32 to vector<16xi32>
      %add3A_869 = arith.addi %add3A_868, %iota3A : vector<16xi32>
      %shift_right_logical3A_870 = arith.constant 5 : i32
      %shift_right_logical3A_871 = vector.broadcast %shift_right_logical3A_870 : i32 to vector<16xi32>
      %shift_right_logical3A_872 = arith.shrui %add3A_869, %shift_right_logical3A_871 : vector<16xi32>
      %mul3A_873 = arith.constant 2 : i32
      %mul3A_874 = vector.broadcast %mul3A_873 : i32 to vector<16xi32>
      %mul3A_875 = arith.muli %shift_right_logical3A_872, %mul3A_874 : vector<16xi32>
      %add3A_876 = vector.broadcast %mul3A_2 : i32 to vector<16xi32>
      %add3A_877 = arith.addi %add3A_876, %mul3A_875 : vector<16xi32>
      %add3A_878 = arith.addi %add3A_877, %gather3A_864 : vector<16xi32>
      %swap3A_879 = arith.constant 80 : index
      %swap3A_880 = tpu.vector_load %arg14[%swap3A_879] {strides = array<i32>} : memref<128xi32, #tpu.memory_space<vmem>>, vector<16xi32>,
      tpu.vector_store %arg14[%swap3A_879], %add3A_878 {strides = array<i32>} : memref<128xi32, #tpu.memory_space<vmem>>, vector<16xi32>,
      %get3A_881 = arith.constant 480 : index
      %get3A_882 = tpu.vector_load %arg11[%get3A_881] {strides = array<i32>} : memref<2048xi32, #tpu.memory_space<vmem>>, vector<16xi32>,
      %swap3A_883 = arith.constant 96 : index
      %swap3A_884 = tpu.vector_load %arg16[%swap3A_883] {strides = array<i32>} : memref<128xi32, #tpu.memory_space<vmem>>, vector<16xi32>,
      tpu.vector_store %arg16[%swap3A_883], %get3A_882 {strides = array<i32>} : memref<128xi32, #tpu.memory_space<vmem>>, vector<16xi32>,
      %shift_right_logical3A_885 = arith.constant 7 : i32
      %shift_right_logical3A_886 = vector.broadcast %shift_right_logical3A_885 : i32 to vector<16xi32>
      %shift_right_logical3A_887 = arith.shrui %get3A_882, %shift_right_logical3A_886 : vector<16xi32>
      %and3A_888 = arith.constant 127 : i32
      %and3A_889 = vector.broadcast %and3A_888 : i32 to vector<16xi32>
      %and3A_890 = arith.andi %get3A_882, %and3A_889 : vector<16xi32>
      %gather3A_891 = tpu.vector_load_idx %arg10[%shift_right_logical3A_887, %and3A_890] : memref<80x128xi32, #tpu.memory_space<vmem>>[vector<16xi32>, vector<16xi32>], vector<16xi32>,
      %swap3A_892 = arith.constant 480 : index
      %swap3A_893 = tpu.vector_load %arg12[%swap3A_892] {strides = array<i32>} : memref<2048xi32, #tpu.memory_space<vmem>>, vector<16xi32>,
      tpu.vector_store %arg12[%swap3A_892], %gather3A_891 {strides = array<i32>} : memref<2048xi32, #tpu.memory_space<vmem>>, vector<16xi32>,
      %add3A_894 = arith.constant 480 : i32
      %add3A_895 = vector.broadcast %add3A_894 : i32 to vector<16xi32>
      %add3A_896 = arith.addi %add3A_895, %iota3A : vector<16xi32>
      %shift_right_logical3A_897 = arith.constant 5 : i32
      %shift_right_logical3A_898 = vector.broadcast %shift_right_logical3A_897 : i32 to vector<16xi32>
      %shift_right_logical3A_899 = arith.shrui %add3A_896, %shift_right_logical3A_898 : vector<16xi32>
      %mul3A_900 = arith.constant 2 : i32
      %mul3A_901 = vector.broadcast %mul3A_900 : i32 to vector<16xi32>
      %mul3A_902 = arith.muli %shift_right_logical3A_899, %mul3A_901 : vector<16xi32>
      %add3A_903 = vector.broadcast %mul3A_2 : i32 to vector<16xi32>
      %add3A_904 = arith.addi %add3A_903, %mul3A_902 : vector<16xi32>
      %add3A_905 = arith.addi %add3A_904, %gather3A_891 : vector<16xi32>
      %swap3A_906 = arith.constant 96 : index
      %swap3A_907 = tpu.vector_load %arg14[%swap3A_906] {strides = array<i32>} : memref<128xi32, #tpu.memory_space<vmem>>, vector<16xi32>,
      tpu.vector_store %arg14[%swap3A_906], %add3A_905 {strides = array<i32>} : memref<128xi32, #tpu.memory_space<vmem>>, vector<16xi32>,
      %get3A_908 = arith.constant 496 : index
      %get3A_909 = tpu.vector_load %arg11[%get3A_908] {strides = array<i32>} : memref<2048xi32, #tpu.memory_space<vmem>>, vector<16xi32>,
      %swap3A_910 = arith.constant 112 : index
      %swap3A_911 = tpu.vector_load %arg16[%swap3A_910] {strides = array<i32>} : memref<128xi32, #tpu.memory_space<vmem>>, vector<16xi32>,
      tpu.vector_store %arg16[%swap3A_910], %get3A_909 {strides = array<i32>} : memref<128xi32, #tpu.memory_space<vmem>>, vector<16xi32>,
      %shift_right_logical3A_912 = arith.constant 7 : i32
      %shift_right_logical3A_913 = vector.broadcast %shift_right_logical3A_912 : i32 to vector<16xi32>
      %shift_right_logical3A_914 = arith.shrui %get3A_909, %shift_right_logical3A_913 : vector<16xi32>
      %and3A_915 = arith.constant 127 : i32
      %and3A_916 = vector.broadcast %and3A_915 : i32 to vector<16xi32>
      %and3A_917 = arith.andi %get3A_909, %and3A_916 : vector<16xi32>
      %gather3A_918 = tpu.vector_load_idx %arg10[%shift_right_logical3A_914, %and3A_917] : memref<80x128xi32, #tpu.memory_space<vmem>>[vector<16xi32>, vector<16xi32>], vector<16xi32>,
      %swap3A_919 = arith.constant 496 : index
      %swap3A_920 = tpu.vector_load %arg12[%swap3A_919] {strides = array<i32>} : memref<2048xi32, #tpu.memory_space<vmem>>, vector<16xi32>,
      tpu.vector_store %arg12[%swap3A_919], %gather3A_918 {strides = array<i32>} : memref<2048xi32, #tpu.memory_space<vmem>>, vector<16xi32>,
      %add3A_921 = arith.constant 496 : i32
      %add3A_922 = vector.broadcast %add3A_921 : i32 to vector<16xi32>
      %add3A_923 = arith.addi %add3A_922, %iota3A : vector<16xi32>
      %shift_right_logical3A_924 = arith.constant 5 : i32
      %shift_right_logical3A_925 = vector.broadcast %shift_right_logical3A_924 : i32 to vector<16xi32>
      %shift_right_logical3A_926 = arith.shrui %add3A_923, %shift_right_logical3A_925 : vector<16xi32>
      %mul3A_927 = arith.constant 2 : i32
      %mul3A_928 = vector.broadcast %mul3A_927 : i32 to vector<16xi32>
      %mul3A_929 = arith.muli %shift_right_logical3A_926, %mul3A_928 : vector<16xi32>
      %add3A_930 = vector.broadcast %mul3A_2 : i32 to vector<16xi32>
      %add3A_931 = arith.addi %add3A_930, %mul3A_929 : vector<16xi32>
      %add3A_932 = arith.addi %add3A_931, %gather3A_918 : vector<16xi32>
      %swap3A_933 = arith.constant 112 : index
      %swap3A_934 = tpu.vector_load %arg14[%swap3A_933] {strides = array<i32>} : memref<128xi32, #tpu.memory_space<vmem>>, vector<16xi32>,
      tpu.vector_store %arg14[%swap3A_933], %add3A_932 {strides = array<i32>} : memref<128xi32, #tpu.memory_space<vmem>>, vector<16xi32>,
      %dma_start3A_935 = arith.constant 0 : i32
      %dma_start3A_936 = arith.constant 0 : i32
      %dma_start3A_937 = tpu.memref_slice %arg2[%dma_start3A_935, %dma_start3A_936] : memref<10000x128xf32, #tpu.memory_space<hbm>> -> memref<10000x128xf32, #tpu.memory_space<hbm>>
      tpu.enqueue_indirect_dma source(%dma_start3A_937 : memref<10000x128xf32, #tpu.memory_space<hbm>>) target(%arg18 : memref<128x128xf32, #tpu.memory_space<vmem>>) offsets(%arg16 : memref<128xi32, #tpu.memory_space<vmem>>) semaphore(%arg23 : memref<!tpu.dma_semaphore, #tpu.memory_space<semaphore_mem>>)
      %dma_start3A_938 = arith.constant 0 : i32
      %dma_start3A_939 = arith.constant 0 : i32
      %dma_start3A_940 = tpu.memref_slice %arg3[%dma_start3A_938, %dma_start3A_939] : memref<10000x128xf32, #tpu.memory_space<hbm>> -> memref<10000x128xf32, #tpu.memory_space<hbm>>
      tpu.enqueue_indirect_dma source(%dma_start3A_940 : memref<10000x128xf32, #tpu.memory_space<hbm>>) target(%arg20 : memref<128x128xf32, #tpu.memory_space<vmem>>) offsets(%arg16 : memref<128xi32, #tpu.memory_space<vmem>>) semaphore(%arg23 : memref<!tpu.dma_semaphore, #tpu.memory_space<semaphore_mem>>)
      %dma_wait3A_941 = arith.constant 0 : i32
      %dma_wait3A_942 = arith.constant 0 : i32
      %dma_wait3A_943 = tpu.memref_slice %arg2[%dma_wait3A_941, %dma_wait3A_942] : memref<10000x128xf32, #tpu.memory_space<hbm>> -> memref<10000x128xf32, #tpu.memory_space<hbm>>
      tpu.wait_indirect_dma semaphore(%arg22 : memref<!tpu.dma_semaphore, #tpu.memory_space<semaphore_mem>>) src(%dma_wait3A_943 : memref<10000x128xf32, #tpu.memory_space<hbm>>) dst(%arg17 : memref<128x128xf32, #tpu.memory_space<vmem>>)
      %dma_wait3A_944 = arith.constant 0 : i32
      %dma_wait3A_945 = arith.constant 0 : i32
      %dma_wait3A_946 = tpu.memref_slice %arg3[%dma_wait3A_944, %dma_wait3A_945] : memref<10000x128xf32, #tpu.memory_space<hbm>> -> memref<10000x128xf32, #tpu.memory_space<hbm>>
      tpu.wait_indirect_dma semaphore(%arg22 : memref<!tpu.dma_semaphore, #tpu.memory_space<semaphore_mem>>) src(%dma_wait3A_946 : memref<10000x128xf32, #tpu.memory_space<hbm>>) dst(%arg19 : memref<128x128xf32, #tpu.memory_space<vmem>>)
      %dma_start3A_947 = arith.constant 0 : i32
      %dma_start3A_948 = arith.constant 0 : i32
      %dma_start3A_949 = tpu.memref_slice %arg21[%dma_start3A_947, %dma_start3A_948] : memref<2048x128xf32, #tpu.memory_space<vmem_shared>> -> memref<2048x128xf32, #tpu.memory_space<vmem_shared>>
      tpu.enqueue_indirect_dma source(%arg17 : memref<128x128xf32, #tpu.memory_space<vmem>>) target(%dma_start3A_949 : memref<2048x128xf32, #tpu.memory_space<vmem_shared>>) offsets(%arg13 : memref<128xi32, #tpu.memory_space<vmem>>) semaphore(%arg24 : memref<!tpu.dma_semaphore, #tpu.memory_space<semaphore_mem>>) {add = true}
      %add3A_950 = arith.constant 256 : i32
      %add3A_951 = arith.addi %mul3A_15, %add3A_950 : i32
      %dma_start3A_952 = arith.constant 0 : i32
      %dma_start3A_953 = tpu.memref_slice %arg8[%add3A_951, %dma_start3A_952] : memref<327680x128xf32, #tpu.memory_space<hbm>> -> memref<128x128xf32, #tpu.memory_space<hbm>>
      %dma_start3A_954 = arith.constant 0 : i32
      %dma_start3A_955 = tpu.memref_slice %arg8[%add3A_951, %dma_start3A_954] : memref<327680x128xf32, #tpu.memory_space<hbm>> -> memref<128x128xf32, #tpu.memory_space<hbm>>
      tpu.enqueue_dma source(%arg19 : memref<128x128xf32, #tpu.memory_space<vmem>>) target(%dma_start3A_955 : memref<128x128xf32, #tpu.memory_space<hbm>>) target_semaphore(%arg26 : memref<!tpu.dma_semaphore, #tpu.memory_space<semaphore_mem>>)
      %dma_wait3A_956 = arith.constant 0 : i32
      %dma_wait3A_957 = arith.constant 0 : i32
      %dma_wait3A_958 = tpu.memref_slice %arg21[%dma_wait3A_956, %dma_wait3A_957] : memref<2048x128xf32, #tpu.memory_space<vmem_shared>> -> memref<2048x128xf32, #tpu.memory_space<vmem_shared>>
      tpu.wait_indirect_dma semaphore(%arg24 : memref<!tpu.dma_semaphore, #tpu.memory_space<semaphore_mem>>) src(%arg17 : memref<128x128xf32, #tpu.memory_space<vmem>>) dst(%dma_wait3A_958 : memref<2048x128xf32, #tpu.memory_space<vmem_shared>>)
      %dma_wait3A_959 = arith.constant 0 : i32
      %dma_wait3A_960 = tpu.memref_slice %arg8[%add3A_951, %dma_wait3A_959] : memref<327680x128xf32, #tpu.memory_space<hbm>> -> memref<128x128xf32, #tpu.memory_space<hbm>>
      %dma_wait3A_961 = arith.constant 0 : i32
      %dma_wait3A_962 = tpu.memref_slice %arg8[%add3A_951, %dma_wait3A_961] : memref<327680x128xf32, #tpu.memory_space<hbm>> -> memref<128x128xf32, #tpu.memory_space<hbm>>
      tpu.wait_dma2 semaphore(%arg26 : memref<!tpu.dma_semaphore, #tpu.memory_space<semaphore_mem>>) src(%arg19 : memref<128x128xf32, #tpu.memory_space<vmem>>) dst(%dma_wait3A_962 : memref<128x128xf32, #tpu.memory_space<hbm>>)
      %get3A_963 = arith.constant 512 : index
      %get3A_964 = tpu.vector_load %arg11[%get3A_963] {strides = array<i32>} : memref<2048xi32, #tpu.memory_space<vmem>>, vector<16xi32>,
      %swap3A_965 = arith.constant 0 : index
      %swap3A_966 = tpu.vector_load %arg15[%swap3A_965] {strides = array<i32>} : memref<128xi32, #tpu.memory_space<vmem>>, vector<16xi32>,
      tpu.vector_store %arg15[%swap3A_965], %get3A_964 {strides = array<i32>} : memref<128xi32, #tpu.memory_space<vmem>>, vector<16xi32>,
      %shift_right_logical3A_967 = arith.constant 7 : i32
      %shift_right_logical3A_968 = vector.broadcast %shift_right_logical3A_967 : i32 to vector<16xi32>
      %shift_right_logical3A_969 = arith.shrui %get3A_964, %shift_right_logical3A_968 : vector<16xi32>
      %and3A_970 = arith.constant 127 : i32
      %and3A_971 = vector.broadcast %and3A_970 : i32 to vector<16xi32>
      %and3A_972 = arith.andi %get3A_964, %and3A_971 : vector<16xi32>
      %gather3A_973 = tpu.vector_load_idx %arg10[%shift_right_logical3A_969, %and3A_972] : memref<80x128xi32, #tpu.memory_space<vmem>>[vector<16xi32>, vector<16xi32>], vector<16xi32>,
      %swap3A_974 = arith.constant 512 : index
      %swap3A_975 = tpu.vector_load %arg12[%swap3A_974] {strides = array<i32>} : memref<2048xi32, #tpu.memory_space<vmem>>, vector<16xi32>,
      tpu.vector_store %arg12[%swap3A_974], %gather3A_973 {strides = array<i32>} : memref<2048xi32, #tpu.memory_space<vmem>>, vector<16xi32>,
      %add3A_976 = arith.constant 512 : i32
      %add3A_977 = vector.broadcast %add3A_976 : i32 to vector<16xi32>
      %add3A_978 = arith.addi %add3A_977, %iota3A : vector<16xi32>
      %shift_right_logical3A_979 = arith.constant 5 : i32
      %shift_right_logical3A_980 = vector.broadcast %shift_right_logical3A_979 : i32 to vector<16xi32>
      %shift_right_logical3A_981 = arith.shrui %add3A_978, %shift_right_logical3A_980 : vector<16xi32>
      %mul3A_982 = arith.constant 2 : i32
      %mul3A_983 = vector.broadcast %mul3A_982 : i32 to vector<16xi32>
      %mul3A_984 = arith.muli %shift_right_logical3A_981, %mul3A_983 : vector<16xi32>
      %add3A_985 = vector.broadcast %mul3A_2 : i32 to vector<16xi32>
      %add3A_986 = arith.addi %add3A_985, %mul3A_984 : vector<16xi32>
      %add3A_987 = arith.addi %add3A_986, %gather3A_973 : vector<16xi32>
      %swap3A_988 = arith.constant 0 : index
      %swap3A_989 = tpu.vector_load %arg13[%swap3A_988] {strides = array<i32>} : memref<128xi32, #tpu.memory_space<vmem>>, vector<16xi32>,
      tpu.vector_store %arg13[%swap3A_988], %add3A_987 {strides = array<i32>} : memref<128xi32, #tpu.memory_space<vmem>>, vector<16xi32>,
      %get3A_990 = arith.constant 528 : index
      %get3A_991 = tpu.vector_load %arg11[%get3A_990] {strides = array<i32>} : memref<2048xi32, #tpu.memory_space<vmem>>, vector<16xi32>,
      %swap3A_992 = arith.constant 16 : index
      %swap3A_993 = tpu.vector_load %arg15[%swap3A_992] {strides = array<i32>} : memref<128xi32, #tpu.memory_space<vmem>>, vector<16xi32>,
      tpu.vector_store %arg15[%swap3A_992], %get3A_991 {strides = array<i32>} : memref<128xi32, #tpu.memory_space<vmem>>, vector<16xi32>,
      %shift_right_logical3A_994 = arith.constant 7 : i32
      %shift_right_logical3A_995 = vector.broadcast %shift_right_logical3A_994 : i32 to vector<16xi32>
      %shift_right_logical3A_996 = arith.shrui %get3A_991, %shift_right_logical3A_995 : vector<16xi32>
      %and3A_997 = arith.constant 127 : i32
      %and3A_998 = vector.broadcast %and3A_997 : i32 to vector<16xi32>
      %and3A_999 = arith.andi %get3A_991, %and3A_998 : vector<16xi32>
      %gather3A_1000 = tpu.vector_load_idx %arg10[%shift_right_logical3A_996, %and3A_999] : memref<80x128xi32, #tpu.memory_space<vmem>>[vector<16xi32>, vector<16xi32>], vector<16xi32>,
      %swap3A_1001 = arith.constant 528 : index
      %swap3A_1002 = tpu.vector_load %arg12[%swap3A_1001] {strides = array<i32>} : memref<2048xi32, #tpu.memory_space<vmem>>, vector<16xi32>,
      tpu.vector_store %arg12[%swap3A_1001], %gather3A_1000 {strides = array<i32>} : memref<2048xi32, #tpu.memory_space<vmem>>, vector<16xi32>,
      %add3A_1003 = arith.constant 528 : i32
      %add3A_1004 = vector.broadcast %add3A_1003 : i32 to vector<16xi32>
      %add3A_1005 = arith.addi %add3A_1004, %iota3A : vector<16xi32>
      %shift_right_logical3A_1006 = arith.constant 5 : i32
      %shift_right_logical3A_1007 = vector.broadcast %shift_right_logical3A_1006 : i32 to vector<16xi32>
      %shift_right_logical3A_1008 = arith.shrui %add3A_1005, %shift_right_logical3A_1007 : vector<16xi32>
      %mul3A_1009 = arith.constant 2 : i32
      %mul3A_1010 = vector.broadcast %mul3A_1009 : i32 to vector<16xi32>
      %mul3A_1011 = arith.muli %shift_right_logical3A_1008, %mul3A_1010 : vector<16xi32>
      %add3A_1012 = vector.broadcast %mul3A_2 : i32 to vector<16xi32>
      %add3A_1013 = arith.addi %add3A_1012, %mul3A_1011 : vector<16xi32>
      %add3A_1014 = arith.addi %add3A_1013, %gather3A_1000 : vector<16xi32>
      %swap3A_1015 = arith.constant 16 : index
      %swap3A_1016 = tpu.vector_load %arg13[%swap3A_1015] {strides = array<i32>} : memref<128xi32, #tpu.memory_space<vmem>>, vector<16xi32>,
      tpu.vector_store %arg13[%swap3A_1015], %add3A_1014 {strides = array<i32>} : memref<128xi32, #tpu.memory_space<vmem>>, vector<16xi32>,
      %get3A_1017 = arith.constant 544 : index
      %get3A_1018 = tpu.vector_load %arg11[%get3A_1017] {strides = array<i32>} : memref<2048xi32, #tpu.memory_space<vmem>>, vector<16xi32>,
      %swap3A_1019 = arith.constant 32 : index
      %swap3A_1020 = tpu.vector_load %arg15[%swap3A_1019] {strides = array<i32>} : memref<128xi32, #tpu.memory_space<vmem>>, vector<16xi32>,
      tpu.vector_store %arg15[%swap3A_1019], %get3A_1018 {strides = array<i32>} : memref<128xi32, #tpu.memory_space<vmem>>, vector<16xi32>,
      %shift_right_logical3A_1021 = arith.constant 7 : i32
      %shift_right_logical3A_1022 = vector.broadcast %shift_right_logical3A_1021 : i32 to vector<16xi32>
      %shift_right_logical3A_1023 = arith.shrui %get3A_1018, %shift_right_logical3A_1022 : vector<16xi32>
      %and3A_1024 = arith.constant 127 : i32
      %and3A_1025 = vector.broadcast %and3A_1024 : i32 to vector<16xi32>
      %and3A_1026 = arith.andi %get3A_1018, %and3A_1025 : vector<16xi32>
      %gather3A_1027 = tpu.vector_load_idx %arg10[%shift_right_logical3A_1023, %and3A_1026] : memref<80x128xi32, #tpu.memory_space<vmem>>[vector<16xi32>, vector<16xi32>], vector<16xi32>,
      %swap3A_1028 = arith.constant 544 : index
      %swap3A_1029 = tpu.vector_load %arg12[%swap3A_1028] {strides = array<i32>} : memref<2048xi32, #tpu.memory_space<vmem>>, vector<16xi32>,
      tpu.vector_store %arg12[%swap3A_1028], %gather3A_1027 {strides = array<i32>} : memref<2048xi32, #tpu.memory_space<vmem>>, vector<16xi32>,
      %add3A_1030 = arith.constant 544 : i32
      %add3A_1031 = vector.broadcast %add3A_1030 : i32 to vector<16xi32>
      %add3A_1032 = arith.addi %add3A_1031, %iota3A : vector<16xi32>
      %shift_right_logical3A_1033 = arith.constant 5 : i32
      %shift_right_logical3A_1034 = vector.broadcast %shift_right_logical3A_1033 : i32 to vector<16xi32>
      %shift_right_logical3A_1035 = arith.shrui %add3A_1032, %shift_right_logical3A_1034 : vector<16xi32>
      %mul3A_1036 = arith.constant 2 : i32
      %mul3A_1037 = vector.broadcast %mul3A_1036 : i32 to vector<16xi32>
      %mul3A_1038 = arith.muli %shift_right_logical3A_1035, %mul3A_1037 : vector<16xi32>
      %add3A_1039 = vector.broadcast %mul3A_2 : i32 to vector<16xi32>
      %add3A_1040 = arith.addi %add3A_1039, %mul3A_1038 : vector<16xi32>
      %add3A_1041 = arith.addi %add3A_1040, %gather3A_1027 : vector<16xi32>
      %swap3A_1042 = arith.constant 32 : index
      %swap3A_1043 = tpu.vector_load %arg13[%swap3A_1042] {strides = array<i32>} : memref<128xi32, #tpu.memory_space<vmem>>, vector<16xi32>,
      tpu.vector_store %arg13[%swap3A_1042], %add3A_1041 {strides = array<i32>} : memref<128xi32, #tpu.memory_space<vmem>>, vector<16xi32>,
      %get3A_1044 = arith.constant 560 : index
      %get3A_1045 = tpu.vector_load %arg11[%get3A_1044] {strides = array<i32>} : memref<2048xi32, #tpu.memory_space<vmem>>, vector<16xi32>,
      %swap3A_1046 = arith.constant 48 : index
      %swap3A_1047 = tpu.vector_load %arg15[%swap3A_1046] {strides = array<i32>} : memref<128xi32, #tpu.memory_space<vmem>>, vector<16xi32>,
      tpu.vector_store %arg15[%swap3A_1046], %get3A_1045 {strides = array<i32>} : memref<128xi32, #tpu.memory_space<vmem>>, vector<16xi32>,
      %shift_right_logical3A_1048 = arith.constant 7 : i32
      %shift_right_logical3A_1049 = vector.broadcast %shift_right_logical3A_1048 : i32 to vector<16xi32>
      %shift_right_logical3A_1050 = arith.shrui %get3A_1045, %shift_right_logical3A_1049 : vector<16xi32>
      %and3A_1051 = arith.constant 127 : i32
      %and3A_1052 = vector.broadcast %and3A_1051 : i32 to vector<16xi32>
      %and3A_1053 = arith.andi %get3A_1045, %and3A_1052 : vector<16xi32>
      %gather3A_1054 = tpu.vector_load_idx %arg10[%shift_right_logical3A_1050, %and3A_1053] : memref<80x128xi32, #tpu.memory_space<vmem>>[vector<16xi32>, vector<16xi32>], vector<16xi32>,
      %swap3A_1055 = arith.constant 560 : index
      %swap3A_1056 = tpu.vector_load %arg12[%swap3A_1055] {strides = array<i32>} : memref<2048xi32, #tpu.memory_space<vmem>>, vector<16xi32>,
      tpu.vector_store %arg12[%swap3A_1055], %gather3A_1054 {strides = array<i32>} : memref<2048xi32, #tpu.memory_space<vmem>>, vector<16xi32>,
      %add3A_1057 = arith.constant 560 : i32
      %add3A_1058 = vector.broadcast %add3A_1057 : i32 to vector<16xi32>
      %add3A_1059 = arith.addi %add3A_1058, %iota3A : vector<16xi32>
      %shift_right_logical3A_1060 = arith.constant 5 : i32
      %shift_right_logical3A_1061 = vector.broadcast %shift_right_logical3A_1060 : i32 to vector<16xi32>
      %shift_right_logical3A_1062 = arith.shrui %add3A_1059, %shift_right_logical3A_1061 : vector<16xi32>
      %mul3A_1063 = arith.constant 2 : i32
      %mul3A_1064 = vector.broadcast %mul3A_1063 : i32 to vector<16xi32>
      %mul3A_1065 = arith.muli %shift_right_logical3A_1062, %mul3A_1064 : vector<16xi32>
      %add3A_1066 = vector.broadcast %mul3A_2 : i32 to vector<16xi32>
      %add3A_1067 = arith.addi %add3A_1066, %mul3A_1065 : vector<16xi32>
      %add3A_1068 = arith.addi %add3A_1067, %gather3A_1054 : vector<16xi32>
      %swap3A_1069 = arith.constant 48 : index
      %swap3A_1070 = tpu.vector_load %arg13[%swap3A_1069] {strides = array<i32>} : memref<128xi32, #tpu.memory_space<vmem>>, vector<16xi32>,
      tpu.vector_store %arg13[%swap3A_1069], %add3A_1068 {strides = array<i32>} : memref<128xi32, #tpu.memory_space<vmem>>, vector<16xi32>,
      %get3A_1071 = arith.constant 576 : index
      %get3A_1072 = tpu.vector_load %arg11[%get3A_1071] {strides = array<i32>} : memref<2048xi32, #tpu.memory_space<vmem>>, vector<16xi32>,
      %swap3A_1073 = arith.constant 64 : index
      %swap3A_1074 = tpu.vector_load %arg15[%swap3A_1073] {strides = array<i32>} : memref<128xi32, #tpu.memory_space<vmem>>, vector<16xi32>,
      tpu.vector_store %arg15[%swap3A_1073], %get3A_1072 {strides = array<i32>} : memref<128xi32, #tpu.memory_space<vmem>>, vector<16xi32>,
      %shift_right_logical3A_1075 = arith.constant 7 : i32
      %shift_right_logical3A_1076 = vector.broadcast %shift_right_logical3A_1075 : i32 to vector<16xi32>
      %shift_right_logical3A_1077 = arith.shrui %get3A_1072, %shift_right_logical3A_1076 : vector<16xi32>
      %and3A_1078 = arith.constant 127 : i32
      %and3A_1079 = vector.broadcast %and3A_1078 : i32 to vector<16xi32>
      %and3A_1080 = arith.andi %get3A_1072, %and3A_1079 : vector<16xi32>
      %gather3A_1081 = tpu.vector_load_idx %arg10[%shift_right_logical3A_1077, %and3A_1080] : memref<80x128xi32, #tpu.memory_space<vmem>>[vector<16xi32>, vector<16xi32>], vector<16xi32>,
      %swap3A_1082 = arith.constant 576 : index
      %swap3A_1083 = tpu.vector_load %arg12[%swap3A_1082] {strides = array<i32>} : memref<2048xi32, #tpu.memory_space<vmem>>, vector<16xi32>,
      tpu.vector_store %arg12[%swap3A_1082], %gather3A_1081 {strides = array<i32>} : memref<2048xi32, #tpu.memory_space<vmem>>, vector<16xi32>,
      %add3A_1084 = arith.constant 576 : i32
      %add3A_1085 = vector.broadcast %add3A_1084 : i32 to vector<16xi32>
      %add3A_1086 = arith.addi %add3A_1085, %iota3A : vector<16xi32>
      %shift_right_logical3A_1087 = arith.constant 5 : i32
      %shift_right_logical3A_1088 = vector.broadcast %shift_right_logical3A_1087 : i32 to vector<16xi32>
      %shift_right_logical3A_1089 = arith.shrui %add3A_1086, %shift_right_logical3A_1088 : vector<16xi32>
      %mul3A_1090 = arith.constant 2 : i32
      %mul3A_1091 = vector.broadcast %mul3A_1090 : i32 to vector<16xi32>
      %mul3A_1092 = arith.muli %shift_right_logical3A_1089, %mul3A_1091 : vector<16xi32>
      %add3A_1093 = vector.broadcast %mul3A_2 : i32 to vector<16xi32>
      %add3A_1094 = arith.addi %add3A_1093, %mul3A_1092 : vector<16xi32>
      %add3A_1095 = arith.addi %add3A_1094, %gather3A_1081 : vector<16xi32>
      %swap3A_1096 = arith.constant 64 : index
      %swap3A_1097 = tpu.vector_load %arg13[%swap3A_1096] {strides = array<i32>} : memref<128xi32, #tpu.memory_space<vmem>>, vector<16xi32>,
      tpu.vector_store %arg13[%swap3A_1096], %add3A_1095 {strides = array<i32>} : memref<128xi32, #tpu.memory_space<vmem>>, vector<16xi32>,
      %get3A_1098 = arith.constant 592 : index
      %get3A_1099 = tpu.vector_load %arg11[%get3A_1098] {strides = array<i32>} : memref<2048xi32, #tpu.memory_space<vmem>>, vector<16xi32>,
      %swap3A_1100 = arith.constant 80 : index
      %swap3A_1101 = tpu.vector_load %arg15[%swap3A_1100] {strides = array<i32>} : memref<128xi32, #tpu.memory_space<vmem>>, vector<16xi32>,
      tpu.vector_store %arg15[%swap3A_1100], %get3A_1099 {strides = array<i32>} : memref<128xi32, #tpu.memory_space<vmem>>, vector<16xi32>,
      %shift_right_logical3A_1102 = arith.constant 7 : i32
      %shift_right_logical3A_1103 = vector.broadcast %shift_right_logical3A_1102 : i32 to vector<16xi32>
      %shift_right_logical3A_1104 = arith.shrui %get3A_1099, %shift_right_logical3A_1103 : vector<16xi32>
      %and3A_1105 = arith.constant 127 : i32
      %and3A_1106 = vector.broadcast %and3A_1105 : i32 to vector<16xi32>
      %and3A_1107 = arith.andi %get3A_1099, %and3A_1106 : vector<16xi32>
      %gather3A_1108 = tpu.vector_load_idx %arg10[%shift_right_logical3A_1104, %and3A_1107] : memref<80x128xi32, #tpu.memory_space<vmem>>[vector<16xi32>, vector<16xi32>], vector<16xi32>,
      %swap3A_1109 = arith.constant 592 : index
      %swap3A_1110 = tpu.vector_load %arg12[%swap3A_1109] {strides = array<i32>} : memref<2048xi32, #tpu.memory_space<vmem>>, vector<16xi32>,
      tpu.vector_store %arg12[%swap3A_1109], %gather3A_1108 {strides = array<i32>} : memref<2048xi32, #tpu.memory_space<vmem>>, vector<16xi32>,
      %add3A_1111 = arith.constant 592 : i32
      %add3A_1112 = vector.broadcast %add3A_1111 : i32 to vector<16xi32>
      %add3A_1113 = arith.addi %add3A_1112, %iota3A : vector<16xi32>
      %shift_right_logical3A_1114 = arith.constant 5 : i32
      %shift_right_logical3A_1115 = vector.broadcast %shift_right_logical3A_1114 : i32 to vector<16xi32>
      %shift_right_logical3A_1116 = arith.shrui %add3A_1113, %shift_right_logical3A_1115 : vector<16xi32>
      %mul3A_1117 = arith.constant 2 : i32
      %mul3A_1118 = vector.broadcast %mul3A_1117 : i32 to vector<16xi32>
      %mul3A_1119 = arith.muli %shift_right_logical3A_1116, %mul3A_1118 : vector<16xi32>
      %add3A_1120 = vector.broadcast %mul3A_2 : i32 to vector<16xi32>
      %add3A_1121 = arith.addi %add3A_1120, %mul3A_1119 : vector<16xi32>
      %add3A_1122 = arith.addi %add3A_1121, %gather3A_1108 : vector<16xi32>
      %swap3A_1123 = arith.constant 80 : index
      %swap3A_1124 = tpu.vector_load %arg13[%swap3A_1123] {strides = array<i32>} : memref<128xi32, #tpu.memory_space<vmem>>, vector<16xi32>,
      tpu.vector_store %arg13[%swap3A_1123], %add3A_1122 {strides = array<i32>} : memref<128xi32, #tpu.memory_space<vmem>>, vector<16xi32>,
      %get3A_1125 = arith.constant 608 : index
      %get3A_1126 = tpu.vector_load %arg11[%get3A_1125] {strides = array<i32>} : memref<2048xi32, #tpu.memory_space<vmem>>, vector<16xi32>,
      %swap3A_1127 = arith.constant 96 : index
      %swap3A_1128 = tpu.vector_load %arg15[%swap3A_1127] {strides = array<i32>} : memref<128xi32, #tpu.memory_space<vmem>>, vector<16xi32>,
      tpu.vector_store %arg15[%swap3A_1127], %get3A_1126 {strides = array<i32>} : memref<128xi32, #tpu.memory_space<vmem>>, vector<16xi32>,
      %shift_right_logical3A_1129 = arith.constant 7 : i32
      %shift_right_logical3A_1130 = vector.broadcast %shift_right_logical3A_1129 : i32 to vector<16xi32>
      %shift_right_logical3A_1131 = arith.shrui %get3A_1126, %shift_right_logical3A_1130 : vector<16xi32>
      %and3A_1132 = arith.constant 127 : i32
      %and3A_1133 = vector.broadcast %and3A_1132 : i32 to vector<16xi32>
      %and3A_1134 = arith.andi %get3A_1126, %and3A_1133 : vector<16xi32>
      %gather3A_1135 = tpu.vector_load_idx %arg10[%shift_right_logical3A_1131, %and3A_1134] : memref<80x128xi32, #tpu.memory_space<vmem>>[vector<16xi32>, vector<16xi32>], vector<16xi32>,
      %swap3A_1136 = arith.constant 608 : index
      %swap3A_1137 = tpu.vector_load %arg12[%swap3A_1136] {strides = array<i32>} : memref<2048xi32, #tpu.memory_space<vmem>>, vector<16xi32>,
      tpu.vector_store %arg12[%swap3A_1136], %gather3A_1135 {strides = array<i32>} : memref<2048xi32, #tpu.memory_space<vmem>>, vector<16xi32>,
      %add3A_1138 = arith.constant 608 : i32
      %add3A_1139 = vector.broadcast %add3A_1138 : i32 to vector<16xi32>
      %add3A_1140 = arith.addi %add3A_1139, %iota3A : vector<16xi32>
      %shift_right_logical3A_1141 = arith.constant 5 : i32
      %shift_right_logical3A_1142 = vector.broadcast %shift_right_logical3A_1141 : i32 to vector<16xi32>
      %shift_right_logical3A_1143 = arith.shrui %add3A_1140, %shift_right_logical3A_1142 : vector<16xi32>
      %mul3A_1144 = arith.constant 2 : i32
      %mul3A_1145 = vector.broadcast %mul3A_1144 : i32 to vector<16xi32>
      %mul3A_1146 = arith.muli %shift_right_logical3A_1143, %mul3A_1145 : vector<16xi32>
      %add3A_1147 = vector.broadcast %mul3A_2 : i32 to vector<16xi32>
      %add3A_1148 = arith.addi %add3A_1147, %mul3A_1146 : vector<16xi32>
      %add3A_1149 = arith.addi %add3A_1148, %gather3A_1135 : vector<16xi32>
      %swap3A_1150 = arith.constant 96 : index
      %swap3A_1151 = tpu.vector_load %arg13[%swap3A_1150] {strides = array<i32>} : memref<128xi32, #tpu.memory_space<vmem>>, vector<16xi32>,
      tpu.vector_store %arg13[%swap3A_1150], %add3A_1149 {strides = array<i32>} : memref<128xi32, #tpu.memory_space<vmem>>, vector<16xi32>,
      %get3A_1152 = arith.constant 624 : index
      %get3A_1153 = tpu.vector_load %arg11[%get3A_1152] {strides = array<i32>} : memref<2048xi32, #tpu.memory_space<vmem>>, vector<16xi32>,
      %swap3A_1154 = arith.constant 112 : index
      %swap3A_1155 = tpu.vector_load %arg15[%swap3A_1154] {strides = array<i32>} : memref<128xi32, #tpu.memory_space<vmem>>, vector<16xi32>,
      tpu.vector_store %arg15[%swap3A_1154], %get3A_1153 {strides = array<i32>} : memref<128xi32, #tpu.memory_space<vmem>>, vector<16xi32>,
      %shift_right_logical3A_1156 = arith.constant 7 : i32
      %shift_right_logical3A_1157 = vector.broadcast %shift_right_logical3A_1156 : i32 to vector<16xi32>
      %shift_right_logical3A_1158 = arith.shrui %get3A_1153, %shift_right_logical3A_1157 : vector<16xi32>
      %and3A_1159 = arith.constant 127 : i32
      %and3A_1160 = vector.broadcast %and3A_1159 : i32 to vector<16xi32>
      %and3A_1161 = arith.andi %get3A_1153, %and3A_1160 : vector<16xi32>
      %gather3A_1162 = tpu.vector_load_idx %arg10[%shift_right_logical3A_1158, %and3A_1161] : memref<80x128xi32, #tpu.memory_space<vmem>>[vector<16xi32>, vector<16xi32>], vector<16xi32>,
      %swap3A_1163 = arith.constant 624 : index
      %swap3A_1164 = tpu.vector_load %arg12[%swap3A_1163] {strides = array<i32>} : memref<2048xi32, #tpu.memory_space<vmem>>, vector<16xi32>,
      tpu.vector_store %arg12[%swap3A_1163], %gather3A_1162 {strides = array<i32>} : memref<2048xi32, #tpu.memory_space<vmem>>, vector<16xi32>,
      %add3A_1165 = arith.constant 624 : i32
      %add3A_1166 = vector.broadcast %add3A_1165 : i32 to vector<16xi32>
      %add3A_1167 = arith.addi %add3A_1166, %iota3A : vector<16xi32>
      %shift_right_logical3A_1168 = arith.constant 5 : i32
      %shift_right_logical3A_1169 = vector.broadcast %shift_right_logical3A_1168 : i32 to vector<16xi32>
      %shift_right_logical3A_1170 = arith.shrui %add3A_1167, %shift_right_logical3A_1169 : vector<16xi32>
      %mul3A_1171 = arith.constant 2 : i32
      %mul3A_1172 = vector.broadcast %mul3A_1171 : i32 to vector<16xi32>
      %mul3A_1173 = arith.muli %shift_right_logical3A_1170, %mul3A_1172 : vector<16xi32>
      %add3A_1174 = vector.broadcast %mul3A_2 : i32 to vector<16xi32>
      %add3A_1175 = arith.addi %add3A_1174, %mul3A_1173 : vector<16xi32>
      %add3A_1176 = arith.addi %add3A_1175, %gather3A_1162 : vector<16xi32>
      %swap3A_1177 = arith.constant 112 : index
      %swap3A_1178 = tpu.vector_load %arg13[%swap3A_1177] {strides = array<i32>} : memref<128xi32, #tpu.memory_space<vmem>>, vector<16xi32>,
      tpu.vector_store %arg13[%swap3A_1177], %add3A_1176 {strides = array<i32>} : memref<128xi32, #tpu.memory_space<vmem>>, vector<16xi32>,
      %dma_start3A_1179 = arith.constant 0 : i32
      %dma_start3A_1180 = arith.constant 0 : i32
      %dma_start3A_1181 = tpu.memref_slice %arg2[%dma_start3A_1179, %dma_start3A_1180] : memref<10000x128xf32, #tpu.memory_space<hbm>> -> memref<10000x128xf32, #tpu.memory_space<hbm>>
      tpu.enqueue_indirect_dma source(%dma_start3A_1181 : memref<10000x128xf32, #tpu.memory_space<hbm>>) target(%arg17 : memref<128x128xf32, #tpu.memory_space<vmem>>) offsets(%arg15 : memref<128xi32, #tpu.memory_space<vmem>>) semaphore(%arg22 : memref<!tpu.dma_semaphore, #tpu.memory_space<semaphore_mem>>)
      %dma_start3A_1182 = arith.constant 0 : i32
      %dma_start3A_1183 = arith.constant 0 : i32
      %dma_start3A_1184 = tpu.memref_slice %arg3[%dma_start3A_1182, %dma_start3A_1183] : memref<10000x128xf32, #tpu.memory_space<hbm>> -> memref<10000x128xf32, #tpu.memory_space<hbm>>
      tpu.enqueue_indirect_dma source(%dma_start3A_1184 : memref<10000x128xf32, #tpu.memory_space<hbm>>) target(%arg19 : memref<128x128xf32, #tpu.memory_space<vmem>>) offsets(%arg15 : memref<128xi32, #tpu.memory_space<vmem>>) semaphore(%arg22 : memref<!tpu.dma_semaphore, #tpu.memory_space<semaphore_mem>>)
      %dma_wait3A_1185 = arith.constant 0 : i32
      %dma_wait3A_1186 = arith.constant 0 : i32
      %dma_wait3A_1187 = tpu.memref_slice %arg2[%dma_wait3A_1185, %dma_wait3A_1186] : memref<10000x128xf32, #tpu.memory_space<hbm>> -> memref<10000x128xf32, #tpu.memory_space<hbm>>
      tpu.wait_indirect_dma semaphore(%arg23 : memref<!tpu.dma_semaphore, #tpu.memory_space<semaphore_mem>>) src(%dma_wait3A_1187 : memref<10000x128xf32, #tpu.memory_space<hbm>>) dst(%arg18 : memref<128x128xf32, #tpu.memory_space<vmem>>)
      %dma_wait3A_1188 = arith.constant 0 : i32
      %dma_wait3A_1189 = arith.constant 0 : i32
      %dma_wait3A_1190 = tpu.memref_slice %arg3[%dma_wait3A_1188, %dma_wait3A_1189] : memref<10000x128xf32, #tpu.memory_space<hbm>> -> memref<10000x128xf32, #tpu.memory_space<hbm>>
      tpu.wait_indirect_dma semaphore(%arg23 : memref<!tpu.dma_semaphore, #tpu.memory_space<semaphore_mem>>) src(%dma_wait3A_1190 : memref<10000x128xf32, #tpu.memory_space<hbm>>) dst(%arg20 : memref<128x128xf32, #tpu.memory_space<vmem>>)
      %dma_start3A_1191 = arith.constant 0 : i32
      %dma_start3A_1192 = arith.constant 0 : i32
      %dma_start3A_1193 = tpu.memref_slice %arg21[%dma_start3A_1191, %dma_start3A_1192] : memref<2048x128xf32, #tpu.memory_space<vmem_shared>> -> memref<2048x128xf32, #tpu.memory_space<vmem_shared>>
      tpu.enqueue_indirect_dma source(%arg18 : memref<128x128xf32, #tpu.memory_space<vmem>>) target(%dma_start3A_1193 : memref<2048x128xf32, #tpu.memory_space<vmem_shared>>) offsets(%arg14 : memref<128xi32, #tpu.memory_space<vmem>>) semaphore(%arg25 : memref<!tpu.dma_semaphore, #tpu.memory_space<semaphore_mem>>) {add = true}
      %add3A_1194 = arith.constant 384 : i32
      %add3A_1195 = arith.addi %mul3A_15, %add3A_1194 : i32
      %dma_start3A_1196 = arith.constant 0 : i32
      %dma_start3A_1197 = tpu.memref_slice %arg8[%add3A_1195, %dma_start3A_1196] : memref<327680x128xf32, #tpu.memory_space<hbm>> -> memref<128x128xf32, #tpu.memory_space<hbm>>
      %dma_start3A_1198 = arith.constant 0 : i32
      %dma_start3A_1199 = tpu.memref_slice %arg8[%add3A_1195, %dma_start3A_1198] : memref<327680x128xf32, #tpu.memory_space<hbm>> -> memref<128x128xf32, #tpu.memory_space<hbm>>
      tpu.enqueue_dma source(%arg20 : memref<128x128xf32, #tpu.memory_space<vmem>>) target(%dma_start3A_1199 : memref<128x128xf32, #tpu.memory_space<hbm>>) target_semaphore(%arg27 : memref<!tpu.dma_semaphore, #tpu.memory_space<semaphore_mem>>)
      %dma_wait3A_1200 = arith.constant 0 : i32
      %dma_wait3A_1201 = arith.constant 0 : i32
      %dma_wait3A_1202 = tpu.memref_slice %arg21[%dma_wait3A_1200, %dma_wait3A_1201] : memref<2048x128xf32, #tpu.memory_space<vmem_shared>> -> memref<2048x128xf32, #tpu.memory_space<vmem_shared>>
      tpu.wait_indirect_dma semaphore(%arg25 : memref<!tpu.dma_semaphore, #tpu.memory_space<semaphore_mem>>) src(%arg18 : memref<128x128xf32, #tpu.memory_space<vmem>>) dst(%dma_wait3A_1202 : memref<2048x128xf32, #tpu.memory_space<vmem_shared>>)
      %dma_wait3A_1203 = arith.constant 0 : i32
      %dma_wait3A_1204 = tpu.memref_slice %arg8[%add3A_1195, %dma_wait3A_1203] : memref<327680x128xf32, #tpu.memory_space<hbm>> -> memref<128x128xf32, #tpu.memory_space<hbm>>
      %dma_wait3A_1205 = arith.constant 0 : i32
      %dma_wait3A_1206 = tpu.memref_slice %arg8[%add3A_1195, %dma_wait3A_1205] : memref<327680x128xf32, #tpu.memory_space<hbm>> -> memref<128x128xf32, #tpu.memory_space<hbm>>
      tpu.wait_dma2 semaphore(%arg27 : memref<!tpu.dma_semaphore, #tpu.memory_space<semaphore_mem>>) src(%arg20 : memref<128x128xf32, #tpu.memory_space<vmem>>) dst(%dma_wait3A_1206 : memref<128x128xf32, #tpu.memory_space<hbm>>)
      %get3A_1207 = arith.constant 640 : index
      %get3A_1208 = tpu.vector_load %arg11[%get3A_1207] {strides = array<i32>} : memref<2048xi32, #tpu.memory_space<vmem>>, vector<16xi32>,
      %swap3A_1209 = arith.constant 0 : index
      %swap3A_1210 = tpu.vector_load %arg16[%swap3A_1209] {strides = array<i32>} : memref<128xi32, #tpu.memory_space<vmem>>, vector<16xi32>,
      tpu.vector_store %arg16[%swap3A_1209], %get3A_1208 {strides = array<i32>} : memref<128xi32, #tpu.memory_space<vmem>>, vector<16xi32>,
      %shift_right_logical3A_1211 = arith.constant 7 : i32
      %shift_right_logical3A_1212 = vector.broadcast %shift_right_logical3A_1211 : i32 to vector<16xi32>
      %shift_right_logical3A_1213 = arith.shrui %get3A_1208, %shift_right_logical3A_1212 : vector<16xi32>
      %and3A_1214 = arith.constant 127 : i32
      %and3A_1215 = vector.broadcast %and3A_1214 : i32 to vector<16xi32>
      %and3A_1216 = arith.andi %get3A_1208, %and3A_1215 : vector<16xi32>
      %gather3A_1217 = tpu.vector_load_idx %arg10[%shift_right_logical3A_1213, %and3A_1216] : memref<80x128xi32, #tpu.memory_space<vmem>>[vector<16xi32>, vector<16xi32>], vector<16xi32>,
      %swap3A_1218 = arith.constant 640 : index
      %swap3A_1219 = tpu.vector_load %arg12[%swap3A_1218] {strides = array<i32>} : memref<2048xi32, #tpu.memory_space<vmem>>, vector<16xi32>,
      tpu.vector_store %arg12[%swap3A_1218], %gather3A_1217 {strides = array<i32>} : memref<2048xi32, #tpu.memory_space<vmem>>, vector<16xi32>,
      %add3A_1220 = arith.constant 640 : i32
      %add3A_1221 = vector.broadcast %add3A_1220 : i32 to vector<16xi32>
      %add3A_1222 = arith.addi %add3A_1221, %iota3A : vector<16xi32>
      %shift_right_logical3A_1223 = arith.constant 5 : i32
      %shift_right_logical3A_1224 = vector.broadcast %shift_right_logical3A_1223 : i32 to vector<16xi32>
      %shift_right_logical3A_1225 = arith.shrui %add3A_1222, %shift_right_logical3A_1224 : vector<16xi32>
      %mul3A_1226 = arith.constant 2 : i32
      %mul3A_1227 = vector.broadcast %mul3A_1226 : i32 to vector<16xi32>
      %mul3A_1228 = arith.muli %shift_right_logical3A_1225, %mul3A_1227 : vector<16xi32>
      %add3A_1229 = vector.broadcast %mul3A_2 : i32 to vector<16xi32>
      %add3A_1230 = arith.addi %add3A_1229, %mul3A_1228 : vector<16xi32>
      %add3A_1231 = arith.addi %add3A_1230, %gather3A_1217 : vector<16xi32>
      %swap3A_1232 = arith.constant 0 : index
      %swap3A_1233 = tpu.vector_load %arg14[%swap3A_1232] {strides = array<i32>} : memref<128xi32, #tpu.memory_space<vmem>>, vector<16xi32>,
      tpu.vector_store %arg14[%swap3A_1232], %add3A_1231 {strides = array<i32>} : memref<128xi32, #tpu.memory_space<vmem>>, vector<16xi32>,
      %get3A_1234 = arith.constant 656 : index
      %get3A_1235 = tpu.vector_load %arg11[%get3A_1234] {strides = array<i32>} : memref<2048xi32, #tpu.memory_space<vmem>>, vector<16xi32>,
      %swap3A_1236 = arith.constant 16 : index
      %swap3A_1237 = tpu.vector_load %arg16[%swap3A_1236] {strides = array<i32>} : memref<128xi32, #tpu.memory_space<vmem>>, vector<16xi32>,
      tpu.vector_store %arg16[%swap3A_1236], %get3A_1235 {strides = array<i32>} : memref<128xi32, #tpu.memory_space<vmem>>, vector<16xi32>,
      %shift_right_logical3A_1238 = arith.constant 7 : i32
      %shift_right_logical3A_1239 = vector.broadcast %shift_right_logical3A_1238 : i32 to vector<16xi32>
      %shift_right_logical3A_1240 = arith.shrui %get3A_1235, %shift_right_logical3A_1239 : vector<16xi32>
      %and3A_1241 = arith.constant 127 : i32
      %and3A_1242 = vector.broadcast %and3A_1241 : i32 to vector<16xi32>
      %and3A_1243 = arith.andi %get3A_1235, %and3A_1242 : vector<16xi32>
      %gather3A_1244 = tpu.vector_load_idx %arg10[%shift_right_logical3A_1240, %and3A_1243] : memref<80x128xi32, #tpu.memory_space<vmem>>[vector<16xi32>, vector<16xi32>], vector<16xi32>,
      %swap3A_1245 = arith.constant 656 : index
      %swap3A_1246 = tpu.vector_load %arg12[%swap3A_1245] {strides = array<i32>} : memref<2048xi32, #tpu.memory_space<vmem>>, vector<16xi32>,
      tpu.vector_store %arg12[%swap3A_1245], %gather3A_1244 {strides = array<i32>} : memref<2048xi32, #tpu.memory_space<vmem>>, vector<16xi32>,
      %add3A_1247 = arith.constant 656 : i32
      %add3A_1248 = vector.broadcast %add3A_1247 : i32 to vector<16xi32>
      %add3A_1249 = arith.addi %add3A_1248, %iota3A : vector<16xi32>
      %shift_right_logical3A_1250 = arith.constant 5 : i32
      %shift_right_logical3A_1251 = vector.broadcast %shift_right_logical3A_1250 : i32 to vector<16xi32>
      %shift_right_logical3A_1252 = arith.shrui %add3A_1249, %shift_right_logical3A_1251 : vector<16xi32>
      %mul3A_1253 = arith.constant 2 : i32
      %mul3A_1254 = vector.broadcast %mul3A_1253 : i32 to vector<16xi32>
      %mul3A_1255 = arith.muli %shift_right_logical3A_1252, %mul3A_1254 : vector<16xi32>
      %add3A_1256 = vector.broadcast %mul3A_2 : i32 to vector<16xi32>
      %add3A_1257 = arith.addi %add3A_1256, %mul3A_1255 : vector<16xi32>
      %add3A_1258 = arith.addi %add3A_1257, %gather3A_1244 : vector<16xi32>
      %swap3A_1259 = arith.constant 16 : index
      %swap3A_1260 = tpu.vector_load %arg14[%swap3A_1259] {strides = array<i32>} : memref<128xi32, #tpu.memory_space<vmem>>, vector<16xi32>,
      tpu.vector_store %arg14[%swap3A_1259], %add3A_1258 {strides = array<i32>} : memref<128xi32, #tpu.memory_space<vmem>>, vector<16xi32>,
      %get3A_1261 = arith.constant 672 : index
      %get3A_1262 = tpu.vector_load %arg11[%get3A_1261] {strides = array<i32>} : memref<2048xi32, #tpu.memory_space<vmem>>, vector<16xi32>,
      %swap3A_1263 = arith.constant 32 : index
      %swap3A_1264 = tpu.vector_load %arg16[%swap3A_1263] {strides = array<i32>} : memref<128xi32, #tpu.memory_space<vmem>>, vector<16xi32>,
      tpu.vector_store %arg16[%swap3A_1263], %get3A_1262 {strides = array<i32>} : memref<128xi32, #tpu.memory_space<vmem>>, vector<16xi32>,
      %shift_right_logical3A_1265 = arith.constant 7 : i32
      %shift_right_logical3A_1266 = vector.broadcast %shift_right_logical3A_1265 : i32 to vector<16xi32>
      %shift_right_logical3A_1267 = arith.shrui %get3A_1262, %shift_right_logical3A_1266 : vector<16xi32>
      %and3A_1268 = arith.constant 127 : i32
      %and3A_1269 = vector.broadcast %and3A_1268 : i32 to vector<16xi32>
      %and3A_1270 = arith.andi %get3A_1262, %and3A_1269 : vector<16xi32>
      %gather3A_1271 = tpu.vector_load_idx %arg10[%shift_right_logical3A_1267, %and3A_1270] : memref<80x128xi32, #tpu.memory_space<vmem>>[vector<16xi32>, vector<16xi32>], vector<16xi32>,
      %swap3A_1272 = arith.constant 672 : index
      %swap3A_1273 = tpu.vector_load %arg12[%swap3A_1272] {strides = array<i32>} : memref<2048xi32, #tpu.memory_space<vmem>>, vector<16xi32>,
      tpu.vector_store %arg12[%swap3A_1272], %gather3A_1271 {strides = array<i32>} : memref<2048xi32, #tpu.memory_space<vmem>>, vector<16xi32>,
      %add3A_1274 = arith.constant 672 : i32
      %add3A_1275 = vector.broadcast %add3A_1274 : i32 to vector<16xi32>
      %add3A_1276 = arith.addi %add3A_1275, %iota3A : vector<16xi32>
      %shift_right_logical3A_1277 = arith.constant 5 : i32
      %shift_right_logical3A_1278 = vector.broadcast %shift_right_logical3A_1277 : i32 to vector<16xi32>
      %shift_right_logical3A_1279 = arith.shrui %add3A_1276, %shift_right_logical3A_1278 : vector<16xi32>
      %mul3A_1280 = arith.constant 2 : i32
      %mul3A_1281 = vector.broadcast %mul3A_1280 : i32 to vector<16xi32>
      %mul3A_1282 = arith.muli %shift_right_logical3A_1279, %mul3A_1281 : vector<16xi32>
      %add3A_1283 = vector.broadcast %mul3A_2 : i32 to vector<16xi32>
      %add3A_1284 = arith.addi %add3A_1283, %mul3A_1282 : vector<16xi32>
      %add3A_1285 = arith.addi %add3A_1284, %gather3A_1271 : vector<16xi32>
      %swap3A_1286 = arith.constant 32 : index
      %swap3A_1287 = tpu.vector_load %arg14[%swap3A_1286] {strides = array<i32>} : memref<128xi32, #tpu.memory_space<vmem>>, vector<16xi32>,
      tpu.vector_store %arg14[%swap3A_1286], %add3A_1285 {strides = array<i32>} : memref<128xi32, #tpu.memory_space<vmem>>, vector<16xi32>,
      %get3A_1288 = arith.constant 688 : index
      %get3A_1289 = tpu.vector_load %arg11[%get3A_1288] {strides = array<i32>} : memref<2048xi32, #tpu.memory_space<vmem>>, vector<16xi32>,
      %swap3A_1290 = arith.constant 48 : index
      %swap3A_1291 = tpu.vector_load %arg16[%swap3A_1290] {strides = array<i32>} : memref<128xi32, #tpu.memory_space<vmem>>, vector<16xi32>,
      tpu.vector_store %arg16[%swap3A_1290], %get3A_1289 {strides = array<i32>} : memref<128xi32, #tpu.memory_space<vmem>>, vector<16xi32>,
      %shift_right_logical3A_1292 = arith.constant 7 : i32
      %shift_right_logical3A_1293 = vector.broadcast %shift_right_logical3A_1292 : i32 to vector<16xi32>
      %shift_right_logical3A_1294 = arith.shrui %get3A_1289, %shift_right_logical3A_1293 : vector<16xi32>
      %and3A_1295 = arith.constant 127 : i32
      %and3A_1296 = vector.broadcast %and3A_1295 : i32 to vector<16xi32>
      %and3A_1297 = arith.andi %get3A_1289, %and3A_1296 : vector<16xi32>
      %gather3A_1298 = tpu.vector_load_idx %arg10[%shift_right_logical3A_1294, %and3A_1297] : memref<80x128xi32, #tpu.memory_space<vmem>>[vector<16xi32>, vector<16xi32>], vector<16xi32>,
      %swap3A_1299 = arith.constant 688 : index
      %swap3A_1300 = tpu.vector_load %arg12[%swap3A_1299] {strides = array<i32>} : memref<2048xi32, #tpu.memory_space<vmem>>, vector<16xi32>,
      tpu.vector_store %arg12[%swap3A_1299], %gather3A_1298 {strides = array<i32>} : memref<2048xi32, #tpu.memory_space<vmem>>, vector<16xi32>,
      %add3A_1301 = arith.constant 688 : i32
      %add3A_1302 = vector.broadcast %add3A_1301 : i32 to vector<16xi32>
      %add3A_1303 = arith.addi %add3A_1302, %iota3A : vector<16xi32>
      %shift_right_logical3A_1304 = arith.constant 5 : i32
      %shift_right_logical3A_1305 = vector.broadcast %shift_right_logical3A_1304 : i32 to vector<16xi32>
      %shift_right_logical3A_1306 = arith.shrui %add3A_1303, %shift_right_logical3A_1305 : vector<16xi32>
      %mul3A_1307 = arith.constant 2 : i32
      %mul3A_1308 = vector.broadcast %mul3A_1307 : i32 to vector<16xi32>
      %mul3A_1309 = arith.muli %shift_right_logical3A_1306, %mul3A_1308 : vector<16xi32>
      %add3A_1310 = vector.broadcast %mul3A_2 : i32 to vector<16xi32>
      %add3A_1311 = arith.addi %add3A_1310, %mul3A_1309 : vector<16xi32>
      %add3A_1312 = arith.addi %add3A_1311, %gather3A_1298 : vector<16xi32>
      %swap3A_1313 = arith.constant 48 : index
      %swap3A_1314 = tpu.vector_load %arg14[%swap3A_1313] {strides = array<i32>} : memref<128xi32, #tpu.memory_space<vmem>>, vector<16xi32>,
      tpu.vector_store %arg14[%swap3A_1313], %add3A_1312 {strides = array<i32>} : memref<128xi32, #tpu.memory_space<vmem>>, vector<16xi32>,
      %get3A_1315 = arith.constant 704 : index
      %get3A_1316 = tpu.vector_load %arg11[%get3A_1315] {strides = array<i32>} : memref<2048xi32, #tpu.memory_space<vmem>>, vector<16xi32>,
      %swap3A_1317 = arith.constant 64 : index
      %swap3A_1318 = tpu.vector_load %arg16[%swap3A_1317] {strides = array<i32>} : memref<128xi32, #tpu.memory_space<vmem>>, vector<16xi32>,
      tpu.vector_store %arg16[%swap3A_1317], %get3A_1316 {strides = array<i32>} : memref<128xi32, #tpu.memory_space<vmem>>, vector<16xi32>,
      %shift_right_logical3A_1319 = arith.constant 7 : i32
      %shift_right_logical3A_1320 = vector.broadcast %shift_right_logical3A_1319 : i32 to vector<16xi32>
      %shift_right_logical3A_1321 = arith.shrui %get3A_1316, %shift_right_logical3A_1320 : vector<16xi32>
      %and3A_1322 = arith.constant 127 : i32
      %and3A_1323 = vector.broadcast %and3A_1322 : i32 to vector<16xi32>
      %and3A_1324 = arith.andi %get3A_1316, %and3A_1323 : vector<16xi32>
      %gather3A_1325 = tpu.vector_load_idx %arg10[%shift_right_logical3A_1321, %and3A_1324] : memref<80x128xi32, #tpu.memory_space<vmem>>[vector<16xi32>, vector<16xi32>], vector<16xi32>,
      %swap3A_1326 = arith.constant 704 : index
      %swap3A_1327 = tpu.vector_load %arg12[%swap3A_1326] {strides = array<i32>} : memref<2048xi32, #tpu.memory_space<vmem>>, vector<16xi32>,
      tpu.vector_store %arg12[%swap3A_1326], %gather3A_1325 {strides = array<i32>} : memref<2048xi32, #tpu.memory_space<vmem>>, vector<16xi32>,
      %add3A_1328 = arith.constant 704 : i32
      %add3A_1329 = vector.broadcast %add3A_1328 : i32 to vector<16xi32>
      %add3A_1330 = arith.addi %add3A_1329, %iota3A : vector<16xi32>
      %shift_right_logical3A_1331 = arith.constant 5 : i32
      %shift_right_logical3A_1332 = vector.broadcast %shift_right_logical3A_1331 : i32 to vector<16xi32>
      %shift_right_logical3A_1333 = arith.shrui %add3A_1330, %shift_right_logical3A_1332 : vector<16xi32>
      %mul3A_1334 = arith.constant 2 : i32
      %mul3A_1335 = vector.broadcast %mul3A_1334 : i32 to vector<16xi32>
      %mul3A_1336 = arith.muli %shift_right_logical3A_1333, %mul3A_1335 : vector<16xi32>
      %add3A_1337 = vector.broadcast %mul3A_2 : i32 to vector<16xi32>
      %add3A_1338 = arith.addi %add3A_1337, %mul3A_1336 : vector<16xi32>
      %add3A_1339 = arith.addi %add3A_1338, %gather3A_1325 : vector<16xi32>
      %swap3A_1340 = arith.constant 64 : index
      %swap3A_1341 = tpu.vector_load %arg14[%swap3A_1340] {strides = array<i32>} : memref<128xi32, #tpu.memory_space<vmem>>, vector<16xi32>,
      tpu.vector_store %arg14[%swap3A_1340], %add3A_1339 {strides = array<i32>} : memref<128xi32, #tpu.memory_space<vmem>>, vector<16xi32>,
      %get3A_1342 = arith.constant 720 : index
      %get3A_1343 = tpu.vector_load %arg11[%get3A_1342] {strides = array<i32>} : memref<2048xi32, #tpu.memory_space<vmem>>, vector<16xi32>,
      %swap3A_1344 = arith.constant 80 : index
      %swap3A_1345 = tpu.vector_load %arg16[%swap3A_1344] {strides = array<i32>} : memref<128xi32, #tpu.memory_space<vmem>>, vector<16xi32>,
      tpu.vector_store %arg16[%swap3A_1344], %get3A_1343 {strides = array<i32>} : memref<128xi32, #tpu.memory_space<vmem>>, vector<16xi32>,
      %shift_right_logical3A_1346 = arith.constant 7 : i32
      %shift_right_logical3A_1347 = vector.broadcast %shift_right_logical3A_1346 : i32 to vector<16xi32>
      %shift_right_logical3A_1348 = arith.shrui %get3A_1343, %shift_right_logical3A_1347 : vector<16xi32>
      %and3A_1349 = arith.constant 127 : i32
      %and3A_1350 = vector.broadcast %and3A_1349 : i32 to vector<16xi32>
      %and3A_1351 = arith.andi %get3A_1343, %and3A_1350 : vector<16xi32>
      %gather3A_1352 = tpu.vector_load_idx %arg10[%shift_right_logical3A_1348, %and3A_1351] : memref<80x128xi32, #tpu.memory_space<vmem>>[vector<16xi32>, vector<16xi32>], vector<16xi32>,
      %swap3A_1353 = arith.constant 720 : index
      %swap3A_1354 = tpu.vector_load %arg12[%swap3A_1353] {strides = array<i32>} : memref<2048xi32, #tpu.memory_space<vmem>>, vector<16xi32>,
      tpu.vector_store %arg12[%swap3A_1353], %gather3A_1352 {strides = array<i32>} : memref<2048xi32, #tpu.memory_space<vmem>>, vector<16xi32>,
      %add3A_1355 = arith.constant 720 : i32
      %add3A_1356 = vector.broadcast %add3A_1355 : i32 to vector<16xi32>
      %add3A_1357 = arith.addi %add3A_1356, %iota3A : vector<16xi32>
      %shift_right_logical3A_1358 = arith.constant 5 : i32
      %shift_right_logical3A_1359 = vector.broadcast %shift_right_logical3A_1358 : i32 to vector<16xi32>
      %shift_right_logical3A_1360 = arith.shrui %add3A_1357, %shift_right_logical3A_1359 : vector<16xi32>
      %mul3A_1361 = arith.constant 2 : i32
      %mul3A_1362 = vector.broadcast %mul3A_1361 : i32 to vector<16xi32>
      %mul3A_1363 = arith.muli %shift_right_logical3A_1360, %mul3A_1362 : vector<16xi32>
      %add3A_1364 = vector.broadcast %mul3A_2 : i32 to vector<16xi32>
      %add3A_1365 = arith.addi %add3A_1364, %mul3A_1363 : vector<16xi32>
      %add3A_1366 = arith.addi %add3A_1365, %gather3A_1352 : vector<16xi32>
      %swap3A_1367 = arith.constant 80 : index
      %swap3A_1368 = tpu.vector_load %arg14[%swap3A_1367] {strides = array<i32>} : memref<128xi32, #tpu.memory_space<vmem>>, vector<16xi32>,
      tpu.vector_store %arg14[%swap3A_1367], %add3A_1366 {strides = array<i32>} : memref<128xi32, #tpu.memory_space<vmem>>, vector<16xi32>,
      %get3A_1369 = arith.constant 736 : index
      %get3A_1370 = tpu.vector_load %arg11[%get3A_1369] {strides = array<i32>} : memref<2048xi32, #tpu.memory_space<vmem>>, vector<16xi32>,
      %swap3A_1371 = arith.constant 96 : index
      %swap3A_1372 = tpu.vector_load %arg16[%swap3A_1371] {strides = array<i32>} : memref<128xi32, #tpu.memory_space<vmem>>, vector<16xi32>,
      tpu.vector_store %arg16[%swap3A_1371], %get3A_1370 {strides = array<i32>} : memref<128xi32, #tpu.memory_space<vmem>>, vector<16xi32>,
      %shift_right_logical3A_1373 = arith.constant 7 : i32
      %shift_right_logical3A_1374 = vector.broadcast %shift_right_logical3A_1373 : i32 to vector<16xi32>
      %shift_right_logical3A_1375 = arith.shrui %get3A_1370, %shift_right_logical3A_1374 : vector<16xi32>
      %and3A_1376 = arith.constant 127 : i32
      %and3A_1377 = vector.broadcast %and3A_1376 : i32 to vector<16xi32>
      %and3A_1378 = arith.andi %get3A_1370, %and3A_1377 : vector<16xi32>
      %gather3A_1379 = tpu.vector_load_idx %arg10[%shift_right_logical3A_1375, %and3A_1378] : memref<80x128xi32, #tpu.memory_space<vmem>>[vector<16xi32>, vector<16xi32>], vector<16xi32>,
      %swap3A_1380 = arith.constant 736 : index
      %swap3A_1381 = tpu.vector_load %arg12[%swap3A_1380] {strides = array<i32>} : memref<2048xi32, #tpu.memory_space<vmem>>, vector<16xi32>,
      tpu.vector_store %arg12[%swap3A_1380], %gather3A_1379 {strides = array<i32>} : memref<2048xi32, #tpu.memory_space<vmem>>, vector<16xi32>,
      %add3A_1382 = arith.constant 736 : i32
      %add3A_1383 = vector.broadcast %add3A_1382 : i32 to vector<16xi32>
      %add3A_1384 = arith.addi %add3A_1383, %iota3A : vector<16xi32>
      %shift_right_logical3A_1385 = arith.constant 5 : i32
      %shift_right_logical3A_1386 = vector.broadcast %shift_right_logical3A_1385 : i32 to vector<16xi32>
      %shift_right_logical3A_1387 = arith.shrui %add3A_1384, %shift_right_logical3A_1386 : vector<16xi32>
      %mul3A_1388 = arith.constant 2 : i32
      %mul3A_1389 = vector.broadcast %mul3A_1388 : i32 to vector<16xi32>
      %mul3A_1390 = arith.muli %shift_right_logical3A_1387, %mul3A_1389 : vector<16xi32>
      %add3A_1391 = vector.broadcast %mul3A_2 : i32 to vector<16xi32>
      %add3A_1392 = arith.addi %add3A_1391, %mul3A_1390 : vector<16xi32>
      %add3A_1393 = arith.addi %add3A_1392, %gather3A_1379 : vector<16xi32>
      %swap3A_1394 = arith.constant 96 : index
      %swap3A_1395 = tpu.vector_load %arg14[%swap3A_1394] {strides = array<i32>} : memref<128xi32, #tpu.memory_space<vmem>>, vector<16xi32>,
      tpu.vector_store %arg14[%swap3A_1394], %add3A_1393 {strides = array<i32>} : memref<128xi32, #tpu.memory_space<vmem>>, vector<16xi32>,
      %get3A_1396 = arith.constant 752 : index
      %get3A_1397 = tpu.vector_load %arg11[%get3A_1396] {strides = array<i32>} : memref<2048xi32, #tpu.memory_space<vmem>>, vector<16xi32>,
      %swap3A_1398 = arith.constant 112 : index
      %swap3A_1399 = tpu.vector_load %arg16[%swap3A_1398] {strides = array<i32>} : memref<128xi32, #tpu.memory_space<vmem>>, vector<16xi32>,
      tpu.vector_store %arg16[%swap3A_1398], %get3A_1397 {strides = array<i32>} : memref<128xi32, #tpu.memory_space<vmem>>, vector<16xi32>,
      %shift_right_logical3A_1400 = arith.constant 7 : i32
      %shift_right_logical3A_1401 = vector.broadcast %shift_right_logical3A_1400 : i32 to vector<16xi32>
      %shift_right_logical3A_1402 = arith.shrui %get3A_1397, %shift_right_logical3A_1401 : vector<16xi32>
      %and3A_1403 = arith.constant 127 : i32
      %and3A_1404 = vector.broadcast %and3A_1403 : i32 to vector<16xi32>
      %and3A_1405 = arith.andi %get3A_1397, %and3A_1404 : vector<16xi32>
      %gather3A_1406 = tpu.vector_load_idx %arg10[%shift_right_logical3A_1402, %and3A_1405] : memref<80x128xi32, #tpu.memory_space<vmem>>[vector<16xi32>, vector<16xi32>], vector<16xi32>,
      %swap3A_1407 = arith.constant 752 : index
      %swap3A_1408 = tpu.vector_load %arg12[%swap3A_1407] {strides = array<i32>} : memref<2048xi32, #tpu.memory_space<vmem>>, vector<16xi32>,
      tpu.vector_store %arg12[%swap3A_1407], %gather3A_1406 {strides = array<i32>} : memref<2048xi32, #tpu.memory_space<vmem>>, vector<16xi32>,
      %add3A_1409 = arith.constant 752 : i32
      %add3A_1410 = vector.broadcast %add3A_1409 : i32 to vector<16xi32>
      %add3A_1411 = arith.addi %add3A_1410, %iota3A : vector<16xi32>
      %shift_right_logical3A_1412 = arith.constant 5 : i32
      %shift_right_logical3A_1413 = vector.broadcast %shift_right_logical3A_1412 : i32 to vector<16xi32>
      %shift_right_logical3A_1414 = arith.shrui %add3A_1411, %shift_right_logical3A_1413 : vector<16xi32>
      %mul3A_1415 = arith.constant 2 : i32
      %mul3A_1416 = vector.broadcast %mul3A_1415 : i32 to vector<16xi32>
      %mul3A_1417 = arith.muli %shift_right_logical3A_1414, %mul3A_1416 : vector<16xi32>
      %add3A_1418 = vector.broadcast %mul3A_2 : i32 to vector<16xi32>
      %add3A_1419 = arith.addi %add3A_1418, %mul3A_1417 : vector<16xi32>
      %add3A_1420 = arith.addi %add3A_1419, %gather3A_1406 : vector<16xi32>
      %swap3A_1421 = arith.constant 112 : index
      %swap3A_1422 = tpu.vector_load %arg14[%swap3A_1421] {strides = array<i32>} : memref<128xi32, #tpu.memory_space<vmem>>, vector<16xi32>,
      tpu.vector_store %arg14[%swap3A_1421], %add3A_1420 {strides = array<i32>} : memref<128xi32, #tpu.memory_space<vmem>>, vector<16xi32>,
      %dma_start3A_1423 = arith.constant 0 : i32
      %dma_start3A_1424 = arith.constant 0 : i32
      %dma_start3A_1425 = tpu.memref_slice %arg2[%dma_start3A_1423, %dma_start3A_1424] : memref<10000x128xf32, #tpu.memory_space<hbm>> -> memref<10000x128xf32, #tpu.memory_space<hbm>>
      tpu.enqueue_indirect_dma source(%dma_start3A_1425 : memref<10000x128xf32, #tpu.memory_space<hbm>>) target(%arg18 : memref<128x128xf32, #tpu.memory_space<vmem>>) offsets(%arg16 : memref<128xi32, #tpu.memory_space<vmem>>) semaphore(%arg23 : memref<!tpu.dma_semaphore, #tpu.memory_space<semaphore_mem>>)
      %dma_start3A_1426 = arith.constant 0 : i32
      %dma_start3A_1427 = arith.constant 0 : i32
      %dma_start3A_1428 = tpu.memref_slice %arg3[%dma_start3A_1426, %dma_start3A_1427] : memref<10000x128xf32, #tpu.memory_space<hbm>> -> memref<10000x128xf32, #tpu.memory_space<hbm>>
      tpu.enqueue_indirect_dma source(%dma_start3A_1428 : memref<10000x128xf32, #tpu.memory_space<hbm>>) target(%arg20 : memref<128x128xf32, #tpu.memory_space<vmem>>) offsets(%arg16 : memref<128xi32, #tpu.memory_space<vmem>>) semaphore(%arg23 : memref<!tpu.dma_semaphore, #tpu.memory_space<semaphore_mem>>)
      %dma_wait3A_1429 = arith.constant 0 : i32
      %dma_wait3A_1430 = arith.constant 0 : i32
      %dma_wait3A_1431 = tpu.memref_slice %arg2[%dma_wait3A_1429, %dma_wait3A_1430] : memref<10000x128xf32, #tpu.memory_space<hbm>> -> memref<10000x128xf32, #tpu.memory_space<hbm>>
      tpu.wait_indirect_dma semaphore(%arg22 : memref<!tpu.dma_semaphore, #tpu.memory_space<semaphore_mem>>) src(%dma_wait3A_1431 : memref<10000x128xf32, #tpu.memory_space<hbm>>) dst(%arg17 : memref<128x128xf32, #tpu.memory_space<vmem>>)
      %dma_wait3A_1432 = arith.constant 0 : i32
      %dma_wait3A_1433 = arith.constant 0 : i32
      %dma_wait3A_1434 = tpu.memref_slice %arg3[%dma_wait3A_1432, %dma_wait3A_1433] : memref<10000x128xf32, #tpu.memory_space<hbm>> -> memref<10000x128xf32, #tpu.memory_space<hbm>>
      tpu.wait_indirect_dma semaphore(%arg22 : memref<!tpu.dma_semaphore, #tpu.memory_space<semaphore_mem>>) src(%dma_wait3A_1434 : memref<10000x128xf32, #tpu.memory_space<hbm>>) dst(%arg19 : memref<128x128xf32, #tpu.memory_space<vmem>>)
      %dma_start3A_1435 = arith.constant 0 : i32
      %dma_start3A_1436 = arith.constant 0 : i32
      %dma_start3A_1437 = tpu.memref_slice %arg21[%dma_start3A_1435, %dma_start3A_1436] : memref<2048x128xf32, #tpu.memory_space<vmem_shared>> -> memref<2048x128xf32, #tpu.memory_space<vmem_shared>>
      tpu.enqueue_indirect_dma source(%arg17 : memref<128x128xf32, #tpu.memory_space<vmem>>) target(%dma_start3A_1437 : memref<2048x128xf32, #tpu.memory_space<vmem_shared>>) offsets(%arg13 : memref<128xi32, #tpu.memory_space<vmem>>) semaphore(%arg24 : memref<!tpu.dma_semaphore, #tpu.memory_space<semaphore_mem>>) {add = true}
      %add3A_1438 = arith.constant 512 : i32
      %add3A_1439 = arith.addi %mul3A_15, %add3A_1438 : i32
      %dma_start3A_1440 = arith.constant 0 : i32
      %dma_start3A_1441 = tpu.memref_slice %arg8[%add3A_1439, %dma_start3A_1440] : memref<327680x128xf32, #tpu.memory_space<hbm>> -> memref<128x128xf32, #tpu.memory_space<hbm>>
      %dma_start3A_1442 = arith.constant 0 : i32
      %dma_start3A_1443 = tpu.memref_slice %arg8[%add3A_1439, %dma_start3A_1442] : memref<327680x128xf32, #tpu.memory_space<hbm>> -> memref<128x128xf32, #tpu.memory_space<hbm>>
      tpu.enqueue_dma source(%arg19 : memref<128x128xf32, #tpu.memory_space<vmem>>) target(%dma_start3A_1443 : memref<128x128xf32, #tpu.memory_space<hbm>>) target_semaphore(%arg26 : memref<!tpu.dma_semaphore, #tpu.memory_space<semaphore_mem>>)
      %dma_wait3A_1444 = arith.constant 0 : i32
      %dma_wait3A_1445 = arith.constant 0 : i32
      %dma_wait3A_1446 = tpu.memref_slice %arg21[%dma_wait3A_1444, %dma_wait3A_1445] : memref<2048x128xf32, #tpu.memory_space<vmem_shared>> -> memref<2048x128xf32, #tpu.memory_space<vmem_shared>>
      tpu.wait_indirect_dma semaphore(%arg24 : memref<!tpu.dma_semaphore, #tpu.memory_space<semaphore_mem>>) src(%arg17 : memref<128x128xf32, #tpu.memory_space<vmem>>) dst(%dma_wait3A_1446 : memref<2048x128xf32, #tpu.memory_space<vmem_shared>>)
      %dma_wait3A_1447 = arith.constant 0 : i32
      %dma_wait3A_1448 = tpu.memref_slice %arg8[%add3A_1439, %dma_wait3A_1447] : memref<327680x128xf32, #tpu.memory_space<hbm>> -> memref<128x128xf32, #tpu.memory_space<hbm>>
      %dma_wait3A_1449 = arith.constant 0 : i32
      %dma_wait3A_1450 = tpu.memref_slice %arg8[%add3A_1439, %dma_wait3A_1449] : memref<327680x128xf32, #tpu.memory_space<hbm>> -> memref<128x128xf32, #tpu.memory_space<hbm>>
      tpu.wait_dma2 semaphore(%arg26 : memref<!tpu.dma_semaphore, #tpu.memory_space<semaphore_mem>>) src(%arg19 : memref<128x128xf32, #tpu.memory_space<vmem>>) dst(%dma_wait3A_1450 : memref<128x128xf32, #tpu.memory_space<hbm>>)
      %get3A_1451 = arith.constant 768 : index
      %get3A_1452 = tpu.vector_load %arg11[%get3A_1451] {strides = array<i32>} : memref<2048xi32, #tpu.memory_space<vmem>>, vector<16xi32>,
      %swap3A_1453 = arith.constant 0 : index
      %swap3A_1454 = tpu.vector_load %arg15[%swap3A_1453] {strides = array<i32>} : memref<128xi32, #tpu.memory_space<vmem>>, vector<16xi32>,
      tpu.vector_store %arg15[%swap3A_1453], %get3A_1452 {strides = array<i32>} : memref<128xi32, #tpu.memory_space<vmem>>, vector<16xi32>,
      %shift_right_logical3A_1455 = arith.constant 7 : i32
      %shift_right_logical3A_1456 = vector.broadcast %shift_right_logical3A_1455 : i32 to vector<16xi32>
      %shift_right_logical3A_1457 = arith.shrui %get3A_1452, %shift_right_logical3A_1456 : vector<16xi32>
      %and3A_1458 = arith.constant 127 : i32
      %and3A_1459 = vector.broadcast %and3A_1458 : i32 to vector<16xi32>
      %and3A_1460 = arith.andi %get3A_1452, %and3A_1459 : vector<16xi32>
      %gather3A_1461 = tpu.vector_load_idx %arg10[%shift_right_logical3A_1457, %and3A_1460] : memref<80x128xi32, #tpu.memory_space<vmem>>[vector<16xi32>, vector<16xi32>], vector<16xi32>,
      %swap3A_1462 = arith.constant 768 : index
      %swap3A_1463 = tpu.vector_load %arg12[%swap3A_1462] {strides = array<i32>} : memref<2048xi32, #tpu.memory_space<vmem>>, vector<16xi32>,
      tpu.vector_store %arg12[%swap3A_1462], %gather3A_1461 {strides = array<i32>} : memref<2048xi32, #tpu.memory_space<vmem>>, vector<16xi32>,
      %add3A_1464 = arith.constant 768 : i32
      %add3A_1465 = vector.broadcast %add3A_1464 : i32 to vector<16xi32>
      %add3A_1466 = arith.addi %add3A_1465, %iota3A : vector<16xi32>
      %shift_right_logical3A_1467 = arith.constant 5 : i32
      %shift_right_logical3A_1468 = vector.broadcast %shift_right_logical3A_1467 : i32 to vector<16xi32>
      %shift_right_logical3A_1469 = arith.shrui %add3A_1466, %shift_right_logical3A_1468 : vector<16xi32>
      %mul3A_1470 = arith.constant 2 : i32
      %mul3A_1471 = vector.broadcast %mul3A_1470 : i32 to vector<16xi32>
      %mul3A_1472 = arith.muli %shift_right_logical3A_1469, %mul3A_1471 : vector<16xi32>
      %add3A_1473 = vector.broadcast %mul3A_2 : i32 to vector<16xi32>
      %add3A_1474 = arith.addi %add3A_1473, %mul3A_1472 : vector<16xi32>
      %add3A_1475 = arith.addi %add3A_1474, %gather3A_1461 : vector<16xi32>
      %swap3A_1476 = arith.constant 0 : index
      %swap3A_1477 = tpu.vector_load %arg13[%swap3A_1476] {strides = array<i32>} : memref<128xi32, #tpu.memory_space<vmem>>, vector<16xi32>,
      tpu.vector_store %arg13[%swap3A_1476], %add3A_1475 {strides = array<i32>} : memref<128xi32, #tpu.memory_space<vmem>>, vector<16xi32>,
      %get3A_1478 = arith.constant 784 : index
      %get3A_1479 = tpu.vector_load %arg11[%get3A_1478] {strides = array<i32>} : memref<2048xi32, #tpu.memory_space<vmem>>, vector<16xi32>,
      %swap3A_1480 = arith.constant 16 : index
      %swap3A_1481 = tpu.vector_load %arg15[%swap3A_1480] {strides = array<i32>} : memref<128xi32, #tpu.memory_space<vmem>>, vector<16xi32>,
      tpu.vector_store %arg15[%swap3A_1480], %get3A_1479 {strides = array<i32>} : memref<128xi32, #tpu.memory_space<vmem>>, vector<16xi32>,
      %shift_right_logical3A_1482 = arith.constant 7 : i32
      %shift_right_logical3A_1483 = vector.broadcast %shift_right_logical3A_1482 : i32 to vector<16xi32>
      %shift_right_logical3A_1484 = arith.shrui %get3A_1479, %shift_right_logical3A_1483 : vector<16xi32>
      %and3A_1485 = arith.constant 127 : i32
      %and3A_1486 = vector.broadcast %and3A_1485 : i32 to vector<16xi32>
      %and3A_1487 = arith.andi %get3A_1479, %and3A_1486 : vector<16xi32>
      %gather3A_1488 = tpu.vector_load_idx %arg10[%shift_right_logical3A_1484, %and3A_1487] : memref<80x128xi32, #tpu.memory_space<vmem>>[vector<16xi32>, vector<16xi32>], vector<16xi32>,
      %swap3A_1489 = arith.constant 784 : index
      %swap3A_1490 = tpu.vector_load %arg12[%swap3A_1489] {strides = array<i32>} : memref<2048xi32, #tpu.memory_space<vmem>>, vector<16xi32>,
      tpu.vector_store %arg12[%swap3A_1489], %gather3A_1488 {strides = array<i32>} : memref<2048xi32, #tpu.memory_space<vmem>>, vector<16xi32>,
      %add3A_1491 = arith.constant 784 : i32
      %add3A_1492 = vector.broadcast %add3A_1491 : i32 to vector<16xi32>
      %add3A_1493 = arith.addi %add3A_1492, %iota3A : vector<16xi32>
      %shift_right_logical3A_1494 = arith.constant 5 : i32
      %shift_right_logical3A_1495 = vector.broadcast %shift_right_logical3A_1494 : i32 to vector<16xi32>
      %shift_right_logical3A_1496 = arith.shrui %add3A_1493, %shift_right_logical3A_1495 : vector<16xi32>
      %mul3A_1497 = arith.constant 2 : i32
      %mul3A_1498 = vector.broadcast %mul3A_1497 : i32 to vector<16xi32>
      %mul3A_1499 = arith.muli %shift_right_logical3A_1496, %mul3A_1498 : vector<16xi32>
      %add3A_1500 = vector.broadcast %mul3A_2 : i32 to vector<16xi32>
      %add3A_1501 = arith.addi %add3A_1500, %mul3A_1499 : vector<16xi32>
      %add3A_1502 = arith.addi %add3A_1501, %gather3A_1488 : vector<16xi32>
      %swap3A_1503 = arith.constant 16 : index
      %swap3A_1504 = tpu.vector_load %arg13[%swap3A_1503] {strides = array<i32>} : memref<128xi32, #tpu.memory_space<vmem>>, vector<16xi32>,
      tpu.vector_store %arg13[%swap3A_1503], %add3A_1502 {strides = array<i32>} : memref<128xi32, #tpu.memory_space<vmem>>, vector<16xi32>,
      %get3A_1505 = arith.constant 800 : index
      %get3A_1506 = tpu.vector_load %arg11[%get3A_1505] {strides = array<i32>} : memref<2048xi32, #tpu.memory_space<vmem>>, vector<16xi32>,
      %swap3A_1507 = arith.constant 32 : index
      %swap3A_1508 = tpu.vector_load %arg15[%swap3A_1507] {strides = array<i32>} : memref<128xi32, #tpu.memory_space<vmem>>, vector<16xi32>,
      tpu.vector_store %arg15[%swap3A_1507], %get3A_1506 {strides = array<i32>} : memref<128xi32, #tpu.memory_space<vmem>>, vector<16xi32>,
      %shift_right_logical3A_1509 = arith.constant 7 : i32
      %shift_right_logical3A_1510 = vector.broadcast %shift_right_logical3A_1509 : i32 to vector<16xi32>
      %shift_right_logical3A_1511 = arith.shrui %get3A_1506, %shift_right_logical3A_1510 : vector<16xi32>
      %and3A_1512 = arith.constant 127 : i32
      %and3A_1513 = vector.broadcast %and3A_1512 : i32 to vector<16xi32>
      %and3A_1514 = arith.andi %get3A_1506, %and3A_1513 : vector<16xi32>
      %gather3A_1515 = tpu.vector_load_idx %arg10[%shift_right_logical3A_1511, %and3A_1514] : memref<80x128xi32, #tpu.memory_space<vmem>>[vector<16xi32>, vector<16xi32>], vector<16xi32>,
      %swap3A_1516 = arith.constant 800 : index
      %swap3A_1517 = tpu.vector_load %arg12[%swap3A_1516] {strides = array<i32>} : memref<2048xi32, #tpu.memory_space<vmem>>, vector<16xi32>,
      tpu.vector_store %arg12[%swap3A_1516], %gather3A_1515 {strides = array<i32>} : memref<2048xi32, #tpu.memory_space<vmem>>, vector<16xi32>,
      %add3A_1518 = arith.constant 800 : i32
      %add3A_1519 = vector.broadcast %add3A_1518 : i32 to vector<16xi32>
      %add3A_1520 = arith.addi %add3A_1519, %iota3A : vector<16xi32>
      %shift_right_logical3A_1521 = arith.constant 5 : i32
      %shift_right_logical3A_1522 = vector.broadcast %shift_right_logical3A_1521 : i32 to vector<16xi32>
      %shift_right_logical3A_1523 = arith.shrui %add3A_1520, %shift_right_logical3A_1522 : vector<16xi32>
      %mul3A_1524 = arith.constant 2 : i32
      %mul3A_1525 = vector.broadcast %mul3A_1524 : i32 to vector<16xi32>
      %mul3A_1526 = arith.muli %shift_right_logical3A_1523, %mul3A_1525 : vector<16xi32>
      %add3A_1527 = vector.broadcast %mul3A_2 : i32 to vector<16xi32>
      %add3A_1528 = arith.addi %add3A_1527, %mul3A_1526 : vector<16xi32>
      %add3A_1529 = arith.addi %add3A_1528, %gather3A_1515 : vector<16xi32>
      %swap3A_1530 = arith.constant 32 : index
      %swap3A_1531 = tpu.vector_load %arg13[%swap3A_1530] {strides = array<i32>} : memref<128xi32, #tpu.memory_space<vmem>>, vector<16xi32>,
      tpu.vector_store %arg13[%swap3A_1530], %add3A_1529 {strides = array<i32>} : memref<128xi32, #tpu.memory_space<vmem>>, vector<16xi32>,
      %get3A_1532 = arith.constant 816 : index
      %get3A_1533 = tpu.vector_load %arg11[%get3A_1532] {strides = array<i32>} : memref<2048xi32, #tpu.memory_space<vmem>>, vector<16xi32>,
      %swap3A_1534 = arith.constant 48 : index
      %swap3A_1535 = tpu.vector_load %arg15[%swap3A_1534] {strides = array<i32>} : memref<128xi32, #tpu.memory_space<vmem>>, vector<16xi32>,
      tpu.vector_store %arg15[%swap3A_1534], %get3A_1533 {strides = array<i32>} : memref<128xi32, #tpu.memory_space<vmem>>, vector<16xi32>,
      %shift_right_logical3A_1536 = arith.constant 7 : i32
      %shift_right_logical3A_1537 = vector.broadcast %shift_right_logical3A_1536 : i32 to vector<16xi32>
      %shift_right_logical3A_1538 = arith.shrui %get3A_1533, %shift_right_logical3A_1537 : vector<16xi32>
      %and3A_1539 = arith.constant 127 : i32
      %and3A_1540 = vector.broadcast %and3A_1539 : i32 to vector<16xi32>
      %and3A_1541 = arith.andi %get3A_1533, %and3A_1540 : vector<16xi32>
      %gather3A_1542 = tpu.vector_load_idx %arg10[%shift_right_logical3A_1538, %and3A_1541] : memref<80x128xi32, #tpu.memory_space<vmem>>[vector<16xi32>, vector<16xi32>], vector<16xi32>,
      %swap3A_1543 = arith.constant 816 : index
      %swap3A_1544 = tpu.vector_load %arg12[%swap3A_1543] {strides = array<i32>} : memref<2048xi32, #tpu.memory_space<vmem>>, vector<16xi32>,
      tpu.vector_store %arg12[%swap3A_1543], %gather3A_1542 {strides = array<i32>} : memref<2048xi32, #tpu.memory_space<vmem>>, vector<16xi32>,
      %add3A_1545 = arith.constant 816 : i32
      %add3A_1546 = vector.broadcast %add3A_1545 : i32 to vector<16xi32>
      %add3A_1547 = arith.addi %add3A_1546, %iota3A : vector<16xi32>
      %shift_right_logical3A_1548 = arith.constant 5 : i32
      %shift_right_logical3A_1549 = vector.broadcast %shift_right_logical3A_1548 : i32 to vector<16xi32>
      %shift_right_logical3A_1550 = arith.shrui %add3A_1547, %shift_right_logical3A_1549 : vector<16xi32>
      %mul3A_1551 = arith.constant 2 : i32
      %mul3A_1552 = vector.broadcast %mul3A_1551 : i32 to vector<16xi32>
      %mul3A_1553 = arith.muli %shift_right_logical3A_1550, %mul3A_1552 : vector<16xi32>
      %add3A_1554 = vector.broadcast %mul3A_2 : i32 to vector<16xi32>
      %add3A_1555 = arith.addi %add3A_1554, %mul3A_1553 : vector<16xi32>
      %add3A_1556 = arith.addi %add3A_1555, %gather3A_1542 : vector<16xi32>
      %swap3A_1557 = arith.constant 48 : index
      %swap3A_1558 = tpu.vector_load %arg13[%swap3A_1557] {strides = array<i32>} : memref<128xi32, #tpu.memory_space<vmem>>, vector<16xi32>,
      tpu.vector_store %arg13[%swap3A_1557], %add3A_1556 {strides = array<i32>} : memref<128xi32, #tpu.memory_space<vmem>>, vector<16xi32>,
      %get3A_1559 = arith.constant 832 : index
      %get3A_1560 = tpu.vector_load %arg11[%get3A_1559] {strides = array<i32>} : memref<2048xi32, #tpu.memory_space<vmem>>, vector<16xi32>,
      %swap3A_1561 = arith.constant 64 : index
      %swap3A_1562 = tpu.vector_load %arg15[%swap3A_1561] {strides = array<i32>} : memref<128xi32, #tpu.memory_space<vmem>>, vector<16xi32>,
      tpu.vector_store %arg15[%swap3A_1561], %get3A_1560 {strides = array<i32>} : memref<128xi32, #tpu.memory_space<vmem>>, vector<16xi32>,
      %shift_right_logical3A_1563 = arith.constant 7 : i32
      %shift_right_logical3A_1564 = vector.broadcast %shift_right_logical3A_1563 : i32 to vector<16xi32>
      %shift_right_logical3A_1565 = arith.shrui %get3A_1560, %shift_right_logical3A_1564 : vector<16xi32>
      %and3A_1566 = arith.constant 127 : i32
      %and3A_1567 = vector.broadcast %and3A_1566 : i32 to vector<16xi32>
      %and3A_1568 = arith.andi %get3A_1560, %and3A_1567 : vector<16xi32>
      %gather3A_1569 = tpu.vector_load_idx %arg10[%shift_right_logical3A_1565, %and3A_1568] : memref<80x128xi32, #tpu.memory_space<vmem>>[vector<16xi32>, vector<16xi32>], vector<16xi32>,
      %swap3A_1570 = arith.constant 832 : index
      %swap3A_1571 = tpu.vector_load %arg12[%swap3A_1570] {strides = array<i32>} : memref<2048xi32, #tpu.memory_space<vmem>>, vector<16xi32>,
      tpu.vector_store %arg12[%swap3A_1570], %gather3A_1569 {strides = array<i32>} : memref<2048xi32, #tpu.memory_space<vmem>>, vector<16xi32>,
      %add3A_1572 = arith.constant 832 : i32
      %add3A_1573 = vector.broadcast %add3A_1572 : i32 to vector<16xi32>
      %add3A_1574 = arith.addi %add3A_1573, %iota3A : vector<16xi32>
      %shift_right_logical3A_1575 = arith.constant 5 : i32
      %shift_right_logical3A_1576 = vector.broadcast %shift_right_logical3A_1575 : i32 to vector<16xi32>
      %shift_right_logical3A_1577 = arith.shrui %add3A_1574, %shift_right_logical3A_1576 : vector<16xi32>
      %mul3A_1578 = arith.constant 2 : i32
      %mul3A_1579 = vector.broadcast %mul3A_1578 : i32 to vector<16xi32>
      %mul3A_1580 = arith.muli %shift_right_logical3A_1577, %mul3A_1579 : vector<16xi32>
      %add3A_1581 = vector.broadcast %mul3A_2 : i32 to vector<16xi32>
      %add3A_1582 = arith.addi %add3A_1581, %mul3A_1580 : vector<16xi32>
      %add3A_1583 = arith.addi %add3A_1582, %gather3A_1569 : vector<16xi32>
      %swap3A_1584 = arith.constant 64 : index
      %swap3A_1585 = tpu.vector_load %arg13[%swap3A_1584] {strides = array<i32>} : memref<128xi32, #tpu.memory_space<vmem>>, vector<16xi32>,
      tpu.vector_store %arg13[%swap3A_1584], %add3A_1583 {strides = array<i32>} : memref<128xi32, #tpu.memory_space<vmem>>, vector<16xi32>,
      %get3A_1586 = arith.constant 848 : index
      %get3A_1587 = tpu.vector_load %arg11[%get3A_1586] {strides = array<i32>} : memref<2048xi32, #tpu.memory_space<vmem>>, vector<16xi32>,
      %swap3A_1588 = arith.constant 80 : index
      %swap3A_1589 = tpu.vector_load %arg15[%swap3A_1588] {strides = array<i32>} : memref<128xi32, #tpu.memory_space<vmem>>, vector<16xi32>,
      tpu.vector_store %arg15[%swap3A_1588], %get3A_1587 {strides = array<i32>} : memref<128xi32, #tpu.memory_space<vmem>>, vector<16xi32>,
      %shift_right_logical3A_1590 = arith.constant 7 : i32
      %shift_right_logical3A_1591 = vector.broadcast %shift_right_logical3A_1590 : i32 to vector<16xi32>
      %shift_right_logical3A_1592 = arith.shrui %get3A_1587, %shift_right_logical3A_1591 : vector<16xi32>
      %and3A_1593 = arith.constant 127 : i32
      %and3A_1594 = vector.broadcast %and3A_1593 : i32 to vector<16xi32>
      %and3A_1595 = arith.andi %get3A_1587, %and3A_1594 : vector<16xi32>
      %gather3A_1596 = tpu.vector_load_idx %arg10[%shift_right_logical3A_1592, %and3A_1595] : memref<80x128xi32, #tpu.memory_space<vmem>>[vector<16xi32>, vector<16xi32>], vector<16xi32>,
      %swap3A_1597 = arith.constant 848 : index
      %swap3A_1598 = tpu.vector_load %arg12[%swap3A_1597] {strides = array<i32>} : memref<2048xi32, #tpu.memory_space<vmem>>, vector<16xi32>,
      tpu.vector_store %arg12[%swap3A_1597], %gather3A_1596 {strides = array<i32>} : memref<2048xi32, #tpu.memory_space<vmem>>, vector<16xi32>,
      %add3A_1599 = arith.constant 848 : i32
      %add3A_1600 = vector.broadcast %add3A_1599 : i32 to vector<16xi32>
      %add3A_1601 = arith.addi %add3A_1600, %iota3A : vector<16xi32>
      %shift_right_logical3A_1602 = arith.constant 5 : i32
      %shift_right_logical3A_1603 = vector.broadcast %shift_right_logical3A_1602 : i32 to vector<16xi32>
      %shift_right_logical3A_1604 = arith.shrui %add3A_1601, %shift_right_logical3A_1603 : vector<16xi32>
      %mul3A_1605 = arith.constant 2 : i32
      %mul3A_1606 = vector.broadcast %mul3A_1605 : i32 to vector<16xi32>
      %mul3A_1607 = arith.muli %shift_right_logical3A_1604, %mul3A_1606 : vector<16xi32>
      %add3A_1608 = vector.broadcast %mul3A_2 : i32 to vector<16xi32>
      %add3A_1609 = arith.addi %add3A_1608, %mul3A_1607 : vector<16xi32>
      %add3A_1610 = arith.addi %add3A_1609, %gather3A_1596 : vector<16xi32>
      %swap3A_1611 = arith.constant 80 : index
      %swap3A_1612 = tpu.vector_load %arg13[%swap3A_1611] {strides = array<i32>} : memref<128xi32, #tpu.memory_space<vmem>>, vector<16xi32>,
      tpu.vector_store %arg13[%swap3A_1611], %add3A_1610 {strides = array<i32>} : memref<128xi32, #tpu.memory_space<vmem>>, vector<16xi32>,
      %get3A_1613 = arith.constant 864 : index
      %get3A_1614 = tpu.vector_load %arg11[%get3A_1613] {strides = array<i32>} : memref<2048xi32, #tpu.memory_space<vmem>>, vector<16xi32>,
      %swap3A_1615 = arith.constant 96 : index
      %swap3A_1616 = tpu.vector_load %arg15[%swap3A_1615] {strides = array<i32>} : memref<128xi32, #tpu.memory_space<vmem>>, vector<16xi32>,
      tpu.vector_store %arg15[%swap3A_1615], %get3A_1614 {strides = array<i32>} : memref<128xi32, #tpu.memory_space<vmem>>, vector<16xi32>,
      %shift_right_logical3A_1617 = arith.constant 7 : i32
      %shift_right_logical3A_1618 = vector.broadcast %shift_right_logical3A_1617 : i32 to vector<16xi32>
      %shift_right_logical3A_1619 = arith.shrui %get3A_1614, %shift_right_logical3A_1618 : vector<16xi32>
      %and3A_1620 = arith.constant 127 : i32
      %and3A_1621 = vector.broadcast %and3A_1620 : i32 to vector<16xi32>
      %and3A_1622 = arith.andi %get3A_1614, %and3A_1621 : vector<16xi32>
      %gather3A_1623 = tpu.vector_load_idx %arg10[%shift_right_logical3A_1619, %and3A_1622] : memref<80x128xi32, #tpu.memory_space<vmem>>[vector<16xi32>, vector<16xi32>], vector<16xi32>,
      %swap3A_1624 = arith.constant 864 : index
      %swap3A_1625 = tpu.vector_load %arg12[%swap3A_1624] {strides = array<i32>} : memref<2048xi32, #tpu.memory_space<vmem>>, vector<16xi32>,
      tpu.vector_store %arg12[%swap3A_1624], %gather3A_1623 {strides = array<i32>} : memref<2048xi32, #tpu.memory_space<vmem>>, vector<16xi32>,
      %add3A_1626 = arith.constant 864 : i32
      %add3A_1627 = vector.broadcast %add3A_1626 : i32 to vector<16xi32>
      %add3A_1628 = arith.addi %add3A_1627, %iota3A : vector<16xi32>
      %shift_right_logical3A_1629 = arith.constant 5 : i32
      %shift_right_logical3A_1630 = vector.broadcast %shift_right_logical3A_1629 : i32 to vector<16xi32>
      %shift_right_logical3A_1631 = arith.shrui %add3A_1628, %shift_right_logical3A_1630 : vector<16xi32>
      %mul3A_1632 = arith.constant 2 : i32
      %mul3A_1633 = vector.broadcast %mul3A_1632 : i32 to vector<16xi32>
      %mul3A_1634 = arith.muli %shift_right_logical3A_1631, %mul3A_1633 : vector<16xi32>
      %add3A_1635 = vector.broadcast %mul3A_2 : i32 to vector<16xi32>
      %add3A_1636 = arith.addi %add3A_1635, %mul3A_1634 : vector<16xi32>
      %add3A_1637 = arith.addi %add3A_1636, %gather3A_1623 : vector<16xi32>
      %swap3A_1638 = arith.constant 96 : index
      %swap3A_1639 = tpu.vector_load %arg13[%swap3A_1638] {strides = array<i32>} : memref<128xi32, #tpu.memory_space<vmem>>, vector<16xi32>,
      tpu.vector_store %arg13[%swap3A_1638], %add3A_1637 {strides = array<i32>} : memref<128xi32, #tpu.memory_space<vmem>>, vector<16xi32>,
      %get3A_1640 = arith.constant 880 : index
      %get3A_1641 = tpu.vector_load %arg11[%get3A_1640] {strides = array<i32>} : memref<2048xi32, #tpu.memory_space<vmem>>, vector<16xi32>,
      %swap3A_1642 = arith.constant 112 : index
      %swap3A_1643 = tpu.vector_load %arg15[%swap3A_1642] {strides = array<i32>} : memref<128xi32, #tpu.memory_space<vmem>>, vector<16xi32>,
      tpu.vector_store %arg15[%swap3A_1642], %get3A_1641 {strides = array<i32>} : memref<128xi32, #tpu.memory_space<vmem>>, vector<16xi32>,
      %shift_right_logical3A_1644 = arith.constant 7 : i32
      %shift_right_logical3A_1645 = vector.broadcast %shift_right_logical3A_1644 : i32 to vector<16xi32>
      %shift_right_logical3A_1646 = arith.shrui %get3A_1641, %shift_right_logical3A_1645 : vector<16xi32>
      %and3A_1647 = arith.constant 127 : i32
      %and3A_1648 = vector.broadcast %and3A_1647 : i32 to vector<16xi32>
      %and3A_1649 = arith.andi %get3A_1641, %and3A_1648 : vector<16xi32>
      %gather3A_1650 = tpu.vector_load_idx %arg10[%shift_right_logical3A_1646, %and3A_1649] : memref<80x128xi32, #tpu.memory_space<vmem>>[vector<16xi32>, vector<16xi32>], vector<16xi32>,
      %swap3A_1651 = arith.constant 880 : index
      %swap3A_1652 = tpu.vector_load %arg12[%swap3A_1651] {strides = array<i32>} : memref<2048xi32, #tpu.memory_space<vmem>>, vector<16xi32>,
      tpu.vector_store %arg12[%swap3A_1651], %gather3A_1650 {strides = array<i32>} : memref<2048xi32, #tpu.memory_space<vmem>>, vector<16xi32>,
      %add3A_1653 = arith.constant 880 : i32
      %add3A_1654 = vector.broadcast %add3A_1653 : i32 to vector<16xi32>
      %add3A_1655 = arith.addi %add3A_1654, %iota3A : vector<16xi32>
      %shift_right_logical3A_1656 = arith.constant 5 : i32
      %shift_right_logical3A_1657 = vector.broadcast %shift_right_logical3A_1656 : i32 to vector<16xi32>
      %shift_right_logical3A_1658 = arith.shrui %add3A_1655, %shift_right_logical3A_1657 : vector<16xi32>
      %mul3A_1659 = arith.constant 2 : i32
      %mul3A_1660 = vector.broadcast %mul3A_1659 : i32 to vector<16xi32>
      %mul3A_1661 = arith.muli %shift_right_logical3A_1658, %mul3A_1660 : vector<16xi32>
      %add3A_1662 = vector.broadcast %mul3A_2 : i32 to vector<16xi32>
      %add3A_1663 = arith.addi %add3A_1662, %mul3A_1661 : vector<16xi32>
      %add3A_1664 = arith.addi %add3A_1663, %gather3A_1650 : vector<16xi32>
      %swap3A_1665 = arith.constant 112 : index
      %swap3A_1666 = tpu.vector_load %arg13[%swap3A_1665] {strides = array<i32>} : memref<128xi32, #tpu.memory_space<vmem>>, vector<16xi32>,
      tpu.vector_store %arg13[%swap3A_1665], %add3A_1664 {strides = array<i32>} : memref<128xi32, #tpu.memory_space<vmem>>, vector<16xi32>,
      %dma_start3A_1667 = arith.constant 0 : i32
      %dma_start3A_1668 = arith.constant 0 : i32
      %dma_start3A_1669 = tpu.memref_slice %arg2[%dma_start3A_1667, %dma_start3A_1668] : memref<10000x128xf32, #tpu.memory_space<hbm>> -> memref<10000x128xf32, #tpu.memory_space<hbm>>
      tpu.enqueue_indirect_dma source(%dma_start3A_1669 : memref<10000x128xf32, #tpu.memory_space<hbm>>) target(%arg17 : memref<128x128xf32, #tpu.memory_space<vmem>>) offsets(%arg15 : memref<128xi32, #tpu.memory_space<vmem>>) semaphore(%arg22 : memref<!tpu.dma_semaphore, #tpu.memory_space<semaphore_mem>>)
      %dma_start3A_1670 = arith.constant 0 : i32
      %dma_start3A_1671 = arith.constant 0 : i32
      %dma_start3A_1672 = tpu.memref_slice %arg3[%dma_start3A_1670, %dma_start3A_1671] : memref<10000x128xf32, #tpu.memory_space<hbm>> -> memref<10000x128xf32, #tpu.memory_space<hbm>>
      tpu.enqueue_indirect_dma source(%dma_start3A_1672 : memref<10000x128xf32, #tpu.memory_space<hbm>>) target(%arg19 : memref<128x128xf32, #tpu.memory_space<vmem>>) offsets(%arg15 : memref<128xi32, #tpu.memory_space<vmem>>) semaphore(%arg22 : memref<!tpu.dma_semaphore, #tpu.memory_space<semaphore_mem>>)
      %dma_wait3A_1673 = arith.constant 0 : i32
      %dma_wait3A_1674 = arith.constant 0 : i32
      %dma_wait3A_1675 = tpu.memref_slice %arg2[%dma_wait3A_1673, %dma_wait3A_1674] : memref<10000x128xf32, #tpu.memory_space<hbm>> -> memref<10000x128xf32, #tpu.memory_space<hbm>>
      tpu.wait_indirect_dma semaphore(%arg23 : memref<!tpu.dma_semaphore, #tpu.memory_space<semaphore_mem>>) src(%dma_wait3A_1675 : memref<10000x128xf32, #tpu.memory_space<hbm>>) dst(%arg18 : memref<128x128xf32, #tpu.memory_space<vmem>>)
      %dma_wait3A_1676 = arith.constant 0 : i32
      %dma_wait3A_1677 = arith.constant 0 : i32
      %dma_wait3A_1678 = tpu.memref_slice %arg3[%dma_wait3A_1676, %dma_wait3A_1677] : memref<10000x128xf32, #tpu.memory_space<hbm>> -> memref<10000x128xf32, #tpu.memory_space<hbm>>
      tpu.wait_indirect_dma semaphore(%arg23 : memref<!tpu.dma_semaphore, #tpu.memory_space<semaphore_mem>>) src(%dma_wait3A_1678 : memref<10000x128xf32, #tpu.memory_space<hbm>>) dst(%arg20 : memref<128x128xf32, #tpu.memory_space<vmem>>)
      %dma_start3A_1679 = arith.constant 0 : i32
      %dma_start3A_1680 = arith.constant 0 : i32
      %dma_start3A_1681 = tpu.memref_slice %arg21[%dma_start3A_1679, %dma_start3A_1680] : memref<2048x128xf32, #tpu.memory_space<vmem_shared>> -> memref<2048x128xf32, #tpu.memory_space<vmem_shared>>
      tpu.enqueue_indirect_dma source(%arg18 : memref<128x128xf32, #tpu.memory_space<vmem>>) target(%dma_start3A_1681 : memref<2048x128xf32, #tpu.memory_space<vmem_shared>>) offsets(%arg14 : memref<128xi32, #tpu.memory_space<vmem>>) semaphore(%arg25 : memref<!tpu.dma_semaphore, #tpu.memory_space<semaphore_mem>>) {add = true}
      %add3A_1682 = arith.constant 640 : i32
      %add3A_1683 = arith.addi %mul3A_15, %add3A_1682 : i32
      %dma_start3A_1684 = arith.constant 0 : i32
      %dma_start3A_1685 = tpu.memref_slice %arg8[%add3A_1683, %dma_start3A_1684] : memref<327680x128xf32, #tpu.memory_space<hbm>> -> memref<128x128xf32, #tpu.memory_space<hbm>>
      %dma_start3A_1686 = arith.constant 0 : i32
      %dma_start3A_1687 = tpu.memref_slice %arg8[%add3A_1683, %dma_start3A_1686] : memref<327680x128xf32, #tpu.memory_space<hbm>> -> memref<128x128xf32, #tpu.memory_space<hbm>>
      tpu.enqueue_dma source(%arg20 : memref<128x128xf32, #tpu.memory_space<vmem>>) target(%dma_start3A_1687 : memref<128x128xf32, #tpu.memory_space<hbm>>) target_semaphore(%arg27 : memref<!tpu.dma_semaphore, #tpu.memory_space<semaphore_mem>>)
      %dma_wait3A_1688 = arith.constant 0 : i32
      %dma_wait3A_1689 = arith.constant 0 : i32
      %dma_wait3A_1690 = tpu.memref_slice %arg21[%dma_wait3A_1688, %dma_wait3A_1689] : memref<2048x128xf32, #tpu.memory_space<vmem_shared>> -> memref<2048x128xf32, #tpu.memory_space<vmem_shared>>
      tpu.wait_indirect_dma semaphore(%arg25 : memref<!tpu.dma_semaphore, #tpu.memory_space<semaphore_mem>>) src(%arg18 : memref<128x128xf32, #tpu.memory_space<vmem>>) dst(%dma_wait3A_1690 : memref<2048x128xf32, #tpu.memory_space<vmem_shared>>)
      %dma_wait3A_1691 = arith.constant 0 : i32
      %dma_wait3A_1692 = tpu.memref_slice %arg8[%add3A_1683, %dma_wait3A_1691] : memref<327680x128xf32, #tpu.memory_space<hbm>> -> memref<128x128xf32, #tpu.memory_space<hbm>>
      %dma_wait3A_1693 = arith.constant 0 : i32
      %dma_wait3A_1694 = tpu.memref_slice %arg8[%add3A_1683, %dma_wait3A_1693] : memref<327680x128xf32, #tpu.memory_space<hbm>> -> memref<128x128xf32, #tpu.memory_space<hbm>>
      tpu.wait_dma2 semaphore(%arg27 : memref<!tpu.dma_semaphore, #tpu.memory_space<semaphore_mem>>) src(%arg20 : memref<128x128xf32, #tpu.memory_space<vmem>>) dst(%dma_wait3A_1694 : memref<128x128xf32, #tpu.memory_space<hbm>>)
      %get3A_1695 = arith.constant 896 : index
      %get3A_1696 = tpu.vector_load %arg11[%get3A_1695] {strides = array<i32>} : memref<2048xi32, #tpu.memory_space<vmem>>, vector<16xi32>,
      %swap3A_1697 = arith.constant 0 : index
      %swap3A_1698 = tpu.vector_load %arg16[%swap3A_1697] {strides = array<i32>} : memref<128xi32, #tpu.memory_space<vmem>>, vector<16xi32>,
      tpu.vector_store %arg16[%swap3A_1697], %get3A_1696 {strides = array<i32>} : memref<128xi32, #tpu.memory_space<vmem>>, vector<16xi32>,
      %shift_right_logical3A_1699 = arith.constant 7 : i32
      %shift_right_logical3A_1700 = vector.broadcast %shift_right_logical3A_1699 : i32 to vector<16xi32>
      %shift_right_logical3A_1701 = arith.shrui %get3A_1696, %shift_right_logical3A_1700 : vector<16xi32>
      %and3A_1702 = arith.constant 127 : i32
      %and3A_1703 = vector.broadcast %and3A_1702 : i32 to vector<16xi32>
      %and3A_1704 = arith.andi %get3A_1696, %and3A_1703 : vector<16xi32>
      %gather3A_1705 = tpu.vector_load_idx %arg10[%shift_right_logical3A_1701, %and3A_1704] : memref<80x128xi32, #tpu.memory_space<vmem>>[vector<16xi32>, vector<16xi32>], vector<16xi32>,
      %swap3A_1706 = arith.constant 896 : index
      %swap3A_1707 = tpu.vector_load %arg12[%swap3A_1706] {strides = array<i32>} : memref<2048xi32, #tpu.memory_space<vmem>>, vector<16xi32>,
      tpu.vector_store %arg12[%swap3A_1706], %gather3A_1705 {strides = array<i32>} : memref<2048xi32, #tpu.memory_space<vmem>>, vector<16xi32>,
      %add3A_1708 = arith.constant 896 : i32
      %add3A_1709 = vector.broadcast %add3A_1708 : i32 to vector<16xi32>
      %add3A_1710 = arith.addi %add3A_1709, %iota3A : vector<16xi32>
      %shift_right_logical3A_1711 = arith.constant 5 : i32
      %shift_right_logical3A_1712 = vector.broadcast %shift_right_logical3A_1711 : i32 to vector<16xi32>
      %shift_right_logical3A_1713 = arith.shrui %add3A_1710, %shift_right_logical3A_1712 : vector<16xi32>
      %mul3A_1714 = arith.constant 2 : i32
      %mul3A_1715 = vector.broadcast %mul3A_1714 : i32 to vector<16xi32>
      %mul3A_1716 = arith.muli %shift_right_logical3A_1713, %mul3A_1715 : vector<16xi32>
      %add3A_1717 = vector.broadcast %mul3A_2 : i32 to vector<16xi32>
      %add3A_1718 = arith.addi %add3A_1717, %mul3A_1716 : vector<16xi32>
      %add3A_1719 = arith.addi %add3A_1718, %gather3A_1705 : vector<16xi32>
      %swap3A_1720 = arith.constant 0 : index
      %swap3A_1721 = tpu.vector_load %arg14[%swap3A_1720] {strides = array<i32>} : memref<128xi32, #tpu.memory_space<vmem>>, vector<16xi32>,
      tpu.vector_store %arg14[%swap3A_1720], %add3A_1719 {strides = array<i32>} : memref<128xi32, #tpu.memory_space<vmem>>, vector<16xi32>,
      %get3A_1722 = arith.constant 912 : index
      %get3A_1723 = tpu.vector_load %arg11[%get3A_1722] {strides = array<i32>} : memref<2048xi32, #tpu.memory_space<vmem>>, vector<16xi32>,
      %swap3A_1724 = arith.constant 16 : index
      %swap3A_1725 = tpu.vector_load %arg16[%swap3A_1724] {strides = array<i32>} : memref<128xi32, #tpu.memory_space<vmem>>, vector<16xi32>,
      tpu.vector_store %arg16[%swap3A_1724], %get3A_1723 {strides = array<i32>} : memref<128xi32, #tpu.memory_space<vmem>>, vector<16xi32>,
      %shift_right_logical3A_1726 = arith.constant 7 : i32
      %shift_right_logical3A_1727 = vector.broadcast %shift_right_logical3A_1726 : i32 to vector<16xi32>
      %shift_right_logical3A_1728 = arith.shrui %get3A_1723, %shift_right_logical3A_1727 : vector<16xi32>
      %and3A_1729 = arith.constant 127 : i32
      %and3A_1730 = vector.broadcast %and3A_1729 : i32 to vector<16xi32>
      %and3A_1731 = arith.andi %get3A_1723, %and3A_1730 : vector<16xi32>
      %gather3A_1732 = tpu.vector_load_idx %arg10[%shift_right_logical3A_1728, %and3A_1731] : memref<80x128xi32, #tpu.memory_space<vmem>>[vector<16xi32>, vector<16xi32>], vector<16xi32>,
      %swap3A_1733 = arith.constant 912 : index
      %swap3A_1734 = tpu.vector_load %arg12[%swap3A_1733] {strides = array<i32>} : memref<2048xi32, #tpu.memory_space<vmem>>, vector<16xi32>,
      tpu.vector_store %arg12[%swap3A_1733], %gather3A_1732 {strides = array<i32>} : memref<2048xi32, #tpu.memory_space<vmem>>, vector<16xi32>,
      %add3A_1735 = arith.constant 912 : i32
      %add3A_1736 = vector.broadcast %add3A_1735 : i32 to vector<16xi32>
      %add3A_1737 = arith.addi %add3A_1736, %iota3A : vector<16xi32>
      %shift_right_logical3A_1738 = arith.constant 5 : i32
      %shift_right_logical3A_1739 = vector.broadcast %shift_right_logical3A_1738 : i32 to vector<16xi32>
      %shift_right_logical3A_1740 = arith.shrui %add3A_1737, %shift_right_logical3A_1739 : vector<16xi32>
      %mul3A_1741 = arith.constant 2 : i32
      %mul3A_1742 = vector.broadcast %mul3A_1741 : i32 to vector<16xi32>
      %mul3A_1743 = arith.muli %shift_right_logical3A_1740, %mul3A_1742 : vector<16xi32>
      %add3A_1744 = vector.broadcast %mul3A_2 : i32 to vector<16xi32>
      %add3A_1745 = arith.addi %add3A_1744, %mul3A_1743 : vector<16xi32>
      %add3A_1746 = arith.addi %add3A_1745, %gather3A_1732 : vector<16xi32>
      %swap3A_1747 = arith.constant 16 : index
      %swap3A_1748 = tpu.vector_load %arg14[%swap3A_1747] {strides = array<i32>} : memref<128xi32, #tpu.memory_space<vmem>>, vector<16xi32>,
      tpu.vector_store %arg14[%swap3A_1747], %add3A_1746 {strides = array<i32>} : memref<128xi32, #tpu.memory_space<vmem>>, vector<16xi32>,
      %get3A_1749 = arith.constant 928 : index
      %get3A_1750 = tpu.vector_load %arg11[%get3A_1749] {strides = array<i32>} : memref<2048xi32, #tpu.memory_space<vmem>>, vector<16xi32>,
      %swap3A_1751 = arith.constant 32 : index
      %swap3A_1752 = tpu.vector_load %arg16[%swap3A_1751] {strides = array<i32>} : memref<128xi32, #tpu.memory_space<vmem>>, vector<16xi32>,
      tpu.vector_store %arg16[%swap3A_1751], %get3A_1750 {strides = array<i32>} : memref<128xi32, #tpu.memory_space<vmem>>, vector<16xi32>,
      %shift_right_logical3A_1753 = arith.constant 7 : i32
      %shift_right_logical3A_1754 = vector.broadcast %shift_right_logical3A_1753 : i32 to vector<16xi32>
      %shift_right_logical3A_1755 = arith.shrui %get3A_1750, %shift_right_logical3A_1754 : vector<16xi32>
      %and3A_1756 = arith.constant 127 : i32
      %and3A_1757 = vector.broadcast %and3A_1756 : i32 to vector<16xi32>
      %and3A_1758 = arith.andi %get3A_1750, %and3A_1757 : vector<16xi32>
      %gather3A_1759 = tpu.vector_load_idx %arg10[%shift_right_logical3A_1755, %and3A_1758] : memref<80x128xi32, #tpu.memory_space<vmem>>[vector<16xi32>, vector<16xi32>], vector<16xi32>,
      %swap3A_1760 = arith.constant 928 : index
      %swap3A_1761 = tpu.vector_load %arg12[%swap3A_1760] {strides = array<i32>} : memref<2048xi32, #tpu.memory_space<vmem>>, vector<16xi32>,
      tpu.vector_store %arg12[%swap3A_1760], %gather3A_1759 {strides = array<i32>} : memref<2048xi32, #tpu.memory_space<vmem>>, vector<16xi32>,
      %add3A_1762 = arith.constant 928 : i32
      %add3A_1763 = vector.broadcast %add3A_1762 : i32 to vector<16xi32>
      %add3A_1764 = arith.addi %add3A_1763, %iota3A : vector<16xi32>
      %shift_right_logical3A_1765 = arith.constant 5 : i32
      %shift_right_logical3A_1766 = vector.broadcast %shift_right_logical3A_1765 : i32 to vector<16xi32>
      %shift_right_logical3A_1767 = arith.shrui %add3A_1764, %shift_right_logical3A_1766 : vector<16xi32>
      %mul3A_1768 = arith.constant 2 : i32
      %mul3A_1769 = vector.broadcast %mul3A_1768 : i32 to vector<16xi32>
      %mul3A_1770 = arith.muli %shift_right_logical3A_1767, %mul3A_1769 : vector<16xi32>
      %add3A_1771 = vector.broadcast %mul3A_2 : i32 to vector<16xi32>
      %add3A_1772 = arith.addi %add3A_1771, %mul3A_1770 : vector<16xi32>
      %add3A_1773 = arith.addi %add3A_1772, %gather3A_1759 : vector<16xi32>
      %swap3A_1774 = arith.constant 32 : index
      %swap3A_1775 = tpu.vector_load %arg14[%swap3A_1774] {strides = array<i32>} : memref<128xi32, #tpu.memory_space<vmem>>, vector<16xi32>,
      tpu.vector_store %arg14[%swap3A_1774], %add3A_1773 {strides = array<i32>} : memref<128xi32, #tpu.memory_space<vmem>>, vector<16xi32>,
      %get3A_1776 = arith.constant 944 : index
      %get3A_1777 = tpu.vector_load %arg11[%get3A_1776] {strides = array<i32>} : memref<2048xi32, #tpu.memory_space<vmem>>, vector<16xi32>,
      %swap3A_1778 = arith.constant 48 : index
      %swap3A_1779 = tpu.vector_load %arg16[%swap3A_1778] {strides = array<i32>} : memref<128xi32, #tpu.memory_space<vmem>>, vector<16xi32>,
      tpu.vector_store %arg16[%swap3A_1778], %get3A_1777 {strides = array<i32>} : memref<128xi32, #tpu.memory_space<vmem>>, vector<16xi32>,
      %shift_right_logical3A_1780 = arith.constant 7 : i32
      %shift_right_logical3A_1781 = vector.broadcast %shift_right_logical3A_1780 : i32 to vector<16xi32>
      %shift_right_logical3A_1782 = arith.shrui %get3A_1777, %shift_right_logical3A_1781 : vector<16xi32>
      %and3A_1783 = arith.constant 127 : i32
      %and3A_1784 = vector.broadcast %and3A_1783 : i32 to vector<16xi32>
      %and3A_1785 = arith.andi %get3A_1777, %and3A_1784 : vector<16xi32>
      %gather3A_1786 = tpu.vector_load_idx %arg10[%shift_right_logical3A_1782, %and3A_1785] : memref<80x128xi32, #tpu.memory_space<vmem>>[vector<16xi32>, vector<16xi32>], vector<16xi32>,
      %swap3A_1787 = arith.constant 944 : index
      %swap3A_1788 = tpu.vector_load %arg12[%swap3A_1787] {strides = array<i32>} : memref<2048xi32, #tpu.memory_space<vmem>>, vector<16xi32>,
      tpu.vector_store %arg12[%swap3A_1787], %gather3A_1786 {strides = array<i32>} : memref<2048xi32, #tpu.memory_space<vmem>>, vector<16xi32>,
      %add3A_1789 = arith.constant 944 : i32
      %add3A_1790 = vector.broadcast %add3A_1789 : i32 to vector<16xi32>
      %add3A_1791 = arith.addi %add3A_1790, %iota3A : vector<16xi32>
      %shift_right_logical3A_1792 = arith.constant 5 : i32
      %shift_right_logical3A_1793 = vector.broadcast %shift_right_logical3A_1792 : i32 to vector<16xi32>
      %shift_right_logical3A_1794 = arith.shrui %add3A_1791, %shift_right_logical3A_1793 : vector<16xi32>
      %mul3A_1795 = arith.constant 2 : i32
      %mul3A_1796 = vector.broadcast %mul3A_1795 : i32 to vector<16xi32>
      %mul3A_1797 = arith.muli %shift_right_logical3A_1794, %mul3A_1796 : vector<16xi32>
      %add3A_1798 = vector.broadcast %mul3A_2 : i32 to vector<16xi32>
      %add3A_1799 = arith.addi %add3A_1798, %mul3A_1797 : vector<16xi32>
      %add3A_1800 = arith.addi %add3A_1799, %gather3A_1786 : vector<16xi32>
      %swap3A_1801 = arith.constant 48 : index
      %swap3A_1802 = tpu.vector_load %arg14[%swap3A_1801] {strides = array<i32>} : memref<128xi32, #tpu.memory_space<vmem>>, vector<16xi32>,
      tpu.vector_store %arg14[%swap3A_1801], %add3A_1800 {strides = array<i32>} : memref<128xi32, #tpu.memory_space<vmem>>, vector<16xi32>,
      %get3A_1803 = arith.constant 960 : index
      %get3A_1804 = tpu.vector_load %arg11[%get3A_1803] {strides = array<i32>} : memref<2048xi32, #tpu.memory_space<vmem>>, vector<16xi32>,
      %swap3A_1805 = arith.constant 64 : index
      %swap3A_1806 = tpu.vector_load %arg16[%swap3A_1805] {strides = array<i32>} : memref<128xi32, #tpu.memory_space<vmem>>, vector<16xi32>,
      tpu.vector_store %arg16[%swap3A_1805], %get3A_1804 {strides = array<i32>} : memref<128xi32, #tpu.memory_space<vmem>>, vector<16xi32>,
      %shift_right_logical3A_1807 = arith.constant 7 : i32
      %shift_right_logical3A_1808 = vector.broadcast %shift_right_logical3A_1807 : i32 to vector<16xi32>
      %shift_right_logical3A_1809 = arith.shrui %get3A_1804, %shift_right_logical3A_1808 : vector<16xi32>
      %and3A_1810 = arith.constant 127 : i32
      %and3A_1811 = vector.broadcast %and3A_1810 : i32 to vector<16xi32>
      %and3A_1812 = arith.andi %get3A_1804, %and3A_1811 : vector<16xi32>
      %gather3A_1813 = tpu.vector_load_idx %arg10[%shift_right_logical3A_1809, %and3A_1812] : memref<80x128xi32, #tpu.memory_space<vmem>>[vector<16xi32>, vector<16xi32>], vector<16xi32>,
      %swap3A_1814 = arith.constant 960 : index
      %swap3A_1815 = tpu.vector_load %arg12[%swap3A_1814] {strides = array<i32>} : memref<2048xi32, #tpu.memory_space<vmem>>, vector<16xi32>,
      tpu.vector_store %arg12[%swap3A_1814], %gather3A_1813 {strides = array<i32>} : memref<2048xi32, #tpu.memory_space<vmem>>, vector<16xi32>,
      %add3A_1816 = arith.constant 960 : i32
      %add3A_1817 = vector.broadcast %add3A_1816 : i32 to vector<16xi32>
      %add3A_1818 = arith.addi %add3A_1817, %iota3A : vector<16xi32>
      %shift_right_logical3A_1819 = arith.constant 5 : i32
      %shift_right_logical3A_1820 = vector.broadcast %shift_right_logical3A_1819 : i32 to vector<16xi32>
      %shift_right_logical3A_1821 = arith.shrui %add3A_1818, %shift_right_logical3A_1820 : vector<16xi32>
      %mul3A_1822 = arith.constant 2 : i32
      %mul3A_1823 = vector.broadcast %mul3A_1822 : i32 to vector<16xi32>
      %mul3A_1824 = arith.muli %shift_right_logical3A_1821, %mul3A_1823 : vector<16xi32>
      %add3A_1825 = vector.broadcast %mul3A_2 : i32 to vector<16xi32>
      %add3A_1826 = arith.addi %add3A_1825, %mul3A_1824 : vector<16xi32>
      %add3A_1827 = arith.addi %add3A_1826, %gather3A_1813 : vector<16xi32>
      %swap3A_1828 = arith.constant 64 : index
      %swap3A_1829 = tpu.vector_load %arg14[%swap3A_1828] {strides = array<i32>} : memref<128xi32, #tpu.memory_space<vmem>>, vector<16xi32>,
      tpu.vector_store %arg14[%swap3A_1828], %add3A_1827 {strides = array<i32>} : memref<128xi32, #tpu.memory_space<vmem>>, vector<16xi32>,
      %get3A_1830 = arith.constant 976 : index
      %get3A_1831 = tpu.vector_load %arg11[%get3A_1830] {strides = array<i32>} : memref<2048xi32, #tpu.memory_space<vmem>>, vector<16xi32>,
      %swap3A_1832 = arith.constant 80 : index
      %swap3A_1833 = tpu.vector_load %arg16[%swap3A_1832] {strides = array<i32>} : memref<128xi32, #tpu.memory_space<vmem>>, vector<16xi32>,
      tpu.vector_store %arg16[%swap3A_1832], %get3A_1831 {strides = array<i32>} : memref<128xi32, #tpu.memory_space<vmem>>, vector<16xi32>,
      %shift_right_logical3A_1834 = arith.constant 7 : i32
      %shift_right_logical3A_1835 = vector.broadcast %shift_right_logical3A_1834 : i32 to vector<16xi32>
      %shift_right_logical3A_1836 = arith.shrui %get3A_1831, %shift_right_logical3A_1835 : vector<16xi32>
      %and3A_1837 = arith.constant 127 : i32
      %and3A_1838 = vector.broadcast %and3A_1837 : i32 to vector<16xi32>
      %and3A_1839 = arith.andi %get3A_1831, %and3A_1838 : vector<16xi32>
      %gather3A_1840 = tpu.vector_load_idx %arg10[%shift_right_logical3A_1836, %and3A_1839] : memref<80x128xi32, #tpu.memory_space<vmem>>[vector<16xi32>, vector<16xi32>], vector<16xi32>,
      %swap3A_1841 = arith.constant 976 : index
      %swap3A_1842 = tpu.vector_load %arg12[%swap3A_1841] {strides = array<i32>} : memref<2048xi32, #tpu.memory_space<vmem>>, vector<16xi32>,
      tpu.vector_store %arg12[%swap3A_1841], %gather3A_1840 {strides = array<i32>} : memref<2048xi32, #tpu.memory_space<vmem>>, vector<16xi32>,
      %add3A_1843 = arith.constant 976 : i32
      %add3A_1844 = vector.broadcast %add3A_1843 : i32 to vector<16xi32>
      %add3A_1845 = arith.addi %add3A_1844, %iota3A : vector<16xi32>
      %shift_right_logical3A_1846 = arith.constant 5 : i32
      %shift_right_logical3A_1847 = vector.broadcast %shift_right_logical3A_1846 : i32 to vector<16xi32>
      %shift_right_logical3A_1848 = arith.shrui %add3A_1845, %shift_right_logical3A_1847 : vector<16xi32>
      %mul3A_1849 = arith.constant 2 : i32
      %mul3A_1850 = vector.broadcast %mul3A_1849 : i32 to vector<16xi32>
      %mul3A_1851 = arith.muli %shift_right_logical3A_1848, %mul3A_1850 : vector<16xi32>
      %add3A_1852 = vector.broadcast %mul3A_2 : i32 to vector<16xi32>
      %add3A_1853 = arith.addi %add3A_1852, %mul3A_1851 : vector<16xi32>
      %add3A_1854 = arith.addi %add3A_1853, %gather3A_1840 : vector<16xi32>
      %swap3A_1855 = arith.constant 80 : index
      %swap3A_1856 = tpu.vector_load %arg14[%swap3A_1855] {strides = array<i32>} : memref<128xi32, #tpu.memory_space<vmem>>, vector<16xi32>,
      tpu.vector_store %arg14[%swap3A_1855], %add3A_1854 {strides = array<i32>} : memref<128xi32, #tpu.memory_space<vmem>>, vector<16xi32>,
      %get3A_1857 = arith.constant 992 : index
      %get3A_1858 = tpu.vector_load %arg11[%get3A_1857] {strides = array<i32>} : memref<2048xi32, #tpu.memory_space<vmem>>, vector<16xi32>,
      %swap3A_1859 = arith.constant 96 : index
      %swap3A_1860 = tpu.vector_load %arg16[%swap3A_1859] {strides = array<i32>} : memref<128xi32, #tpu.memory_space<vmem>>, vector<16xi32>,
      tpu.vector_store %arg16[%swap3A_1859], %get3A_1858 {strides = array<i32>} : memref<128xi32, #tpu.memory_space<vmem>>, vector<16xi32>,
      %shift_right_logical3A_1861 = arith.constant 7 : i32
      %shift_right_logical3A_1862 = vector.broadcast %shift_right_logical3A_1861 : i32 to vector<16xi32>
      %shift_right_logical3A_1863 = arith.shrui %get3A_1858, %shift_right_logical3A_1862 : vector<16xi32>
      %and3A_1864 = arith.constant 127 : i32
      %and3A_1865 = vector.broadcast %and3A_1864 : i32 to vector<16xi32>
      %and3A_1866 = arith.andi %get3A_1858, %and3A_1865 : vector<16xi32>
      %gather3A_1867 = tpu.vector_load_idx %arg10[%shift_right_logical3A_1863, %and3A_1866] : memref<80x128xi32, #tpu.memory_space<vmem>>[vector<16xi32>, vector<16xi32>], vector<16xi32>,
      %swap3A_1868 = arith.constant 992 : index
      %swap3A_1869 = tpu.vector_load %arg12[%swap3A_1868] {strides = array<i32>} : memref<2048xi32, #tpu.memory_space<vmem>>, vector<16xi32>,
      tpu.vector_store %arg12[%swap3A_1868], %gather3A_1867 {strides = array<i32>} : memref<2048xi32, #tpu.memory_space<vmem>>, vector<16xi32>,
      %add3A_1870 = arith.constant 992 : i32
      %add3A_1871 = vector.broadcast %add3A_1870 : i32 to vector<16xi32>
      %add3A_1872 = arith.addi %add3A_1871, %iota3A : vector<16xi32>
      %shift_right_logical3A_1873 = arith.constant 5 : i32
      %shift_right_logical3A_1874 = vector.broadcast %shift_right_logical3A_1873 : i32 to vector<16xi32>
      %shift_right_logical3A_1875 = arith.shrui %add3A_1872, %shift_right_logical3A_1874 : vector<16xi32>
      %mul3A_1876 = arith.constant 2 : i32
      %mul3A_1877 = vector.broadcast %mul3A_1876 : i32 to vector<16xi32>
      %mul3A_1878 = arith.muli %shift_right_logical3A_1875, %mul3A_1877 : vector<16xi32>
      %add3A_1879 = vector.broadcast %mul3A_2 : i32 to vector<16xi32>
      %add3A_1880 = arith.addi %add3A_1879, %mul3A_1878 : vector<16xi32>
      %add3A_1881 = arith.addi %add3A_1880, %gather3A_1867 : vector<16xi32>
      %swap3A_1882 = arith.constant 96 : index
      %swap3A_1883 = tpu.vector_load %arg14[%swap3A_1882] {strides = array<i32>} : memref<128xi32, #tpu.memory_space<vmem>>, vector<16xi32>,
      tpu.vector_store %arg14[%swap3A_1882], %add3A_1881 {strides = array<i32>} : memref<128xi32, #tpu.memory_space<vmem>>, vector<16xi32>,
      %get3A_1884 = arith.constant 1008 : index
      %get3A_1885 = tpu.vector_load %arg11[%get3A_1884] {strides = array<i32>} : memref<2048xi32, #tpu.memory_space<vmem>>, vector<16xi32>,
      %swap3A_1886 = arith.constant 112 : index
      %swap3A_1887 = tpu.vector_load %arg16[%swap3A_1886] {strides = array<i32>} : memref<128xi32, #tpu.memory_space<vmem>>, vector<16xi32>,
      tpu.vector_store %arg16[%swap3A_1886], %get3A_1885 {strides = array<i32>} : memref<128xi32, #tpu.memory_space<vmem>>, vector<16xi32>,
      %shift_right_logical3A_1888 = arith.constant 7 : i32
      %shift_right_logical3A_1889 = vector.broadcast %shift_right_logical3A_1888 : i32 to vector<16xi32>
      %shift_right_logical3A_1890 = arith.shrui %get3A_1885, %shift_right_logical3A_1889 : vector<16xi32>
      %and3A_1891 = arith.constant 127 : i32
      %and3A_1892 = vector.broadcast %and3A_1891 : i32 to vector<16xi32>
      %and3A_1893 = arith.andi %get3A_1885, %and3A_1892 : vector<16xi32>
      %gather3A_1894 = tpu.vector_load_idx %arg10[%shift_right_logical3A_1890, %and3A_1893] : memref<80x128xi32, #tpu.memory_space<vmem>>[vector<16xi32>, vector<16xi32>], vector<16xi32>,
      %swap3A_1895 = arith.constant 1008 : index
      %swap3A_1896 = tpu.vector_load %arg12[%swap3A_1895] {strides = array<i32>} : memref<2048xi32, #tpu.memory_space<vmem>>, vector<16xi32>,
      tpu.vector_store %arg12[%swap3A_1895], %gather3A_1894 {strides = array<i32>} : memref<2048xi32, #tpu.memory_space<vmem>>, vector<16xi32>,
      %add3A_1897 = arith.constant 1008 : i32
      %add3A_1898 = vector.broadcast %add3A_1897 : i32 to vector<16xi32>
      %add3A_1899 = arith.addi %add3A_1898, %iota3A : vector<16xi32>
      %shift_right_logical3A_1900 = arith.constant 5 : i32
      %shift_right_logical3A_1901 = vector.broadcast %shift_right_logical3A_1900 : i32 to vector<16xi32>
      %shift_right_logical3A_1902 = arith.shrui %add3A_1899, %shift_right_logical3A_1901 : vector<16xi32>
      %mul3A_1903 = arith.constant 2 : i32
      %mul3A_1904 = vector.broadcast %mul3A_1903 : i32 to vector<16xi32>
      %mul3A_1905 = arith.muli %shift_right_logical3A_1902, %mul3A_1904 : vector<16xi32>
      %add3A_1906 = vector.broadcast %mul3A_2 : i32 to vector<16xi32>
      %add3A_1907 = arith.addi %add3A_1906, %mul3A_1905 : vector<16xi32>
      %add3A_1908 = arith.addi %add3A_1907, %gather3A_1894 : vector<16xi32>
      %swap3A_1909 = arith.constant 112 : index
      %swap3A_1910 = tpu.vector_load %arg14[%swap3A_1909] {strides = array<i32>} : memref<128xi32, #tpu.memory_space<vmem>>, vector<16xi32>,
      tpu.vector_store %arg14[%swap3A_1909], %add3A_1908 {strides = array<i32>} : memref<128xi32, #tpu.memory_space<vmem>>, vector<16xi32>,
      %dma_start3A_1911 = arith.constant 0 : i32
      %dma_start3A_1912 = arith.constant 0 : i32
      %dma_start3A_1913 = tpu.memref_slice %arg2[%dma_start3A_1911, %dma_start3A_1912] : memref<10000x128xf32, #tpu.memory_space<hbm>> -> memref<10000x128xf32, #tpu.memory_space<hbm>>
      tpu.enqueue_indirect_dma source(%dma_start3A_1913 : memref<10000x128xf32, #tpu.memory_space<hbm>>) target(%arg18 : memref<128x128xf32, #tpu.memory_space<vmem>>) offsets(%arg16 : memref<128xi32, #tpu.memory_space<vmem>>) semaphore(%arg23 : memref<!tpu.dma_semaphore, #tpu.memory_space<semaphore_mem>>)
      %dma_start3A_1914 = arith.constant 0 : i32
      %dma_start3A_1915 = arith.constant 0 : i32
      %dma_start3A_1916 = tpu.memref_slice %arg3[%dma_start3A_1914, %dma_start3A_1915] : memref<10000x128xf32, #tpu.memory_space<hbm>> -> memref<10000x128xf32, #tpu.memory_space<hbm>>
      tpu.enqueue_indirect_dma source(%dma_start3A_1916 : memref<10000x128xf32, #tpu.memory_space<hbm>>) target(%arg20 : memref<128x128xf32, #tpu.memory_space<vmem>>) offsets(%arg16 : memref<128xi32, #tpu.memory_space<vmem>>) semaphore(%arg23 : memref<!tpu.dma_semaphore, #tpu.memory_space<semaphore_mem>>)
      %dma_wait3A_1917 = arith.constant 0 : i32
      %dma_wait3A_1918 = arith.constant 0 : i32
      %dma_wait3A_1919 = tpu.memref_slice %arg2[%dma_wait3A_1917, %dma_wait3A_1918] : memref<10000x128xf32, #tpu.memory_space<hbm>> -> memref<10000x128xf32, #tpu.memory_space<hbm>>
      tpu.wait_indirect_dma semaphore(%arg22 : memref<!tpu.dma_semaphore, #tpu.memory_space<semaphore_mem>>) src(%dma_wait3A_1919 : memref<10000x128xf32, #tpu.memory_space<hbm>>) dst(%arg17 : memref<128x128xf32, #tpu.memory_space<vmem>>)
      %dma_wait3A_1920 = arith.constant 0 : i32
      %dma_wait3A_1921 = arith.constant 0 : i32
      %dma_wait3A_1922 = tpu.memref_slice %arg3[%dma_wait3A_1920, %dma_wait3A_1921] : memref<10000x128xf32, #tpu.memory_space<hbm>> -> memref<10000x128xf32, #tpu.memory_space<hbm>>
      tpu.wait_indirect_dma semaphore(%arg22 : memref<!tpu.dma_semaphore, #tpu.memory_space<semaphore_mem>>) src(%dma_wait3A_1922 : memref<10000x128xf32, #tpu.memory_space<hbm>>) dst(%arg19 : memref<128x128xf32, #tpu.memory_space<vmem>>)
      %dma_start3A_1923 = arith.constant 0 : i32
      %dma_start3A_1924 = arith.constant 0 : i32
      %dma_start3A_1925 = tpu.memref_slice %arg21[%dma_start3A_1923, %dma_start3A_1924] : memref<2048x128xf32, #tpu.memory_space<vmem_shared>> -> memref<2048x128xf32, #tpu.memory_space<vmem_shared>>
      tpu.enqueue_indirect_dma source(%arg17 : memref<128x128xf32, #tpu.memory_space<vmem>>) target(%dma_start3A_1925 : memref<2048x128xf32, #tpu.memory_space<vmem_shared>>) offsets(%arg13 : memref<128xi32, #tpu.memory_space<vmem>>) semaphore(%arg24 : memref<!tpu.dma_semaphore, #tpu.memory_space<semaphore_mem>>) {add = true}
      %add3A_1926 = arith.constant 768 : i32
      %add3A_1927 = arith.addi %mul3A_15, %add3A_1926 : i32
      %dma_start3A_1928 = arith.constant 0 : i32
      %dma_start3A_1929 = tpu.memref_slice %arg8[%add3A_1927, %dma_start3A_1928] : memref<327680x128xf32, #tpu.memory_space<hbm>> -> memref<128x128xf32, #tpu.memory_space<hbm>>
      %dma_start3A_1930 = arith.constant 0 : i32
      %dma_start3A_1931 = tpu.memref_slice %arg8[%add3A_1927, %dma_start3A_1930] : memref<327680x128xf32, #tpu.memory_space<hbm>> -> memref<128x128xf32, #tpu.memory_space<hbm>>
      tpu.enqueue_dma source(%arg19 : memref<128x128xf32, #tpu.memory_space<vmem>>) target(%dma_start3A_1931 : memref<128x128xf32, #tpu.memory_space<hbm>>) target_semaphore(%arg26 : memref<!tpu.dma_semaphore, #tpu.memory_space<semaphore_mem>>)
      %dma_wait3A_1932 = arith.constant 0 : i32
      %dma_wait3A_1933 = arith.constant 0 : i32
      %dma_wait3A_1934 = tpu.memref_slice %arg21[%dma_wait3A_1932, %dma_wait3A_1933] : memref<2048x128xf32, #tpu.memory_space<vmem_shared>> -> memref<2048x128xf32, #tpu.memory_space<vmem_shared>>
      tpu.wait_indirect_dma semaphore(%arg24 : memref<!tpu.dma_semaphore, #tpu.memory_space<semaphore_mem>>) src(%arg17 : memref<128x128xf32, #tpu.memory_space<vmem>>) dst(%dma_wait3A_1934 : memref<2048x128xf32, #tpu.memory_space<vmem_shared>>)
      %dma_wait3A_1935 = arith.constant 0 : i32
      %dma_wait3A_1936 = tpu.memref_slice %arg8[%add3A_1927, %dma_wait3A_1935] : memref<327680x128xf32, #tpu.memory_space<hbm>> -> memref<128x128xf32, #tpu.memory_space<hbm>>
      %dma_wait3A_1937 = arith.constant 0 : i32
      %dma_wait3A_1938 = tpu.memref_slice %arg8[%add3A_1927, %dma_wait3A_1937] : memref<327680x128xf32, #tpu.memory_space<hbm>> -> memref<128x128xf32, #tpu.memory_space<hbm>>
      tpu.wait_dma2 semaphore(%arg26 : memref<!tpu.dma_semaphore, #tpu.memory_space<semaphore_mem>>) src(%arg19 : memref<128x128xf32, #tpu.memory_space<vmem>>) dst(%dma_wait3A_1938 : memref<128x128xf32, #tpu.memory_space<hbm>>)
      %get3A_1939 = arith.constant 1024 : index
      %get3A_1940 = tpu.vector_load %arg11[%get3A_1939] {strides = array<i32>} : memref<2048xi32, #tpu.memory_space<vmem>>, vector<16xi32>,
      %swap3A_1941 = arith.constant 0 : index
      %swap3A_1942 = tpu.vector_load %arg15[%swap3A_1941] {strides = array<i32>} : memref<128xi32, #tpu.memory_space<vmem>>, vector<16xi32>,
      tpu.vector_store %arg15[%swap3A_1941], %get3A_1940 {strides = array<i32>} : memref<128xi32, #tpu.memory_space<vmem>>, vector<16xi32>,
      %shift_right_logical3A_1943 = arith.constant 7 : i32
      %shift_right_logical3A_1944 = vector.broadcast %shift_right_logical3A_1943 : i32 to vector<16xi32>
      %shift_right_logical3A_1945 = arith.shrui %get3A_1940, %shift_right_logical3A_1944 : vector<16xi32>
      %and3A_1946 = arith.constant 127 : i32
      %and3A_1947 = vector.broadcast %and3A_1946 : i32 to vector<16xi32>
      %and3A_1948 = arith.andi %get3A_1940, %and3A_1947 : vector<16xi32>
      %gather3A_1949 = tpu.vector_load_idx %arg10[%shift_right_logical3A_1945, %and3A_1948] : memref<80x128xi32, #tpu.memory_space<vmem>>[vector<16xi32>, vector<16xi32>], vector<16xi32>,
      %swap3A_1950 = arith.constant 1024 : index
      %swap3A_1951 = tpu.vector_load %arg12[%swap3A_1950] {strides = array<i32>} : memref<2048xi32, #tpu.memory_space<vmem>>, vector<16xi32>,
      tpu.vector_store %arg12[%swap3A_1950], %gather3A_1949 {strides = array<i32>} : memref<2048xi32, #tpu.memory_space<vmem>>, vector<16xi32>,
      %add3A_1952 = arith.constant 1024 : i32
      %add3A_1953 = vector.broadcast %add3A_1952 : i32 to vector<16xi32>
      %add3A_1954 = arith.addi %add3A_1953, %iota3A : vector<16xi32>
      %shift_right_logical3A_1955 = arith.constant 5 : i32
      %shift_right_logical3A_1956 = vector.broadcast %shift_right_logical3A_1955 : i32 to vector<16xi32>
      %shift_right_logical3A_1957 = arith.shrui %add3A_1954, %shift_right_logical3A_1956 : vector<16xi32>
      %mul3A_1958 = arith.constant 2 : i32
      %mul3A_1959 = vector.broadcast %mul3A_1958 : i32 to vector<16xi32>
      %mul3A_1960 = arith.muli %shift_right_logical3A_1957, %mul3A_1959 : vector<16xi32>
      %add3A_1961 = vector.broadcast %mul3A_2 : i32 to vector<16xi32>
      %add3A_1962 = arith.addi %add3A_1961, %mul3A_1960 : vector<16xi32>
      %add3A_1963 = arith.addi %add3A_1962, %gather3A_1949 : vector<16xi32>
      %swap3A_1964 = arith.constant 0 : index
      %swap3A_1965 = tpu.vector_load %arg13[%swap3A_1964] {strides = array<i32>} : memref<128xi32, #tpu.memory_space<vmem>>, vector<16xi32>,
      tpu.vector_store %arg13[%swap3A_1964], %add3A_1963 {strides = array<i32>} : memref<128xi32, #tpu.memory_space<vmem>>, vector<16xi32>,
      %get3A_1966 = arith.constant 1040 : index
      %get3A_1967 = tpu.vector_load %arg11[%get3A_1966] {strides = array<i32>} : memref<2048xi32, #tpu.memory_space<vmem>>, vector<16xi32>,
      %swap3A_1968 = arith.constant 16 : index
      %swap3A_1969 = tpu.vector_load %arg15[%swap3A_1968] {strides = array<i32>} : memref<128xi32, #tpu.memory_space<vmem>>, vector<16xi32>,
      tpu.vector_store %arg15[%swap3A_1968], %get3A_1967 {strides = array<i32>} : memref<128xi32, #tpu.memory_space<vmem>>, vector<16xi32>,
      %shift_right_logical3A_1970 = arith.constant 7 : i32
      %shift_right_logical3A_1971 = vector.broadcast %shift_right_logical3A_1970 : i32 to vector<16xi32>
      %shift_right_logical3A_1972 = arith.shrui %get3A_1967, %shift_right_logical3A_1971 : vector<16xi32>
      %and3A_1973 = arith.constant 127 : i32
      %and3A_1974 = vector.broadcast %and3A_1973 : i32 to vector<16xi32>
      %and3A_1975 = arith.andi %get3A_1967, %and3A_1974 : vector<16xi32>
      %gather3A_1976 = tpu.vector_load_idx %arg10[%shift_right_logical3A_1972, %and3A_1975] : memref<80x128xi32, #tpu.memory_space<vmem>>[vector<16xi32>, vector<16xi32>], vector<16xi32>,
      %swap3A_1977 = arith.constant 1040 : index
      %swap3A_1978 = tpu.vector_load %arg12[%swap3A_1977] {strides = array<i32>} : memref<2048xi32, #tpu.memory_space<vmem>>, vector<16xi32>,
      tpu.vector_store %arg12[%swap3A_1977], %gather3A_1976 {strides = array<i32>} : memref<2048xi32, #tpu.memory_space<vmem>>, vector<16xi32>,
      %add3A_1979 = arith.constant 1040 : i32
      %add3A_1980 = vector.broadcast %add3A_1979 : i32 to vector<16xi32>
      %add3A_1981 = arith.addi %add3A_1980, %iota3A : vector<16xi32>
      %shift_right_logical3A_1982 = arith.constant 5 : i32
      %shift_right_logical3A_1983 = vector.broadcast %shift_right_logical3A_1982 : i32 to vector<16xi32>
      %shift_right_logical3A_1984 = arith.shrui %add3A_1981, %shift_right_logical3A_1983 : vector<16xi32>
      %mul3A_1985 = arith.constant 2 : i32
      %mul3A_1986 = vector.broadcast %mul3A_1985 : i32 to vector<16xi32>
      %mul3A_1987 = arith.muli %shift_right_logical3A_1984, %mul3A_1986 : vector<16xi32>
      %add3A_1988 = vector.broadcast %mul3A_2 : i32 to vector<16xi32>
      %add3A_1989 = arith.addi %add3A_1988, %mul3A_1987 : vector<16xi32>
      %add3A_1990 = arith.addi %add3A_1989, %gather3A_1976 : vector<16xi32>
      %swap3A_1991 = arith.constant 16 : index
      %swap3A_1992 = tpu.vector_load %arg13[%swap3A_1991] {strides = array<i32>} : memref<128xi32, #tpu.memory_space<vmem>>, vector<16xi32>,
      tpu.vector_store %arg13[%swap3A_1991], %add3A_1990 {strides = array<i32>} : memref<128xi32, #tpu.memory_space<vmem>>, vector<16xi32>,
      %get3A_1993 = arith.constant 1056 : index
      %get3A_1994 = tpu.vector_load %arg11[%get3A_1993] {strides = array<i32>} : memref<2048xi32, #tpu.memory_space<vmem>>, vector<16xi32>,
      %swap3A_1995 = arith.constant 32 : index
      %swap3A_1996 = tpu.vector_load %arg15[%swap3A_1995] {strides = array<i32>} : memref<128xi32, #tpu.memory_space<vmem>>, vector<16xi32>,
      tpu.vector_store %arg15[%swap3A_1995], %get3A_1994 {strides = array<i32>} : memref<128xi32, #tpu.memory_space<vmem>>, vector<16xi32>,
      %shift_right_logical3A_1997 = arith.constant 7 : i32
      %shift_right_logical3A_1998 = vector.broadcast %shift_right_logical3A_1997 : i32 to vector<16xi32>
      %shift_right_logical3A_1999 = arith.shrui %get3A_1994, %shift_right_logical3A_1998 : vector<16xi32>
      %and3A_2000 = arith.constant 127 : i32
      %and3A_2001 = vector.broadcast %and3A_2000 : i32 to vector<16xi32>
      %and3A_2002 = arith.andi %get3A_1994, %and3A_2001 : vector<16xi32>
      %gather3A_2003 = tpu.vector_load_idx %arg10[%shift_right_logical3A_1999, %and3A_2002] : memref<80x128xi32, #tpu.memory_space<vmem>>[vector<16xi32>, vector<16xi32>], vector<16xi32>,
      %swap3A_2004 = arith.constant 1056 : index
      %swap3A_2005 = tpu.vector_load %arg12[%swap3A_2004] {strides = array<i32>} : memref<2048xi32, #tpu.memory_space<vmem>>, vector<16xi32>,
      tpu.vector_store %arg12[%swap3A_2004], %gather3A_2003 {strides = array<i32>} : memref<2048xi32, #tpu.memory_space<vmem>>, vector<16xi32>,
      %add3A_2006 = arith.constant 1056 : i32
      %add3A_2007 = vector.broadcast %add3A_2006 : i32 to vector<16xi32>
      %add3A_2008 = arith.addi %add3A_2007, %iota3A : vector<16xi32>
      %shift_right_logical3A_2009 = arith.constant 5 : i32
      %shift_right_logical3A_2010 = vector.broadcast %shift_right_logical3A_2009 : i32 to vector<16xi32>
      %shift_right_logical3A_2011 = arith.shrui %add3A_2008, %shift_right_logical3A_2010 : vector<16xi32>
      %mul3A_2012 = arith.constant 2 : i32
      %mul3A_2013 = vector.broadcast %mul3A_2012 : i32 to vector<16xi32>
      %mul3A_2014 = arith.muli %shift_right_logical3A_2011, %mul3A_2013 : vector<16xi32>
      %add3A_2015 = vector.broadcast %mul3A_2 : i32 to vector<16xi32>
      %add3A_2016 = arith.addi %add3A_2015, %mul3A_2014 : vector<16xi32>
      %add3A_2017 = arith.addi %add3A_2016, %gather3A_2003 : vector<16xi32>
      %swap3A_2018 = arith.constant 32 : index
      %swap3A_2019 = tpu.vector_load %arg13[%swap3A_2018] {strides = array<i32>} : memref<128xi32, #tpu.memory_space<vmem>>, vector<16xi32>,
      tpu.vector_store %arg13[%swap3A_2018], %add3A_2017 {strides = array<i32>} : memref<128xi32, #tpu.memory_space<vmem>>, vector<16xi32>,
      %get3A_2020 = arith.constant 1072 : index
      %get3A_2021 = tpu.vector_load %arg11[%get3A_2020] {strides = array<i32>} : memref<2048xi32, #tpu.memory_space<vmem>>, vector<16xi32>,
      %swap3A_2022 = arith.constant 48 : index
      %swap3A_2023 = tpu.vector_load %arg15[%swap3A_2022] {strides = array<i32>} : memref<128xi32, #tpu.memory_space<vmem>>, vector<16xi32>,
      tpu.vector_store %arg15[%swap3A_2022], %get3A_2021 {strides = array<i32>} : memref<128xi32, #tpu.memory_space<vmem>>, vector<16xi32>,
      %shift_right_logical3A_2024 = arith.constant 7 : i32
      %shift_right_logical3A_2025 = vector.broadcast %shift_right_logical3A_2024 : i32 to vector<16xi32>
      %shift_right_logical3A_2026 = arith.shrui %get3A_2021, %shift_right_logical3A_2025 : vector<16xi32>
      %and3A_2027 = arith.constant 127 : i32
      %and3A_2028 = vector.broadcast %and3A_2027 : i32 to vector<16xi32>
      %and3A_2029 = arith.andi %get3A_2021, %and3A_2028 : vector<16xi32>
      %gather3A_2030 = tpu.vector_load_idx %arg10[%shift_right_logical3A_2026, %and3A_2029] : memref<80x128xi32, #tpu.memory_space<vmem>>[vector<16xi32>, vector<16xi32>], vector<16xi32>,
      %swap3A_2031 = arith.constant 1072 : index
      %swap3A_2032 = tpu.vector_load %arg12[%swap3A_2031] {strides = array<i32>} : memref<2048xi32, #tpu.memory_space<vmem>>, vector<16xi32>,
      tpu.vector_store %arg12[%swap3A_2031], %gather3A_2030 {strides = array<i32>} : memref<2048xi32, #tpu.memory_space<vmem>>, vector<16xi32>,
      %add3A_2033 = arith.constant 1072 : i32
      %add3A_2034 = vector.broadcast %add3A_2033 : i32 to vector<16xi32>
      %add3A_2035 = arith.addi %add3A_2034, %iota3A : vector<16xi32>
      %shift_right_logical3A_2036 = arith.constant 5 : i32
      %shift_right_logical3A_2037 = vector.broadcast %shift_right_logical3A_2036 : i32 to vector<16xi32>
      %shift_right_logical3A_2038 = arith.shrui %add3A_2035, %shift_right_logical3A_2037 : vector<16xi32>
      %mul3A_2039 = arith.constant 2 : i32
      %mul3A_2040 = vector.broadcast %mul3A_2039 : i32 to vector<16xi32>
      %mul3A_2041 = arith.muli %shift_right_logical3A_2038, %mul3A_2040 : vector<16xi32>
      %add3A_2042 = vector.broadcast %mul3A_2 : i32 to vector<16xi32>
      %add3A_2043 = arith.addi %add3A_2042, %mul3A_2041 : vector<16xi32>
      %add3A_2044 = arith.addi %add3A_2043, %gather3A_2030 : vector<16xi32>
      %swap3A_2045 = arith.constant 48 : index
      %swap3A_2046 = tpu.vector_load %arg13[%swap3A_2045] {strides = array<i32>} : memref<128xi32, #tpu.memory_space<vmem>>, vector<16xi32>,
      tpu.vector_store %arg13[%swap3A_2045], %add3A_2044 {strides = array<i32>} : memref<128xi32, #tpu.memory_space<vmem>>, vector<16xi32>,
      %get3A_2047 = arith.constant 1088 : index
      %get3A_2048 = tpu.vector_load %arg11[%get3A_2047] {strides = array<i32>} : memref<2048xi32, #tpu.memory_space<vmem>>, vector<16xi32>,
      %swap3A_2049 = arith.constant 64 : index
      %swap3A_2050 = tpu.vector_load %arg15[%swap3A_2049] {strides = array<i32>} : memref<128xi32, #tpu.memory_space<vmem>>, vector<16xi32>,
      tpu.vector_store %arg15[%swap3A_2049], %get3A_2048 {strides = array<i32>} : memref<128xi32, #tpu.memory_space<vmem>>, vector<16xi32>,
      %shift_right_logical3A_2051 = arith.constant 7 : i32
      %shift_right_logical3A_2052 = vector.broadcast %shift_right_logical3A_2051 : i32 to vector<16xi32>
      %shift_right_logical3A_2053 = arith.shrui %get3A_2048, %shift_right_logical3A_2052 : vector<16xi32>
      %and3A_2054 = arith.constant 127 : i32
      %and3A_2055 = vector.broadcast %and3A_2054 : i32 to vector<16xi32>
      %and3A_2056 = arith.andi %get3A_2048, %and3A_2055 : vector<16xi32>
      %gather3A_2057 = tpu.vector_load_idx %arg10[%shift_right_logical3A_2053, %and3A_2056] : memref<80x128xi32, #tpu.memory_space<vmem>>[vector<16xi32>, vector<16xi32>], vector<16xi32>,
      %swap3A_2058 = arith.constant 1088 : index
      %swap3A_2059 = tpu.vector_load %arg12[%swap3A_2058] {strides = array<i32>} : memref<2048xi32, #tpu.memory_space<vmem>>, vector<16xi32>,
      tpu.vector_store %arg12[%swap3A_2058], %gather3A_2057 {strides = array<i32>} : memref<2048xi32, #tpu.memory_space<vmem>>, vector<16xi32>,
      %add3A_2060 = arith.constant 1088 : i32
      %add3A_2061 = vector.broadcast %add3A_2060 : i32 to vector<16xi32>
      %add3A_2062 = arith.addi %add3A_2061, %iota3A : vector<16xi32>
      %shift_right_logical3A_2063 = arith.constant 5 : i32
      %shift_right_logical3A_2064 = vector.broadcast %shift_right_logical3A_2063 : i32 to vector<16xi32>
      %shift_right_logical3A_2065 = arith.shrui %add3A_2062, %shift_right_logical3A_2064 : vector<16xi32>
      %mul3A_2066 = arith.constant 2 : i32
      %mul3A_2067 = vector.broadcast %mul3A_2066 : i32 to vector<16xi32>
      %mul3A_2068 = arith.muli %shift_right_logical3A_2065, %mul3A_2067 : vector<16xi32>
      %add3A_2069 = vector.broadcast %mul3A_2 : i32 to vector<16xi32>
      %add3A_2070 = arith.addi %add3A_2069, %mul3A_2068 : vector<16xi32>
      %add3A_2071 = arith.addi %add3A_2070, %gather3A_2057 : vector<16xi32>
      %swap3A_2072 = arith.constant 64 : index
      %swap3A_2073 = tpu.vector_load %arg13[%swap3A_2072] {strides = array<i32>} : memref<128xi32, #tpu.memory_space<vmem>>, vector<16xi32>,
      tpu.vector_store %arg13[%swap3A_2072], %add3A_2071 {strides = array<i32>} : memref<128xi32, #tpu.memory_space<vmem>>, vector<16xi32>,
      %get3A_2074 = arith.constant 1104 : index
      %get3A_2075 = tpu.vector_load %arg11[%get3A_2074] {strides = array<i32>} : memref<2048xi32, #tpu.memory_space<vmem>>, vector<16xi32>,
      %swap3A_2076 = arith.constant 80 : index
      %swap3A_2077 = tpu.vector_load %arg15[%swap3A_2076] {strides = array<i32>} : memref<128xi32, #tpu.memory_space<vmem>>, vector<16xi32>,
      tpu.vector_store %arg15[%swap3A_2076], %get3A_2075 {strides = array<i32>} : memref<128xi32, #tpu.memory_space<vmem>>, vector<16xi32>,
      %shift_right_logical3A_2078 = arith.constant 7 : i32
      %shift_right_logical3A_2079 = vector.broadcast %shift_right_logical3A_2078 : i32 to vector<16xi32>
      %shift_right_logical3A_2080 = arith.shrui %get3A_2075, %shift_right_logical3A_2079 : vector<16xi32>
      %and3A_2081 = arith.constant 127 : i32
      %and3A_2082 = vector.broadcast %and3A_2081 : i32 to vector<16xi32>
      %and3A_2083 = arith.andi %get3A_2075, %and3A_2082 : vector<16xi32>
      %gather3A_2084 = tpu.vector_load_idx %arg10[%shift_right_logical3A_2080, %and3A_2083] : memref<80x128xi32, #tpu.memory_space<vmem>>[vector<16xi32>, vector<16xi32>], vector<16xi32>,
      %swap3A_2085 = arith.constant 1104 : index
      %swap3A_2086 = tpu.vector_load %arg12[%swap3A_2085] {strides = array<i32>} : memref<2048xi32, #tpu.memory_space<vmem>>, vector<16xi32>,
      tpu.vector_store %arg12[%swap3A_2085], %gather3A_2084 {strides = array<i32>} : memref<2048xi32, #tpu.memory_space<vmem>>, vector<16xi32>,
      %add3A_2087 = arith.constant 1104 : i32
      %add3A_2088 = vector.broadcast %add3A_2087 : i32 to vector<16xi32>
      %add3A_2089 = arith.addi %add3A_2088, %iota3A : vector<16xi32>
      %shift_right_logical3A_2090 = arith.constant 5 : i32
      %shift_right_logical3A_2091 = vector.broadcast %shift_right_logical3A_2090 : i32 to vector<16xi32>
      %shift_right_logical3A_2092 = arith.shrui %add3A_2089, %shift_right_logical3A_2091 : vector<16xi32>
      %mul3A_2093 = arith.constant 2 : i32
      %mul3A_2094 = vector.broadcast %mul3A_2093 : i32 to vector<16xi32>
      %mul3A_2095 = arith.muli %shift_right_logical3A_2092, %mul3A_2094 : vector<16xi32>
      %add3A_2096 = vector.broadcast %mul3A_2 : i32 to vector<16xi32>
      %add3A_2097 = arith.addi %add3A_2096, %mul3A_2095 : vector<16xi32>
      %add3A_2098 = arith.addi %add3A_2097, %gather3A_2084 : vector<16xi32>
      %swap3A_2099 = arith.constant 80 : index
      %swap3A_2100 = tpu.vector_load %arg13[%swap3A_2099] {strides = array<i32>} : memref<128xi32, #tpu.memory_space<vmem>>, vector<16xi32>,
      tpu.vector_store %arg13[%swap3A_2099], %add3A_2098 {strides = array<i32>} : memref<128xi32, #tpu.memory_space<vmem>>, vector<16xi32>,
      %get3A_2101 = arith.constant 1120 : index
      %get3A_2102 = tpu.vector_load %arg11[%get3A_2101] {strides = array<i32>} : memref<2048xi32, #tpu.memory_space<vmem>>, vector<16xi32>,
      %swap3A_2103 = arith.constant 96 : index
      %swap3A_2104 = tpu.vector_load %arg15[%swap3A_2103] {strides = array<i32>} : memref<128xi32, #tpu.memory_space<vmem>>, vector<16xi32>,
      tpu.vector_store %arg15[%swap3A_2103], %get3A_2102 {strides = array<i32>} : memref<128xi32, #tpu.memory_space<vmem>>, vector<16xi32>,
      %shift_right_logical3A_2105 = arith.constant 7 : i32
      %shift_right_logical3A_2106 = vector.broadcast %shift_right_logical3A_2105 : i32 to vector<16xi32>
      %shift_right_logical3A_2107 = arith.shrui %get3A_2102, %shift_right_logical3A_2106 : vector<16xi32>
      %and3A_2108 = arith.constant 127 : i32
      %and3A_2109 = vector.broadcast %and3A_2108 : i32 to vector<16xi32>
      %and3A_2110 = arith.andi %get3A_2102, %and3A_2109 : vector<16xi32>
      %gather3A_2111 = tpu.vector_load_idx %arg10[%shift_right_logical3A_2107, %and3A_2110] : memref<80x128xi32, #tpu.memory_space<vmem>>[vector<16xi32>, vector<16xi32>], vector<16xi32>,
      %swap3A_2112 = arith.constant 1120 : index
      %swap3A_2113 = tpu.vector_load %arg12[%swap3A_2112] {strides = array<i32>} : memref<2048xi32, #tpu.memory_space<vmem>>, vector<16xi32>,
      tpu.vector_store %arg12[%swap3A_2112], %gather3A_2111 {strides = array<i32>} : memref<2048xi32, #tpu.memory_space<vmem>>, vector<16xi32>,
      %add3A_2114 = arith.constant 1120 : i32
      %add3A_2115 = vector.broadcast %add3A_2114 : i32 to vector<16xi32>
      %add3A_2116 = arith.addi %add3A_2115, %iota3A : vector<16xi32>
      %shift_right_logical3A_2117 = arith.constant 5 : i32
      %shift_right_logical3A_2118 = vector.broadcast %shift_right_logical3A_2117 : i32 to vector<16xi32>
      %shift_right_logical3A_2119 = arith.shrui %add3A_2116, %shift_right_logical3A_2118 : vector<16xi32>
      %mul3A_2120 = arith.constant 2 : i32
      %mul3A_2121 = vector.broadcast %mul3A_2120 : i32 to vector<16xi32>
      %mul3A_2122 = arith.muli %shift_right_logical3A_2119, %mul3A_2121 : vector<16xi32>
      %add3A_2123 = vector.broadcast %mul3A_2 : i32 to vector<16xi32>
      %add3A_2124 = arith.addi %add3A_2123, %mul3A_2122 : vector<16xi32>
      %add3A_2125 = arith.addi %add3A_2124, %gather3A_2111 : vector<16xi32>
      %swap3A_2126 = arith.constant 96 : index
      %swap3A_2127 = tpu.vector_load %arg13[%swap3A_2126] {strides = array<i32>} : memref<128xi32, #tpu.memory_space<vmem>>, vector<16xi32>,
      tpu.vector_store %arg13[%swap3A_2126], %add3A_2125 {strides = array<i32>} : memref<128xi32, #tpu.memory_space<vmem>>, vector<16xi32>,
      %get3A_2128 = arith.constant 1136 : index
      %get3A_2129 = tpu.vector_load %arg11[%get3A_2128] {strides = array<i32>} : memref<2048xi32, #tpu.memory_space<vmem>>, vector<16xi32>,
      %swap3A_2130 = arith.constant 112 : index
      %swap3A_2131 = tpu.vector_load %arg15[%swap3A_2130] {strides = array<i32>} : memref<128xi32, #tpu.memory_space<vmem>>, vector<16xi32>,
      tpu.vector_store %arg15[%swap3A_2130], %get3A_2129 {strides = array<i32>} : memref<128xi32, #tpu.memory_space<vmem>>, vector<16xi32>,
      %shift_right_logical3A_2132 = arith.constant 7 : i32
      %shift_right_logical3A_2133 = vector.broadcast %shift_right_logical3A_2132 : i32 to vector<16xi32>
      %shift_right_logical3A_2134 = arith.shrui %get3A_2129, %shift_right_logical3A_2133 : vector<16xi32>
      %and3A_2135 = arith.constant 127 : i32
      %and3A_2136 = vector.broadcast %and3A_2135 : i32 to vector<16xi32>
      %and3A_2137 = arith.andi %get3A_2129, %and3A_2136 : vector<16xi32>
      %gather3A_2138 = tpu.vector_load_idx %arg10[%shift_right_logical3A_2134, %and3A_2137] : memref<80x128xi32, #tpu.memory_space<vmem>>[vector<16xi32>, vector<16xi32>], vector<16xi32>,
      %swap3A_2139 = arith.constant 1136 : index
      %swap3A_2140 = tpu.vector_load %arg12[%swap3A_2139] {strides = array<i32>} : memref<2048xi32, #tpu.memory_space<vmem>>, vector<16xi32>,
      tpu.vector_store %arg12[%swap3A_2139], %gather3A_2138 {strides = array<i32>} : memref<2048xi32, #tpu.memory_space<vmem>>, vector<16xi32>,
      %add3A_2141 = arith.constant 1136 : i32
      %add3A_2142 = vector.broadcast %add3A_2141 : i32 to vector<16xi32>
      %add3A_2143 = arith.addi %add3A_2142, %iota3A : vector<16xi32>
      %shift_right_logical3A_2144 = arith.constant 5 : i32
      %shift_right_logical3A_2145 = vector.broadcast %shift_right_logical3A_2144 : i32 to vector<16xi32>
      %shift_right_logical3A_2146 = arith.shrui %add3A_2143, %shift_right_logical3A_2145 : vector<16xi32>
      %mul3A_2147 = arith.constant 2 : i32
      %mul3A_2148 = vector.broadcast %mul3A_2147 : i32 to vector<16xi32>
      %mul3A_2149 = arith.muli %shift_right_logical3A_2146, %mul3A_2148 : vector<16xi32>
      %add3A_2150 = vector.broadcast %mul3A_2 : i32 to vector<16xi32>
      %add3A_2151 = arith.addi %add3A_2150, %mul3A_2149 : vector<16xi32>
      %add3A_2152 = arith.addi %add3A_2151, %gather3A_2138 : vector<16xi32>
      %swap3A_2153 = arith.constant 112 : index
      %swap3A_2154 = tpu.vector_load %arg13[%swap3A_2153] {strides = array<i32>} : memref<128xi32, #tpu.memory_space<vmem>>, vector<16xi32>,
      tpu.vector_store %arg13[%swap3A_2153], %add3A_2152 {strides = array<i32>} : memref<128xi32, #tpu.memory_space<vmem>>, vector<16xi32>,
      %dma_start3A_2155 = arith.constant 0 : i32
      %dma_start3A_2156 = arith.constant 0 : i32
      %dma_start3A_2157 = tpu.memref_slice %arg2[%dma_start3A_2155, %dma_start3A_2156] : memref<10000x128xf32, #tpu.memory_space<hbm>> -> memref<10000x128xf32, #tpu.memory_space<hbm>>
      tpu.enqueue_indirect_dma source(%dma_start3A_2157 : memref<10000x128xf32, #tpu.memory_space<hbm>>) target(%arg17 : memref<128x128xf32, #tpu.memory_space<vmem>>) offsets(%arg15 : memref<128xi32, #tpu.memory_space<vmem>>) semaphore(%arg22 : memref<!tpu.dma_semaphore, #tpu.memory_space<semaphore_mem>>)
      %dma_start3A_2158 = arith.constant 0 : i32
      %dma_start3A_2159 = arith.constant 0 : i32
      %dma_start3A_2160 = tpu.memref_slice %arg3[%dma_start3A_2158, %dma_start3A_2159] : memref<10000x128xf32, #tpu.memory_space<hbm>> -> memref<10000x128xf32, #tpu.memory_space<hbm>>
      tpu.enqueue_indirect_dma source(%dma_start3A_2160 : memref<10000x128xf32, #tpu.memory_space<hbm>>) target(%arg19 : memref<128x128xf32, #tpu.memory_space<vmem>>) offsets(%arg15 : memref<128xi32, #tpu.memory_space<vmem>>) semaphore(%arg22 : memref<!tpu.dma_semaphore, #tpu.memory_space<semaphore_mem>>)
      %dma_wait3A_2161 = arith.constant 0 : i32
      %dma_wait3A_2162 = arith.constant 0 : i32
      %dma_wait3A_2163 = tpu.memref_slice %arg2[%dma_wait3A_2161, %dma_wait3A_2162] : memref<10000x128xf32, #tpu.memory_space<hbm>> -> memref<10000x128xf32, #tpu.memory_space<hbm>>
      tpu.wait_indirect_dma semaphore(%arg23 : memref<!tpu.dma_semaphore, #tpu.memory_space<semaphore_mem>>) src(%dma_wait3A_2163 : memref<10000x128xf32, #tpu.memory_space<hbm>>) dst(%arg18 : memref<128x128xf32, #tpu.memory_space<vmem>>)
      %dma_wait3A_2164 = arith.constant 0 : i32
      %dma_wait3A_2165 = arith.constant 0 : i32
      %dma_wait3A_2166 = tpu.memref_slice %arg3[%dma_wait3A_2164, %dma_wait3A_2165] : memref<10000x128xf32, #tpu.memory_space<hbm>> -> memref<10000x128xf32, #tpu.memory_space<hbm>>
      tpu.wait_indirect_dma semaphore(%arg23 : memref<!tpu.dma_semaphore, #tpu.memory_space<semaphore_mem>>) src(%dma_wait3A_2166 : memref<10000x128xf32, #tpu.memory_space<hbm>>) dst(%arg20 : memref<128x128xf32, #tpu.memory_space<vmem>>)
      %dma_start3A_2167 = arith.constant 0 : i32
      %dma_start3A_2168 = arith.constant 0 : i32
      %dma_start3A_2169 = tpu.memref_slice %arg21[%dma_start3A_2167, %dma_start3A_2168] : memref<2048x128xf32, #tpu.memory_space<vmem_shared>> -> memref<2048x128xf32, #tpu.memory_space<vmem_shared>>
      tpu.enqueue_indirect_dma source(%arg18 : memref<128x128xf32, #tpu.memory_space<vmem>>) target(%dma_start3A_2169 : memref<2048x128xf32, #tpu.memory_space<vmem_shared>>) offsets(%arg14 : memref<128xi32, #tpu.memory_space<vmem>>) semaphore(%arg25 : memref<!tpu.dma_semaphore, #tpu.memory_space<semaphore_mem>>) {add = true}
      %add3A_2170 = arith.constant 896 : i32
      %add3A_2171 = arith.addi %mul3A_15, %add3A_2170 : i32
      %dma_start3A_2172 = arith.constant 0 : i32
      %dma_start3A_2173 = tpu.memref_slice %arg8[%add3A_2171, %dma_start3A_2172] : memref<327680x128xf32, #tpu.memory_space<hbm>> -> memref<128x128xf32, #tpu.memory_space<hbm>>
      %dma_start3A_2174 = arith.constant 0 : i32
      %dma_start3A_2175 = tpu.memref_slice %arg8[%add3A_2171, %dma_start3A_2174] : memref<327680x128xf32, #tpu.memory_space<hbm>> -> memref<128x128xf32, #tpu.memory_space<hbm>>
      tpu.enqueue_dma source(%arg20 : memref<128x128xf32, #tpu.memory_space<vmem>>) target(%dma_start3A_2175 : memref<128x128xf32, #tpu.memory_space<hbm>>) target_semaphore(%arg27 : memref<!tpu.dma_semaphore, #tpu.memory_space<semaphore_mem>>)
      %dma_wait3A_2176 = arith.constant 0 : i32
      %dma_wait3A_2177 = arith.constant 0 : i32
      %dma_wait3A_2178 = tpu.memref_slice %arg21[%dma_wait3A_2176, %dma_wait3A_2177] : memref<2048x128xf32, #tpu.memory_space<vmem_shared>> -> memref<2048x128xf32, #tpu.memory_space<vmem_shared>>
      tpu.wait_indirect_dma semaphore(%arg25 : memref<!tpu.dma_semaphore, #tpu.memory_space<semaphore_mem>>) src(%arg18 : memref<128x128xf32, #tpu.memory_space<vmem>>) dst(%dma_wait3A_2178 : memref<2048x128xf32, #tpu.memory_space<vmem_shared>>)
      %dma_wait3A_2179 = arith.constant 0 : i32
      %dma_wait3A_2180 = tpu.memref_slice %arg8[%add3A_2171, %dma_wait3A_2179] : memref<327680x128xf32, #tpu.memory_space<hbm>> -> memref<128x128xf32, #tpu.memory_space<hbm>>
      %dma_wait3A_2181 = arith.constant 0 : i32
      %dma_wait3A_2182 = tpu.memref_slice %arg8[%add3A_2171, %dma_wait3A_2181] : memref<327680x128xf32, #tpu.memory_space<hbm>> -> memref<128x128xf32, #tpu.memory_space<hbm>>
      tpu.wait_dma2 semaphore(%arg27 : memref<!tpu.dma_semaphore, #tpu.memory_space<semaphore_mem>>) src(%arg20 : memref<128x128xf32, #tpu.memory_space<vmem>>) dst(%dma_wait3A_2182 : memref<128x128xf32, #tpu.memory_space<hbm>>)
      %get3A_2183 = arith.constant 1152 : index
      %get3A_2184 = tpu.vector_load %arg11[%get3A_2183] {strides = array<i32>} : memref<2048xi32, #tpu.memory_space<vmem>>, vector<16xi32>,
      %swap3A_2185 = arith.constant 0 : index
      %swap3A_2186 = tpu.vector_load %arg16[%swap3A_2185] {strides = array<i32>} : memref<128xi32, #tpu.memory_space<vmem>>, vector<16xi32>,
      tpu.vector_store %arg16[%swap3A_2185], %get3A_2184 {strides = array<i32>} : memref<128xi32, #tpu.memory_space<vmem>>, vector<16xi32>,
      %shift_right_logical3A_2187 = arith.constant 7 : i32
      %shift_right_logical3A_2188 = vector.broadcast %shift_right_logical3A_2187 : i32 to vector<16xi32>
      %shift_right_logical3A_2189 = arith.shrui %get3A_2184, %shift_right_logical3A_2188 : vector<16xi32>
      %and3A_2190 = arith.constant 127 : i32
      %and3A_2191 = vector.broadcast %and3A_2190 : i32 to vector<16xi32>
      %and3A_2192 = arith.andi %get3A_2184, %and3A_2191 : vector<16xi32>
      %gather3A_2193 = tpu.vector_load_idx %arg10[%shift_right_logical3A_2189, %and3A_2192] : memref<80x128xi32, #tpu.memory_space<vmem>>[vector<16xi32>, vector<16xi32>], vector<16xi32>,
      %swap3A_2194 = arith.constant 1152 : index
      %swap3A_2195 = tpu.vector_load %arg12[%swap3A_2194] {strides = array<i32>} : memref<2048xi32, #tpu.memory_space<vmem>>, vector<16xi32>,
      tpu.vector_store %arg12[%swap3A_2194], %gather3A_2193 {strides = array<i32>} : memref<2048xi32, #tpu.memory_space<vmem>>, vector<16xi32>,
      %add3A_2196 = arith.constant 1152 : i32
      %add3A_2197 = vector.broadcast %add3A_2196 : i32 to vector<16xi32>
      %add3A_2198 = arith.addi %add3A_2197, %iota3A : vector<16xi32>
      %shift_right_logical3A_2199 = arith.constant 5 : i32
      %shift_right_logical3A_2200 = vector.broadcast %shift_right_logical3A_2199 : i32 to vector<16xi32>
      %shift_right_logical3A_2201 = arith.shrui %add3A_2198, %shift_right_logical3A_2200 : vector<16xi32>
      %mul3A_2202 = arith.constant 2 : i32
      %mul3A_2203 = vector.broadcast %mul3A_2202 : i32 to vector<16xi32>
      %mul3A_2204 = arith.muli %shift_right_logical3A_2201, %mul3A_2203 : vector<16xi32>
      %add3A_2205 = vector.broadcast %mul3A_2 : i32 to vector<16xi32>
      %add3A_2206 = arith.addi %add3A_2205, %mul3A_2204 : vector<16xi32>
      %add3A_2207 = arith.addi %add3A_2206, %gather3A_2193 : vector<16xi32>
      %swap3A_2208 = arith.constant 0 : index
      %swap3A_2209 = tpu.vector_load %arg14[%swap3A_2208] {strides = array<i32>} : memref<128xi32, #tpu.memory_space<vmem>>, vector<16xi32>,
      tpu.vector_store %arg14[%swap3A_2208], %add3A_2207 {strides = array<i32>} : memref<128xi32, #tpu.memory_space<vmem>>, vector<16xi32>,
      %get3A_2210 = arith.constant 1168 : index
      %get3A_2211 = tpu.vector_load %arg11[%get3A_2210] {strides = array<i32>} : memref<2048xi32, #tpu.memory_space<vmem>>, vector<16xi32>,
      %swap3A_2212 = arith.constant 16 : index
      %swap3A_2213 = tpu.vector_load %arg16[%swap3A_2212] {strides = array<i32>} : memref<128xi32, #tpu.memory_space<vmem>>, vector<16xi32>,
      tpu.vector_store %arg16[%swap3A_2212], %get3A_2211 {strides = array<i32>} : memref<128xi32, #tpu.memory_space<vmem>>, vector<16xi32>,
      %shift_right_logical3A_2214 = arith.constant 7 : i32
      %shift_right_logical3A_2215 = vector.broadcast %shift_right_logical3A_2214 : i32 to vector<16xi32>
      %shift_right_logical3A_2216 = arith.shrui %get3A_2211, %shift_right_logical3A_2215 : vector<16xi32>
      %and3A_2217 = arith.constant 127 : i32
      %and3A_2218 = vector.broadcast %and3A_2217 : i32 to vector<16xi32>
      %and3A_2219 = arith.andi %get3A_2211, %and3A_2218 : vector<16xi32>
      %gather3A_2220 = tpu.vector_load_idx %arg10[%shift_right_logical3A_2216, %and3A_2219] : memref<80x128xi32, #tpu.memory_space<vmem>>[vector<16xi32>, vector<16xi32>], vector<16xi32>,
      %swap3A_2221 = arith.constant 1168 : index
      %swap3A_2222 = tpu.vector_load %arg12[%swap3A_2221] {strides = array<i32>} : memref<2048xi32, #tpu.memory_space<vmem>>, vector<16xi32>,
      tpu.vector_store %arg12[%swap3A_2221], %gather3A_2220 {strides = array<i32>} : memref<2048xi32, #tpu.memory_space<vmem>>, vector<16xi32>,
      %add3A_2223 = arith.constant 1168 : i32
      %add3A_2224 = vector.broadcast %add3A_2223 : i32 to vector<16xi32>
      %add3A_2225 = arith.addi %add3A_2224, %iota3A : vector<16xi32>
      %shift_right_logical3A_2226 = arith.constant 5 : i32
      %shift_right_logical3A_2227 = vector.broadcast %shift_right_logical3A_2226 : i32 to vector<16xi32>
      %shift_right_logical3A_2228 = arith.shrui %add3A_2225, %shift_right_logical3A_2227 : vector<16xi32>
      %mul3A_2229 = arith.constant 2 : i32
      %mul3A_2230 = vector.broadcast %mul3A_2229 : i32 to vector<16xi32>
      %mul3A_2231 = arith.muli %shift_right_logical3A_2228, %mul3A_2230 : vector<16xi32>
      %add3A_2232 = vector.broadcast %mul3A_2 : i32 to vector<16xi32>
      %add3A_2233 = arith.addi %add3A_2232, %mul3A_2231 : vector<16xi32>
      %add3A_2234 = arith.addi %add3A_2233, %gather3A_2220 : vector<16xi32>
      %swap3A_2235 = arith.constant 16 : index
      %swap3A_2236 = tpu.vector_load %arg14[%swap3A_2235] {strides = array<i32>} : memref<128xi32, #tpu.memory_space<vmem>>, vector<16xi32>,
      tpu.vector_store %arg14[%swap3A_2235], %add3A_2234 {strides = array<i32>} : memref<128xi32, #tpu.memory_space<vmem>>, vector<16xi32>,
      %get3A_2237 = arith.constant 1184 : index
      %get3A_2238 = tpu.vector_load %arg11[%get3A_2237] {strides = array<i32>} : memref<2048xi32, #tpu.memory_space<vmem>>, vector<16xi32>,
      %swap3A_2239 = arith.constant 32 : index
      %swap3A_2240 = tpu.vector_load %arg16[%swap3A_2239] {strides = array<i32>} : memref<128xi32, #tpu.memory_space<vmem>>, vector<16xi32>,
      tpu.vector_store %arg16[%swap3A_2239], %get3A_2238 {strides = array<i32>} : memref<128xi32, #tpu.memory_space<vmem>>, vector<16xi32>,
      %shift_right_logical3A_2241 = arith.constant 7 : i32
      %shift_right_logical3A_2242 = vector.broadcast %shift_right_logical3A_2241 : i32 to vector<16xi32>
      %shift_right_logical3A_2243 = arith.shrui %get3A_2238, %shift_right_logical3A_2242 : vector<16xi32>
      %and3A_2244 = arith.constant 127 : i32
      %and3A_2245 = vector.broadcast %and3A_2244 : i32 to vector<16xi32>
      %and3A_2246 = arith.andi %get3A_2238, %and3A_2245 : vector<16xi32>
      %gather3A_2247 = tpu.vector_load_idx %arg10[%shift_right_logical3A_2243, %and3A_2246] : memref<80x128xi32, #tpu.memory_space<vmem>>[vector<16xi32>, vector<16xi32>], vector<16xi32>,
      %swap3A_2248 = arith.constant 1184 : index
      %swap3A_2249 = tpu.vector_load %arg12[%swap3A_2248] {strides = array<i32>} : memref<2048xi32, #tpu.memory_space<vmem>>, vector<16xi32>,
      tpu.vector_store %arg12[%swap3A_2248], %gather3A_2247 {strides = array<i32>} : memref<2048xi32, #tpu.memory_space<vmem>>, vector<16xi32>,
      %add3A_2250 = arith.constant 1184 : i32
      %add3A_2251 = vector.broadcast %add3A_2250 : i32 to vector<16xi32>
      %add3A_2252 = arith.addi %add3A_2251, %iota3A : vector<16xi32>
      %shift_right_logical3A_2253 = arith.constant 5 : i32
      %shift_right_logical3A_2254 = vector.broadcast %shift_right_logical3A_2253 : i32 to vector<16xi32>
      %shift_right_logical3A_2255 = arith.shrui %add3A_2252, %shift_right_logical3A_2254 : vector<16xi32>
      %mul3A_2256 = arith.constant 2 : i32
      %mul3A_2257 = vector.broadcast %mul3A_2256 : i32 to vector<16xi32>
      %mul3A_2258 = arith.muli %shift_right_logical3A_2255, %mul3A_2257 : vector<16xi32>
      %add3A_2259 = vector.broadcast %mul3A_2 : i32 to vector<16xi32>
      %add3A_2260 = arith.addi %add3A_2259, %mul3A_2258 : vector<16xi32>
      %add3A_2261 = arith.addi %add3A_2260, %gather3A_2247 : vector<16xi32>
      %swap3A_2262 = arith.constant 32 : index
      %swap3A_2263 = tpu.vector_load %arg14[%swap3A_2262] {strides = array<i32>} : memref<128xi32, #tpu.memory_space<vmem>>, vector<16xi32>,
      tpu.vector_store %arg14[%swap3A_2262], %add3A_2261 {strides = array<i32>} : memref<128xi32, #tpu.memory_space<vmem>>, vector<16xi32>,
      %get3A_2264 = arith.constant 1200 : index
      %get3A_2265 = tpu.vector_load %arg11[%get3A_2264] {strides = array<i32>} : memref<2048xi32, #tpu.memory_space<vmem>>, vector<16xi32>,
      %swap3A_2266 = arith.constant 48 : index
      %swap3A_2267 = tpu.vector_load %arg16[%swap3A_2266] {strides = array<i32>} : memref<128xi32, #tpu.memory_space<vmem>>, vector<16xi32>,
      tpu.vector_store %arg16[%swap3A_2266], %get3A_2265 {strides = array<i32>} : memref<128xi32, #tpu.memory_space<vmem>>, vector<16xi32>,
      %shift_right_logical3A_2268 = arith.constant 7 : i32
      %shift_right_logical3A_2269 = vector.broadcast %shift_right_logical3A_2268 : i32 to vector<16xi32>
      %shift_right_logical3A_2270 = arith.shrui %get3A_2265, %shift_right_logical3A_2269 : vector<16xi32>
      %and3A_2271 = arith.constant 127 : i32
      %and3A_2272 = vector.broadcast %and3A_2271 : i32 to vector<16xi32>
      %and3A_2273 = arith.andi %get3A_2265, %and3A_2272 : vector<16xi32>
      %gather3A_2274 = tpu.vector_load_idx %arg10[%shift_right_logical3A_2270, %and3A_2273] : memref<80x128xi32, #tpu.memory_space<vmem>>[vector<16xi32>, vector<16xi32>], vector<16xi32>,
      %swap3A_2275 = arith.constant 1200 : index
      %swap3A_2276 = tpu.vector_load %arg12[%swap3A_2275] {strides = array<i32>} : memref<2048xi32, #tpu.memory_space<vmem>>, vector<16xi32>,
      tpu.vector_store %arg12[%swap3A_2275], %gather3A_2274 {strides = array<i32>} : memref<2048xi32, #tpu.memory_space<vmem>>, vector<16xi32>,
      %add3A_2277 = arith.constant 1200 : i32
      %add3A_2278 = vector.broadcast %add3A_2277 : i32 to vector<16xi32>
      %add3A_2279 = arith.addi %add3A_2278, %iota3A : vector<16xi32>
      %shift_right_logical3A_2280 = arith.constant 5 : i32
      %shift_right_logical3A_2281 = vector.broadcast %shift_right_logical3A_2280 : i32 to vector<16xi32>
      %shift_right_logical3A_2282 = arith.shrui %add3A_2279, %shift_right_logical3A_2281 : vector<16xi32>
      %mul3A_2283 = arith.constant 2 : i32
      %mul3A_2284 = vector.broadcast %mul3A_2283 : i32 to vector<16xi32>
      %mul3A_2285 = arith.muli %shift_right_logical3A_2282, %mul3A_2284 : vector<16xi32>
      %add3A_2286 = vector.broadcast %mul3A_2 : i32 to vector<16xi32>
      %add3A_2287 = arith.addi %add3A_2286, %mul3A_2285 : vector<16xi32>
      %add3A_2288 = arith.addi %add3A_2287, %gather3A_2274 : vector<16xi32>
      %swap3A_2289 = arith.constant 48 : index
      %swap3A_2290 = tpu.vector_load %arg14[%swap3A_2289] {strides = array<i32>} : memref<128xi32, #tpu.memory_space<vmem>>, vector<16xi32>,
      tpu.vector_store %arg14[%swap3A_2289], %add3A_2288 {strides = array<i32>} : memref<128xi32, #tpu.memory_space<vmem>>, vector<16xi32>,
      %get3A_2291 = arith.constant 1216 : index
      %get3A_2292 = tpu.vector_load %arg11[%get3A_2291] {strides = array<i32>} : memref<2048xi32, #tpu.memory_space<vmem>>, vector<16xi32>,
      %swap3A_2293 = arith.constant 64 : index
      %swap3A_2294 = tpu.vector_load %arg16[%swap3A_2293] {strides = array<i32>} : memref<128xi32, #tpu.memory_space<vmem>>, vector<16xi32>,
      tpu.vector_store %arg16[%swap3A_2293], %get3A_2292 {strides = array<i32>} : memref<128xi32, #tpu.memory_space<vmem>>, vector<16xi32>,
      %shift_right_logical3A_2295 = arith.constant 7 : i32
      %shift_right_logical3A_2296 = vector.broadcast %shift_right_logical3A_2295 : i32 to vector<16xi32>
      %shift_right_logical3A_2297 = arith.shrui %get3A_2292, %shift_right_logical3A_2296 : vector<16xi32>
      %and3A_2298 = arith.constant 127 : i32
      %and3A_2299 = vector.broadcast %and3A_2298 : i32 to vector<16xi32>
      %and3A_2300 = arith.andi %get3A_2292, %and3A_2299 : vector<16xi32>
      %gather3A_2301 = tpu.vector_load_idx %arg10[%shift_right_logical3A_2297, %and3A_2300] : memref<80x128xi32, #tpu.memory_space<vmem>>[vector<16xi32>, vector<16xi32>], vector<16xi32>,
      %swap3A_2302 = arith.constant 1216 : index
      %swap3A_2303 = tpu.vector_load %arg12[%swap3A_2302] {strides = array<i32>} : memref<2048xi32, #tpu.memory_space<vmem>>, vector<16xi32>,
      tpu.vector_store %arg12[%swap3A_2302], %gather3A_2301 {strides = array<i32>} : memref<2048xi32, #tpu.memory_space<vmem>>, vector<16xi32>,
      %add3A_2304 = arith.constant 1216 : i32
      %add3A_2305 = vector.broadcast %add3A_2304 : i32 to vector<16xi32>
      %add3A_2306 = arith.addi %add3A_2305, %iota3A : vector<16xi32>
      %shift_right_logical3A_2307 = arith.constant 5 : i32
      %shift_right_logical3A_2308 = vector.broadcast %shift_right_logical3A_2307 : i32 to vector<16xi32>
      %shift_right_logical3A_2309 = arith.shrui %add3A_2306, %shift_right_logical3A_2308 : vector<16xi32>
      %mul3A_2310 = arith.constant 2 : i32
      %mul3A_2311 = vector.broadcast %mul3A_2310 : i32 to vector<16xi32>
      %mul3A_2312 = arith.muli %shift_right_logical3A_2309, %mul3A_2311 : vector<16xi32>
      %add3A_2313 = vector.broadcast %mul3A_2 : i32 to vector<16xi32>
      %add3A_2314 = arith.addi %add3A_2313, %mul3A_2312 : vector<16xi32>
      %add3A_2315 = arith.addi %add3A_2314, %gather3A_2301 : vector<16xi32>
      %swap3A_2316 = arith.constant 64 : index
      %swap3A_2317 = tpu.vector_load %arg14[%swap3A_2316] {strides = array<i32>} : memref<128xi32, #tpu.memory_space<vmem>>, vector<16xi32>,
      tpu.vector_store %arg14[%swap3A_2316], %add3A_2315 {strides = array<i32>} : memref<128xi32, #tpu.memory_space<vmem>>, vector<16xi32>,
      %get3A_2318 = arith.constant 1232 : index
      %get3A_2319 = tpu.vector_load %arg11[%get3A_2318] {strides = array<i32>} : memref<2048xi32, #tpu.memory_space<vmem>>, vector<16xi32>,
      %swap3A_2320 = arith.constant 80 : index
      %swap3A_2321 = tpu.vector_load %arg16[%swap3A_2320] {strides = array<i32>} : memref<128xi32, #tpu.memory_space<vmem>>, vector<16xi32>,
      tpu.vector_store %arg16[%swap3A_2320], %get3A_2319 {strides = array<i32>} : memref<128xi32, #tpu.memory_space<vmem>>, vector<16xi32>,
      %shift_right_logical3A_2322 = arith.constant 7 : i32
      %shift_right_logical3A_2323 = vector.broadcast %shift_right_logical3A_2322 : i32 to vector<16xi32>
      %shift_right_logical3A_2324 = arith.shrui %get3A_2319, %shift_right_logical3A_2323 : vector<16xi32>
      %and3A_2325 = arith.constant 127 : i32
      %and3A_2326 = vector.broadcast %and3A_2325 : i32 to vector<16xi32>
      %and3A_2327 = arith.andi %get3A_2319, %and3A_2326 : vector<16xi32>
      %gather3A_2328 = tpu.vector_load_idx %arg10[%shift_right_logical3A_2324, %and3A_2327] : memref<80x128xi32, #tpu.memory_space<vmem>>[vector<16xi32>, vector<16xi32>], vector<16xi32>,
      %swap3A_2329 = arith.constant 1232 : index
      %swap3A_2330 = tpu.vector_load %arg12[%swap3A_2329] {strides = array<i32>} : memref<2048xi32, #tpu.memory_space<vmem>>, vector<16xi32>,
      tpu.vector_store %arg12[%swap3A_2329], %gather3A_2328 {strides = array<i32>} : memref<2048xi32, #tpu.memory_space<vmem>>, vector<16xi32>,
      %add3A_2331 = arith.constant 1232 : i32
      %add3A_2332 = vector.broadcast %add3A_2331 : i32 to vector<16xi32>
      %add3A_2333 = arith.addi %add3A_2332, %iota3A : vector<16xi32>
      %shift_right_logical3A_2334 = arith.constant 5 : i32
      %shift_right_logical3A_2335 = vector.broadcast %shift_right_logical3A_2334 : i32 to vector<16xi32>
      %shift_right_logical3A_2336 = arith.shrui %add3A_2333, %shift_right_logical3A_2335 : vector<16xi32>
      %mul3A_2337 = arith.constant 2 : i32
      %mul3A_2338 = vector.broadcast %mul3A_2337 : i32 to vector<16xi32>
      %mul3A_2339 = arith.muli %shift_right_logical3A_2336, %mul3A_2338 : vector<16xi32>
      %add3A_2340 = vector.broadcast %mul3A_2 : i32 to vector<16xi32>
      %add3A_2341 = arith.addi %add3A_2340, %mul3A_2339 : vector<16xi32>
      %add3A_2342 = arith.addi %add3A_2341, %gather3A_2328 : vector<16xi32>
      %swap3A_2343 = arith.constant 80 : index
      %swap3A_2344 = tpu.vector_load %arg14[%swap3A_2343] {strides = array<i32>} : memref<128xi32, #tpu.memory_space<vmem>>, vector<16xi32>,
      tpu.vector_store %arg14[%swap3A_2343], %add3A_2342 {strides = array<i32>} : memref<128xi32, #tpu.memory_space<vmem>>, vector<16xi32>,
      %get3A_2345 = arith.constant 1248 : index
      %get3A_2346 = tpu.vector_load %arg11[%get3A_2345] {strides = array<i32>} : memref<2048xi32, #tpu.memory_space<vmem>>, vector<16xi32>,
      %swap3A_2347 = arith.constant 96 : index
      %swap3A_2348 = tpu.vector_load %arg16[%swap3A_2347] {strides = array<i32>} : memref<128xi32, #tpu.memory_space<vmem>>, vector<16xi32>,
      tpu.vector_store %arg16[%swap3A_2347], %get3A_2346 {strides = array<i32>} : memref<128xi32, #tpu.memory_space<vmem>>, vector<16xi32>,
      %shift_right_logical3A_2349 = arith.constant 7 : i32
      %shift_right_logical3A_2350 = vector.broadcast %shift_right_logical3A_2349 : i32 to vector<16xi32>
      %shift_right_logical3A_2351 = arith.shrui %get3A_2346, %shift_right_logical3A_2350 : vector<16xi32>
      %and3A_2352 = arith.constant 127 : i32
      %and3A_2353 = vector.broadcast %and3A_2352 : i32 to vector<16xi32>
      %and3A_2354 = arith.andi %get3A_2346, %and3A_2353 : vector<16xi32>
      %gather3A_2355 = tpu.vector_load_idx %arg10[%shift_right_logical3A_2351, %and3A_2354] : memref<80x128xi32, #tpu.memory_space<vmem>>[vector<16xi32>, vector<16xi32>], vector<16xi32>,
      %swap3A_2356 = arith.constant 1248 : index
      %swap3A_2357 = tpu.vector_load %arg12[%swap3A_2356] {strides = array<i32>} : memref<2048xi32, #tpu.memory_space<vmem>>, vector<16xi32>,
      tpu.vector_store %arg12[%swap3A_2356], %gather3A_2355 {strides = array<i32>} : memref<2048xi32, #tpu.memory_space<vmem>>, vector<16xi32>,
      %add3A_2358 = arith.constant 1248 : i32
      %add3A_2359 = vector.broadcast %add3A_2358 : i32 to vector<16xi32>
      %add3A_2360 = arith.addi %add3A_2359, %iota3A : vector<16xi32>
      %shift_right_logical3A_2361 = arith.constant 5 : i32
      %shift_right_logical3A_2362 = vector.broadcast %shift_right_logical3A_2361 : i32 to vector<16xi32>
      %shift_right_logical3A_2363 = arith.shrui %add3A_2360, %shift_right_logical3A_2362 : vector<16xi32>
      %mul3A_2364 = arith.constant 2 : i32
      %mul3A_2365 = vector.broadcast %mul3A_2364 : i32 to vector<16xi32>
      %mul3A_2366 = arith.muli %shift_right_logical3A_2363, %mul3A_2365 : vector<16xi32>
      %add3A_2367 = vector.broadcast %mul3A_2 : i32 to vector<16xi32>
      %add3A_2368 = arith.addi %add3A_2367, %mul3A_2366 : vector<16xi32>
      %add3A_2369 = arith.addi %add3A_2368, %gather3A_2355 : vector<16xi32>
      %swap3A_2370 = arith.constant 96 : index
      %swap3A_2371 = tpu.vector_load %arg14[%swap3A_2370] {strides = array<i32>} : memref<128xi32, #tpu.memory_space<vmem>>, vector<16xi32>,
      tpu.vector_store %arg14[%swap3A_2370], %add3A_2369 {strides = array<i32>} : memref<128xi32, #tpu.memory_space<vmem>>, vector<16xi32>,
      %get3A_2372 = arith.constant 1264 : index
      %get3A_2373 = tpu.vector_load %arg11[%get3A_2372] {strides = array<i32>} : memref<2048xi32, #tpu.memory_space<vmem>>, vector<16xi32>,
      %swap3A_2374 = arith.constant 112 : index
      %swap3A_2375 = tpu.vector_load %arg16[%swap3A_2374] {strides = array<i32>} : memref<128xi32, #tpu.memory_space<vmem>>, vector<16xi32>,
      tpu.vector_store %arg16[%swap3A_2374], %get3A_2373 {strides = array<i32>} : memref<128xi32, #tpu.memory_space<vmem>>, vector<16xi32>,
      %shift_right_logical3A_2376 = arith.constant 7 : i32
      %shift_right_logical3A_2377 = vector.broadcast %shift_right_logical3A_2376 : i32 to vector<16xi32>
      %shift_right_logical3A_2378 = arith.shrui %get3A_2373, %shift_right_logical3A_2377 : vector<16xi32>
      %and3A_2379 = arith.constant 127 : i32
      %and3A_2380 = vector.broadcast %and3A_2379 : i32 to vector<16xi32>
      %and3A_2381 = arith.andi %get3A_2373, %and3A_2380 : vector<16xi32>
      %gather3A_2382 = tpu.vector_load_idx %arg10[%shift_right_logical3A_2378, %and3A_2381] : memref<80x128xi32, #tpu.memory_space<vmem>>[vector<16xi32>, vector<16xi32>], vector<16xi32>,
      %swap3A_2383 = arith.constant 1264 : index
      %swap3A_2384 = tpu.vector_load %arg12[%swap3A_2383] {strides = array<i32>} : memref<2048xi32, #tpu.memory_space<vmem>>, vector<16xi32>,
      tpu.vector_store %arg12[%swap3A_2383], %gather3A_2382 {strides = array<i32>} : memref<2048xi32, #tpu.memory_space<vmem>>, vector<16xi32>,
      %add3A_2385 = arith.constant 1264 : i32
      %add3A_2386 = vector.broadcast %add3A_2385 : i32 to vector<16xi32>
      %add3A_2387 = arith.addi %add3A_2386, %iota3A : vector<16xi32>
      %shift_right_logical3A_2388 = arith.constant 5 : i32
      %shift_right_logical3A_2389 = vector.broadcast %shift_right_logical3A_2388 : i32 to vector<16xi32>
      %shift_right_logical3A_2390 = arith.shrui %add3A_2387, %shift_right_logical3A_2389 : vector<16xi32>
      %mul3A_2391 = arith.constant 2 : i32
      %mul3A_2392 = vector.broadcast %mul3A_2391 : i32 to vector<16xi32>
      %mul3A_2393 = arith.muli %shift_right_logical3A_2390, %mul3A_2392 : vector<16xi32>
      %add3A_2394 = vector.broadcast %mul3A_2 : i32 to vector<16xi32>
      %add3A_2395 = arith.addi %add3A_2394, %mul3A_2393 : vector<16xi32>
      %add3A_2396 = arith.addi %add3A_2395, %gather3A_2382 : vector<16xi32>
      %swap3A_2397 = arith.constant 112 : index
      %swap3A_2398 = tpu.vector_load %arg14[%swap3A_2397] {strides = array<i32>} : memref<128xi32, #tpu.memory_space<vmem>>, vector<16xi32>,
      tpu.vector_store %arg14[%swap3A_2397], %add3A_2396 {strides = array<i32>} : memref<128xi32, #tpu.memory_space<vmem>>, vector<16xi32>,
      %dma_start3A_2399 = arith.constant 0 : i32
      %dma_start3A_2400 = arith.constant 0 : i32
      %dma_start3A_2401 = tpu.memref_slice %arg2[%dma_start3A_2399, %dma_start3A_2400] : memref<10000x128xf32, #tpu.memory_space<hbm>> -> memref<10000x128xf32, #tpu.memory_space<hbm>>
      tpu.enqueue_indirect_dma source(%dma_start3A_2401 : memref<10000x128xf32, #tpu.memory_space<hbm>>) target(%arg18 : memref<128x128xf32, #tpu.memory_space<vmem>>) offsets(%arg16 : memref<128xi32, #tpu.memory_space<vmem>>) semaphore(%arg23 : memref<!tpu.dma_semaphore, #tpu.memory_space<semaphore_mem>>)
      %dma_start3A_2402 = arith.constant 0 : i32
      %dma_start3A_2403 = arith.constant 0 : i32
      %dma_start3A_2404 = tpu.memref_slice %arg3[%dma_start3A_2402, %dma_start3A_2403] : memref<10000x128xf32, #tpu.memory_space<hbm>> -> memref<10000x128xf32, #tpu.memory_space<hbm>>
      tpu.enqueue_indirect_dma source(%dma_start3A_2404 : memref<10000x128xf32, #tpu.memory_space<hbm>>) target(%arg20 : memref<128x128xf32, #tpu.memory_space<vmem>>) offsets(%arg16 : memref<128xi32, #tpu.memory_space<vmem>>) semaphore(%arg23 : memref<!tpu.dma_semaphore, #tpu.memory_space<semaphore_mem>>)
      %dma_wait3A_2405 = arith.constant 0 : i32
      %dma_wait3A_2406 = arith.constant 0 : i32
      %dma_wait3A_2407 = tpu.memref_slice %arg2[%dma_wait3A_2405, %dma_wait3A_2406] : memref<10000x128xf32, #tpu.memory_space<hbm>> -> memref<10000x128xf32, #tpu.memory_space<hbm>>
      tpu.wait_indirect_dma semaphore(%arg22 : memref<!tpu.dma_semaphore, #tpu.memory_space<semaphore_mem>>) src(%dma_wait3A_2407 : memref<10000x128xf32, #tpu.memory_space<hbm>>) dst(%arg17 : memref<128x128xf32, #tpu.memory_space<vmem>>)
      %dma_wait3A_2408 = arith.constant 0 : i32
      %dma_wait3A_2409 = arith.constant 0 : i32
      %dma_wait3A_2410 = tpu.memref_slice %arg3[%dma_wait3A_2408, %dma_wait3A_2409] : memref<10000x128xf32, #tpu.memory_space<hbm>> -> memref<10000x128xf32, #tpu.memory_space<hbm>>
      tpu.wait_indirect_dma semaphore(%arg22 : memref<!tpu.dma_semaphore, #tpu.memory_space<semaphore_mem>>) src(%dma_wait3A_2410 : memref<10000x128xf32, #tpu.memory_space<hbm>>) dst(%arg19 : memref<128x128xf32, #tpu.memory_space<vmem>>)
      %dma_start3A_2411 = arith.constant 0 : i32
      %dma_start3A_2412 = arith.constant 0 : i32
      %dma_start3A_2413 = tpu.memref_slice %arg21[%dma_start3A_2411, %dma_start3A_2412] : memref<2048x128xf32, #tpu.memory_space<vmem_shared>> -> memref<2048x128xf32, #tpu.memory_space<vmem_shared>>
      tpu.enqueue_indirect_dma source(%arg17 : memref<128x128xf32, #tpu.memory_space<vmem>>) target(%dma_start3A_2413 : memref<2048x128xf32, #tpu.memory_space<vmem_shared>>) offsets(%arg13 : memref<128xi32, #tpu.memory_space<vmem>>) semaphore(%arg24 : memref<!tpu.dma_semaphore, #tpu.memory_space<semaphore_mem>>) {add = true}
      %add3A_2414 = arith.constant 1024 : i32
      %add3A_2415 = arith.addi %mul3A_15, %add3A_2414 : i32
      %dma_start3A_2416 = arith.constant 0 : i32
      %dma_start3A_2417 = tpu.memref_slice %arg8[%add3A_2415, %dma_start3A_2416] : memref<327680x128xf32, #tpu.memory_space<hbm>> -> memref<128x128xf32, #tpu.memory_space<hbm>>
      %dma_start3A_2418 = arith.constant 0 : i32
      %dma_start3A_2419 = tpu.memref_slice %arg8[%add3A_2415, %dma_start3A_2418] : memref<327680x128xf32, #tpu.memory_space<hbm>> -> memref<128x128xf32, #tpu.memory_space<hbm>>
      tpu.enqueue_dma source(%arg19 : memref<128x128xf32, #tpu.memory_space<vmem>>) target(%dma_start3A_2419 : memref<128x128xf32, #tpu.memory_space<hbm>>) target_semaphore(%arg26 : memref<!tpu.dma_semaphore, #tpu.memory_space<semaphore_mem>>)
      %dma_wait3A_2420 = arith.constant 0 : i32
      %dma_wait3A_2421 = arith.constant 0 : i32
      %dma_wait3A_2422 = tpu.memref_slice %arg21[%dma_wait3A_2420, %dma_wait3A_2421] : memref<2048x128xf32, #tpu.memory_space<vmem_shared>> -> memref<2048x128xf32, #tpu.memory_space<vmem_shared>>
      tpu.wait_indirect_dma semaphore(%arg24 : memref<!tpu.dma_semaphore, #tpu.memory_space<semaphore_mem>>) src(%arg17 : memref<128x128xf32, #tpu.memory_space<vmem>>) dst(%dma_wait3A_2422 : memref<2048x128xf32, #tpu.memory_space<vmem_shared>>)
      %dma_wait3A_2423 = arith.constant 0 : i32
      %dma_wait3A_2424 = tpu.memref_slice %arg8[%add3A_2415, %dma_wait3A_2423] : memref<327680x128xf32, #tpu.memory_space<hbm>> -> memref<128x128xf32, #tpu.memory_space<hbm>>
      %dma_wait3A_2425 = arith.constant 0 : i32
      %dma_wait3A_2426 = tpu.memref_slice %arg8[%add3A_2415, %dma_wait3A_2425] : memref<327680x128xf32, #tpu.memory_space<hbm>> -> memref<128x128xf32, #tpu.memory_space<hbm>>
      tpu.wait_dma2 semaphore(%arg26 : memref<!tpu.dma_semaphore, #tpu.memory_space<semaphore_mem>>) src(%arg19 : memref<128x128xf32, #tpu.memory_space<vmem>>) dst(%dma_wait3A_2426 : memref<128x128xf32, #tpu.memory_space<hbm>>)
      %get3A_2427 = arith.constant 1280 : index
      %get3A_2428 = tpu.vector_load %arg11[%get3A_2427] {strides = array<i32>} : memref<2048xi32, #tpu.memory_space<vmem>>, vector<16xi32>,
      %swap3A_2429 = arith.constant 0 : index
      %swap3A_2430 = tpu.vector_load %arg15[%swap3A_2429] {strides = array<i32>} : memref<128xi32, #tpu.memory_space<vmem>>, vector<16xi32>,
      tpu.vector_store %arg15[%swap3A_2429], %get3A_2428 {strides = array<i32>} : memref<128xi32, #tpu.memory_space<vmem>>, vector<16xi32>,
      %shift_right_logical3A_2431 = arith.constant 7 : i32
      %shift_right_logical3A_2432 = vector.broadcast %shift_right_logical3A_2431 : i32 to vector<16xi32>
      %shift_right_logical3A_2433 = arith.shrui %get3A_2428, %shift_right_logical3A_2432 : vector<16xi32>
      %and3A_2434 = arith.constant 127 : i32
      %and3A_2435 = vector.broadcast %and3A_2434 : i32 to vector<16xi32>
      %and3A_2436 = arith.andi %get3A_2428, %and3A_2435 : vector<16xi32>
      %gather3A_2437 = tpu.vector_load_idx %arg10[%shift_right_logical3A_2433, %and3A_2436] : memref<80x128xi32, #tpu.memory_space<vmem>>[vector<16xi32>, vector<16xi32>], vector<16xi32>,
      %swap3A_2438 = arith.constant 1280 : index
      %swap3A_2439 = tpu.vector_load %arg12[%swap3A_2438] {strides = array<i32>} : memref<2048xi32, #tpu.memory_space<vmem>>, vector<16xi32>,
      tpu.vector_store %arg12[%swap3A_2438], %gather3A_2437 {strides = array<i32>} : memref<2048xi32, #tpu.memory_space<vmem>>, vector<16xi32>,
      %add3A_2440 = arith.constant 1280 : i32
      %add3A_2441 = vector.broadcast %add3A_2440 : i32 to vector<16xi32>
      %add3A_2442 = arith.addi %add3A_2441, %iota3A : vector<16xi32>
      %shift_right_logical3A_2443 = arith.constant 5 : i32
      %shift_right_logical3A_2444 = vector.broadcast %shift_right_logical3A_2443 : i32 to vector<16xi32>
      %shift_right_logical3A_2445 = arith.shrui %add3A_2442, %shift_right_logical3A_2444 : vector<16xi32>
      %mul3A_2446 = arith.constant 2 : i32
      %mul3A_2447 = vector.broadcast %mul3A_2446 : i32 to vector<16xi32>
      %mul3A_2448 = arith.muli %shift_right_logical3A_2445, %mul3A_2447 : vector<16xi32>
      %add3A_2449 = vector.broadcast %mul3A_2 : i32 to vector<16xi32>
      %add3A_2450 = arith.addi %add3A_2449, %mul3A_2448 : vector<16xi32>
      %add3A_2451 = arith.addi %add3A_2450, %gather3A_2437 : vector<16xi32>
      %swap3A_2452 = arith.constant 0 : index
      %swap3A_2453 = tpu.vector_load %arg13[%swap3A_2452] {strides = array<i32>} : memref<128xi32, #tpu.memory_space<vmem>>, vector<16xi32>,
      tpu.vector_store %arg13[%swap3A_2452], %add3A_2451 {strides = array<i32>} : memref<128xi32, #tpu.memory_space<vmem>>, vector<16xi32>,
      %get3A_2454 = arith.constant 1296 : index
      %get3A_2455 = tpu.vector_load %arg11[%get3A_2454] {strides = array<i32>} : memref<2048xi32, #tpu.memory_space<vmem>>, vector<16xi32>,
      %swap3A_2456 = arith.constant 16 : index
      %swap3A_2457 = tpu.vector_load %arg15[%swap3A_2456] {strides = array<i32>} : memref<128xi32, #tpu.memory_space<vmem>>, vector<16xi32>,
      tpu.vector_store %arg15[%swap3A_2456], %get3A_2455 {strides = array<i32>} : memref<128xi32, #tpu.memory_space<vmem>>, vector<16xi32>,
      %shift_right_logical3A_2458 = arith.constant 7 : i32
      %shift_right_logical3A_2459 = vector.broadcast %shift_right_logical3A_2458 : i32 to vector<16xi32>
      %shift_right_logical3A_2460 = arith.shrui %get3A_2455, %shift_right_logical3A_2459 : vector<16xi32>
      %and3A_2461 = arith.constant 127 : i32
      %and3A_2462 = vector.broadcast %and3A_2461 : i32 to vector<16xi32>
      %and3A_2463 = arith.andi %get3A_2455, %and3A_2462 : vector<16xi32>
      %gather3A_2464 = tpu.vector_load_idx %arg10[%shift_right_logical3A_2460, %and3A_2463] : memref<80x128xi32, #tpu.memory_space<vmem>>[vector<16xi32>, vector<16xi32>], vector<16xi32>,
      %swap3A_2465 = arith.constant 1296 : index
      %swap3A_2466 = tpu.vector_load %arg12[%swap3A_2465] {strides = array<i32>} : memref<2048xi32, #tpu.memory_space<vmem>>, vector<16xi32>,
      tpu.vector_store %arg12[%swap3A_2465], %gather3A_2464 {strides = array<i32>} : memref<2048xi32, #tpu.memory_space<vmem>>, vector<16xi32>,
      %add3A_2467 = arith.constant 1296 : i32
      %add3A_2468 = vector.broadcast %add3A_2467 : i32 to vector<16xi32>
      %add3A_2469 = arith.addi %add3A_2468, %iota3A : vector<16xi32>
      %shift_right_logical3A_2470 = arith.constant 5 : i32
      %shift_right_logical3A_2471 = vector.broadcast %shift_right_logical3A_2470 : i32 to vector<16xi32>
      %shift_right_logical3A_2472 = arith.shrui %add3A_2469, %shift_right_logical3A_2471 : vector<16xi32>
      %mul3A_2473 = arith.constant 2 : i32
      %mul3A_2474 = vector.broadcast %mul3A_2473 : i32 to vector<16xi32>
      %mul3A_2475 = arith.muli %shift_right_logical3A_2472, %mul3A_2474 : vector<16xi32>
      %add3A_2476 = vector.broadcast %mul3A_2 : i32 to vector<16xi32>
      %add3A_2477 = arith.addi %add3A_2476, %mul3A_2475 : vector<16xi32>
      %add3A_2478 = arith.addi %add3A_2477, %gather3A_2464 : vector<16xi32>
      %swap3A_2479 = arith.constant 16 : index
      %swap3A_2480 = tpu.vector_load %arg13[%swap3A_2479] {strides = array<i32>} : memref<128xi32, #tpu.memory_space<vmem>>, vector<16xi32>,
      tpu.vector_store %arg13[%swap3A_2479], %add3A_2478 {strides = array<i32>} : memref<128xi32, #tpu.memory_space<vmem>>, vector<16xi32>,
      %get3A_2481 = arith.constant 1312 : index
      %get3A_2482 = tpu.vector_load %arg11[%get3A_2481] {strides = array<i32>} : memref<2048xi32, #tpu.memory_space<vmem>>, vector<16xi32>,
      %swap3A_2483 = arith.constant 32 : index
      %swap3A_2484 = tpu.vector_load %arg15[%swap3A_2483] {strides = array<i32>} : memref<128xi32, #tpu.memory_space<vmem>>, vector<16xi32>,
      tpu.vector_store %arg15[%swap3A_2483], %get3A_2482 {strides = array<i32>} : memref<128xi32, #tpu.memory_space<vmem>>, vector<16xi32>,
      %shift_right_logical3A_2485 = arith.constant 7 : i32
      %shift_right_logical3A_2486 = vector.broadcast %shift_right_logical3A_2485 : i32 to vector<16xi32>
      %shift_right_logical3A_2487 = arith.shrui %get3A_2482, %shift_right_logical3A_2486 : vector<16xi32>
      %and3A_2488 = arith.constant 127 : i32
      %and3A_2489 = vector.broadcast %and3A_2488 : i32 to vector<16xi32>
      %and3A_2490 = arith.andi %get3A_2482, %and3A_2489 : vector<16xi32>
      %gather3A_2491 = tpu.vector_load_idx %arg10[%shift_right_logical3A_2487, %and3A_2490] : memref<80x128xi32, #tpu.memory_space<vmem>>[vector<16xi32>, vector<16xi32>], vector<16xi32>,
      %swap3A_2492 = arith.constant 1312 : index
      %swap3A_2493 = tpu.vector_load %arg12[%swap3A_2492] {strides = array<i32>} : memref<2048xi32, #tpu.memory_space<vmem>>, vector<16xi32>,
      tpu.vector_store %arg12[%swap3A_2492], %gather3A_2491 {strides = array<i32>} : memref<2048xi32, #tpu.memory_space<vmem>>, vector<16xi32>,
      %add3A_2494 = arith.constant 1312 : i32
      %add3A_2495 = vector.broadcast %add3A_2494 : i32 to vector<16xi32>
      %add3A_2496 = arith.addi %add3A_2495, %iota3A : vector<16xi32>
      %shift_right_logical3A_2497 = arith.constant 5 : i32
      %shift_right_logical3A_2498 = vector.broadcast %shift_right_logical3A_2497 : i32 to vector<16xi32>
      %shift_right_logical3A_2499 = arith.shrui %add3A_2496, %shift_right_logical3A_2498 : vector<16xi32>
      %mul3A_2500 = arith.constant 2 : i32
      %mul3A_2501 = vector.broadcast %mul3A_2500 : i32 to vector<16xi32>
      %mul3A_2502 = arith.muli %shift_right_logical3A_2499, %mul3A_2501 : vector<16xi32>
      %add3A_2503 = vector.broadcast %mul3A_2 : i32 to vector<16xi32>
      %add3A_2504 = arith.addi %add3A_2503, %mul3A_2502 : vector<16xi32>
      %add3A_2505 = arith.addi %add3A_2504, %gather3A_2491 : vector<16xi32>
      %swap3A_2506 = arith.constant 32 : index
      %swap3A_2507 = tpu.vector_load %arg13[%swap3A_2506] {strides = array<i32>} : memref<128xi32, #tpu.memory_space<vmem>>, vector<16xi32>,
      tpu.vector_store %arg13[%swap3A_2506], %add3A_2505 {strides = array<i32>} : memref<128xi32, #tpu.memory_space<vmem>>, vector<16xi32>,
      %get3A_2508 = arith.constant 1328 : index
      %get3A_2509 = tpu.vector_load %arg11[%get3A_2508] {strides = array<i32>} : memref<2048xi32, #tpu.memory_space<vmem>>, vector<16xi32>,
      %swap3A_2510 = arith.constant 48 : index
      %swap3A_2511 = tpu.vector_load %arg15[%swap3A_2510] {strides = array<i32>} : memref<128xi32, #tpu.memory_space<vmem>>, vector<16xi32>,
      tpu.vector_store %arg15[%swap3A_2510], %get3A_2509 {strides = array<i32>} : memref<128xi32, #tpu.memory_space<vmem>>, vector<16xi32>,
      %shift_right_logical3A_2512 = arith.constant 7 : i32
      %shift_right_logical3A_2513 = vector.broadcast %shift_right_logical3A_2512 : i32 to vector<16xi32>
      %shift_right_logical3A_2514 = arith.shrui %get3A_2509, %shift_right_logical3A_2513 : vector<16xi32>
      %and3A_2515 = arith.constant 127 : i32
      %and3A_2516 = vector.broadcast %and3A_2515 : i32 to vector<16xi32>
      %and3A_2517 = arith.andi %get3A_2509, %and3A_2516 : vector<16xi32>
      %gather3A_2518 = tpu.vector_load_idx %arg10[%shift_right_logical3A_2514, %and3A_2517] : memref<80x128xi32, #tpu.memory_space<vmem>>[vector<16xi32>, vector<16xi32>], vector<16xi32>,
      %swap3A_2519 = arith.constant 1328 : index
      %swap3A_2520 = tpu.vector_load %arg12[%swap3A_2519] {strides = array<i32>} : memref<2048xi32, #tpu.memory_space<vmem>>, vector<16xi32>,
      tpu.vector_store %arg12[%swap3A_2519], %gather3A_2518 {strides = array<i32>} : memref<2048xi32, #tpu.memory_space<vmem>>, vector<16xi32>,
      %add3A_2521 = arith.constant 1328 : i32
      %add3A_2522 = vector.broadcast %add3A_2521 : i32 to vector<16xi32>
      %add3A_2523 = arith.addi %add3A_2522, %iota3A : vector<16xi32>
      %shift_right_logical3A_2524 = arith.constant 5 : i32
      %shift_right_logical3A_2525 = vector.broadcast %shift_right_logical3A_2524 : i32 to vector<16xi32>
      %shift_right_logical3A_2526 = arith.shrui %add3A_2523, %shift_right_logical3A_2525 : vector<16xi32>
      %mul3A_2527 = arith.constant 2 : i32
      %mul3A_2528 = vector.broadcast %mul3A_2527 : i32 to vector<16xi32>
      %mul3A_2529 = arith.muli %shift_right_logical3A_2526, %mul3A_2528 : vector<16xi32>
      %add3A_2530 = vector.broadcast %mul3A_2 : i32 to vector<16xi32>
      %add3A_2531 = arith.addi %add3A_2530, %mul3A_2529 : vector<16xi32>
      %add3A_2532 = arith.addi %add3A_2531, %gather3A_2518 : vector<16xi32>
      %swap3A_2533 = arith.constant 48 : index
      %swap3A_2534 = tpu.vector_load %arg13[%swap3A_2533] {strides = array<i32>} : memref<128xi32, #tpu.memory_space<vmem>>, vector<16xi32>,
      tpu.vector_store %arg13[%swap3A_2533], %add3A_2532 {strides = array<i32>} : memref<128xi32, #tpu.memory_space<vmem>>, vector<16xi32>,
      %get3A_2535 = arith.constant 1344 : index
      %get3A_2536 = tpu.vector_load %arg11[%get3A_2535] {strides = array<i32>} : memref<2048xi32, #tpu.memory_space<vmem>>, vector<16xi32>,
      %swap3A_2537 = arith.constant 64 : index
      %swap3A_2538 = tpu.vector_load %arg15[%swap3A_2537] {strides = array<i32>} : memref<128xi32, #tpu.memory_space<vmem>>, vector<16xi32>,
      tpu.vector_store %arg15[%swap3A_2537], %get3A_2536 {strides = array<i32>} : memref<128xi32, #tpu.memory_space<vmem>>, vector<16xi32>,
      %shift_right_logical3A_2539 = arith.constant 7 : i32
      %shift_right_logical3A_2540 = vector.broadcast %shift_right_logical3A_2539 : i32 to vector<16xi32>
      %shift_right_logical3A_2541 = arith.shrui %get3A_2536, %shift_right_logical3A_2540 : vector<16xi32>
      %and3A_2542 = arith.constant 127 : i32
      %and3A_2543 = vector.broadcast %and3A_2542 : i32 to vector<16xi32>
      %and3A_2544 = arith.andi %get3A_2536, %and3A_2543 : vector<16xi32>
      %gather3A_2545 = tpu.vector_load_idx %arg10[%shift_right_logical3A_2541, %and3A_2544] : memref<80x128xi32, #tpu.memory_space<vmem>>[vector<16xi32>, vector<16xi32>], vector<16xi32>,
      %swap3A_2546 = arith.constant 1344 : index
      %swap3A_2547 = tpu.vector_load %arg12[%swap3A_2546] {strides = array<i32>} : memref<2048xi32, #tpu.memory_space<vmem>>, vector<16xi32>,
      tpu.vector_store %arg12[%swap3A_2546], %gather3A_2545 {strides = array<i32>} : memref<2048xi32, #tpu.memory_space<vmem>>, vector<16xi32>,
      %add3A_2548 = arith.constant 1344 : i32
      %add3A_2549 = vector.broadcast %add3A_2548 : i32 to vector<16xi32>
      %add3A_2550 = arith.addi %add3A_2549, %iota3A : vector<16xi32>
      %shift_right_logical3A_2551 = arith.constant 5 : i32
      %shift_right_logical3A_2552 = vector.broadcast %shift_right_logical3A_2551 : i32 to vector<16xi32>
      %shift_right_logical3A_2553 = arith.shrui %add3A_2550, %shift_right_logical3A_2552 : vector<16xi32>
      %mul3A_2554 = arith.constant 2 : i32
      %mul3A_2555 = vector.broadcast %mul3A_2554 : i32 to vector<16xi32>
      %mul3A_2556 = arith.muli %shift_right_logical3A_2553, %mul3A_2555 : vector<16xi32>
      %add3A_2557 = vector.broadcast %mul3A_2 : i32 to vector<16xi32>
      %add3A_2558 = arith.addi %add3A_2557, %mul3A_2556 : vector<16xi32>
      %add3A_2559 = arith.addi %add3A_2558, %gather3A_2545 : vector<16xi32>
      %swap3A_2560 = arith.constant 64 : index
      %swap3A_2561 = tpu.vector_load %arg13[%swap3A_2560] {strides = array<i32>} : memref<128xi32, #tpu.memory_space<vmem>>, vector<16xi32>,
      tpu.vector_store %arg13[%swap3A_2560], %add3A_2559 {strides = array<i32>} : memref<128xi32, #tpu.memory_space<vmem>>, vector<16xi32>,
      %get3A_2562 = arith.constant 1360 : index
      %get3A_2563 = tpu.vector_load %arg11[%get3A_2562] {strides = array<i32>} : memref<2048xi32, #tpu.memory_space<vmem>>, vector<16xi32>,
      %swap3A_2564 = arith.constant 80 : index
      %swap3A_2565 = tpu.vector_load %arg15[%swap3A_2564] {strides = array<i32>} : memref<128xi32, #tpu.memory_space<vmem>>, vector<16xi32>,
      tpu.vector_store %arg15[%swap3A_2564], %get3A_2563 {strides = array<i32>} : memref<128xi32, #tpu.memory_space<vmem>>, vector<16xi32>,
      %shift_right_logical3A_2566 = arith.constant 7 : i32
      %shift_right_logical3A_2567 = vector.broadcast %shift_right_logical3A_2566 : i32 to vector<16xi32>
      %shift_right_logical3A_2568 = arith.shrui %get3A_2563, %shift_right_logical3A_2567 : vector<16xi32>
      %and3A_2569 = arith.constant 127 : i32
      %and3A_2570 = vector.broadcast %and3A_2569 : i32 to vector<16xi32>
      %and3A_2571 = arith.andi %get3A_2563, %and3A_2570 : vector<16xi32>
      %gather3A_2572 = tpu.vector_load_idx %arg10[%shift_right_logical3A_2568, %and3A_2571] : memref<80x128xi32, #tpu.memory_space<vmem>>[vector<16xi32>, vector<16xi32>], vector<16xi32>,
      %swap3A_2573 = arith.constant 1360 : index
      %swap3A_2574 = tpu.vector_load %arg12[%swap3A_2573] {strides = array<i32>} : memref<2048xi32, #tpu.memory_space<vmem>>, vector<16xi32>,
      tpu.vector_store %arg12[%swap3A_2573], %gather3A_2572 {strides = array<i32>} : memref<2048xi32, #tpu.memory_space<vmem>>, vector<16xi32>,
      %add3A_2575 = arith.constant 1360 : i32
      %add3A_2576 = vector.broadcast %add3A_2575 : i32 to vector<16xi32>
      %add3A_2577 = arith.addi %add3A_2576, %iota3A : vector<16xi32>
      %shift_right_logical3A_2578 = arith.constant 5 : i32
      %shift_right_logical3A_2579 = vector.broadcast %shift_right_logical3A_2578 : i32 to vector<16xi32>
      %shift_right_logical3A_2580 = arith.shrui %add3A_2577, %shift_right_logical3A_2579 : vector<16xi32>
      %mul3A_2581 = arith.constant 2 : i32
      %mul3A_2582 = vector.broadcast %mul3A_2581 : i32 to vector<16xi32>
      %mul3A_2583 = arith.muli %shift_right_logical3A_2580, %mul3A_2582 : vector<16xi32>
      %add3A_2584 = vector.broadcast %mul3A_2 : i32 to vector<16xi32>
      %add3A_2585 = arith.addi %add3A_2584, %mul3A_2583 : vector<16xi32>
      %add3A_2586 = arith.addi %add3A_2585, %gather3A_2572 : vector<16xi32>
      %swap3A_2587 = arith.constant 80 : index
      %swap3A_2588 = tpu.vector_load %arg13[%swap3A_2587] {strides = array<i32>} : memref<128xi32, #tpu.memory_space<vmem>>, vector<16xi32>,
      tpu.vector_store %arg13[%swap3A_2587], %add3A_2586 {strides = array<i32>} : memref<128xi32, #tpu.memory_space<vmem>>, vector<16xi32>,
      %get3A_2589 = arith.constant 1376 : index
      %get3A_2590 = tpu.vector_load %arg11[%get3A_2589] {strides = array<i32>} : memref<2048xi32, #tpu.memory_space<vmem>>, vector<16xi32>,
      %swap3A_2591 = arith.constant 96 : index
      %swap3A_2592 = tpu.vector_load %arg15[%swap3A_2591] {strides = array<i32>} : memref<128xi32, #tpu.memory_space<vmem>>, vector<16xi32>,
      tpu.vector_store %arg15[%swap3A_2591], %get3A_2590 {strides = array<i32>} : memref<128xi32, #tpu.memory_space<vmem>>, vector<16xi32>,
      %shift_right_logical3A_2593 = arith.constant 7 : i32
      %shift_right_logical3A_2594 = vector.broadcast %shift_right_logical3A_2593 : i32 to vector<16xi32>
      %shift_right_logical3A_2595 = arith.shrui %get3A_2590, %shift_right_logical3A_2594 : vector<16xi32>
      %and3A_2596 = arith.constant 127 : i32
      %and3A_2597 = vector.broadcast %and3A_2596 : i32 to vector<16xi32>
      %and3A_2598 = arith.andi %get3A_2590, %and3A_2597 : vector<16xi32>
      %gather3A_2599 = tpu.vector_load_idx %arg10[%shift_right_logical3A_2595, %and3A_2598] : memref<80x128xi32, #tpu.memory_space<vmem>>[vector<16xi32>, vector<16xi32>], vector<16xi32>,
      %swap3A_2600 = arith.constant 1376 : index
      %swap3A_2601 = tpu.vector_load %arg12[%swap3A_2600] {strides = array<i32>} : memref<2048xi32, #tpu.memory_space<vmem>>, vector<16xi32>,
      tpu.vector_store %arg12[%swap3A_2600], %gather3A_2599 {strides = array<i32>} : memref<2048xi32, #tpu.memory_space<vmem>>, vector<16xi32>,
      %add3A_2602 = arith.constant 1376 : i32
      %add3A_2603 = vector.broadcast %add3A_2602 : i32 to vector<16xi32>
      %add3A_2604 = arith.addi %add3A_2603, %iota3A : vector<16xi32>
      %shift_right_logical3A_2605 = arith.constant 5 : i32
      %shift_right_logical3A_2606 = vector.broadcast %shift_right_logical3A_2605 : i32 to vector<16xi32>
      %shift_right_logical3A_2607 = arith.shrui %add3A_2604, %shift_right_logical3A_2606 : vector<16xi32>
      %mul3A_2608 = arith.constant 2 : i32
      %mul3A_2609 = vector.broadcast %mul3A_2608 : i32 to vector<16xi32>
      %mul3A_2610 = arith.muli %shift_right_logical3A_2607, %mul3A_2609 : vector<16xi32>
      %add3A_2611 = vector.broadcast %mul3A_2 : i32 to vector<16xi32>
      %add3A_2612 = arith.addi %add3A_2611, %mul3A_2610 : vector<16xi32>
      %add3A_2613 = arith.addi %add3A_2612, %gather3A_2599 : vector<16xi32>
      %swap3A_2614 = arith.constant 96 : index
      %swap3A_2615 = tpu.vector_load %arg13[%swap3A_2614] {strides = array<i32>} : memref<128xi32, #tpu.memory_space<vmem>>, vector<16xi32>,
      tpu.vector_store %arg13[%swap3A_2614], %add3A_2613 {strides = array<i32>} : memref<128xi32, #tpu.memory_space<vmem>>, vector<16xi32>,
      %get3A_2616 = arith.constant 1392 : index
      %get3A_2617 = tpu.vector_load %arg11[%get3A_2616] {strides = array<i32>} : memref<2048xi32, #tpu.memory_space<vmem>>, vector<16xi32>,
      %swap3A_2618 = arith.constant 112 : index
      %swap3A_2619 = tpu.vector_load %arg15[%swap3A_2618] {strides = array<i32>} : memref<128xi32, #tpu.memory_space<vmem>>, vector<16xi32>,
      tpu.vector_store %arg15[%swap3A_2618], %get3A_2617 {strides = array<i32>} : memref<128xi32, #tpu.memory_space<vmem>>, vector<16xi32>,
      %shift_right_logical3A_2620 = arith.constant 7 : i32
      %shift_right_logical3A_2621 = vector.broadcast %shift_right_logical3A_2620 : i32 to vector<16xi32>
      %shift_right_logical3A_2622 = arith.shrui %get3A_2617, %shift_right_logical3A_2621 : vector<16xi32>
      %and3A_2623 = arith.constant 127 : i32
      %and3A_2624 = vector.broadcast %and3A_2623 : i32 to vector<16xi32>
      %and3A_2625 = arith.andi %get3A_2617, %and3A_2624 : vector<16xi32>
      %gather3A_2626 = tpu.vector_load_idx %arg10[%shift_right_logical3A_2622, %and3A_2625] : memref<80x128xi32, #tpu.memory_space<vmem>>[vector<16xi32>, vector<16xi32>], vector<16xi32>,
      %swap3A_2627 = arith.constant 1392 : index
      %swap3A_2628 = tpu.vector_load %arg12[%swap3A_2627] {strides = array<i32>} : memref<2048xi32, #tpu.memory_space<vmem>>, vector<16xi32>,
      tpu.vector_store %arg12[%swap3A_2627], %gather3A_2626 {strides = array<i32>} : memref<2048xi32, #tpu.memory_space<vmem>>, vector<16xi32>,
      %add3A_2629 = arith.constant 1392 : i32
      %add3A_2630 = vector.broadcast %add3A_2629 : i32 to vector<16xi32>
      %add3A_2631 = arith.addi %add3A_2630, %iota3A : vector<16xi32>
      %shift_right_logical3A_2632 = arith.constant 5 : i32
      %shift_right_logical3A_2633 = vector.broadcast %shift_right_logical3A_2632 : i32 to vector<16xi32>
      %shift_right_logical3A_2634 = arith.shrui %add3A_2631, %shift_right_logical3A_2633 : vector<16xi32>
      %mul3A_2635 = arith.constant 2 : i32
      %mul3A_2636 = vector.broadcast %mul3A_2635 : i32 to vector<16xi32>
      %mul3A_2637 = arith.muli %shift_right_logical3A_2634, %mul3A_2636 : vector<16xi32>
      %add3A_2638 = vector.broadcast %mul3A_2 : i32 to vector<16xi32>
      %add3A_2639 = arith.addi %add3A_2638, %mul3A_2637 : vector<16xi32>
      %add3A_2640 = arith.addi %add3A_2639, %gather3A_2626 : vector<16xi32>
      %swap3A_2641 = arith.constant 112 : index
      %swap3A_2642 = tpu.vector_load %arg13[%swap3A_2641] {strides = array<i32>} : memref<128xi32, #tpu.memory_space<vmem>>, vector<16xi32>,
      tpu.vector_store %arg13[%swap3A_2641], %add3A_2640 {strides = array<i32>} : memref<128xi32, #tpu.memory_space<vmem>>, vector<16xi32>,
      %dma_start3A_2643 = arith.constant 0 : i32
      %dma_start3A_2644 = arith.constant 0 : i32
      %dma_start3A_2645 = tpu.memref_slice %arg2[%dma_start3A_2643, %dma_start3A_2644] : memref<10000x128xf32, #tpu.memory_space<hbm>> -> memref<10000x128xf32, #tpu.memory_space<hbm>>
      tpu.enqueue_indirect_dma source(%dma_start3A_2645 : memref<10000x128xf32, #tpu.memory_space<hbm>>) target(%arg17 : memref<128x128xf32, #tpu.memory_space<vmem>>) offsets(%arg15 : memref<128xi32, #tpu.memory_space<vmem>>) semaphore(%arg22 : memref<!tpu.dma_semaphore, #tpu.memory_space<semaphore_mem>>)
      %dma_start3A_2646 = arith.constant 0 : i32
      %dma_start3A_2647 = arith.constant 0 : i32
      %dma_start3A_2648 = tpu.memref_slice %arg3[%dma_start3A_2646, %dma_start3A_2647] : memref<10000x128xf32, #tpu.memory_space<hbm>> -> memref<10000x128xf32, #tpu.memory_space<hbm>>
      tpu.enqueue_indirect_dma source(%dma_start3A_2648 : memref<10000x128xf32, #tpu.memory_space<hbm>>) target(%arg19 : memref<128x128xf32, #tpu.memory_space<vmem>>) offsets(%arg15 : memref<128xi32, #tpu.memory_space<vmem>>) semaphore(%arg22 : memref<!tpu.dma_semaphore, #tpu.memory_space<semaphore_mem>>)
      %dma_wait3A_2649 = arith.constant 0 : i32
      %dma_wait3A_2650 = arith.constant 0 : i32
      %dma_wait3A_2651 = tpu.memref_slice %arg2[%dma_wait3A_2649, %dma_wait3A_2650] : memref<10000x128xf32, #tpu.memory_space<hbm>> -> memref<10000x128xf32, #tpu.memory_space<hbm>>
      tpu.wait_indirect_dma semaphore(%arg23 : memref<!tpu.dma_semaphore, #tpu.memory_space<semaphore_mem>>) src(%dma_wait3A_2651 : memref<10000x128xf32, #tpu.memory_space<hbm>>) dst(%arg18 : memref<128x128xf32, #tpu.memory_space<vmem>>)
      %dma_wait3A_2652 = arith.constant 0 : i32
      %dma_wait3A_2653 = arith.constant 0 : i32
      %dma_wait3A_2654 = tpu.memref_slice %arg3[%dma_wait3A_2652, %dma_wait3A_2653] : memref<10000x128xf32, #tpu.memory_space<hbm>> -> memref<10000x128xf32, #tpu.memory_space<hbm>>
      tpu.wait_indirect_dma semaphore(%arg23 : memref<!tpu.dma_semaphore, #tpu.memory_space<semaphore_mem>>) src(%dma_wait3A_2654 : memref<10000x128xf32, #tpu.memory_space<hbm>>) dst(%arg20 : memref<128x128xf32, #tpu.memory_space<vmem>>)
      %dma_start3A_2655 = arith.constant 0 : i32
      %dma_start3A_2656 = arith.constant 0 : i32
      %dma_start3A_2657 = tpu.memref_slice %arg21[%dma_start3A_2655, %dma_start3A_2656] : memref<2048x128xf32, #tpu.memory_space<vmem_shared>> -> memref<2048x128xf32, #tpu.memory_space<vmem_shared>>
      tpu.enqueue_indirect_dma source(%arg18 : memref<128x128xf32, #tpu.memory_space<vmem>>) target(%dma_start3A_2657 : memref<2048x128xf32, #tpu.memory_space<vmem_shared>>) offsets(%arg14 : memref<128xi32, #tpu.memory_space<vmem>>) semaphore(%arg25 : memref<!tpu.dma_semaphore, #tpu.memory_space<semaphore_mem>>) {add = true}
      %add3A_2658 = arith.constant 1152 : i32
      %add3A_2659 = arith.addi %mul3A_15, %add3A_2658 : i32
      %dma_start3A_2660 = arith.constant 0 : i32
      %dma_start3A_2661 = tpu.memref_slice %arg8[%add3A_2659, %dma_start3A_2660] : memref<327680x128xf32, #tpu.memory_space<hbm>> -> memref<128x128xf32, #tpu.memory_space<hbm>>
      %dma_start3A_2662 = arith.constant 0 : i32
      %dma_start3A_2663 = tpu.memref_slice %arg8[%add3A_2659, %dma_start3A_2662] : memref<327680x128xf32, #tpu.memory_space<hbm>> -> memref<128x128xf32, #tpu.memory_space<hbm>>
      tpu.enqueue_dma source(%arg20 : memref<128x128xf32, #tpu.memory_space<vmem>>) target(%dma_start3A_2663 : memref<128x128xf32, #tpu.memory_space<hbm>>) target_semaphore(%arg27 : memref<!tpu.dma_semaphore, #tpu.memory_space<semaphore_mem>>)
      %dma_wait3A_2664 = arith.constant 0 : i32
      %dma_wait3A_2665 = arith.constant 0 : i32
      %dma_wait3A_2666 = tpu.memref_slice %arg21[%dma_wait3A_2664, %dma_wait3A_2665] : memref<2048x128xf32, #tpu.memory_space<vmem_shared>> -> memref<2048x128xf32, #tpu.memory_space<vmem_shared>>
      tpu.wait_indirect_dma semaphore(%arg25 : memref<!tpu.dma_semaphore, #tpu.memory_space<semaphore_mem>>) src(%arg18 : memref<128x128xf32, #tpu.memory_space<vmem>>) dst(%dma_wait3A_2666 : memref<2048x128xf32, #tpu.memory_space<vmem_shared>>)
      %dma_wait3A_2667 = arith.constant 0 : i32
      %dma_wait3A_2668 = tpu.memref_slice %arg8[%add3A_2659, %dma_wait3A_2667] : memref<327680x128xf32, #tpu.memory_space<hbm>> -> memref<128x128xf32, #tpu.memory_space<hbm>>
      %dma_wait3A_2669 = arith.constant 0 : i32
      %dma_wait3A_2670 = tpu.memref_slice %arg8[%add3A_2659, %dma_wait3A_2669] : memref<327680x128xf32, #tpu.memory_space<hbm>> -> memref<128x128xf32, #tpu.memory_space<hbm>>
      tpu.wait_dma2 semaphore(%arg27 : memref<!tpu.dma_semaphore, #tpu.memory_space<semaphore_mem>>) src(%arg20 : memref<128x128xf32, #tpu.memory_space<vmem>>) dst(%dma_wait3A_2670 : memref<128x128xf32, #tpu.memory_space<hbm>>)
      %get3A_2671 = arith.constant 1408 : index
      %get3A_2672 = tpu.vector_load %arg11[%get3A_2671] {strides = array<i32>} : memref<2048xi32, #tpu.memory_space<vmem>>, vector<16xi32>,
      %swap3A_2673 = arith.constant 0 : index
      %swap3A_2674 = tpu.vector_load %arg16[%swap3A_2673] {strides = array<i32>} : memref<128xi32, #tpu.memory_space<vmem>>, vector<16xi32>,
      tpu.vector_store %arg16[%swap3A_2673], %get3A_2672 {strides = array<i32>} : memref<128xi32, #tpu.memory_space<vmem>>, vector<16xi32>,
      %shift_right_logical3A_2675 = arith.constant 7 : i32
      %shift_right_logical3A_2676 = vector.broadcast %shift_right_logical3A_2675 : i32 to vector<16xi32>
      %shift_right_logical3A_2677 = arith.shrui %get3A_2672, %shift_right_logical3A_2676 : vector<16xi32>
      %and3A_2678 = arith.constant 127 : i32
      %and3A_2679 = vector.broadcast %and3A_2678 : i32 to vector<16xi32>
      %and3A_2680 = arith.andi %get3A_2672, %and3A_2679 : vector<16xi32>
      %gather3A_2681 = tpu.vector_load_idx %arg10[%shift_right_logical3A_2677, %and3A_2680] : memref<80x128xi32, #tpu.memory_space<vmem>>[vector<16xi32>, vector<16xi32>], vector<16xi32>,
      %swap3A_2682 = arith.constant 1408 : index
      %swap3A_2683 = tpu.vector_load %arg12[%swap3A_2682] {strides = array<i32>} : memref<2048xi32, #tpu.memory_space<vmem>>, vector<16xi32>,
      tpu.vector_store %arg12[%swap3A_2682], %gather3A_2681 {strides = array<i32>} : memref<2048xi32, #tpu.memory_space<vmem>>, vector<16xi32>,
      %add3A_2684 = arith.constant 1408 : i32
      %add3A_2685 = vector.broadcast %add3A_2684 : i32 to vector<16xi32>
      %add3A_2686 = arith.addi %add3A_2685, %iota3A : vector<16xi32>
      %shift_right_logical3A_2687 = arith.constant 5 : i32
      %shift_right_logical3A_2688 = vector.broadcast %shift_right_logical3A_2687 : i32 to vector<16xi32>
      %shift_right_logical3A_2689 = arith.shrui %add3A_2686, %shift_right_logical3A_2688 : vector<16xi32>
      %mul3A_2690 = arith.constant 2 : i32
      %mul3A_2691 = vector.broadcast %mul3A_2690 : i32 to vector<16xi32>
      %mul3A_2692 = arith.muli %shift_right_logical3A_2689, %mul3A_2691 : vector<16xi32>
      %add3A_2693 = vector.broadcast %mul3A_2 : i32 to vector<16xi32>
      %add3A_2694 = arith.addi %add3A_2693, %mul3A_2692 : vector<16xi32>
      %add3A_2695 = arith.addi %add3A_2694, %gather3A_2681 : vector<16xi32>
      %swap3A_2696 = arith.constant 0 : index
      %swap3A_2697 = tpu.vector_load %arg14[%swap3A_2696] {strides = array<i32>} : memref<128xi32, #tpu.memory_space<vmem>>, vector<16xi32>,
      tpu.vector_store %arg14[%swap3A_2696], %add3A_2695 {strides = array<i32>} : memref<128xi32, #tpu.memory_space<vmem>>, vector<16xi32>,
      %get3A_2698 = arith.constant 1424 : index
      %get3A_2699 = tpu.vector_load %arg11[%get3A_2698] {strides = array<i32>} : memref<2048xi32, #tpu.memory_space<vmem>>, vector<16xi32>,
      %swap3A_2700 = arith.constant 16 : index
      %swap3A_2701 = tpu.vector_load %arg16[%swap3A_2700] {strides = array<i32>} : memref<128xi32, #tpu.memory_space<vmem>>, vector<16xi32>,
      tpu.vector_store %arg16[%swap3A_2700], %get3A_2699 {strides = array<i32>} : memref<128xi32, #tpu.memory_space<vmem>>, vector<16xi32>,
      %shift_right_logical3A_2702 = arith.constant 7 : i32
      %shift_right_logical3A_2703 = vector.broadcast %shift_right_logical3A_2702 : i32 to vector<16xi32>
      %shift_right_logical3A_2704 = arith.shrui %get3A_2699, %shift_right_logical3A_2703 : vector<16xi32>
      %and3A_2705 = arith.constant 127 : i32
      %and3A_2706 = vector.broadcast %and3A_2705 : i32 to vector<16xi32>
      %and3A_2707 = arith.andi %get3A_2699, %and3A_2706 : vector<16xi32>
      %gather3A_2708 = tpu.vector_load_idx %arg10[%shift_right_logical3A_2704, %and3A_2707] : memref<80x128xi32, #tpu.memory_space<vmem>>[vector<16xi32>, vector<16xi32>], vector<16xi32>,
      %swap3A_2709 = arith.constant 1424 : index
      %swap3A_2710 = tpu.vector_load %arg12[%swap3A_2709] {strides = array<i32>} : memref<2048xi32, #tpu.memory_space<vmem>>, vector<16xi32>,
      tpu.vector_store %arg12[%swap3A_2709], %gather3A_2708 {strides = array<i32>} : memref<2048xi32, #tpu.memory_space<vmem>>, vector<16xi32>,
      %add3A_2711 = arith.constant 1424 : i32
      %add3A_2712 = vector.broadcast %add3A_2711 : i32 to vector<16xi32>
      %add3A_2713 = arith.addi %add3A_2712, %iota3A : vector<16xi32>
      %shift_right_logical3A_2714 = arith.constant 5 : i32
      %shift_right_logical3A_2715 = vector.broadcast %shift_right_logical3A_2714 : i32 to vector<16xi32>
      %shift_right_logical3A_2716 = arith.shrui %add3A_2713, %shift_right_logical3A_2715 : vector<16xi32>
      %mul3A_2717 = arith.constant 2 : i32
      %mul3A_2718 = vector.broadcast %mul3A_2717 : i32 to vector<16xi32>
      %mul3A_2719 = arith.muli %shift_right_logical3A_2716, %mul3A_2718 : vector<16xi32>
      %add3A_2720 = vector.broadcast %mul3A_2 : i32 to vector<16xi32>
      %add3A_2721 = arith.addi %add3A_2720, %mul3A_2719 : vector<16xi32>
      %add3A_2722 = arith.addi %add3A_2721, %gather3A_2708 : vector<16xi32>
      %swap3A_2723 = arith.constant 16 : index
      %swap3A_2724 = tpu.vector_load %arg14[%swap3A_2723] {strides = array<i32>} : memref<128xi32, #tpu.memory_space<vmem>>, vector<16xi32>,
      tpu.vector_store %arg14[%swap3A_2723], %add3A_2722 {strides = array<i32>} : memref<128xi32, #tpu.memory_space<vmem>>, vector<16xi32>,
      %get3A_2725 = arith.constant 1440 : index
      %get3A_2726 = tpu.vector_load %arg11[%get3A_2725] {strides = array<i32>} : memref<2048xi32, #tpu.memory_space<vmem>>, vector<16xi32>,
      %swap3A_2727 = arith.constant 32 : index
      %swap3A_2728 = tpu.vector_load %arg16[%swap3A_2727] {strides = array<i32>} : memref<128xi32, #tpu.memory_space<vmem>>, vector<16xi32>,
      tpu.vector_store %arg16[%swap3A_2727], %get3A_2726 {strides = array<i32>} : memref<128xi32, #tpu.memory_space<vmem>>, vector<16xi32>,
      %shift_right_logical3A_2729 = arith.constant 7 : i32
      %shift_right_logical3A_2730 = vector.broadcast %shift_right_logical3A_2729 : i32 to vector<16xi32>
      %shift_right_logical3A_2731 = arith.shrui %get3A_2726, %shift_right_logical3A_2730 : vector<16xi32>
      %and3A_2732 = arith.constant 127 : i32
      %and3A_2733 = vector.broadcast %and3A_2732 : i32 to vector<16xi32>
      %and3A_2734 = arith.andi %get3A_2726, %and3A_2733 : vector<16xi32>
      %gather3A_2735 = tpu.vector_load_idx %arg10[%shift_right_logical3A_2731, %and3A_2734] : memref<80x128xi32, #tpu.memory_space<vmem>>[vector<16xi32>, vector<16xi32>], vector<16xi32>,
      %swap3A_2736 = arith.constant 1440 : index
      %swap3A_2737 = tpu.vector_load %arg12[%swap3A_2736] {strides = array<i32>} : memref<2048xi32, #tpu.memory_space<vmem>>, vector<16xi32>,
      tpu.vector_store %arg12[%swap3A_2736], %gather3A_2735 {strides = array<i32>} : memref<2048xi32, #tpu.memory_space<vmem>>, vector<16xi32>,
      %add3A_2738 = arith.constant 1440 : i32
      %add3A_2739 = vector.broadcast %add3A_2738 : i32 to vector<16xi32>
      %add3A_2740 = arith.addi %add3A_2739, %iota3A : vector<16xi32>
      %shift_right_logical3A_2741 = arith.constant 5 : i32
      %shift_right_logical3A_2742 = vector.broadcast %shift_right_logical3A_2741 : i32 to vector<16xi32>
      %shift_right_logical3A_2743 = arith.shrui %add3A_2740, %shift_right_logical3A_2742 : vector<16xi32>
      %mul3A_2744 = arith.constant 2 : i32
      %mul3A_2745 = vector.broadcast %mul3A_2744 : i32 to vector<16xi32>
      %mul3A_2746 = arith.muli %shift_right_logical3A_2743, %mul3A_2745 : vector<16xi32>
      %add3A_2747 = vector.broadcast %mul3A_2 : i32 to vector<16xi32>
      %add3A_2748 = arith.addi %add3A_2747, %mul3A_2746 : vector<16xi32>
      %add3A_2749 = arith.addi %add3A_2748, %gather3A_2735 : vector<16xi32>
      %swap3A_2750 = arith.constant 32 : index
      %swap3A_2751 = tpu.vector_load %arg14[%swap3A_2750] {strides = array<i32>} : memref<128xi32, #tpu.memory_space<vmem>>, vector<16xi32>,
      tpu.vector_store %arg14[%swap3A_2750], %add3A_2749 {strides = array<i32>} : memref<128xi32, #tpu.memory_space<vmem>>, vector<16xi32>,
      %get3A_2752 = arith.constant 1456 : index
      %get3A_2753 = tpu.vector_load %arg11[%get3A_2752] {strides = array<i32>} : memref<2048xi32, #tpu.memory_space<vmem>>, vector<16xi32>,
      %swap3A_2754 = arith.constant 48 : index
      %swap3A_2755 = tpu.vector_load %arg16[%swap3A_2754] {strides = array<i32>} : memref<128xi32, #tpu.memory_space<vmem>>, vector<16xi32>,
      tpu.vector_store %arg16[%swap3A_2754], %get3A_2753 {strides = array<i32>} : memref<128xi32, #tpu.memory_space<vmem>>, vector<16xi32>,
      %shift_right_logical3A_2756 = arith.constant 7 : i32
      %shift_right_logical3A_2757 = vector.broadcast %shift_right_logical3A_2756 : i32 to vector<16xi32>
      %shift_right_logical3A_2758 = arith.shrui %get3A_2753, %shift_right_logical3A_2757 : vector<16xi32>
      %and3A_2759 = arith.constant 127 : i32
      %and3A_2760 = vector.broadcast %and3A_2759 : i32 to vector<16xi32>
      %and3A_2761 = arith.andi %get3A_2753, %and3A_2760 : vector<16xi32>
      %gather3A_2762 = tpu.vector_load_idx %arg10[%shift_right_logical3A_2758, %and3A_2761] : memref<80x128xi32, #tpu.memory_space<vmem>>[vector<16xi32>, vector<16xi32>], vector<16xi32>,
      %swap3A_2763 = arith.constant 1456 : index
      %swap3A_2764 = tpu.vector_load %arg12[%swap3A_2763] {strides = array<i32>} : memref<2048xi32, #tpu.memory_space<vmem>>, vector<16xi32>,
      tpu.vector_store %arg12[%swap3A_2763], %gather3A_2762 {strides = array<i32>} : memref<2048xi32, #tpu.memory_space<vmem>>, vector<16xi32>,
      %add3A_2765 = arith.constant 1456 : i32
      %add3A_2766 = vector.broadcast %add3A_2765 : i32 to vector<16xi32>
      %add3A_2767 = arith.addi %add3A_2766, %iota3A : vector<16xi32>
      %shift_right_logical3A_2768 = arith.constant 5 : i32
      %shift_right_logical3A_2769 = vector.broadcast %shift_right_logical3A_2768 : i32 to vector<16xi32>
      %shift_right_logical3A_2770 = arith.shrui %add3A_2767, %shift_right_logical3A_2769 : vector<16xi32>
      %mul3A_2771 = arith.constant 2 : i32
      %mul3A_2772 = vector.broadcast %mul3A_2771 : i32 to vector<16xi32>
      %mul3A_2773 = arith.muli %shift_right_logical3A_2770, %mul3A_2772 : vector<16xi32>
      %add3A_2774 = vector.broadcast %mul3A_2 : i32 to vector<16xi32>
      %add3A_2775 = arith.addi %add3A_2774, %mul3A_2773 : vector<16xi32>
      %add3A_2776 = arith.addi %add3A_2775, %gather3A_2762 : vector<16xi32>
      %swap3A_2777 = arith.constant 48 : index
      %swap3A_2778 = tpu.vector_load %arg14[%swap3A_2777] {strides = array<i32>} : memref<128xi32, #tpu.memory_space<vmem>>, vector<16xi32>,
      tpu.vector_store %arg14[%swap3A_2777], %add3A_2776 {strides = array<i32>} : memref<128xi32, #tpu.memory_space<vmem>>, vector<16xi32>,
      %get3A_2779 = arith.constant 1472 : index
      %get3A_2780 = tpu.vector_load %arg11[%get3A_2779] {strides = array<i32>} : memref<2048xi32, #tpu.memory_space<vmem>>, vector<16xi32>,
      %swap3A_2781 = arith.constant 64 : index
      %swap3A_2782 = tpu.vector_load %arg16[%swap3A_2781] {strides = array<i32>} : memref<128xi32, #tpu.memory_space<vmem>>, vector<16xi32>,
      tpu.vector_store %arg16[%swap3A_2781], %get3A_2780 {strides = array<i32>} : memref<128xi32, #tpu.memory_space<vmem>>, vector<16xi32>,
      %shift_right_logical3A_2783 = arith.constant 7 : i32
      %shift_right_logical3A_2784 = vector.broadcast %shift_right_logical3A_2783 : i32 to vector<16xi32>
      %shift_right_logical3A_2785 = arith.shrui %get3A_2780, %shift_right_logical3A_2784 : vector<16xi32>
      %and3A_2786 = arith.constant 127 : i32
      %and3A_2787 = vector.broadcast %and3A_2786 : i32 to vector<16xi32>
      %and3A_2788 = arith.andi %get3A_2780, %and3A_2787 : vector<16xi32>
      %gather3A_2789 = tpu.vector_load_idx %arg10[%shift_right_logical3A_2785, %and3A_2788] : memref<80x128xi32, #tpu.memory_space<vmem>>[vector<16xi32>, vector<16xi32>], vector<16xi32>,
      %swap3A_2790 = arith.constant 1472 : index
      %swap3A_2791 = tpu.vector_load %arg12[%swap3A_2790] {strides = array<i32>} : memref<2048xi32, #tpu.memory_space<vmem>>, vector<16xi32>,
      tpu.vector_store %arg12[%swap3A_2790], %gather3A_2789 {strides = array<i32>} : memref<2048xi32, #tpu.memory_space<vmem>>, vector<16xi32>,
      %add3A_2792 = arith.constant 1472 : i32
      %add3A_2793 = vector.broadcast %add3A_2792 : i32 to vector<16xi32>
      %add3A_2794 = arith.addi %add3A_2793, %iota3A : vector<16xi32>
      %shift_right_logical3A_2795 = arith.constant 5 : i32
      %shift_right_logical3A_2796 = vector.broadcast %shift_right_logical3A_2795 : i32 to vector<16xi32>
      %shift_right_logical3A_2797 = arith.shrui %add3A_2794, %shift_right_logical3A_2796 : vector<16xi32>
      %mul3A_2798 = arith.constant 2 : i32
      %mul3A_2799 = vector.broadcast %mul3A_2798 : i32 to vector<16xi32>
      %mul3A_2800 = arith.muli %shift_right_logical3A_2797, %mul3A_2799 : vector<16xi32>
      %add3A_2801 = vector.broadcast %mul3A_2 : i32 to vector<16xi32>
      %add3A_2802 = arith.addi %add3A_2801, %mul3A_2800 : vector<16xi32>
      %add3A_2803 = arith.addi %add3A_2802, %gather3A_2789 : vector<16xi32>
      %swap3A_2804 = arith.constant 64 : index
      %swap3A_2805 = tpu.vector_load %arg14[%swap3A_2804] {strides = array<i32>} : memref<128xi32, #tpu.memory_space<vmem>>, vector<16xi32>,
      tpu.vector_store %arg14[%swap3A_2804], %add3A_2803 {strides = array<i32>} : memref<128xi32, #tpu.memory_space<vmem>>, vector<16xi32>,
      %get3A_2806 = arith.constant 1488 : index
      %get3A_2807 = tpu.vector_load %arg11[%get3A_2806] {strides = array<i32>} : memref<2048xi32, #tpu.memory_space<vmem>>, vector<16xi32>,
      %swap3A_2808 = arith.constant 80 : index
      %swap3A_2809 = tpu.vector_load %arg16[%swap3A_2808] {strides = array<i32>} : memref<128xi32, #tpu.memory_space<vmem>>, vector<16xi32>,
      tpu.vector_store %arg16[%swap3A_2808], %get3A_2807 {strides = array<i32>} : memref<128xi32, #tpu.memory_space<vmem>>, vector<16xi32>,
      %shift_right_logical3A_2810 = arith.constant 7 : i32
      %shift_right_logical3A_2811 = vector.broadcast %shift_right_logical3A_2810 : i32 to vector<16xi32>
      %shift_right_logical3A_2812 = arith.shrui %get3A_2807, %shift_right_logical3A_2811 : vector<16xi32>
      %and3A_2813 = arith.constant 127 : i32
      %and3A_2814 = vector.broadcast %and3A_2813 : i32 to vector<16xi32>
      %and3A_2815 = arith.andi %get3A_2807, %and3A_2814 : vector<16xi32>
      %gather3A_2816 = tpu.vector_load_idx %arg10[%shift_right_logical3A_2812, %and3A_2815] : memref<80x128xi32, #tpu.memory_space<vmem>>[vector<16xi32>, vector<16xi32>], vector<16xi32>,
      %swap3A_2817 = arith.constant 1488 : index
      %swap3A_2818 = tpu.vector_load %arg12[%swap3A_2817] {strides = array<i32>} : memref<2048xi32, #tpu.memory_space<vmem>>, vector<16xi32>,
      tpu.vector_store %arg12[%swap3A_2817], %gather3A_2816 {strides = array<i32>} : memref<2048xi32, #tpu.memory_space<vmem>>, vector<16xi32>,
      %add3A_2819 = arith.constant 1488 : i32
      %add3A_2820 = vector.broadcast %add3A_2819 : i32 to vector<16xi32>
      %add3A_2821 = arith.addi %add3A_2820, %iota3A : vector<16xi32>
      %shift_right_logical3A_2822 = arith.constant 5 : i32
      %shift_right_logical3A_2823 = vector.broadcast %shift_right_logical3A_2822 : i32 to vector<16xi32>
      %shift_right_logical3A_2824 = arith.shrui %add3A_2821, %shift_right_logical3A_2823 : vector<16xi32>
      %mul3A_2825 = arith.constant 2 : i32
      %mul3A_2826 = vector.broadcast %mul3A_2825 : i32 to vector<16xi32>
      %mul3A_2827 = arith.muli %shift_right_logical3A_2824, %mul3A_2826 : vector<16xi32>
      %add3A_2828 = vector.broadcast %mul3A_2 : i32 to vector<16xi32>
      %add3A_2829 = arith.addi %add3A_2828, %mul3A_2827 : vector<16xi32>
      %add3A_2830 = arith.addi %add3A_2829, %gather3A_2816 : vector<16xi32>
      %swap3A_2831 = arith.constant 80 : index
      %swap3A_2832 = tpu.vector_load %arg14[%swap3A_2831] {strides = array<i32>} : memref<128xi32, #tpu.memory_space<vmem>>, vector<16xi32>,
      tpu.vector_store %arg14[%swap3A_2831], %add3A_2830 {strides = array<i32>} : memref<128xi32, #tpu.memory_space<vmem>>, vector<16xi32>,
      %get3A_2833 = arith.constant 1504 : index
      %get3A_2834 = tpu.vector_load %arg11[%get3A_2833] {strides = array<i32>} : memref<2048xi32, #tpu.memory_space<vmem>>, vector<16xi32>,
      %swap3A_2835 = arith.constant 96 : index
      %swap3A_2836 = tpu.vector_load %arg16[%swap3A_2835] {strides = array<i32>} : memref<128xi32, #tpu.memory_space<vmem>>, vector<16xi32>,
      tpu.vector_store %arg16[%swap3A_2835], %get3A_2834 {strides = array<i32>} : memref<128xi32, #tpu.memory_space<vmem>>, vector<16xi32>,
      %shift_right_logical3A_2837 = arith.constant 7 : i32
      %shift_right_logical3A_2838 = vector.broadcast %shift_right_logical3A_2837 : i32 to vector<16xi32>
      %shift_right_logical3A_2839 = arith.shrui %get3A_2834, %shift_right_logical3A_2838 : vector<16xi32>
      %and3A_2840 = arith.constant 127 : i32
      %and3A_2841 = vector.broadcast %and3A_2840 : i32 to vector<16xi32>
      %and3A_2842 = arith.andi %get3A_2834, %and3A_2841 : vector<16xi32>
      %gather3A_2843 = tpu.vector_load_idx %arg10[%shift_right_logical3A_2839, %and3A_2842] : memref<80x128xi32, #tpu.memory_space<vmem>>[vector<16xi32>, vector<16xi32>], vector<16xi32>,
      %swap3A_2844 = arith.constant 1504 : index
      %swap3A_2845 = tpu.vector_load %arg12[%swap3A_2844] {strides = array<i32>} : memref<2048xi32, #tpu.memory_space<vmem>>, vector<16xi32>,
      tpu.vector_store %arg12[%swap3A_2844], %gather3A_2843 {strides = array<i32>} : memref<2048xi32, #tpu.memory_space<vmem>>, vector<16xi32>,
      %add3A_2846 = arith.constant 1504 : i32
      %add3A_2847 = vector.broadcast %add3A_2846 : i32 to vector<16xi32>
      %add3A_2848 = arith.addi %add3A_2847, %iota3A : vector<16xi32>
      %shift_right_logical3A_2849 = arith.constant 5 : i32
      %shift_right_logical3A_2850 = vector.broadcast %shift_right_logical3A_2849 : i32 to vector<16xi32>
      %shift_right_logical3A_2851 = arith.shrui %add3A_2848, %shift_right_logical3A_2850 : vector<16xi32>
      %mul3A_2852 = arith.constant 2 : i32
      %mul3A_2853 = vector.broadcast %mul3A_2852 : i32 to vector<16xi32>
      %mul3A_2854 = arith.muli %shift_right_logical3A_2851, %mul3A_2853 : vector<16xi32>
      %add3A_2855 = vector.broadcast %mul3A_2 : i32 to vector<16xi32>
      %add3A_2856 = arith.addi %add3A_2855, %mul3A_2854 : vector<16xi32>
      %add3A_2857 = arith.addi %add3A_2856, %gather3A_2843 : vector<16xi32>
      %swap3A_2858 = arith.constant 96 : index
      %swap3A_2859 = tpu.vector_load %arg14[%swap3A_2858] {strides = array<i32>} : memref<128xi32, #tpu.memory_space<vmem>>, vector<16xi32>,
      tpu.vector_store %arg14[%swap3A_2858], %add3A_2857 {strides = array<i32>} : memref<128xi32, #tpu.memory_space<vmem>>, vector<16xi32>,
      %get3A_2860 = arith.constant 1520 : index
      %get3A_2861 = tpu.vector_load %arg11[%get3A_2860] {strides = array<i32>} : memref<2048xi32, #tpu.memory_space<vmem>>, vector<16xi32>,
      %swap3A_2862 = arith.constant 112 : index
      %swap3A_2863 = tpu.vector_load %arg16[%swap3A_2862] {strides = array<i32>} : memref<128xi32, #tpu.memory_space<vmem>>, vector<16xi32>,
      tpu.vector_store %arg16[%swap3A_2862], %get3A_2861 {strides = array<i32>} : memref<128xi32, #tpu.memory_space<vmem>>, vector<16xi32>,
      %shift_right_logical3A_2864 = arith.constant 7 : i32
      %shift_right_logical3A_2865 = vector.broadcast %shift_right_logical3A_2864 : i32 to vector<16xi32>
      %shift_right_logical3A_2866 = arith.shrui %get3A_2861, %shift_right_logical3A_2865 : vector<16xi32>
      %and3A_2867 = arith.constant 127 : i32
      %and3A_2868 = vector.broadcast %and3A_2867 : i32 to vector<16xi32>
      %and3A_2869 = arith.andi %get3A_2861, %and3A_2868 : vector<16xi32>
      %gather3A_2870 = tpu.vector_load_idx %arg10[%shift_right_logical3A_2866, %and3A_2869] : memref<80x128xi32, #tpu.memory_space<vmem>>[vector<16xi32>, vector<16xi32>], vector<16xi32>,
      %swap3A_2871 = arith.constant 1520 : index
      %swap3A_2872 = tpu.vector_load %arg12[%swap3A_2871] {strides = array<i32>} : memref<2048xi32, #tpu.memory_space<vmem>>, vector<16xi32>,
      tpu.vector_store %arg12[%swap3A_2871], %gather3A_2870 {strides = array<i32>} : memref<2048xi32, #tpu.memory_space<vmem>>, vector<16xi32>,
      %add3A_2873 = arith.constant 1520 : i32
      %add3A_2874 = vector.broadcast %add3A_2873 : i32 to vector<16xi32>
      %add3A_2875 = arith.addi %add3A_2874, %iota3A : vector<16xi32>
      %shift_right_logical3A_2876 = arith.constant 5 : i32
      %shift_right_logical3A_2877 = vector.broadcast %shift_right_logical3A_2876 : i32 to vector<16xi32>
      %shift_right_logical3A_2878 = arith.shrui %add3A_2875, %shift_right_logical3A_2877 : vector<16xi32>
      %mul3A_2879 = arith.constant 2 : i32
      %mul3A_2880 = vector.broadcast %mul3A_2879 : i32 to vector<16xi32>
      %mul3A_2881 = arith.muli %shift_right_logical3A_2878, %mul3A_2880 : vector<16xi32>
      %add3A_2882 = vector.broadcast %mul3A_2 : i32 to vector<16xi32>
      %add3A_2883 = arith.addi %add3A_2882, %mul3A_2881 : vector<16xi32>
      %add3A_2884 = arith.addi %add3A_2883, %gather3A_2870 : vector<16xi32>
      %swap3A_2885 = arith.constant 112 : index
      %swap3A_2886 = tpu.vector_load %arg14[%swap3A_2885] {strides = array<i32>} : memref<128xi32, #tpu.memory_space<vmem>>, vector<16xi32>,
      tpu.vector_store %arg14[%swap3A_2885], %add3A_2884 {strides = array<i32>} : memref<128xi32, #tpu.memory_space<vmem>>, vector<16xi32>,
      %dma_start3A_2887 = arith.constant 0 : i32
      %dma_start3A_2888 = arith.constant 0 : i32
      %dma_start3A_2889 = tpu.memref_slice %arg2[%dma_start3A_2887, %dma_start3A_2888] : memref<10000x128xf32, #tpu.memory_space<hbm>> -> memref<10000x128xf32, #tpu.memory_space<hbm>>
      tpu.enqueue_indirect_dma source(%dma_start3A_2889 : memref<10000x128xf32, #tpu.memory_space<hbm>>) target(%arg18 : memref<128x128xf32, #tpu.memory_space<vmem>>) offsets(%arg16 : memref<128xi32, #tpu.memory_space<vmem>>) semaphore(%arg23 : memref<!tpu.dma_semaphore, #tpu.memory_space<semaphore_mem>>)
      %dma_start3A_2890 = arith.constant 0 : i32
      %dma_start3A_2891 = arith.constant 0 : i32
      %dma_start3A_2892 = tpu.memref_slice %arg3[%dma_start3A_2890, %dma_start3A_2891] : memref<10000x128xf32, #tpu.memory_space<hbm>> -> memref<10000x128xf32, #tpu.memory_space<hbm>>
      tpu.enqueue_indirect_dma source(%dma_start3A_2892 : memref<10000x128xf32, #tpu.memory_space<hbm>>) target(%arg20 : memref<128x128xf32, #tpu.memory_space<vmem>>) offsets(%arg16 : memref<128xi32, #tpu.memory_space<vmem>>) semaphore(%arg23 : memref<!tpu.dma_semaphore, #tpu.memory_space<semaphore_mem>>)
      %dma_wait3A_2893 = arith.constant 0 : i32
      %dma_wait3A_2894 = arith.constant 0 : i32
      %dma_wait3A_2895 = tpu.memref_slice %arg2[%dma_wait3A_2893, %dma_wait3A_2894] : memref<10000x128xf32, #tpu.memory_space<hbm>> -> memref<10000x128xf32, #tpu.memory_space<hbm>>
      tpu.wait_indirect_dma semaphore(%arg22 : memref<!tpu.dma_semaphore, #tpu.memory_space<semaphore_mem>>) src(%dma_wait3A_2895 : memref<10000x128xf32, #tpu.memory_space<hbm>>) dst(%arg17 : memref<128x128xf32, #tpu.memory_space<vmem>>)
      %dma_wait3A_2896 = arith.constant 0 : i32
      %dma_wait3A_2897 = arith.constant 0 : i32
      %dma_wait3A_2898 = tpu.memref_slice %arg3[%dma_wait3A_2896, %dma_wait3A_2897] : memref<10000x128xf32, #tpu.memory_space<hbm>> -> memref<10000x128xf32, #tpu.memory_space<hbm>>
      tpu.wait_indirect_dma semaphore(%arg22 : memref<!tpu.dma_semaphore, #tpu.memory_space<semaphore_mem>>) src(%dma_wait3A_2898 : memref<10000x128xf32, #tpu.memory_space<hbm>>) dst(%arg19 : memref<128x128xf32, #tpu.memory_space<vmem>>)
      %dma_start3A_2899 = arith.constant 0 : i32
      %dma_start3A_2900 = arith.constant 0 : i32
      %dma_start3A_2901 = tpu.memref_slice %arg21[%dma_start3A_2899, %dma_start3A_2900] : memref<2048x128xf32, #tpu.memory_space<vmem_shared>> -> memref<2048x128xf32, #tpu.memory_space<vmem_shared>>
      tpu.enqueue_indirect_dma source(%arg17 : memref<128x128xf32, #tpu.memory_space<vmem>>) target(%dma_start3A_2901 : memref<2048x128xf32, #tpu.memory_space<vmem_shared>>) offsets(%arg13 : memref<128xi32, #tpu.memory_space<vmem>>) semaphore(%arg24 : memref<!tpu.dma_semaphore, #tpu.memory_space<semaphore_mem>>) {add = true}
      %add3A_2902 = arith.constant 1280 : i32
      %add3A_2903 = arith.addi %mul3A_15, %add3A_2902 : i32
      %dma_start3A_2904 = arith.constant 0 : i32
      %dma_start3A_2905 = tpu.memref_slice %arg8[%add3A_2903, %dma_start3A_2904] : memref<327680x128xf32, #tpu.memory_space<hbm>> -> memref<128x128xf32, #tpu.memory_space<hbm>>
      %dma_start3A_2906 = arith.constant 0 : i32
      %dma_start3A_2907 = tpu.memref_slice %arg8[%add3A_2903, %dma_start3A_2906] : memref<327680x128xf32, #tpu.memory_space<hbm>> -> memref<128x128xf32, #tpu.memory_space<hbm>>
      tpu.enqueue_dma source(%arg19 : memref<128x128xf32, #tpu.memory_space<vmem>>) target(%dma_start3A_2907 : memref<128x128xf32, #tpu.memory_space<hbm>>) target_semaphore(%arg26 : memref<!tpu.dma_semaphore, #tpu.memory_space<semaphore_mem>>)
      %dma_wait3A_2908 = arith.constant 0 : i32
      %dma_wait3A_2909 = arith.constant 0 : i32
      %dma_wait3A_2910 = tpu.memref_slice %arg21[%dma_wait3A_2908, %dma_wait3A_2909] : memref<2048x128xf32, #tpu.memory_space<vmem_shared>> -> memref<2048x128xf32, #tpu.memory_space<vmem_shared>>
      tpu.wait_indirect_dma semaphore(%arg24 : memref<!tpu.dma_semaphore, #tpu.memory_space<semaphore_mem>>) src(%arg17 : memref<128x128xf32, #tpu.memory_space<vmem>>) dst(%dma_wait3A_2910 : memref<2048x128xf32, #tpu.memory_space<vmem_shared>>)
      %dma_wait3A_2911 = arith.constant 0 : i32
      %dma_wait3A_2912 = tpu.memref_slice %arg8[%add3A_2903, %dma_wait3A_2911] : memref<327680x128xf32, #tpu.memory_space<hbm>> -> memref<128x128xf32, #tpu.memory_space<hbm>>
      %dma_wait3A_2913 = arith.constant 0 : i32
      %dma_wait3A_2914 = tpu.memref_slice %arg8[%add3A_2903, %dma_wait3A_2913] : memref<327680x128xf32, #tpu.memory_space<hbm>> -> memref<128x128xf32, #tpu.memory_space<hbm>>
      tpu.wait_dma2 semaphore(%arg26 : memref<!tpu.dma_semaphore, #tpu.memory_space<semaphore_mem>>) src(%arg19 : memref<128x128xf32, #tpu.memory_space<vmem>>) dst(%dma_wait3A_2914 : memref<128x128xf32, #tpu.memory_space<hbm>>)
      %get3A_2915 = arith.constant 1536 : index
      %get3A_2916 = tpu.vector_load %arg11[%get3A_2915] {strides = array<i32>} : memref<2048xi32, #tpu.memory_space<vmem>>, vector<16xi32>,
      %swap3A_2917 = arith.constant 0 : index
      %swap3A_2918 = tpu.vector_load %arg15[%swap3A_2917] {strides = array<i32>} : memref<128xi32, #tpu.memory_space<vmem>>, vector<16xi32>,
      tpu.vector_store %arg15[%swap3A_2917], %get3A_2916 {strides = array<i32>} : memref<128xi32, #tpu.memory_space<vmem>>, vector<16xi32>,
      %shift_right_logical3A_2919 = arith.constant 7 : i32
      %shift_right_logical3A_2920 = vector.broadcast %shift_right_logical3A_2919 : i32 to vector<16xi32>
      %shift_right_logical3A_2921 = arith.shrui %get3A_2916, %shift_right_logical3A_2920 : vector<16xi32>
      %and3A_2922 = arith.constant 127 : i32
      %and3A_2923 = vector.broadcast %and3A_2922 : i32 to vector<16xi32>
      %and3A_2924 = arith.andi %get3A_2916, %and3A_2923 : vector<16xi32>
      %gather3A_2925 = tpu.vector_load_idx %arg10[%shift_right_logical3A_2921, %and3A_2924] : memref<80x128xi32, #tpu.memory_space<vmem>>[vector<16xi32>, vector<16xi32>], vector<16xi32>,
      %swap3A_2926 = arith.constant 1536 : index
      %swap3A_2927 = tpu.vector_load %arg12[%swap3A_2926] {strides = array<i32>} : memref<2048xi32, #tpu.memory_space<vmem>>, vector<16xi32>,
      tpu.vector_store %arg12[%swap3A_2926], %gather3A_2925 {strides = array<i32>} : memref<2048xi32, #tpu.memory_space<vmem>>, vector<16xi32>,
      %add3A_2928 = arith.constant 1536 : i32
      %add3A_2929 = vector.broadcast %add3A_2928 : i32 to vector<16xi32>
      %add3A_2930 = arith.addi %add3A_2929, %iota3A : vector<16xi32>
      %shift_right_logical3A_2931 = arith.constant 5 : i32
      %shift_right_logical3A_2932 = vector.broadcast %shift_right_logical3A_2931 : i32 to vector<16xi32>
      %shift_right_logical3A_2933 = arith.shrui %add3A_2930, %shift_right_logical3A_2932 : vector<16xi32>
      %mul3A_2934 = arith.constant 2 : i32
      %mul3A_2935 = vector.broadcast %mul3A_2934 : i32 to vector<16xi32>
      %mul3A_2936 = arith.muli %shift_right_logical3A_2933, %mul3A_2935 : vector<16xi32>
      %add3A_2937 = vector.broadcast %mul3A_2 : i32 to vector<16xi32>
      %add3A_2938 = arith.addi %add3A_2937, %mul3A_2936 : vector<16xi32>
      %add3A_2939 = arith.addi %add3A_2938, %gather3A_2925 : vector<16xi32>
      %swap3A_2940 = arith.constant 0 : index
      %swap3A_2941 = tpu.vector_load %arg13[%swap3A_2940] {strides = array<i32>} : memref<128xi32, #tpu.memory_space<vmem>>, vector<16xi32>,
      tpu.vector_store %arg13[%swap3A_2940], %add3A_2939 {strides = array<i32>} : memref<128xi32, #tpu.memory_space<vmem>>, vector<16xi32>,
      %get3A_2942 = arith.constant 1552 : index
      %get3A_2943 = tpu.vector_load %arg11[%get3A_2942] {strides = array<i32>} : memref<2048xi32, #tpu.memory_space<vmem>>, vector<16xi32>,
      %swap3A_2944 = arith.constant 16 : index
      %swap3A_2945 = tpu.vector_load %arg15[%swap3A_2944] {strides = array<i32>} : memref<128xi32, #tpu.memory_space<vmem>>, vector<16xi32>,
      tpu.vector_store %arg15[%swap3A_2944], %get3A_2943 {strides = array<i32>} : memref<128xi32, #tpu.memory_space<vmem>>, vector<16xi32>,
      %shift_right_logical3A_2946 = arith.constant 7 : i32
      %shift_right_logical3A_2947 = vector.broadcast %shift_right_logical3A_2946 : i32 to vector<16xi32>
      %shift_right_logical3A_2948 = arith.shrui %get3A_2943, %shift_right_logical3A_2947 : vector<16xi32>
      %and3A_2949 = arith.constant 127 : i32
      %and3A_2950 = vector.broadcast %and3A_2949 : i32 to vector<16xi32>
      %and3A_2951 = arith.andi %get3A_2943, %and3A_2950 : vector<16xi32>
      %gather3A_2952 = tpu.vector_load_idx %arg10[%shift_right_logical3A_2948, %and3A_2951] : memref<80x128xi32, #tpu.memory_space<vmem>>[vector<16xi32>, vector<16xi32>], vector<16xi32>,
      %swap3A_2953 = arith.constant 1552 : index
      %swap3A_2954 = tpu.vector_load %arg12[%swap3A_2953] {strides = array<i32>} : memref<2048xi32, #tpu.memory_space<vmem>>, vector<16xi32>,
      tpu.vector_store %arg12[%swap3A_2953], %gather3A_2952 {strides = array<i32>} : memref<2048xi32, #tpu.memory_space<vmem>>, vector<16xi32>,
      %add3A_2955 = arith.constant 1552 : i32
      %add3A_2956 = vector.broadcast %add3A_2955 : i32 to vector<16xi32>
      %add3A_2957 = arith.addi %add3A_2956, %iota3A : vector<16xi32>
      %shift_right_logical3A_2958 = arith.constant 5 : i32
      %shift_right_logical3A_2959 = vector.broadcast %shift_right_logical3A_2958 : i32 to vector<16xi32>
      %shift_right_logical3A_2960 = arith.shrui %add3A_2957, %shift_right_logical3A_2959 : vector<16xi32>
      %mul3A_2961 = arith.constant 2 : i32
      %mul3A_2962 = vector.broadcast %mul3A_2961 : i32 to vector<16xi32>
      %mul3A_2963 = arith.muli %shift_right_logical3A_2960, %mul3A_2962 : vector<16xi32>
      %add3A_2964 = vector.broadcast %mul3A_2 : i32 to vector<16xi32>
      %add3A_2965 = arith.addi %add3A_2964, %mul3A_2963 : vector<16xi32>
      %add3A_2966 = arith.addi %add3A_2965, %gather3A_2952 : vector<16xi32>
      %swap3A_2967 = arith.constant 16 : index
      %swap3A_2968 = tpu.vector_load %arg13[%swap3A_2967] {strides = array<i32>} : memref<128xi32, #tpu.memory_space<vmem>>, vector<16xi32>,
      tpu.vector_store %arg13[%swap3A_2967], %add3A_2966 {strides = array<i32>} : memref<128xi32, #tpu.memory_space<vmem>>, vector<16xi32>,
      %get3A_2969 = arith.constant 1568 : index
      %get3A_2970 = tpu.vector_load %arg11[%get3A_2969] {strides = array<i32>} : memref<2048xi32, #tpu.memory_space<vmem>>, vector<16xi32>,
      %swap3A_2971 = arith.constant 32 : index
      %swap3A_2972 = tpu.vector_load %arg15[%swap3A_2971] {strides = array<i32>} : memref<128xi32, #tpu.memory_space<vmem>>, vector<16xi32>,
      tpu.vector_store %arg15[%swap3A_2971], %get3A_2970 {strides = array<i32>} : memref<128xi32, #tpu.memory_space<vmem>>, vector<16xi32>,
      %shift_right_logical3A_2973 = arith.constant 7 : i32
      %shift_right_logical3A_2974 = vector.broadcast %shift_right_logical3A_2973 : i32 to vector<16xi32>
      %shift_right_logical3A_2975 = arith.shrui %get3A_2970, %shift_right_logical3A_2974 : vector<16xi32>
      %and3A_2976 = arith.constant 127 : i32
      %and3A_2977 = vector.broadcast %and3A_2976 : i32 to vector<16xi32>
      %and3A_2978 = arith.andi %get3A_2970, %and3A_2977 : vector<16xi32>
      %gather3A_2979 = tpu.vector_load_idx %arg10[%shift_right_logical3A_2975, %and3A_2978] : memref<80x128xi32, #tpu.memory_space<vmem>>[vector<16xi32>, vector<16xi32>], vector<16xi32>,
      %swap3A_2980 = arith.constant 1568 : index
      %swap3A_2981 = tpu.vector_load %arg12[%swap3A_2980] {strides = array<i32>} : memref<2048xi32, #tpu.memory_space<vmem>>, vector<16xi32>,
      tpu.vector_store %arg12[%swap3A_2980], %gather3A_2979 {strides = array<i32>} : memref<2048xi32, #tpu.memory_space<vmem>>, vector<16xi32>,
      %add3A_2982 = arith.constant 1568 : i32
      %add3A_2983 = vector.broadcast %add3A_2982 : i32 to vector<16xi32>
      %add3A_2984 = arith.addi %add3A_2983, %iota3A : vector<16xi32>
      %shift_right_logical3A_2985 = arith.constant 5 : i32
      %shift_right_logical3A_2986 = vector.broadcast %shift_right_logical3A_2985 : i32 to vector<16xi32>
      %shift_right_logical3A_2987 = arith.shrui %add3A_2984, %shift_right_logical3A_2986 : vector<16xi32>
      %mul3A_2988 = arith.constant 2 : i32
      %mul3A_2989 = vector.broadcast %mul3A_2988 : i32 to vector<16xi32>
      %mul3A_2990 = arith.muli %shift_right_logical3A_2987, %mul3A_2989 : vector<16xi32>
      %add3A_2991 = vector.broadcast %mul3A_2 : i32 to vector<16xi32>
      %add3A_2992 = arith.addi %add3A_2991, %mul3A_2990 : vector<16xi32>
      %add3A_2993 = arith.addi %add3A_2992, %gather3A_2979 : vector<16xi32>
      %swap3A_2994 = arith.constant 32 : index
      %swap3A_2995 = tpu.vector_load %arg13[%swap3A_2994] {strides = array<i32>} : memref<128xi32, #tpu.memory_space<vmem>>, vector<16xi32>,
      tpu.vector_store %arg13[%swap3A_2994], %add3A_2993 {strides = array<i32>} : memref<128xi32, #tpu.memory_space<vmem>>, vector<16xi32>,
      %get3A_2996 = arith.constant 1584 : index
      %get3A_2997 = tpu.vector_load %arg11[%get3A_2996] {strides = array<i32>} : memref<2048xi32, #tpu.memory_space<vmem>>, vector<16xi32>,
      %swap3A_2998 = arith.constant 48 : index
      %swap3A_2999 = tpu.vector_load %arg15[%swap3A_2998] {strides = array<i32>} : memref<128xi32, #tpu.memory_space<vmem>>, vector<16xi32>,
      tpu.vector_store %arg15[%swap3A_2998], %get3A_2997 {strides = array<i32>} : memref<128xi32, #tpu.memory_space<vmem>>, vector<16xi32>,
      %shift_right_logical3A_3000 = arith.constant 7 : i32
      %shift_right_logical3A_3001 = vector.broadcast %shift_right_logical3A_3000 : i32 to vector<16xi32>
      %shift_right_logical3A_3002 = arith.shrui %get3A_2997, %shift_right_logical3A_3001 : vector<16xi32>
      %and3A_3003 = arith.constant 127 : i32
      %and3A_3004 = vector.broadcast %and3A_3003 : i32 to vector<16xi32>
      %and3A_3005 = arith.andi %get3A_2997, %and3A_3004 : vector<16xi32>
      %gather3A_3006 = tpu.vector_load_idx %arg10[%shift_right_logical3A_3002, %and3A_3005] : memref<80x128xi32, #tpu.memory_space<vmem>>[vector<16xi32>, vector<16xi32>], vector<16xi32>,
      %swap3A_3007 = arith.constant 1584 : index
      %swap3A_3008 = tpu.vector_load %arg12[%swap3A_3007] {strides = array<i32>} : memref<2048xi32, #tpu.memory_space<vmem>>, vector<16xi32>,
      tpu.vector_store %arg12[%swap3A_3007], %gather3A_3006 {strides = array<i32>} : memref<2048xi32, #tpu.memory_space<vmem>>, vector<16xi32>,
      %add3A_3009 = arith.constant 1584 : i32
      %add3A_3010 = vector.broadcast %add3A_3009 : i32 to vector<16xi32>
      %add3A_3011 = arith.addi %add3A_3010, %iota3A : vector<16xi32>
      %shift_right_logical3A_3012 = arith.constant 5 : i32
      %shift_right_logical3A_3013 = vector.broadcast %shift_right_logical3A_3012 : i32 to vector<16xi32>
      %shift_right_logical3A_3014 = arith.shrui %add3A_3011, %shift_right_logical3A_3013 : vector<16xi32>
      %mul3A_3015 = arith.constant 2 : i32
      %mul3A_3016 = vector.broadcast %mul3A_3015 : i32 to vector<16xi32>
      %mul3A_3017 = arith.muli %shift_right_logical3A_3014, %mul3A_3016 : vector<16xi32>
      %add3A_3018 = vector.broadcast %mul3A_2 : i32 to vector<16xi32>
      %add3A_3019 = arith.addi %add3A_3018, %mul3A_3017 : vector<16xi32>
      %add3A_3020 = arith.addi %add3A_3019, %gather3A_3006 : vector<16xi32>
      %swap3A_3021 = arith.constant 48 : index
      %swap3A_3022 = tpu.vector_load %arg13[%swap3A_3021] {strides = array<i32>} : memref<128xi32, #tpu.memory_space<vmem>>, vector<16xi32>,
      tpu.vector_store %arg13[%swap3A_3021], %add3A_3020 {strides = array<i32>} : memref<128xi32, #tpu.memory_space<vmem>>, vector<16xi32>,
      %get3A_3023 = arith.constant 1600 : index
      %get3A_3024 = tpu.vector_load %arg11[%get3A_3023] {strides = array<i32>} : memref<2048xi32, #tpu.memory_space<vmem>>, vector<16xi32>,
      %swap3A_3025 = arith.constant 64 : index
      %swap3A_3026 = tpu.vector_load %arg15[%swap3A_3025] {strides = array<i32>} : memref<128xi32, #tpu.memory_space<vmem>>, vector<16xi32>,
      tpu.vector_store %arg15[%swap3A_3025], %get3A_3024 {strides = array<i32>} : memref<128xi32, #tpu.memory_space<vmem>>, vector<16xi32>,
      %shift_right_logical3A_3027 = arith.constant 7 : i32
      %shift_right_logical3A_3028 = vector.broadcast %shift_right_logical3A_3027 : i32 to vector<16xi32>
      %shift_right_logical3A_3029 = arith.shrui %get3A_3024, %shift_right_logical3A_3028 : vector<16xi32>
      %and3A_3030 = arith.constant 127 : i32
      %and3A_3031 = vector.broadcast %and3A_3030 : i32 to vector<16xi32>
      %and3A_3032 = arith.andi %get3A_3024, %and3A_3031 : vector<16xi32>
      %gather3A_3033 = tpu.vector_load_idx %arg10[%shift_right_logical3A_3029, %and3A_3032] : memref<80x128xi32, #tpu.memory_space<vmem>>[vector<16xi32>, vector<16xi32>], vector<16xi32>,
      %swap3A_3034 = arith.constant 1600 : index
      %swap3A_3035 = tpu.vector_load %arg12[%swap3A_3034] {strides = array<i32>} : memref<2048xi32, #tpu.memory_space<vmem>>, vector<16xi32>,
      tpu.vector_store %arg12[%swap3A_3034], %gather3A_3033 {strides = array<i32>} : memref<2048xi32, #tpu.memory_space<vmem>>, vector<16xi32>,
      %add3A_3036 = arith.constant 1600 : i32
      %add3A_3037 = vector.broadcast %add3A_3036 : i32 to vector<16xi32>
      %add3A_3038 = arith.addi %add3A_3037, %iota3A : vector<16xi32>
      %shift_right_logical3A_3039 = arith.constant 5 : i32
      %shift_right_logical3A_3040 = vector.broadcast %shift_right_logical3A_3039 : i32 to vector<16xi32>
      %shift_right_logical3A_3041 = arith.shrui %add3A_3038, %shift_right_logical3A_3040 : vector<16xi32>
      %mul3A_3042 = arith.constant 2 : i32
      %mul3A_3043 = vector.broadcast %mul3A_3042 : i32 to vector<16xi32>
      %mul3A_3044 = arith.muli %shift_right_logical3A_3041, %mul3A_3043 : vector<16xi32>
      %add3A_3045 = vector.broadcast %mul3A_2 : i32 to vector<16xi32>
      %add3A_3046 = arith.addi %add3A_3045, %mul3A_3044 : vector<16xi32>
      %add3A_3047 = arith.addi %add3A_3046, %gather3A_3033 : vector<16xi32>
      %swap3A_3048 = arith.constant 64 : index
      %swap3A_3049 = tpu.vector_load %arg13[%swap3A_3048] {strides = array<i32>} : memref<128xi32, #tpu.memory_space<vmem>>, vector<16xi32>,
      tpu.vector_store %arg13[%swap3A_3048], %add3A_3047 {strides = array<i32>} : memref<128xi32, #tpu.memory_space<vmem>>, vector<16xi32>,
      %get3A_3050 = arith.constant 1616 : index
      %get3A_3051 = tpu.vector_load %arg11[%get3A_3050] {strides = array<i32>} : memref<2048xi32, #tpu.memory_space<vmem>>, vector<16xi32>,
      %swap3A_3052 = arith.constant 80 : index
      %swap3A_3053 = tpu.vector_load %arg15[%swap3A_3052] {strides = array<i32>} : memref<128xi32, #tpu.memory_space<vmem>>, vector<16xi32>,
      tpu.vector_store %arg15[%swap3A_3052], %get3A_3051 {strides = array<i32>} : memref<128xi32, #tpu.memory_space<vmem>>, vector<16xi32>,
      %shift_right_logical3A_3054 = arith.constant 7 : i32
      %shift_right_logical3A_3055 = vector.broadcast %shift_right_logical3A_3054 : i32 to vector<16xi32>
      %shift_right_logical3A_3056 = arith.shrui %get3A_3051, %shift_right_logical3A_3055 : vector<16xi32>
      %and3A_3057 = arith.constant 127 : i32
      %and3A_3058 = vector.broadcast %and3A_3057 : i32 to vector<16xi32>
      %and3A_3059 = arith.andi %get3A_3051, %and3A_3058 : vector<16xi32>
      %gather3A_3060 = tpu.vector_load_idx %arg10[%shift_right_logical3A_3056, %and3A_3059] : memref<80x128xi32, #tpu.memory_space<vmem>>[vector<16xi32>, vector<16xi32>], vector<16xi32>,
      %swap3A_3061 = arith.constant 1616 : index
      %swap3A_3062 = tpu.vector_load %arg12[%swap3A_3061] {strides = array<i32>} : memref<2048xi32, #tpu.memory_space<vmem>>, vector<16xi32>,
      tpu.vector_store %arg12[%swap3A_3061], %gather3A_3060 {strides = array<i32>} : memref<2048xi32, #tpu.memory_space<vmem>>, vector<16xi32>,
      %add3A_3063 = arith.constant 1616 : i32
      %add3A_3064 = vector.broadcast %add3A_3063 : i32 to vector<16xi32>
      %add3A_3065 = arith.addi %add3A_3064, %iota3A : vector<16xi32>
      %shift_right_logical3A_3066 = arith.constant 5 : i32
      %shift_right_logical3A_3067 = vector.broadcast %shift_right_logical3A_3066 : i32 to vector<16xi32>
      %shift_right_logical3A_3068 = arith.shrui %add3A_3065, %shift_right_logical3A_3067 : vector<16xi32>
      %mul3A_3069 = arith.constant 2 : i32
      %mul3A_3070 = vector.broadcast %mul3A_3069 : i32 to vector<16xi32>
      %mul3A_3071 = arith.muli %shift_right_logical3A_3068, %mul3A_3070 : vector<16xi32>
      %add3A_3072 = vector.broadcast %mul3A_2 : i32 to vector<16xi32>
      %add3A_3073 = arith.addi %add3A_3072, %mul3A_3071 : vector<16xi32>
      %add3A_3074 = arith.addi %add3A_3073, %gather3A_3060 : vector<16xi32>
      %swap3A_3075 = arith.constant 80 : index
      %swap3A_3076 = tpu.vector_load %arg13[%swap3A_3075] {strides = array<i32>} : memref<128xi32, #tpu.memory_space<vmem>>, vector<16xi32>,
      tpu.vector_store %arg13[%swap3A_3075], %add3A_3074 {strides = array<i32>} : memref<128xi32, #tpu.memory_space<vmem>>, vector<16xi32>,
      %get3A_3077 = arith.constant 1632 : index
      %get3A_3078 = tpu.vector_load %arg11[%get3A_3077] {strides = array<i32>} : memref<2048xi32, #tpu.memory_space<vmem>>, vector<16xi32>,
      %swap3A_3079 = arith.constant 96 : index
      %swap3A_3080 = tpu.vector_load %arg15[%swap3A_3079] {strides = array<i32>} : memref<128xi32, #tpu.memory_space<vmem>>, vector<16xi32>,
      tpu.vector_store %arg15[%swap3A_3079], %get3A_3078 {strides = array<i32>} : memref<128xi32, #tpu.memory_space<vmem>>, vector<16xi32>,
      %shift_right_logical3A_3081 = arith.constant 7 : i32
      %shift_right_logical3A_3082 = vector.broadcast %shift_right_logical3A_3081 : i32 to vector<16xi32>
      %shift_right_logical3A_3083 = arith.shrui %get3A_3078, %shift_right_logical3A_3082 : vector<16xi32>
      %and3A_3084 = arith.constant 127 : i32
      %and3A_3085 = vector.broadcast %and3A_3084 : i32 to vector<16xi32>
      %and3A_3086 = arith.andi %get3A_3078, %and3A_3085 : vector<16xi32>
      %gather3A_3087 = tpu.vector_load_idx %arg10[%shift_right_logical3A_3083, %and3A_3086] : memref<80x128xi32, #tpu.memory_space<vmem>>[vector<16xi32>, vector<16xi32>], vector<16xi32>,
      %swap3A_3088 = arith.constant 1632 : index
      %swap3A_3089 = tpu.vector_load %arg12[%swap3A_3088] {strides = array<i32>} : memref<2048xi32, #tpu.memory_space<vmem>>, vector<16xi32>,
      tpu.vector_store %arg12[%swap3A_3088], %gather3A_3087 {strides = array<i32>} : memref<2048xi32, #tpu.memory_space<vmem>>, vector<16xi32>,
      %add3A_3090 = arith.constant 1632 : i32
      %add3A_3091 = vector.broadcast %add3A_3090 : i32 to vector<16xi32>
      %add3A_3092 = arith.addi %add3A_3091, %iota3A : vector<16xi32>
      %shift_right_logical3A_3093 = arith.constant 5 : i32
      %shift_right_logical3A_3094 = vector.broadcast %shift_right_logical3A_3093 : i32 to vector<16xi32>
      %shift_right_logical3A_3095 = arith.shrui %add3A_3092, %shift_right_logical3A_3094 : vector<16xi32>
      %mul3A_3096 = arith.constant 2 : i32
      %mul3A_3097 = vector.broadcast %mul3A_3096 : i32 to vector<16xi32>
      %mul3A_3098 = arith.muli %shift_right_logical3A_3095, %mul3A_3097 : vector<16xi32>
      %add3A_3099 = vector.broadcast %mul3A_2 : i32 to vector<16xi32>
      %add3A_3100 = arith.addi %add3A_3099, %mul3A_3098 : vector<16xi32>
      %add3A_3101 = arith.addi %add3A_3100, %gather3A_3087 : vector<16xi32>
      %swap3A_3102 = arith.constant 96 : index
      %swap3A_3103 = tpu.vector_load %arg13[%swap3A_3102] {strides = array<i32>} : memref<128xi32, #tpu.memory_space<vmem>>, vector<16xi32>,
      tpu.vector_store %arg13[%swap3A_3102], %add3A_3101 {strides = array<i32>} : memref<128xi32, #tpu.memory_space<vmem>>, vector<16xi32>,
      %get3A_3104 = arith.constant 1648 : index
      %get3A_3105 = tpu.vector_load %arg11[%get3A_3104] {strides = array<i32>} : memref<2048xi32, #tpu.memory_space<vmem>>, vector<16xi32>,
      %swap3A_3106 = arith.constant 112 : index
      %swap3A_3107 = tpu.vector_load %arg15[%swap3A_3106] {strides = array<i32>} : memref<128xi32, #tpu.memory_space<vmem>>, vector<16xi32>,
      tpu.vector_store %arg15[%swap3A_3106], %get3A_3105 {strides = array<i32>} : memref<128xi32, #tpu.memory_space<vmem>>, vector<16xi32>,
      %shift_right_logical3A_3108 = arith.constant 7 : i32
      %shift_right_logical3A_3109 = vector.broadcast %shift_right_logical3A_3108 : i32 to vector<16xi32>
      %shift_right_logical3A_3110 = arith.shrui %get3A_3105, %shift_right_logical3A_3109 : vector<16xi32>
      %and3A_3111 = arith.constant 127 : i32
      %and3A_3112 = vector.broadcast %and3A_3111 : i32 to vector<16xi32>
      %and3A_3113 = arith.andi %get3A_3105, %and3A_3112 : vector<16xi32>
      %gather3A_3114 = tpu.vector_load_idx %arg10[%shift_right_logical3A_3110, %and3A_3113] : memref<80x128xi32, #tpu.memory_space<vmem>>[vector<16xi32>, vector<16xi32>], vector<16xi32>,
      %swap3A_3115 = arith.constant 1648 : index
      %swap3A_3116 = tpu.vector_load %arg12[%swap3A_3115] {strides = array<i32>} : memref<2048xi32, #tpu.memory_space<vmem>>, vector<16xi32>,
      tpu.vector_store %arg12[%swap3A_3115], %gather3A_3114 {strides = array<i32>} : memref<2048xi32, #tpu.memory_space<vmem>>, vector<16xi32>,
      %add3A_3117 = arith.constant 1648 : i32
      %add3A_3118 = vector.broadcast %add3A_3117 : i32 to vector<16xi32>
      %add3A_3119 = arith.addi %add3A_3118, %iota3A : vector<16xi32>
      %shift_right_logical3A_3120 = arith.constant 5 : i32
      %shift_right_logical3A_3121 = vector.broadcast %shift_right_logical3A_3120 : i32 to vector<16xi32>
      %shift_right_logical3A_3122 = arith.shrui %add3A_3119, %shift_right_logical3A_3121 : vector<16xi32>
      %mul3A_3123 = arith.constant 2 : i32
      %mul3A_3124 = vector.broadcast %mul3A_3123 : i32 to vector<16xi32>
      %mul3A_3125 = arith.muli %shift_right_logical3A_3122, %mul3A_3124 : vector<16xi32>
      %add3A_3126 = vector.broadcast %mul3A_2 : i32 to vector<16xi32>
      %add3A_3127 = arith.addi %add3A_3126, %mul3A_3125 : vector<16xi32>
      %add3A_3128 = arith.addi %add3A_3127, %gather3A_3114 : vector<16xi32>
      %swap3A_3129 = arith.constant 112 : index
      %swap3A_3130 = tpu.vector_load %arg13[%swap3A_3129] {strides = array<i32>} : memref<128xi32, #tpu.memory_space<vmem>>, vector<16xi32>,
      tpu.vector_store %arg13[%swap3A_3129], %add3A_3128 {strides = array<i32>} : memref<128xi32, #tpu.memory_space<vmem>>, vector<16xi32>,
      %dma_start3A_3131 = arith.constant 0 : i32
      %dma_start3A_3132 = arith.constant 0 : i32
      %dma_start3A_3133 = tpu.memref_slice %arg2[%dma_start3A_3131, %dma_start3A_3132] : memref<10000x128xf32, #tpu.memory_space<hbm>> -> memref<10000x128xf32, #tpu.memory_space<hbm>>
      tpu.enqueue_indirect_dma source(%dma_start3A_3133 : memref<10000x128xf32, #tpu.memory_space<hbm>>) target(%arg17 : memref<128x128xf32, #tpu.memory_space<vmem>>) offsets(%arg15 : memref<128xi32, #tpu.memory_space<vmem>>) semaphore(%arg22 : memref<!tpu.dma_semaphore, #tpu.memory_space<semaphore_mem>>)
      %dma_start3A_3134 = arith.constant 0 : i32
      %dma_start3A_3135 = arith.constant 0 : i32
      %dma_start3A_3136 = tpu.memref_slice %arg3[%dma_start3A_3134, %dma_start3A_3135] : memref<10000x128xf32, #tpu.memory_space<hbm>> -> memref<10000x128xf32, #tpu.memory_space<hbm>>
      tpu.enqueue_indirect_dma source(%dma_start3A_3136 : memref<10000x128xf32, #tpu.memory_space<hbm>>) target(%arg19 : memref<128x128xf32, #tpu.memory_space<vmem>>) offsets(%arg15 : memref<128xi32, #tpu.memory_space<vmem>>) semaphore(%arg22 : memref<!tpu.dma_semaphore, #tpu.memory_space<semaphore_mem>>)
      %dma_wait3A_3137 = arith.constant 0 : i32
      %dma_wait3A_3138 = arith.constant 0 : i32
      %dma_wait3A_3139 = tpu.memref_slice %arg2[%dma_wait3A_3137, %dma_wait3A_3138] : memref<10000x128xf32, #tpu.memory_space<hbm>> -> memref<10000x128xf32, #tpu.memory_space<hbm>>
      tpu.wait_indirect_dma semaphore(%arg23 : memref<!tpu.dma_semaphore, #tpu.memory_space<semaphore_mem>>) src(%dma_wait3A_3139 : memref<10000x128xf32, #tpu.memory_space<hbm>>) dst(%arg18 : memref<128x128xf32, #tpu.memory_space<vmem>>)
      %dma_wait3A_3140 = arith.constant 0 : i32
      %dma_wait3A_3141 = arith.constant 0 : i32
      %dma_wait3A_3142 = tpu.memref_slice %arg3[%dma_wait3A_3140, %dma_wait3A_3141] : memref<10000x128xf32, #tpu.memory_space<hbm>> -> memref<10000x128xf32, #tpu.memory_space<hbm>>
      tpu.wait_indirect_dma semaphore(%arg23 : memref<!tpu.dma_semaphore, #tpu.memory_space<semaphore_mem>>) src(%dma_wait3A_3142 : memref<10000x128xf32, #tpu.memory_space<hbm>>) dst(%arg20 : memref<128x128xf32, #tpu.memory_space<vmem>>)
      %dma_start3A_3143 = arith.constant 0 : i32
      %dma_start3A_3144 = arith.constant 0 : i32
      %dma_start3A_3145 = tpu.memref_slice %arg21[%dma_start3A_3143, %dma_start3A_3144] : memref<2048x128xf32, #tpu.memory_space<vmem_shared>> -> memref<2048x128xf32, #tpu.memory_space<vmem_shared>>
      tpu.enqueue_indirect_dma source(%arg18 : memref<128x128xf32, #tpu.memory_space<vmem>>) target(%dma_start3A_3145 : memref<2048x128xf32, #tpu.memory_space<vmem_shared>>) offsets(%arg14 : memref<128xi32, #tpu.memory_space<vmem>>) semaphore(%arg25 : memref<!tpu.dma_semaphore, #tpu.memory_space<semaphore_mem>>) {add = true}
      %add3A_3146 = arith.constant 1408 : i32
      %add3A_3147 = arith.addi %mul3A_15, %add3A_3146 : i32
      %dma_start3A_3148 = arith.constant 0 : i32
      %dma_start3A_3149 = tpu.memref_slice %arg8[%add3A_3147, %dma_start3A_3148] : memref<327680x128xf32, #tpu.memory_space<hbm>> -> memref<128x128xf32, #tpu.memory_space<hbm>>
      %dma_start3A_3150 = arith.constant 0 : i32
      %dma_start3A_3151 = tpu.memref_slice %arg8[%add3A_3147, %dma_start3A_3150] : memref<327680x128xf32, #tpu.memory_space<hbm>> -> memref<128x128xf32, #tpu.memory_space<hbm>>
      tpu.enqueue_dma source(%arg20 : memref<128x128xf32, #tpu.memory_space<vmem>>) target(%dma_start3A_3151 : memref<128x128xf32, #tpu.memory_space<hbm>>) target_semaphore(%arg27 : memref<!tpu.dma_semaphore, #tpu.memory_space<semaphore_mem>>)
      %dma_wait3A_3152 = arith.constant 0 : i32
      %dma_wait3A_3153 = arith.constant 0 : i32
      %dma_wait3A_3154 = tpu.memref_slice %arg21[%dma_wait3A_3152, %dma_wait3A_3153] : memref<2048x128xf32, #tpu.memory_space<vmem_shared>> -> memref<2048x128xf32, #tpu.memory_space<vmem_shared>>
      tpu.wait_indirect_dma semaphore(%arg25 : memref<!tpu.dma_semaphore, #tpu.memory_space<semaphore_mem>>) src(%arg18 : memref<128x128xf32, #tpu.memory_space<vmem>>) dst(%dma_wait3A_3154 : memref<2048x128xf32, #tpu.memory_space<vmem_shared>>)
      %dma_wait3A_3155 = arith.constant 0 : i32
      %dma_wait3A_3156 = tpu.memref_slice %arg8[%add3A_3147, %dma_wait3A_3155] : memref<327680x128xf32, #tpu.memory_space<hbm>> -> memref<128x128xf32, #tpu.memory_space<hbm>>
      %dma_wait3A_3157 = arith.constant 0 : i32
      %dma_wait3A_3158 = tpu.memref_slice %arg8[%add3A_3147, %dma_wait3A_3157] : memref<327680x128xf32, #tpu.memory_space<hbm>> -> memref<128x128xf32, #tpu.memory_space<hbm>>
      tpu.wait_dma2 semaphore(%arg27 : memref<!tpu.dma_semaphore, #tpu.memory_space<semaphore_mem>>) src(%arg20 : memref<128x128xf32, #tpu.memory_space<vmem>>) dst(%dma_wait3A_3158 : memref<128x128xf32, #tpu.memory_space<hbm>>)
      %get3A_3159 = arith.constant 1664 : index
      %get3A_3160 = tpu.vector_load %arg11[%get3A_3159] {strides = array<i32>} : memref<2048xi32, #tpu.memory_space<vmem>>, vector<16xi32>,
      %swap3A_3161 = arith.constant 0 : index
      %swap3A_3162 = tpu.vector_load %arg16[%swap3A_3161] {strides = array<i32>} : memref<128xi32, #tpu.memory_space<vmem>>, vector<16xi32>,
      tpu.vector_store %arg16[%swap3A_3161], %get3A_3160 {strides = array<i32>} : memref<128xi32, #tpu.memory_space<vmem>>, vector<16xi32>,
      %shift_right_logical3A_3163 = arith.constant 7 : i32
      %shift_right_logical3A_3164 = vector.broadcast %shift_right_logical3A_3163 : i32 to vector<16xi32>
      %shift_right_logical3A_3165 = arith.shrui %get3A_3160, %shift_right_logical3A_3164 : vector<16xi32>
      %and3A_3166 = arith.constant 127 : i32
      %and3A_3167 = vector.broadcast %and3A_3166 : i32 to vector<16xi32>
      %and3A_3168 = arith.andi %get3A_3160, %and3A_3167 : vector<16xi32>
      %gather3A_3169 = tpu.vector_load_idx %arg10[%shift_right_logical3A_3165, %and3A_3168] : memref<80x128xi32, #tpu.memory_space<vmem>>[vector<16xi32>, vector<16xi32>], vector<16xi32>,
      %swap3A_3170 = arith.constant 1664 : index
      %swap3A_3171 = tpu.vector_load %arg12[%swap3A_3170] {strides = array<i32>} : memref<2048xi32, #tpu.memory_space<vmem>>, vector<16xi32>,
      tpu.vector_store %arg12[%swap3A_3170], %gather3A_3169 {strides = array<i32>} : memref<2048xi32, #tpu.memory_space<vmem>>, vector<16xi32>,
      %add3A_3172 = arith.constant 1664 : i32
      %add3A_3173 = vector.broadcast %add3A_3172 : i32 to vector<16xi32>
      %add3A_3174 = arith.addi %add3A_3173, %iota3A : vector<16xi32>
      %shift_right_logical3A_3175 = arith.constant 5 : i32
      %shift_right_logical3A_3176 = vector.broadcast %shift_right_logical3A_3175 : i32 to vector<16xi32>
      %shift_right_logical3A_3177 = arith.shrui %add3A_3174, %shift_right_logical3A_3176 : vector<16xi32>
      %mul3A_3178 = arith.constant 2 : i32
      %mul3A_3179 = vector.broadcast %mul3A_3178 : i32 to vector<16xi32>
      %mul3A_3180 = arith.muli %shift_right_logical3A_3177, %mul3A_3179 : vector<16xi32>
      %add3A_3181 = vector.broadcast %mul3A_2 : i32 to vector<16xi32>
      %add3A_3182 = arith.addi %add3A_3181, %mul3A_3180 : vector<16xi32>
      %add3A_3183 = arith.addi %add3A_3182, %gather3A_3169 : vector<16xi32>
      %swap3A_3184 = arith.constant 0 : index
      %swap3A_3185 = tpu.vector_load %arg14[%swap3A_3184] {strides = array<i32>} : memref<128xi32, #tpu.memory_space<vmem>>, vector<16xi32>,
      tpu.vector_store %arg14[%swap3A_3184], %add3A_3183 {strides = array<i32>} : memref<128xi32, #tpu.memory_space<vmem>>, vector<16xi32>,
      %get3A_3186 = arith.constant 1680 : index
      %get3A_3187 = tpu.vector_load %arg11[%get3A_3186] {strides = array<i32>} : memref<2048xi32, #tpu.memory_space<vmem>>, vector<16xi32>,
      %swap3A_3188 = arith.constant 16 : index
      %swap3A_3189 = tpu.vector_load %arg16[%swap3A_3188] {strides = array<i32>} : memref<128xi32, #tpu.memory_space<vmem>>, vector<16xi32>,
      tpu.vector_store %arg16[%swap3A_3188], %get3A_3187 {strides = array<i32>} : memref<128xi32, #tpu.memory_space<vmem>>, vector<16xi32>,
      %shift_right_logical3A_3190 = arith.constant 7 : i32
      %shift_right_logical3A_3191 = vector.broadcast %shift_right_logical3A_3190 : i32 to vector<16xi32>
      %shift_right_logical3A_3192 = arith.shrui %get3A_3187, %shift_right_logical3A_3191 : vector<16xi32>
      %and3A_3193 = arith.constant 127 : i32
      %and3A_3194 = vector.broadcast %and3A_3193 : i32 to vector<16xi32>
      %and3A_3195 = arith.andi %get3A_3187, %and3A_3194 : vector<16xi32>
      %gather3A_3196 = tpu.vector_load_idx %arg10[%shift_right_logical3A_3192, %and3A_3195] : memref<80x128xi32, #tpu.memory_space<vmem>>[vector<16xi32>, vector<16xi32>], vector<16xi32>,
      %swap3A_3197 = arith.constant 1680 : index
      %swap3A_3198 = tpu.vector_load %arg12[%swap3A_3197] {strides = array<i32>} : memref<2048xi32, #tpu.memory_space<vmem>>, vector<16xi32>,
      tpu.vector_store %arg12[%swap3A_3197], %gather3A_3196 {strides = array<i32>} : memref<2048xi32, #tpu.memory_space<vmem>>, vector<16xi32>,
      %add3A_3199 = arith.constant 1680 : i32
      %add3A_3200 = vector.broadcast %add3A_3199 : i32 to vector<16xi32>
      %add3A_3201 = arith.addi %add3A_3200, %iota3A : vector<16xi32>
      %shift_right_logical3A_3202 = arith.constant 5 : i32
      %shift_right_logical3A_3203 = vector.broadcast %shift_right_logical3A_3202 : i32 to vector<16xi32>
      %shift_right_logical3A_3204 = arith.shrui %add3A_3201, %shift_right_logical3A_3203 : vector<16xi32>
      %mul3A_3205 = arith.constant 2 : i32
      %mul3A_3206 = vector.broadcast %mul3A_3205 : i32 to vector<16xi32>
      %mul3A_3207 = arith.muli %shift_right_logical3A_3204, %mul3A_3206 : vector<16xi32>
      %add3A_3208 = vector.broadcast %mul3A_2 : i32 to vector<16xi32>
      %add3A_3209 = arith.addi %add3A_3208, %mul3A_3207 : vector<16xi32>
      %add3A_3210 = arith.addi %add3A_3209, %gather3A_3196 : vector<16xi32>
      %swap3A_3211 = arith.constant 16 : index
      %swap3A_3212 = tpu.vector_load %arg14[%swap3A_3211] {strides = array<i32>} : memref<128xi32, #tpu.memory_space<vmem>>, vector<16xi32>,
      tpu.vector_store %arg14[%swap3A_3211], %add3A_3210 {strides = array<i32>} : memref<128xi32, #tpu.memory_space<vmem>>, vector<16xi32>,
      %get3A_3213 = arith.constant 1696 : index
      %get3A_3214 = tpu.vector_load %arg11[%get3A_3213] {strides = array<i32>} : memref<2048xi32, #tpu.memory_space<vmem>>, vector<16xi32>,
      %swap3A_3215 = arith.constant 32 : index
      %swap3A_3216 = tpu.vector_load %arg16[%swap3A_3215] {strides = array<i32>} : memref<128xi32, #tpu.memory_space<vmem>>, vector<16xi32>,
      tpu.vector_store %arg16[%swap3A_3215], %get3A_3214 {strides = array<i32>} : memref<128xi32, #tpu.memory_space<vmem>>, vector<16xi32>,
      %shift_right_logical3A_3217 = arith.constant 7 : i32
      %shift_right_logical3A_3218 = vector.broadcast %shift_right_logical3A_3217 : i32 to vector<16xi32>
      %shift_right_logical3A_3219 = arith.shrui %get3A_3214, %shift_right_logical3A_3218 : vector<16xi32>
      %and3A_3220 = arith.constant 127 : i32
      %and3A_3221 = vector.broadcast %and3A_3220 : i32 to vector<16xi32>
      %and3A_3222 = arith.andi %get3A_3214, %and3A_3221 : vector<16xi32>
      %gather3A_3223 = tpu.vector_load_idx %arg10[%shift_right_logical3A_3219, %and3A_3222] : memref<80x128xi32, #tpu.memory_space<vmem>>[vector<16xi32>, vector<16xi32>], vector<16xi32>,
      %swap3A_3224 = arith.constant 1696 : index
      %swap3A_3225 = tpu.vector_load %arg12[%swap3A_3224] {strides = array<i32>} : memref<2048xi32, #tpu.memory_space<vmem>>, vector<16xi32>,
      tpu.vector_store %arg12[%swap3A_3224], %gather3A_3223 {strides = array<i32>} : memref<2048xi32, #tpu.memory_space<vmem>>, vector<16xi32>,
      %add3A_3226 = arith.constant 1696 : i32
      %add3A_3227 = vector.broadcast %add3A_3226 : i32 to vector<16xi32>
      %add3A_3228 = arith.addi %add3A_3227, %iota3A : vector<16xi32>
      %shift_right_logical3A_3229 = arith.constant 5 : i32
      %shift_right_logical3A_3230 = vector.broadcast %shift_right_logical3A_3229 : i32 to vector<16xi32>
      %shift_right_logical3A_3231 = arith.shrui %add3A_3228, %shift_right_logical3A_3230 : vector<16xi32>
      %mul3A_3232 = arith.constant 2 : i32
      %mul3A_3233 = vector.broadcast %mul3A_3232 : i32 to vector<16xi32>
      %mul3A_3234 = arith.muli %shift_right_logical3A_3231, %mul3A_3233 : vector<16xi32>
      %add3A_3235 = vector.broadcast %mul3A_2 : i32 to vector<16xi32>
      %add3A_3236 = arith.addi %add3A_3235, %mul3A_3234 : vector<16xi32>
      %add3A_3237 = arith.addi %add3A_3236, %gather3A_3223 : vector<16xi32>
      %swap3A_3238 = arith.constant 32 : index
      %swap3A_3239 = tpu.vector_load %arg14[%swap3A_3238] {strides = array<i32>} : memref<128xi32, #tpu.memory_space<vmem>>, vector<16xi32>,
      tpu.vector_store %arg14[%swap3A_3238], %add3A_3237 {strides = array<i32>} : memref<128xi32, #tpu.memory_space<vmem>>, vector<16xi32>,
      %get3A_3240 = arith.constant 1712 : index
      %get3A_3241 = tpu.vector_load %arg11[%get3A_3240] {strides = array<i32>} : memref<2048xi32, #tpu.memory_space<vmem>>, vector<16xi32>,
      %swap3A_3242 = arith.constant 48 : index
      %swap3A_3243 = tpu.vector_load %arg16[%swap3A_3242] {strides = array<i32>} : memref<128xi32, #tpu.memory_space<vmem>>, vector<16xi32>,
      tpu.vector_store %arg16[%swap3A_3242], %get3A_3241 {strides = array<i32>} : memref<128xi32, #tpu.memory_space<vmem>>, vector<16xi32>,
      %shift_right_logical3A_3244 = arith.constant 7 : i32
      %shift_right_logical3A_3245 = vector.broadcast %shift_right_logical3A_3244 : i32 to vector<16xi32>
      %shift_right_logical3A_3246 = arith.shrui %get3A_3241, %shift_right_logical3A_3245 : vector<16xi32>
      %and3A_3247 = arith.constant 127 : i32
      %and3A_3248 = vector.broadcast %and3A_3247 : i32 to vector<16xi32>
      %and3A_3249 = arith.andi %get3A_3241, %and3A_3248 : vector<16xi32>
      %gather3A_3250 = tpu.vector_load_idx %arg10[%shift_right_logical3A_3246, %and3A_3249] : memref<80x128xi32, #tpu.memory_space<vmem>>[vector<16xi32>, vector<16xi32>], vector<16xi32>,
      %swap3A_3251 = arith.constant 1712 : index
      %swap3A_3252 = tpu.vector_load %arg12[%swap3A_3251] {strides = array<i32>} : memref<2048xi32, #tpu.memory_space<vmem>>, vector<16xi32>,
      tpu.vector_store %arg12[%swap3A_3251], %gather3A_3250 {strides = array<i32>} : memref<2048xi32, #tpu.memory_space<vmem>>, vector<16xi32>,
      %add3A_3253 = arith.constant 1712 : i32
      %add3A_3254 = vector.broadcast %add3A_3253 : i32 to vector<16xi32>
      %add3A_3255 = arith.addi %add3A_3254, %iota3A : vector<16xi32>
      %shift_right_logical3A_3256 = arith.constant 5 : i32
      %shift_right_logical3A_3257 = vector.broadcast %shift_right_logical3A_3256 : i32 to vector<16xi32>
      %shift_right_logical3A_3258 = arith.shrui %add3A_3255, %shift_right_logical3A_3257 : vector<16xi32>
      %mul3A_3259 = arith.constant 2 : i32
      %mul3A_3260 = vector.broadcast %mul3A_3259 : i32 to vector<16xi32>
      %mul3A_3261 = arith.muli %shift_right_logical3A_3258, %mul3A_3260 : vector<16xi32>
      %add3A_3262 = vector.broadcast %mul3A_2 : i32 to vector<16xi32>
      %add3A_3263 = arith.addi %add3A_3262, %mul3A_3261 : vector<16xi32>
      %add3A_3264 = arith.addi %add3A_3263, %gather3A_3250 : vector<16xi32>
      %swap3A_3265 = arith.constant 48 : index
      %swap3A_3266 = tpu.vector_load %arg14[%swap3A_3265] {strides = array<i32>} : memref<128xi32, #tpu.memory_space<vmem>>, vector<16xi32>,
      tpu.vector_store %arg14[%swap3A_3265], %add3A_3264 {strides = array<i32>} : memref<128xi32, #tpu.memory_space<vmem>>, vector<16xi32>,
      %get3A_3267 = arith.constant 1728 : index
      %get3A_3268 = tpu.vector_load %arg11[%get3A_3267] {strides = array<i32>} : memref<2048xi32, #tpu.memory_space<vmem>>, vector<16xi32>,
      %swap3A_3269 = arith.constant 64 : index
      %swap3A_3270 = tpu.vector_load %arg16[%swap3A_3269] {strides = array<i32>} : memref<128xi32, #tpu.memory_space<vmem>>, vector<16xi32>,
      tpu.vector_store %arg16[%swap3A_3269], %get3A_3268 {strides = array<i32>} : memref<128xi32, #tpu.memory_space<vmem>>, vector<16xi32>,
      %shift_right_logical3A_3271 = arith.constant 7 : i32
      %shift_right_logical3A_3272 = vector.broadcast %shift_right_logical3A_3271 : i32 to vector<16xi32>
      %shift_right_logical3A_3273 = arith.shrui %get3A_3268, %shift_right_logical3A_3272 : vector<16xi32>
      %and3A_3274 = arith.constant 127 : i32
      %and3A_3275 = vector.broadcast %and3A_3274 : i32 to vector<16xi32>
      %and3A_3276 = arith.andi %get3A_3268, %and3A_3275 : vector<16xi32>
      %gather3A_3277 = tpu.vector_load_idx %arg10[%shift_right_logical3A_3273, %and3A_3276] : memref<80x128xi32, #tpu.memory_space<vmem>>[vector<16xi32>, vector<16xi32>], vector<16xi32>,
      %swap3A_3278 = arith.constant 1728 : index
      %swap3A_3279 = tpu.vector_load %arg12[%swap3A_3278] {strides = array<i32>} : memref<2048xi32, #tpu.memory_space<vmem>>, vector<16xi32>,
      tpu.vector_store %arg12[%swap3A_3278], %gather3A_3277 {strides = array<i32>} : memref<2048xi32, #tpu.memory_space<vmem>>, vector<16xi32>,
      %add3A_3280 = arith.constant 1728 : i32
      %add3A_3281 = vector.broadcast %add3A_3280 : i32 to vector<16xi32>
      %add3A_3282 = arith.addi %add3A_3281, %iota3A : vector<16xi32>
      %shift_right_logical3A_3283 = arith.constant 5 : i32
      %shift_right_logical3A_3284 = vector.broadcast %shift_right_logical3A_3283 : i32 to vector<16xi32>
      %shift_right_logical3A_3285 = arith.shrui %add3A_3282, %shift_right_logical3A_3284 : vector<16xi32>
      %mul3A_3286 = arith.constant 2 : i32
      %mul3A_3287 = vector.broadcast %mul3A_3286 : i32 to vector<16xi32>
      %mul3A_3288 = arith.muli %shift_right_logical3A_3285, %mul3A_3287 : vector<16xi32>
      %add3A_3289 = vector.broadcast %mul3A_2 : i32 to vector<16xi32>
      %add3A_3290 = arith.addi %add3A_3289, %mul3A_3288 : vector<16xi32>
      %add3A_3291 = arith.addi %add3A_3290, %gather3A_3277 : vector<16xi32>
      %swap3A_3292 = arith.constant 64 : index
      %swap3A_3293 = tpu.vector_load %arg14[%swap3A_3292] {strides = array<i32>} : memref<128xi32, #tpu.memory_space<vmem>>, vector<16xi32>,
      tpu.vector_store %arg14[%swap3A_3292], %add3A_3291 {strides = array<i32>} : memref<128xi32, #tpu.memory_space<vmem>>, vector<16xi32>,
      %get3A_3294 = arith.constant 1744 : index
      %get3A_3295 = tpu.vector_load %arg11[%get3A_3294] {strides = array<i32>} : memref<2048xi32, #tpu.memory_space<vmem>>, vector<16xi32>,
      %swap3A_3296 = arith.constant 80 : index
      %swap3A_3297 = tpu.vector_load %arg16[%swap3A_3296] {strides = array<i32>} : memref<128xi32, #tpu.memory_space<vmem>>, vector<16xi32>,
      tpu.vector_store %arg16[%swap3A_3296], %get3A_3295 {strides = array<i32>} : memref<128xi32, #tpu.memory_space<vmem>>, vector<16xi32>,
      %shift_right_logical3A_3298 = arith.constant 7 : i32
      %shift_right_logical3A_3299 = vector.broadcast %shift_right_logical3A_3298 : i32 to vector<16xi32>
      %shift_right_logical3A_3300 = arith.shrui %get3A_3295, %shift_right_logical3A_3299 : vector<16xi32>
      %and3A_3301 = arith.constant 127 : i32
      %and3A_3302 = vector.broadcast %and3A_3301 : i32 to vector<16xi32>
      %and3A_3303 = arith.andi %get3A_3295, %and3A_3302 : vector<16xi32>
      %gather3A_3304 = tpu.vector_load_idx %arg10[%shift_right_logical3A_3300, %and3A_3303] : memref<80x128xi32, #tpu.memory_space<vmem>>[vector<16xi32>, vector<16xi32>], vector<16xi32>,
      %swap3A_3305 = arith.constant 1744 : index
      %swap3A_3306 = tpu.vector_load %arg12[%swap3A_3305] {strides = array<i32>} : memref<2048xi32, #tpu.memory_space<vmem>>, vector<16xi32>,
      tpu.vector_store %arg12[%swap3A_3305], %gather3A_3304 {strides = array<i32>} : memref<2048xi32, #tpu.memory_space<vmem>>, vector<16xi32>,
      %add3A_3307 = arith.constant 1744 : i32
      %add3A_3308 = vector.broadcast %add3A_3307 : i32 to vector<16xi32>
      %add3A_3309 = arith.addi %add3A_3308, %iota3A : vector<16xi32>
      %shift_right_logical3A_3310 = arith.constant 5 : i32
      %shift_right_logical3A_3311 = vector.broadcast %shift_right_logical3A_3310 : i32 to vector<16xi32>
      %shift_right_logical3A_3312 = arith.shrui %add3A_3309, %shift_right_logical3A_3311 : vector<16xi32>
      %mul3A_3313 = arith.constant 2 : i32
      %mul3A_3314 = vector.broadcast %mul3A_3313 : i32 to vector<16xi32>
      %mul3A_3315 = arith.muli %shift_right_logical3A_3312, %mul3A_3314 : vector<16xi32>
      %add3A_3316 = vector.broadcast %mul3A_2 : i32 to vector<16xi32>
      %add3A_3317 = arith.addi %add3A_3316, %mul3A_3315 : vector<16xi32>
      %add3A_3318 = arith.addi %add3A_3317, %gather3A_3304 : vector<16xi32>
      %swap3A_3319 = arith.constant 80 : index
      %swap3A_3320 = tpu.vector_load %arg14[%swap3A_3319] {strides = array<i32>} : memref<128xi32, #tpu.memory_space<vmem>>, vector<16xi32>,
      tpu.vector_store %arg14[%swap3A_3319], %add3A_3318 {strides = array<i32>} : memref<128xi32, #tpu.memory_space<vmem>>, vector<16xi32>,
      %get3A_3321 = arith.constant 1760 : index
      %get3A_3322 = tpu.vector_load %arg11[%get3A_3321] {strides = array<i32>} : memref<2048xi32, #tpu.memory_space<vmem>>, vector<16xi32>,
      %swap3A_3323 = arith.constant 96 : index
      %swap3A_3324 = tpu.vector_load %arg16[%swap3A_3323] {strides = array<i32>} : memref<128xi32, #tpu.memory_space<vmem>>, vector<16xi32>,
      tpu.vector_store %arg16[%swap3A_3323], %get3A_3322 {strides = array<i32>} : memref<128xi32, #tpu.memory_space<vmem>>, vector<16xi32>,
      %shift_right_logical3A_3325 = arith.constant 7 : i32
      %shift_right_logical3A_3326 = vector.broadcast %shift_right_logical3A_3325 : i32 to vector<16xi32>
      %shift_right_logical3A_3327 = arith.shrui %get3A_3322, %shift_right_logical3A_3326 : vector<16xi32>
      %and3A_3328 = arith.constant 127 : i32
      %and3A_3329 = vector.broadcast %and3A_3328 : i32 to vector<16xi32>
      %and3A_3330 = arith.andi %get3A_3322, %and3A_3329 : vector<16xi32>
      %gather3A_3331 = tpu.vector_load_idx %arg10[%shift_right_logical3A_3327, %and3A_3330] : memref<80x128xi32, #tpu.memory_space<vmem>>[vector<16xi32>, vector<16xi32>], vector<16xi32>,
      %swap3A_3332 = arith.constant 1760 : index
      %swap3A_3333 = tpu.vector_load %arg12[%swap3A_3332] {strides = array<i32>} : memref<2048xi32, #tpu.memory_space<vmem>>, vector<16xi32>,
      tpu.vector_store %arg12[%swap3A_3332], %gather3A_3331 {strides = array<i32>} : memref<2048xi32, #tpu.memory_space<vmem>>, vector<16xi32>,
      %add3A_3334 = arith.constant 1760 : i32
      %add3A_3335 = vector.broadcast %add3A_3334 : i32 to vector<16xi32>
      %add3A_3336 = arith.addi %add3A_3335, %iota3A : vector<16xi32>
      %shift_right_logical3A_3337 = arith.constant 5 : i32
      %shift_right_logical3A_3338 = vector.broadcast %shift_right_logical3A_3337 : i32 to vector<16xi32>
      %shift_right_logical3A_3339 = arith.shrui %add3A_3336, %shift_right_logical3A_3338 : vector<16xi32>
      %mul3A_3340 = arith.constant 2 : i32
      %mul3A_3341 = vector.broadcast %mul3A_3340 : i32 to vector<16xi32>
      %mul3A_3342 = arith.muli %shift_right_logical3A_3339, %mul3A_3341 : vector<16xi32>
      %add3A_3343 = vector.broadcast %mul3A_2 : i32 to vector<16xi32>
      %add3A_3344 = arith.addi %add3A_3343, %mul3A_3342 : vector<16xi32>
      %add3A_3345 = arith.addi %add3A_3344, %gather3A_3331 : vector<16xi32>
      %swap3A_3346 = arith.constant 96 : index
      %swap3A_3347 = tpu.vector_load %arg14[%swap3A_3346] {strides = array<i32>} : memref<128xi32, #tpu.memory_space<vmem>>, vector<16xi32>,
      tpu.vector_store %arg14[%swap3A_3346], %add3A_3345 {strides = array<i32>} : memref<128xi32, #tpu.memory_space<vmem>>, vector<16xi32>,
      %get3A_3348 = arith.constant 1776 : index
      %get3A_3349 = tpu.vector_load %arg11[%get3A_3348] {strides = array<i32>} : memref<2048xi32, #tpu.memory_space<vmem>>, vector<16xi32>,
      %swap3A_3350 = arith.constant 112 : index
      %swap3A_3351 = tpu.vector_load %arg16[%swap3A_3350] {strides = array<i32>} : memref<128xi32, #tpu.memory_space<vmem>>, vector<16xi32>,
      tpu.vector_store %arg16[%swap3A_3350], %get3A_3349 {strides = array<i32>} : memref<128xi32, #tpu.memory_space<vmem>>, vector<16xi32>,
      %shift_right_logical3A_3352 = arith.constant 7 : i32
      %shift_right_logical3A_3353 = vector.broadcast %shift_right_logical3A_3352 : i32 to vector<16xi32>
      %shift_right_logical3A_3354 = arith.shrui %get3A_3349, %shift_right_logical3A_3353 : vector<16xi32>
      %and3A_3355 = arith.constant 127 : i32
      %and3A_3356 = vector.broadcast %and3A_3355 : i32 to vector<16xi32>
      %and3A_3357 = arith.andi %get3A_3349, %and3A_3356 : vector<16xi32>
      %gather3A_3358 = tpu.vector_load_idx %arg10[%shift_right_logical3A_3354, %and3A_3357] : memref<80x128xi32, #tpu.memory_space<vmem>>[vector<16xi32>, vector<16xi32>], vector<16xi32>,
      %swap3A_3359 = arith.constant 1776 : index
      %swap3A_3360 = tpu.vector_load %arg12[%swap3A_3359] {strides = array<i32>} : memref<2048xi32, #tpu.memory_space<vmem>>, vector<16xi32>,
      tpu.vector_store %arg12[%swap3A_3359], %gather3A_3358 {strides = array<i32>} : memref<2048xi32, #tpu.memory_space<vmem>>, vector<16xi32>,
      %add3A_3361 = arith.constant 1776 : i32
      %add3A_3362 = vector.broadcast %add3A_3361 : i32 to vector<16xi32>
      %add3A_3363 = arith.addi %add3A_3362, %iota3A : vector<16xi32>
      %shift_right_logical3A_3364 = arith.constant 5 : i32
      %shift_right_logical3A_3365 = vector.broadcast %shift_right_logical3A_3364 : i32 to vector<16xi32>
      %shift_right_logical3A_3366 = arith.shrui %add3A_3363, %shift_right_logical3A_3365 : vector<16xi32>
      %mul3A_3367 = arith.constant 2 : i32
      %mul3A_3368 = vector.broadcast %mul3A_3367 : i32 to vector<16xi32>
      %mul3A_3369 = arith.muli %shift_right_logical3A_3366, %mul3A_3368 : vector<16xi32>
      %add3A_3370 = vector.broadcast %mul3A_2 : i32 to vector<16xi32>
      %add3A_3371 = arith.addi %add3A_3370, %mul3A_3369 : vector<16xi32>
      %add3A_3372 = arith.addi %add3A_3371, %gather3A_3358 : vector<16xi32>
      %swap3A_3373 = arith.constant 112 : index
      %swap3A_3374 = tpu.vector_load %arg14[%swap3A_3373] {strides = array<i32>} : memref<128xi32, #tpu.memory_space<vmem>>, vector<16xi32>,
      tpu.vector_store %arg14[%swap3A_3373], %add3A_3372 {strides = array<i32>} : memref<128xi32, #tpu.memory_space<vmem>>, vector<16xi32>,
      %dma_start3A_3375 = arith.constant 0 : i32
      %dma_start3A_3376 = arith.constant 0 : i32
      %dma_start3A_3377 = tpu.memref_slice %arg2[%dma_start3A_3375, %dma_start3A_3376] : memref<10000x128xf32, #tpu.memory_space<hbm>> -> memref<10000x128xf32, #tpu.memory_space<hbm>>
      tpu.enqueue_indirect_dma source(%dma_start3A_3377 : memref<10000x128xf32, #tpu.memory_space<hbm>>) target(%arg18 : memref<128x128xf32, #tpu.memory_space<vmem>>) offsets(%arg16 : memref<128xi32, #tpu.memory_space<vmem>>) semaphore(%arg23 : memref<!tpu.dma_semaphore, #tpu.memory_space<semaphore_mem>>)
      %dma_start3A_3378 = arith.constant 0 : i32
      %dma_start3A_3379 = arith.constant 0 : i32
      %dma_start3A_3380 = tpu.memref_slice %arg3[%dma_start3A_3378, %dma_start3A_3379] : memref<10000x128xf32, #tpu.memory_space<hbm>> -> memref<10000x128xf32, #tpu.memory_space<hbm>>
      tpu.enqueue_indirect_dma source(%dma_start3A_3380 : memref<10000x128xf32, #tpu.memory_space<hbm>>) target(%arg20 : memref<128x128xf32, #tpu.memory_space<vmem>>) offsets(%arg16 : memref<128xi32, #tpu.memory_space<vmem>>) semaphore(%arg23 : memref<!tpu.dma_semaphore, #tpu.memory_space<semaphore_mem>>)
      %dma_wait3A_3381 = arith.constant 0 : i32
      %dma_wait3A_3382 = arith.constant 0 : i32
      %dma_wait3A_3383 = tpu.memref_slice %arg2[%dma_wait3A_3381, %dma_wait3A_3382] : memref<10000x128xf32, #tpu.memory_space<hbm>> -> memref<10000x128xf32, #tpu.memory_space<hbm>>
      tpu.wait_indirect_dma semaphore(%arg22 : memref<!tpu.dma_semaphore, #tpu.memory_space<semaphore_mem>>) src(%dma_wait3A_3383 : memref<10000x128xf32, #tpu.memory_space<hbm>>) dst(%arg17 : memref<128x128xf32, #tpu.memory_space<vmem>>)
      %dma_wait3A_3384 = arith.constant 0 : i32
      %dma_wait3A_3385 = arith.constant 0 : i32
      %dma_wait3A_3386 = tpu.memref_slice %arg3[%dma_wait3A_3384, %dma_wait3A_3385] : memref<10000x128xf32, #tpu.memory_space<hbm>> -> memref<10000x128xf32, #tpu.memory_space<hbm>>
      tpu.wait_indirect_dma semaphore(%arg22 : memref<!tpu.dma_semaphore, #tpu.memory_space<semaphore_mem>>) src(%dma_wait3A_3386 : memref<10000x128xf32, #tpu.memory_space<hbm>>) dst(%arg19 : memref<128x128xf32, #tpu.memory_space<vmem>>)
      %dma_start3A_3387 = arith.constant 0 : i32
      %dma_start3A_3388 = arith.constant 0 : i32
      %dma_start3A_3389 = tpu.memref_slice %arg21[%dma_start3A_3387, %dma_start3A_3388] : memref<2048x128xf32, #tpu.memory_space<vmem_shared>> -> memref<2048x128xf32, #tpu.memory_space<vmem_shared>>
      tpu.enqueue_indirect_dma source(%arg17 : memref<128x128xf32, #tpu.memory_space<vmem>>) target(%dma_start3A_3389 : memref<2048x128xf32, #tpu.memory_space<vmem_shared>>) offsets(%arg13 : memref<128xi32, #tpu.memory_space<vmem>>) semaphore(%arg24 : memref<!tpu.dma_semaphore, #tpu.memory_space<semaphore_mem>>) {add = true}
      %add3A_3390 = arith.constant 1536 : i32
      %add3A_3391 = arith.addi %mul3A_15, %add3A_3390 : i32
      %dma_start3A_3392 = arith.constant 0 : i32
      %dma_start3A_3393 = tpu.memref_slice %arg8[%add3A_3391, %dma_start3A_3392] : memref<327680x128xf32, #tpu.memory_space<hbm>> -> memref<128x128xf32, #tpu.memory_space<hbm>>
      %dma_start3A_3394 = arith.constant 0 : i32
      %dma_start3A_3395 = tpu.memref_slice %arg8[%add3A_3391, %dma_start3A_3394] : memref<327680x128xf32, #tpu.memory_space<hbm>> -> memref<128x128xf32, #tpu.memory_space<hbm>>
      tpu.enqueue_dma source(%arg19 : memref<128x128xf32, #tpu.memory_space<vmem>>) target(%dma_start3A_3395 : memref<128x128xf32, #tpu.memory_space<hbm>>) target_semaphore(%arg26 : memref<!tpu.dma_semaphore, #tpu.memory_space<semaphore_mem>>)
      %dma_wait3A_3396 = arith.constant 0 : i32
      %dma_wait3A_3397 = arith.constant 0 : i32
      %dma_wait3A_3398 = tpu.memref_slice %arg21[%dma_wait3A_3396, %dma_wait3A_3397] : memref<2048x128xf32, #tpu.memory_space<vmem_shared>> -> memref<2048x128xf32, #tpu.memory_space<vmem_shared>>
      tpu.wait_indirect_dma semaphore(%arg24 : memref<!tpu.dma_semaphore, #tpu.memory_space<semaphore_mem>>) src(%arg17 : memref<128x128xf32, #tpu.memory_space<vmem>>) dst(%dma_wait3A_3398 : memref<2048x128xf32, #tpu.memory_space<vmem_shared>>)
      %dma_wait3A_3399 = arith.constant 0 : i32
      %dma_wait3A_3400 = tpu.memref_slice %arg8[%add3A_3391, %dma_wait3A_3399] : memref<327680x128xf32, #tpu.memory_space<hbm>> -> memref<128x128xf32, #tpu.memory_space<hbm>>
      %dma_wait3A_3401 = arith.constant 0 : i32
      %dma_wait3A_3402 = tpu.memref_slice %arg8[%add3A_3391, %dma_wait3A_3401] : memref<327680x128xf32, #tpu.memory_space<hbm>> -> memref<128x128xf32, #tpu.memory_space<hbm>>
      tpu.wait_dma2 semaphore(%arg26 : memref<!tpu.dma_semaphore, #tpu.memory_space<semaphore_mem>>) src(%arg19 : memref<128x128xf32, #tpu.memory_space<vmem>>) dst(%dma_wait3A_3402 : memref<128x128xf32, #tpu.memory_space<hbm>>)
      %get3A_3403 = arith.constant 1792 : index
      %get3A_3404 = tpu.vector_load %arg11[%get3A_3403] {strides = array<i32>} : memref<2048xi32, #tpu.memory_space<vmem>>, vector<16xi32>,
      %swap3A_3405 = arith.constant 0 : index
      %swap3A_3406 = tpu.vector_load %arg15[%swap3A_3405] {strides = array<i32>} : memref<128xi32, #tpu.memory_space<vmem>>, vector<16xi32>,
      tpu.vector_store %arg15[%swap3A_3405], %get3A_3404 {strides = array<i32>} : memref<128xi32, #tpu.memory_space<vmem>>, vector<16xi32>,
      %shift_right_logical3A_3407 = arith.constant 7 : i32
      %shift_right_logical3A_3408 = vector.broadcast %shift_right_logical3A_3407 : i32 to vector<16xi32>
      %shift_right_logical3A_3409 = arith.shrui %get3A_3404, %shift_right_logical3A_3408 : vector<16xi32>
      %and3A_3410 = arith.constant 127 : i32
      %and3A_3411 = vector.broadcast %and3A_3410 : i32 to vector<16xi32>
      %and3A_3412 = arith.andi %get3A_3404, %and3A_3411 : vector<16xi32>
      %gather3A_3413 = tpu.vector_load_idx %arg10[%shift_right_logical3A_3409, %and3A_3412] : memref<80x128xi32, #tpu.memory_space<vmem>>[vector<16xi32>, vector<16xi32>], vector<16xi32>,
      %swap3A_3414 = arith.constant 1792 : index
      %swap3A_3415 = tpu.vector_load %arg12[%swap3A_3414] {strides = array<i32>} : memref<2048xi32, #tpu.memory_space<vmem>>, vector<16xi32>,
      tpu.vector_store %arg12[%swap3A_3414], %gather3A_3413 {strides = array<i32>} : memref<2048xi32, #tpu.memory_space<vmem>>, vector<16xi32>,
      %add3A_3416 = arith.constant 1792 : i32
      %add3A_3417 = vector.broadcast %add3A_3416 : i32 to vector<16xi32>
      %add3A_3418 = arith.addi %add3A_3417, %iota3A : vector<16xi32>
      %shift_right_logical3A_3419 = arith.constant 5 : i32
      %shift_right_logical3A_3420 = vector.broadcast %shift_right_logical3A_3419 : i32 to vector<16xi32>
      %shift_right_logical3A_3421 = arith.shrui %add3A_3418, %shift_right_logical3A_3420 : vector<16xi32>
      %mul3A_3422 = arith.constant 2 : i32
      %mul3A_3423 = vector.broadcast %mul3A_3422 : i32 to vector<16xi32>
      %mul3A_3424 = arith.muli %shift_right_logical3A_3421, %mul3A_3423 : vector<16xi32>
      %add3A_3425 = vector.broadcast %mul3A_2 : i32 to vector<16xi32>
      %add3A_3426 = arith.addi %add3A_3425, %mul3A_3424 : vector<16xi32>
      %add3A_3427 = arith.addi %add3A_3426, %gather3A_3413 : vector<16xi32>
      %swap3A_3428 = arith.constant 0 : index
      %swap3A_3429 = tpu.vector_load %arg13[%swap3A_3428] {strides = array<i32>} : memref<128xi32, #tpu.memory_space<vmem>>, vector<16xi32>,
      tpu.vector_store %arg13[%swap3A_3428], %add3A_3427 {strides = array<i32>} : memref<128xi32, #tpu.memory_space<vmem>>, vector<16xi32>,
      %get3A_3430 = arith.constant 1808 : index
      %get3A_3431 = tpu.vector_load %arg11[%get3A_3430] {strides = array<i32>} : memref<2048xi32, #tpu.memory_space<vmem>>, vector<16xi32>,
      %swap3A_3432 = arith.constant 16 : index
      %swap3A_3433 = tpu.vector_load %arg15[%swap3A_3432] {strides = array<i32>} : memref<128xi32, #tpu.memory_space<vmem>>, vector<16xi32>,
      tpu.vector_store %arg15[%swap3A_3432], %get3A_3431 {strides = array<i32>} : memref<128xi32, #tpu.memory_space<vmem>>, vector<16xi32>,
      %shift_right_logical3A_3434 = arith.constant 7 : i32
      %shift_right_logical3A_3435 = vector.broadcast %shift_right_logical3A_3434 : i32 to vector<16xi32>
      %shift_right_logical3A_3436 = arith.shrui %get3A_3431, %shift_right_logical3A_3435 : vector<16xi32>
      %and3A_3437 = arith.constant 127 : i32
      %and3A_3438 = vector.broadcast %and3A_3437 : i32 to vector<16xi32>
      %and3A_3439 = arith.andi %get3A_3431, %and3A_3438 : vector<16xi32>
      %gather3A_3440 = tpu.vector_load_idx %arg10[%shift_right_logical3A_3436, %and3A_3439] : memref<80x128xi32, #tpu.memory_space<vmem>>[vector<16xi32>, vector<16xi32>], vector<16xi32>,
      %swap3A_3441 = arith.constant 1808 : index
      %swap3A_3442 = tpu.vector_load %arg12[%swap3A_3441] {strides = array<i32>} : memref<2048xi32, #tpu.memory_space<vmem>>, vector<16xi32>,
      tpu.vector_store %arg12[%swap3A_3441], %gather3A_3440 {strides = array<i32>} : memref<2048xi32, #tpu.memory_space<vmem>>, vector<16xi32>,
      %add3A_3443 = arith.constant 1808 : i32
      %add3A_3444 = vector.broadcast %add3A_3443 : i32 to vector<16xi32>
      %add3A_3445 = arith.addi %add3A_3444, %iota3A : vector<16xi32>
      %shift_right_logical3A_3446 = arith.constant 5 : i32
      %shift_right_logical3A_3447 = vector.broadcast %shift_right_logical3A_3446 : i32 to vector<16xi32>
      %shift_right_logical3A_3448 = arith.shrui %add3A_3445, %shift_right_logical3A_3447 : vector<16xi32>
      %mul3A_3449 = arith.constant 2 : i32
      %mul3A_3450 = vector.broadcast %mul3A_3449 : i32 to vector<16xi32>
      %mul3A_3451 = arith.muli %shift_right_logical3A_3448, %mul3A_3450 : vector<16xi32>
      %add3A_3452 = vector.broadcast %mul3A_2 : i32 to vector<16xi32>
      %add3A_3453 = arith.addi %add3A_3452, %mul3A_3451 : vector<16xi32>
      %add3A_3454 = arith.addi %add3A_3453, %gather3A_3440 : vector<16xi32>
      %swap3A_3455 = arith.constant 16 : index
      %swap3A_3456 = tpu.vector_load %arg13[%swap3A_3455] {strides = array<i32>} : memref<128xi32, #tpu.memory_space<vmem>>, vector<16xi32>,
      tpu.vector_store %arg13[%swap3A_3455], %add3A_3454 {strides = array<i32>} : memref<128xi32, #tpu.memory_space<vmem>>, vector<16xi32>,
      %get3A_3457 = arith.constant 1824 : index
      %get3A_3458 = tpu.vector_load %arg11[%get3A_3457] {strides = array<i32>} : memref<2048xi32, #tpu.memory_space<vmem>>, vector<16xi32>,
      %swap3A_3459 = arith.constant 32 : index
      %swap3A_3460 = tpu.vector_load %arg15[%swap3A_3459] {strides = array<i32>} : memref<128xi32, #tpu.memory_space<vmem>>, vector<16xi32>,
      tpu.vector_store %arg15[%swap3A_3459], %get3A_3458 {strides = array<i32>} : memref<128xi32, #tpu.memory_space<vmem>>, vector<16xi32>,
      %shift_right_logical3A_3461 = arith.constant 7 : i32
      %shift_right_logical3A_3462 = vector.broadcast %shift_right_logical3A_3461 : i32 to vector<16xi32>
      %shift_right_logical3A_3463 = arith.shrui %get3A_3458, %shift_right_logical3A_3462 : vector<16xi32>
      %and3A_3464 = arith.constant 127 : i32
      %and3A_3465 = vector.broadcast %and3A_3464 : i32 to vector<16xi32>
      %and3A_3466 = arith.andi %get3A_3458, %and3A_3465 : vector<16xi32>
      %gather3A_3467 = tpu.vector_load_idx %arg10[%shift_right_logical3A_3463, %and3A_3466] : memref<80x128xi32, #tpu.memory_space<vmem>>[vector<16xi32>, vector<16xi32>], vector<16xi32>,
      %swap3A_3468 = arith.constant 1824 : index
      %swap3A_3469 = tpu.vector_load %arg12[%swap3A_3468] {strides = array<i32>} : memref<2048xi32, #tpu.memory_space<vmem>>, vector<16xi32>,
      tpu.vector_store %arg12[%swap3A_3468], %gather3A_3467 {strides = array<i32>} : memref<2048xi32, #tpu.memory_space<vmem>>, vector<16xi32>,
      %add3A_3470 = arith.constant 1824 : i32
      %add3A_3471 = vector.broadcast %add3A_3470 : i32 to vector<16xi32>
      %add3A_3472 = arith.addi %add3A_3471, %iota3A : vector<16xi32>
      %shift_right_logical3A_3473 = arith.constant 5 : i32
      %shift_right_logical3A_3474 = vector.broadcast %shift_right_logical3A_3473 : i32 to vector<16xi32>
      %shift_right_logical3A_3475 = arith.shrui %add3A_3472, %shift_right_logical3A_3474 : vector<16xi32>
      %mul3A_3476 = arith.constant 2 : i32
      %mul3A_3477 = vector.broadcast %mul3A_3476 : i32 to vector<16xi32>
      %mul3A_3478 = arith.muli %shift_right_logical3A_3475, %mul3A_3477 : vector<16xi32>
      %add3A_3479 = vector.broadcast %mul3A_2 : i32 to vector<16xi32>
      %add3A_3480 = arith.addi %add3A_3479, %mul3A_3478 : vector<16xi32>
      %add3A_3481 = arith.addi %add3A_3480, %gather3A_3467 : vector<16xi32>
      %swap3A_3482 = arith.constant 32 : index
      %swap3A_3483 = tpu.vector_load %arg13[%swap3A_3482] {strides = array<i32>} : memref<128xi32, #tpu.memory_space<vmem>>, vector<16xi32>,
      tpu.vector_store %arg13[%swap3A_3482], %add3A_3481 {strides = array<i32>} : memref<128xi32, #tpu.memory_space<vmem>>, vector<16xi32>,
      %get3A_3484 = arith.constant 1840 : index
      %get3A_3485 = tpu.vector_load %arg11[%get3A_3484] {strides = array<i32>} : memref<2048xi32, #tpu.memory_space<vmem>>, vector<16xi32>,
      %swap3A_3486 = arith.constant 48 : index
      %swap3A_3487 = tpu.vector_load %arg15[%swap3A_3486] {strides = array<i32>} : memref<128xi32, #tpu.memory_space<vmem>>, vector<16xi32>,
      tpu.vector_store %arg15[%swap3A_3486], %get3A_3485 {strides = array<i32>} : memref<128xi32, #tpu.memory_space<vmem>>, vector<16xi32>,
      %shift_right_logical3A_3488 = arith.constant 7 : i32
      %shift_right_logical3A_3489 = vector.broadcast %shift_right_logical3A_3488 : i32 to vector<16xi32>
      %shift_right_logical3A_3490 = arith.shrui %get3A_3485, %shift_right_logical3A_3489 : vector<16xi32>
      %and3A_3491 = arith.constant 127 : i32
      %and3A_3492 = vector.broadcast %and3A_3491 : i32 to vector<16xi32>
      %and3A_3493 = arith.andi %get3A_3485, %and3A_3492 : vector<16xi32>
      %gather3A_3494 = tpu.vector_load_idx %arg10[%shift_right_logical3A_3490, %and3A_3493] : memref<80x128xi32, #tpu.memory_space<vmem>>[vector<16xi32>, vector<16xi32>], vector<16xi32>,
      %swap3A_3495 = arith.constant 1840 : index
      %swap3A_3496 = tpu.vector_load %arg12[%swap3A_3495] {strides = array<i32>} : memref<2048xi32, #tpu.memory_space<vmem>>, vector<16xi32>,
      tpu.vector_store %arg12[%swap3A_3495], %gather3A_3494 {strides = array<i32>} : memref<2048xi32, #tpu.memory_space<vmem>>, vector<16xi32>,
      %add3A_3497 = arith.constant 1840 : i32
      %add3A_3498 = vector.broadcast %add3A_3497 : i32 to vector<16xi32>
      %add3A_3499 = arith.addi %add3A_3498, %iota3A : vector<16xi32>
      %shift_right_logical3A_3500 = arith.constant 5 : i32
      %shift_right_logical3A_3501 = vector.broadcast %shift_right_logical3A_3500 : i32 to vector<16xi32>
      %shift_right_logical3A_3502 = arith.shrui %add3A_3499, %shift_right_logical3A_3501 : vector<16xi32>
      %mul3A_3503 = arith.constant 2 : i32
      %mul3A_3504 = vector.broadcast %mul3A_3503 : i32 to vector<16xi32>
      %mul3A_3505 = arith.muli %shift_right_logical3A_3502, %mul3A_3504 : vector<16xi32>
      %add3A_3506 = vector.broadcast %mul3A_2 : i32 to vector<16xi32>
      %add3A_3507 = arith.addi %add3A_3506, %mul3A_3505 : vector<16xi32>
      %add3A_3508 = arith.addi %add3A_3507, %gather3A_3494 : vector<16xi32>
      %swap3A_3509 = arith.constant 48 : index
      %swap3A_3510 = tpu.vector_load %arg13[%swap3A_3509] {strides = array<i32>} : memref<128xi32, #tpu.memory_space<vmem>>, vector<16xi32>,
      tpu.vector_store %arg13[%swap3A_3509], %add3A_3508 {strides = array<i32>} : memref<128xi32, #tpu.memory_space<vmem>>, vector<16xi32>,
      %get3A_3511 = arith.constant 1856 : index
      %get3A_3512 = tpu.vector_load %arg11[%get3A_3511] {strides = array<i32>} : memref<2048xi32, #tpu.memory_space<vmem>>, vector<16xi32>,
      %swap3A_3513 = arith.constant 64 : index
      %swap3A_3514 = tpu.vector_load %arg15[%swap3A_3513] {strides = array<i32>} : memref<128xi32, #tpu.memory_space<vmem>>, vector<16xi32>,
      tpu.vector_store %arg15[%swap3A_3513], %get3A_3512 {strides = array<i32>} : memref<128xi32, #tpu.memory_space<vmem>>, vector<16xi32>,
      %shift_right_logical3A_3515 = arith.constant 7 : i32
      %shift_right_logical3A_3516 = vector.broadcast %shift_right_logical3A_3515 : i32 to vector<16xi32>
      %shift_right_logical3A_3517 = arith.shrui %get3A_3512, %shift_right_logical3A_3516 : vector<16xi32>
      %and3A_3518 = arith.constant 127 : i32
      %and3A_3519 = vector.broadcast %and3A_3518 : i32 to vector<16xi32>
      %and3A_3520 = arith.andi %get3A_3512, %and3A_3519 : vector<16xi32>
      %gather3A_3521 = tpu.vector_load_idx %arg10[%shift_right_logical3A_3517, %and3A_3520] : memref<80x128xi32, #tpu.memory_space<vmem>>[vector<16xi32>, vector<16xi32>], vector<16xi32>,
      %swap3A_3522 = arith.constant 1856 : index
      %swap3A_3523 = tpu.vector_load %arg12[%swap3A_3522] {strides = array<i32>} : memref<2048xi32, #tpu.memory_space<vmem>>, vector<16xi32>,
      tpu.vector_store %arg12[%swap3A_3522], %gather3A_3521 {strides = array<i32>} : memref<2048xi32, #tpu.memory_space<vmem>>, vector<16xi32>,
      %add3A_3524 = arith.constant 1856 : i32
      %add3A_3525 = vector.broadcast %add3A_3524 : i32 to vector<16xi32>
      %add3A_3526 = arith.addi %add3A_3525, %iota3A : vector<16xi32>
      %shift_right_logical3A_3527 = arith.constant 5 : i32
      %shift_right_logical3A_3528 = vector.broadcast %shift_right_logical3A_3527 : i32 to vector<16xi32>
      %shift_right_logical3A_3529 = arith.shrui %add3A_3526, %shift_right_logical3A_3528 : vector<16xi32>
      %mul3A_3530 = arith.constant 2 : i32
      %mul3A_3531 = vector.broadcast %mul3A_3530 : i32 to vector<16xi32>
      %mul3A_3532 = arith.muli %shift_right_logical3A_3529, %mul3A_3531 : vector<16xi32>
      %add3A_3533 = vector.broadcast %mul3A_2 : i32 to vector<16xi32>
      %add3A_3534 = arith.addi %add3A_3533, %mul3A_3532 : vector<16xi32>
      %add3A_3535 = arith.addi %add3A_3534, %gather3A_3521 : vector<16xi32>
      %swap3A_3536 = arith.constant 64 : index
      %swap3A_3537 = tpu.vector_load %arg13[%swap3A_3536] {strides = array<i32>} : memref<128xi32, #tpu.memory_space<vmem>>, vector<16xi32>,
      tpu.vector_store %arg13[%swap3A_3536], %add3A_3535 {strides = array<i32>} : memref<128xi32, #tpu.memory_space<vmem>>, vector<16xi32>,
      %get3A_3538 = arith.constant 1872 : index
      %get3A_3539 = tpu.vector_load %arg11[%get3A_3538] {strides = array<i32>} : memref<2048xi32, #tpu.memory_space<vmem>>, vector<16xi32>,
      %swap3A_3540 = arith.constant 80 : index
      %swap3A_3541 = tpu.vector_load %arg15[%swap3A_3540] {strides = array<i32>} : memref<128xi32, #tpu.memory_space<vmem>>, vector<16xi32>,
      tpu.vector_store %arg15[%swap3A_3540], %get3A_3539 {strides = array<i32>} : memref<128xi32, #tpu.memory_space<vmem>>, vector<16xi32>,
      %shift_right_logical3A_3542 = arith.constant 7 : i32
      %shift_right_logical3A_3543 = vector.broadcast %shift_right_logical3A_3542 : i32 to vector<16xi32>
      %shift_right_logical3A_3544 = arith.shrui %get3A_3539, %shift_right_logical3A_3543 : vector<16xi32>
      %and3A_3545 = arith.constant 127 : i32
      %and3A_3546 = vector.broadcast %and3A_3545 : i32 to vector<16xi32>
      %and3A_3547 = arith.andi %get3A_3539, %and3A_3546 : vector<16xi32>
      %gather3A_3548 = tpu.vector_load_idx %arg10[%shift_right_logical3A_3544, %and3A_3547] : memref<80x128xi32, #tpu.memory_space<vmem>>[vector<16xi32>, vector<16xi32>], vector<16xi32>,
      %swap3A_3549 = arith.constant 1872 : index
      %swap3A_3550 = tpu.vector_load %arg12[%swap3A_3549] {strides = array<i32>} : memref<2048xi32, #tpu.memory_space<vmem>>, vector<16xi32>,
      tpu.vector_store %arg12[%swap3A_3549], %gather3A_3548 {strides = array<i32>} : memref<2048xi32, #tpu.memory_space<vmem>>, vector<16xi32>,
      %add3A_3551 = arith.constant 1872 : i32
      %add3A_3552 = vector.broadcast %add3A_3551 : i32 to vector<16xi32>
      %add3A_3553 = arith.addi %add3A_3552, %iota3A : vector<16xi32>
      %shift_right_logical3A_3554 = arith.constant 5 : i32
      %shift_right_logical3A_3555 = vector.broadcast %shift_right_logical3A_3554 : i32 to vector<16xi32>
      %shift_right_logical3A_3556 = arith.shrui %add3A_3553, %shift_right_logical3A_3555 : vector<16xi32>
      %mul3A_3557 = arith.constant 2 : i32
      %mul3A_3558 = vector.broadcast %mul3A_3557 : i32 to vector<16xi32>
      %mul3A_3559 = arith.muli %shift_right_logical3A_3556, %mul3A_3558 : vector<16xi32>
      %add3A_3560 = vector.broadcast %mul3A_2 : i32 to vector<16xi32>
      %add3A_3561 = arith.addi %add3A_3560, %mul3A_3559 : vector<16xi32>
      %add3A_3562 = arith.addi %add3A_3561, %gather3A_3548 : vector<16xi32>
      %swap3A_3563 = arith.constant 80 : index
      %swap3A_3564 = tpu.vector_load %arg13[%swap3A_3563] {strides = array<i32>} : memref<128xi32, #tpu.memory_space<vmem>>, vector<16xi32>,
      tpu.vector_store %arg13[%swap3A_3563], %add3A_3562 {strides = array<i32>} : memref<128xi32, #tpu.memory_space<vmem>>, vector<16xi32>,
      %get3A_3565 = arith.constant 1888 : index
      %get3A_3566 = tpu.vector_load %arg11[%get3A_3565] {strides = array<i32>} : memref<2048xi32, #tpu.memory_space<vmem>>, vector<16xi32>,
      %swap3A_3567 = arith.constant 96 : index
      %swap3A_3568 = tpu.vector_load %arg15[%swap3A_3567] {strides = array<i32>} : memref<128xi32, #tpu.memory_space<vmem>>, vector<16xi32>,
      tpu.vector_store %arg15[%swap3A_3567], %get3A_3566 {strides = array<i32>} : memref<128xi32, #tpu.memory_space<vmem>>, vector<16xi32>,
      %shift_right_logical3A_3569 = arith.constant 7 : i32
      %shift_right_logical3A_3570 = vector.broadcast %shift_right_logical3A_3569 : i32 to vector<16xi32>
      %shift_right_logical3A_3571 = arith.shrui %get3A_3566, %shift_right_logical3A_3570 : vector<16xi32>
      %and3A_3572 = arith.constant 127 : i32
      %and3A_3573 = vector.broadcast %and3A_3572 : i32 to vector<16xi32>
      %and3A_3574 = arith.andi %get3A_3566, %and3A_3573 : vector<16xi32>
      %gather3A_3575 = tpu.vector_load_idx %arg10[%shift_right_logical3A_3571, %and3A_3574] : memref<80x128xi32, #tpu.memory_space<vmem>>[vector<16xi32>, vector<16xi32>], vector<16xi32>,
      %swap3A_3576 = arith.constant 1888 : index
      %swap3A_3577 = tpu.vector_load %arg12[%swap3A_3576] {strides = array<i32>} : memref<2048xi32, #tpu.memory_space<vmem>>, vector<16xi32>,
      tpu.vector_store %arg12[%swap3A_3576], %gather3A_3575 {strides = array<i32>} : memref<2048xi32, #tpu.memory_space<vmem>>, vector<16xi32>,
      %add3A_3578 = arith.constant 1888 : i32
      %add3A_3579 = vector.broadcast %add3A_3578 : i32 to vector<16xi32>
      %add3A_3580 = arith.addi %add3A_3579, %iota3A : vector<16xi32>
      %shift_right_logical3A_3581 = arith.constant 5 : i32
      %shift_right_logical3A_3582 = vector.broadcast %shift_right_logical3A_3581 : i32 to vector<16xi32>
      %shift_right_logical3A_3583 = arith.shrui %add3A_3580, %shift_right_logical3A_3582 : vector<16xi32>
      %mul3A_3584 = arith.constant 2 : i32
      %mul3A_3585 = vector.broadcast %mul3A_3584 : i32 to vector<16xi32>
      %mul3A_3586 = arith.muli %shift_right_logical3A_3583, %mul3A_3585 : vector<16xi32>
      %add3A_3587 = vector.broadcast %mul3A_2 : i32 to vector<16xi32>
      %add3A_3588 = arith.addi %add3A_3587, %mul3A_3586 : vector<16xi32>
      %add3A_3589 = arith.addi %add3A_3588, %gather3A_3575 : vector<16xi32>
      %swap3A_3590 = arith.constant 96 : index
      %swap3A_3591 = tpu.vector_load %arg13[%swap3A_3590] {strides = array<i32>} : memref<128xi32, #tpu.memory_space<vmem>>, vector<16xi32>,
      tpu.vector_store %arg13[%swap3A_3590], %add3A_3589 {strides = array<i32>} : memref<128xi32, #tpu.memory_space<vmem>>, vector<16xi32>,
      %get3A_3592 = arith.constant 1904 : index
      %get3A_3593 = tpu.vector_load %arg11[%get3A_3592] {strides = array<i32>} : memref<2048xi32, #tpu.memory_space<vmem>>, vector<16xi32>,
      %swap3A_3594 = arith.constant 112 : index
      %swap3A_3595 = tpu.vector_load %arg15[%swap3A_3594] {strides = array<i32>} : memref<128xi32, #tpu.memory_space<vmem>>, vector<16xi32>,
      tpu.vector_store %arg15[%swap3A_3594], %get3A_3593 {strides = array<i32>} : memref<128xi32, #tpu.memory_space<vmem>>, vector<16xi32>,
      %shift_right_logical3A_3596 = arith.constant 7 : i32
      %shift_right_logical3A_3597 = vector.broadcast %shift_right_logical3A_3596 : i32 to vector<16xi32>
      %shift_right_logical3A_3598 = arith.shrui %get3A_3593, %shift_right_logical3A_3597 : vector<16xi32>
      %and3A_3599 = arith.constant 127 : i32
      %and3A_3600 = vector.broadcast %and3A_3599 : i32 to vector<16xi32>
      %and3A_3601 = arith.andi %get3A_3593, %and3A_3600 : vector<16xi32>
      %gather3A_3602 = tpu.vector_load_idx %arg10[%shift_right_logical3A_3598, %and3A_3601] : memref<80x128xi32, #tpu.memory_space<vmem>>[vector<16xi32>, vector<16xi32>], vector<16xi32>,
      %swap3A_3603 = arith.constant 1904 : index
      %swap3A_3604 = tpu.vector_load %arg12[%swap3A_3603] {strides = array<i32>} : memref<2048xi32, #tpu.memory_space<vmem>>, vector<16xi32>,
      tpu.vector_store %arg12[%swap3A_3603], %gather3A_3602 {strides = array<i32>} : memref<2048xi32, #tpu.memory_space<vmem>>, vector<16xi32>,
      %add3A_3605 = arith.constant 1904 : i32
      %add3A_3606 = vector.broadcast %add3A_3605 : i32 to vector<16xi32>
      %add3A_3607 = arith.addi %add3A_3606, %iota3A : vector<16xi32>
      %shift_right_logical3A_3608 = arith.constant 5 : i32
      %shift_right_logical3A_3609 = vector.broadcast %shift_right_logical3A_3608 : i32 to vector<16xi32>
      %shift_right_logical3A_3610 = arith.shrui %add3A_3607, %shift_right_logical3A_3609 : vector<16xi32>
      %mul3A_3611 = arith.constant 2 : i32
      %mul3A_3612 = vector.broadcast %mul3A_3611 : i32 to vector<16xi32>
      %mul3A_3613 = arith.muli %shift_right_logical3A_3610, %mul3A_3612 : vector<16xi32>
      %add3A_3614 = vector.broadcast %mul3A_2 : i32 to vector<16xi32>
      %add3A_3615 = arith.addi %add3A_3614, %mul3A_3613 : vector<16xi32>
      %add3A_3616 = arith.addi %add3A_3615, %gather3A_3602 : vector<16xi32>
      %swap3A_3617 = arith.constant 112 : index
      %swap3A_3618 = tpu.vector_load %arg13[%swap3A_3617] {strides = array<i32>} : memref<128xi32, #tpu.memory_space<vmem>>, vector<16xi32>,
      tpu.vector_store %arg13[%swap3A_3617], %add3A_3616 {strides = array<i32>} : memref<128xi32, #tpu.memory_space<vmem>>, vector<16xi32>,
      %dma_start3A_3619 = arith.constant 0 : i32
      %dma_start3A_3620 = arith.constant 0 : i32
      %dma_start3A_3621 = tpu.memref_slice %arg2[%dma_start3A_3619, %dma_start3A_3620] : memref<10000x128xf32, #tpu.memory_space<hbm>> -> memref<10000x128xf32, #tpu.memory_space<hbm>>
      tpu.enqueue_indirect_dma source(%dma_start3A_3621 : memref<10000x128xf32, #tpu.memory_space<hbm>>) target(%arg17 : memref<128x128xf32, #tpu.memory_space<vmem>>) offsets(%arg15 : memref<128xi32, #tpu.memory_space<vmem>>) semaphore(%arg22 : memref<!tpu.dma_semaphore, #tpu.memory_space<semaphore_mem>>)
      %dma_start3A_3622 = arith.constant 0 : i32
      %dma_start3A_3623 = arith.constant 0 : i32
      %dma_start3A_3624 = tpu.memref_slice %arg3[%dma_start3A_3622, %dma_start3A_3623] : memref<10000x128xf32, #tpu.memory_space<hbm>> -> memref<10000x128xf32, #tpu.memory_space<hbm>>
      tpu.enqueue_indirect_dma source(%dma_start3A_3624 : memref<10000x128xf32, #tpu.memory_space<hbm>>) target(%arg19 : memref<128x128xf32, #tpu.memory_space<vmem>>) offsets(%arg15 : memref<128xi32, #tpu.memory_space<vmem>>) semaphore(%arg22 : memref<!tpu.dma_semaphore, #tpu.memory_space<semaphore_mem>>)
      %dma_wait3A_3625 = arith.constant 0 : i32
      %dma_wait3A_3626 = arith.constant 0 : i32
      %dma_wait3A_3627 = tpu.memref_slice %arg2[%dma_wait3A_3625, %dma_wait3A_3626] : memref<10000x128xf32, #tpu.memory_space<hbm>> -> memref<10000x128xf32, #tpu.memory_space<hbm>>
      tpu.wait_indirect_dma semaphore(%arg23 : memref<!tpu.dma_semaphore, #tpu.memory_space<semaphore_mem>>) src(%dma_wait3A_3627 : memref<10000x128xf32, #tpu.memory_space<hbm>>) dst(%arg18 : memref<128x128xf32, #tpu.memory_space<vmem>>)
      %dma_wait3A_3628 = arith.constant 0 : i32
      %dma_wait3A_3629 = arith.constant 0 : i32
      %dma_wait3A_3630 = tpu.memref_slice %arg3[%dma_wait3A_3628, %dma_wait3A_3629] : memref<10000x128xf32, #tpu.memory_space<hbm>> -> memref<10000x128xf32, #tpu.memory_space<hbm>>
      tpu.wait_indirect_dma semaphore(%arg23 : memref<!tpu.dma_semaphore, #tpu.memory_space<semaphore_mem>>) src(%dma_wait3A_3630 : memref<10000x128xf32, #tpu.memory_space<hbm>>) dst(%arg20 : memref<128x128xf32, #tpu.memory_space<vmem>>)
      %dma_start3A_3631 = arith.constant 0 : i32
      %dma_start3A_3632 = arith.constant 0 : i32
      %dma_start3A_3633 = tpu.memref_slice %arg21[%dma_start3A_3631, %dma_start3A_3632] : memref<2048x128xf32, #tpu.memory_space<vmem_shared>> -> memref<2048x128xf32, #tpu.memory_space<vmem_shared>>
      tpu.enqueue_indirect_dma source(%arg18 : memref<128x128xf32, #tpu.memory_space<vmem>>) target(%dma_start3A_3633 : memref<2048x128xf32, #tpu.memory_space<vmem_shared>>) offsets(%arg14 : memref<128xi32, #tpu.memory_space<vmem>>) semaphore(%arg25 : memref<!tpu.dma_semaphore, #tpu.memory_space<semaphore_mem>>) {add = true}
      %add3A_3634 = arith.constant 1664 : i32
      %add3A_3635 = arith.addi %mul3A_15, %add3A_3634 : i32
      %dma_start3A_3636 = arith.constant 0 : i32
      %dma_start3A_3637 = tpu.memref_slice %arg8[%add3A_3635, %dma_start3A_3636] : memref<327680x128xf32, #tpu.memory_space<hbm>> -> memref<128x128xf32, #tpu.memory_space<hbm>>
      %dma_start3A_3638 = arith.constant 0 : i32
      %dma_start3A_3639 = tpu.memref_slice %arg8[%add3A_3635, %dma_start3A_3638] : memref<327680x128xf32, #tpu.memory_space<hbm>> -> memref<128x128xf32, #tpu.memory_space<hbm>>
      tpu.enqueue_dma source(%arg20 : memref<128x128xf32, #tpu.memory_space<vmem>>) target(%dma_start3A_3639 : memref<128x128xf32, #tpu.memory_space<hbm>>) target_semaphore(%arg27 : memref<!tpu.dma_semaphore, #tpu.memory_space<semaphore_mem>>)
      %dma_wait3A_3640 = arith.constant 0 : i32
      %dma_wait3A_3641 = arith.constant 0 : i32
      %dma_wait3A_3642 = tpu.memref_slice %arg21[%dma_wait3A_3640, %dma_wait3A_3641] : memref<2048x128xf32, #tpu.memory_space<vmem_shared>> -> memref<2048x128xf32, #tpu.memory_space<vmem_shared>>
      tpu.wait_indirect_dma semaphore(%arg25 : memref<!tpu.dma_semaphore, #tpu.memory_space<semaphore_mem>>) src(%arg18 : memref<128x128xf32, #tpu.memory_space<vmem>>) dst(%dma_wait3A_3642 : memref<2048x128xf32, #tpu.memory_space<vmem_shared>>)
      %dma_wait3A_3643 = arith.constant 0 : i32
      %dma_wait3A_3644 = tpu.memref_slice %arg8[%add3A_3635, %dma_wait3A_3643] : memref<327680x128xf32, #tpu.memory_space<hbm>> -> memref<128x128xf32, #tpu.memory_space<hbm>>
      %dma_wait3A_3645 = arith.constant 0 : i32
      %dma_wait3A_3646 = tpu.memref_slice %arg8[%add3A_3635, %dma_wait3A_3645] : memref<327680x128xf32, #tpu.memory_space<hbm>> -> memref<128x128xf32, #tpu.memory_space<hbm>>
      tpu.wait_dma2 semaphore(%arg27 : memref<!tpu.dma_semaphore, #tpu.memory_space<semaphore_mem>>) src(%arg20 : memref<128x128xf32, #tpu.memory_space<vmem>>) dst(%dma_wait3A_3646 : memref<128x128xf32, #tpu.memory_space<hbm>>)
      %get3A_3647 = arith.constant 1920 : index
      %get3A_3648 = tpu.vector_load %arg11[%get3A_3647] {strides = array<i32>} : memref<2048xi32, #tpu.memory_space<vmem>>, vector<16xi32>,
      %swap3A_3649 = arith.constant 0 : index
      %swap3A_3650 = tpu.vector_load %arg16[%swap3A_3649] {strides = array<i32>} : memref<128xi32, #tpu.memory_space<vmem>>, vector<16xi32>,
      tpu.vector_store %arg16[%swap3A_3649], %get3A_3648 {strides = array<i32>} : memref<128xi32, #tpu.memory_space<vmem>>, vector<16xi32>,
      %shift_right_logical3A_3651 = arith.constant 7 : i32
      %shift_right_logical3A_3652 = vector.broadcast %shift_right_logical3A_3651 : i32 to vector<16xi32>
      %shift_right_logical3A_3653 = arith.shrui %get3A_3648, %shift_right_logical3A_3652 : vector<16xi32>
      %and3A_3654 = arith.constant 127 : i32
      %and3A_3655 = vector.broadcast %and3A_3654 : i32 to vector<16xi32>
      %and3A_3656 = arith.andi %get3A_3648, %and3A_3655 : vector<16xi32>
      %gather3A_3657 = tpu.vector_load_idx %arg10[%shift_right_logical3A_3653, %and3A_3656] : memref<80x128xi32, #tpu.memory_space<vmem>>[vector<16xi32>, vector<16xi32>], vector<16xi32>,
      %swap3A_3658 = arith.constant 1920 : index
      %swap3A_3659 = tpu.vector_load %arg12[%swap3A_3658] {strides = array<i32>} : memref<2048xi32, #tpu.memory_space<vmem>>, vector<16xi32>,
      tpu.vector_store %arg12[%swap3A_3658], %gather3A_3657 {strides = array<i32>} : memref<2048xi32, #tpu.memory_space<vmem>>, vector<16xi32>,
      %add3A_3660 = arith.constant 1920 : i32
      %add3A_3661 = vector.broadcast %add3A_3660 : i32 to vector<16xi32>
      %add3A_3662 = arith.addi %add3A_3661, %iota3A : vector<16xi32>
      %shift_right_logical3A_3663 = arith.constant 5 : i32
      %shift_right_logical3A_3664 = vector.broadcast %shift_right_logical3A_3663 : i32 to vector<16xi32>
      %shift_right_logical3A_3665 = arith.shrui %add3A_3662, %shift_right_logical3A_3664 : vector<16xi32>
      %mul3A_3666 = arith.constant 2 : i32
      %mul3A_3667 = vector.broadcast %mul3A_3666 : i32 to vector<16xi32>
      %mul3A_3668 = arith.muli %shift_right_logical3A_3665, %mul3A_3667 : vector<16xi32>
      %add3A_3669 = vector.broadcast %mul3A_2 : i32 to vector<16xi32>
      %add3A_3670 = arith.addi %add3A_3669, %mul3A_3668 : vector<16xi32>
      %add3A_3671 = arith.addi %add3A_3670, %gather3A_3657 : vector<16xi32>
      %swap3A_3672 = arith.constant 0 : index
      %swap3A_3673 = tpu.vector_load %arg14[%swap3A_3672] {strides = array<i32>} : memref<128xi32, #tpu.memory_space<vmem>>, vector<16xi32>,
      tpu.vector_store %arg14[%swap3A_3672], %add3A_3671 {strides = array<i32>} : memref<128xi32, #tpu.memory_space<vmem>>, vector<16xi32>,
      %get3A_3674 = arith.constant 1936 : index
      %get3A_3675 = tpu.vector_load %arg11[%get3A_3674] {strides = array<i32>} : memref<2048xi32, #tpu.memory_space<vmem>>, vector<16xi32>,
      %swap3A_3676 = arith.constant 16 : index
      %swap3A_3677 = tpu.vector_load %arg16[%swap3A_3676] {strides = array<i32>} : memref<128xi32, #tpu.memory_space<vmem>>, vector<16xi32>,
      tpu.vector_store %arg16[%swap3A_3676], %get3A_3675 {strides = array<i32>} : memref<128xi32, #tpu.memory_space<vmem>>, vector<16xi32>,
      %shift_right_logical3A_3678 = arith.constant 7 : i32
      %shift_right_logical3A_3679 = vector.broadcast %shift_right_logical3A_3678 : i32 to vector<16xi32>
      %shift_right_logical3A_3680 = arith.shrui %get3A_3675, %shift_right_logical3A_3679 : vector<16xi32>
      %and3A_3681 = arith.constant 127 : i32
      %and3A_3682 = vector.broadcast %and3A_3681 : i32 to vector<16xi32>
      %and3A_3683 = arith.andi %get3A_3675, %and3A_3682 : vector<16xi32>
      %gather3A_3684 = tpu.vector_load_idx %arg10[%shift_right_logical3A_3680, %and3A_3683] : memref<80x128xi32, #tpu.memory_space<vmem>>[vector<16xi32>, vector<16xi32>], vector<16xi32>,
      %swap3A_3685 = arith.constant 1936 : index
      %swap3A_3686 = tpu.vector_load %arg12[%swap3A_3685] {strides = array<i32>} : memref<2048xi32, #tpu.memory_space<vmem>>, vector<16xi32>,
      tpu.vector_store %arg12[%swap3A_3685], %gather3A_3684 {strides = array<i32>} : memref<2048xi32, #tpu.memory_space<vmem>>, vector<16xi32>,
      %add3A_3687 = arith.constant 1936 : i32
      %add3A_3688 = vector.broadcast %add3A_3687 : i32 to vector<16xi32>
      %add3A_3689 = arith.addi %add3A_3688, %iota3A : vector<16xi32>
      %shift_right_logical3A_3690 = arith.constant 5 : i32
      %shift_right_logical3A_3691 = vector.broadcast %shift_right_logical3A_3690 : i32 to vector<16xi32>
      %shift_right_logical3A_3692 = arith.shrui %add3A_3689, %shift_right_logical3A_3691 : vector<16xi32>
      %mul3A_3693 = arith.constant 2 : i32
      %mul3A_3694 = vector.broadcast %mul3A_3693 : i32 to vector<16xi32>
      %mul3A_3695 = arith.muli %shift_right_logical3A_3692, %mul3A_3694 : vector<16xi32>
      %add3A_3696 = vector.broadcast %mul3A_2 : i32 to vector<16xi32>
      %add3A_3697 = arith.addi %add3A_3696, %mul3A_3695 : vector<16xi32>
      %add3A_3698 = arith.addi %add3A_3697, %gather3A_3684 : vector<16xi32>
      %swap3A_3699 = arith.constant 16 : index
      %swap3A_3700 = tpu.vector_load %arg14[%swap3A_3699] {strides = array<i32>} : memref<128xi32, #tpu.memory_space<vmem>>, vector<16xi32>,
      tpu.vector_store %arg14[%swap3A_3699], %add3A_3698 {strides = array<i32>} : memref<128xi32, #tpu.memory_space<vmem>>, vector<16xi32>,
      %get3A_3701 = arith.constant 1952 : index
      %get3A_3702 = tpu.vector_load %arg11[%get3A_3701] {strides = array<i32>} : memref<2048xi32, #tpu.memory_space<vmem>>, vector<16xi32>,
      %swap3A_3703 = arith.constant 32 : index
      %swap3A_3704 = tpu.vector_load %arg16[%swap3A_3703] {strides = array<i32>} : memref<128xi32, #tpu.memory_space<vmem>>, vector<16xi32>,
      tpu.vector_store %arg16[%swap3A_3703], %get3A_3702 {strides = array<i32>} : memref<128xi32, #tpu.memory_space<vmem>>, vector<16xi32>,
      %shift_right_logical3A_3705 = arith.constant 7 : i32
      %shift_right_logical3A_3706 = vector.broadcast %shift_right_logical3A_3705 : i32 to vector<16xi32>
      %shift_right_logical3A_3707 = arith.shrui %get3A_3702, %shift_right_logical3A_3706 : vector<16xi32>
      %and3A_3708 = arith.constant 127 : i32
      %and3A_3709 = vector.broadcast %and3A_3708 : i32 to vector<16xi32>
      %and3A_3710 = arith.andi %get3A_3702, %and3A_3709 : vector<16xi32>
      %gather3A_3711 = tpu.vector_load_idx %arg10[%shift_right_logical3A_3707, %and3A_3710] : memref<80x128xi32, #tpu.memory_space<vmem>>[vector<16xi32>, vector<16xi32>], vector<16xi32>,
      %swap3A_3712 = arith.constant 1952 : index
      %swap3A_3713 = tpu.vector_load %arg12[%swap3A_3712] {strides = array<i32>} : memref<2048xi32, #tpu.memory_space<vmem>>, vector<16xi32>,
      tpu.vector_store %arg12[%swap3A_3712], %gather3A_3711 {strides = array<i32>} : memref<2048xi32, #tpu.memory_space<vmem>>, vector<16xi32>,
      %add3A_3714 = arith.constant 1952 : i32
      %add3A_3715 = vector.broadcast %add3A_3714 : i32 to vector<16xi32>
      %add3A_3716 = arith.addi %add3A_3715, %iota3A : vector<16xi32>
      %shift_right_logical3A_3717 = arith.constant 5 : i32
      %shift_right_logical3A_3718 = vector.broadcast %shift_right_logical3A_3717 : i32 to vector<16xi32>
      %shift_right_logical3A_3719 = arith.shrui %add3A_3716, %shift_right_logical3A_3718 : vector<16xi32>
      %mul3A_3720 = arith.constant 2 : i32
      %mul3A_3721 = vector.broadcast %mul3A_3720 : i32 to vector<16xi32>
      %mul3A_3722 = arith.muli %shift_right_logical3A_3719, %mul3A_3721 : vector<16xi32>
      %add3A_3723 = vector.broadcast %mul3A_2 : i32 to vector<16xi32>
      %add3A_3724 = arith.addi %add3A_3723, %mul3A_3722 : vector<16xi32>
      %add3A_3725 = arith.addi %add3A_3724, %gather3A_3711 : vector<16xi32>
      %swap3A_3726 = arith.constant 32 : index
      %swap3A_3727 = tpu.vector_load %arg14[%swap3A_3726] {strides = array<i32>} : memref<128xi32, #tpu.memory_space<vmem>>, vector<16xi32>,
      tpu.vector_store %arg14[%swap3A_3726], %add3A_3725 {strides = array<i32>} : memref<128xi32, #tpu.memory_space<vmem>>, vector<16xi32>,
      %get3A_3728 = arith.constant 1968 : index
      %get3A_3729 = tpu.vector_load %arg11[%get3A_3728] {strides = array<i32>} : memref<2048xi32, #tpu.memory_space<vmem>>, vector<16xi32>,
      %swap3A_3730 = arith.constant 48 : index
      %swap3A_3731 = tpu.vector_load %arg16[%swap3A_3730] {strides = array<i32>} : memref<128xi32, #tpu.memory_space<vmem>>, vector<16xi32>,
      tpu.vector_store %arg16[%swap3A_3730], %get3A_3729 {strides = array<i32>} : memref<128xi32, #tpu.memory_space<vmem>>, vector<16xi32>,
      %shift_right_logical3A_3732 = arith.constant 7 : i32
      %shift_right_logical3A_3733 = vector.broadcast %shift_right_logical3A_3732 : i32 to vector<16xi32>
      %shift_right_logical3A_3734 = arith.shrui %get3A_3729, %shift_right_logical3A_3733 : vector<16xi32>
      %and3A_3735 = arith.constant 127 : i32
      %and3A_3736 = vector.broadcast %and3A_3735 : i32 to vector<16xi32>
      %and3A_3737 = arith.andi %get3A_3729, %and3A_3736 : vector<16xi32>
      %gather3A_3738 = tpu.vector_load_idx %arg10[%shift_right_logical3A_3734, %and3A_3737] : memref<80x128xi32, #tpu.memory_space<vmem>>[vector<16xi32>, vector<16xi32>], vector<16xi32>,
      %swap3A_3739 = arith.constant 1968 : index
      %swap3A_3740 = tpu.vector_load %arg12[%swap3A_3739] {strides = array<i32>} : memref<2048xi32, #tpu.memory_space<vmem>>, vector<16xi32>,
      tpu.vector_store %arg12[%swap3A_3739], %gather3A_3738 {strides = array<i32>} : memref<2048xi32, #tpu.memory_space<vmem>>, vector<16xi32>,
      %add3A_3741 = arith.constant 1968 : i32
      %add3A_3742 = vector.broadcast %add3A_3741 : i32 to vector<16xi32>
      %add3A_3743 = arith.addi %add3A_3742, %iota3A : vector<16xi32>
      %shift_right_logical3A_3744 = arith.constant 5 : i32
      %shift_right_logical3A_3745 = vector.broadcast %shift_right_logical3A_3744 : i32 to vector<16xi32>
      %shift_right_logical3A_3746 = arith.shrui %add3A_3743, %shift_right_logical3A_3745 : vector<16xi32>
      %mul3A_3747 = arith.constant 2 : i32
      %mul3A_3748 = vector.broadcast %mul3A_3747 : i32 to vector<16xi32>
      %mul3A_3749 = arith.muli %shift_right_logical3A_3746, %mul3A_3748 : vector<16xi32>
      %add3A_3750 = vector.broadcast %mul3A_2 : i32 to vector<16xi32>
      %add3A_3751 = arith.addi %add3A_3750, %mul3A_3749 : vector<16xi32>
      %add3A_3752 = arith.addi %add3A_3751, %gather3A_3738 : vector<16xi32>
      %swap3A_3753 = arith.constant 48 : index
      %swap3A_3754 = tpu.vector_load %arg14[%swap3A_3753] {strides = array<i32>} : memref<128xi32, #tpu.memory_space<vmem>>, vector<16xi32>,
      tpu.vector_store %arg14[%swap3A_3753], %add3A_3752 {strides = array<i32>} : memref<128xi32, #tpu.memory_space<vmem>>, vector<16xi32>,
      %get3A_3755 = arith.constant 1984 : index
      %get3A_3756 = tpu.vector_load %arg11[%get3A_3755] {strides = array<i32>} : memref<2048xi32, #tpu.memory_space<vmem>>, vector<16xi32>,
      %swap3A_3757 = arith.constant 64 : index
      %swap3A_3758 = tpu.vector_load %arg16[%swap3A_3757] {strides = array<i32>} : memref<128xi32, #tpu.memory_space<vmem>>, vector<16xi32>,
      tpu.vector_store %arg16[%swap3A_3757], %get3A_3756 {strides = array<i32>} : memref<128xi32, #tpu.memory_space<vmem>>, vector<16xi32>,
      %shift_right_logical3A_3759 = arith.constant 7 : i32
      %shift_right_logical3A_3760 = vector.broadcast %shift_right_logical3A_3759 : i32 to vector<16xi32>
      %shift_right_logical3A_3761 = arith.shrui %get3A_3756, %shift_right_logical3A_3760 : vector<16xi32>
      %and3A_3762 = arith.constant 127 : i32
      %and3A_3763 = vector.broadcast %and3A_3762 : i32 to vector<16xi32>
      %and3A_3764 = arith.andi %get3A_3756, %and3A_3763 : vector<16xi32>
      %gather3A_3765 = tpu.vector_load_idx %arg10[%shift_right_logical3A_3761, %and3A_3764] : memref<80x128xi32, #tpu.memory_space<vmem>>[vector<16xi32>, vector<16xi32>], vector<16xi32>,
      %swap3A_3766 = arith.constant 1984 : index
      %swap3A_3767 = tpu.vector_load %arg12[%swap3A_3766] {strides = array<i32>} : memref<2048xi32, #tpu.memory_space<vmem>>, vector<16xi32>,
      tpu.vector_store %arg12[%swap3A_3766], %gather3A_3765 {strides = array<i32>} : memref<2048xi32, #tpu.memory_space<vmem>>, vector<16xi32>,
      %add3A_3768 = arith.constant 1984 : i32
      %add3A_3769 = vector.broadcast %add3A_3768 : i32 to vector<16xi32>
      %add3A_3770 = arith.addi %add3A_3769, %iota3A : vector<16xi32>
      %shift_right_logical3A_3771 = arith.constant 5 : i32
      %shift_right_logical3A_3772 = vector.broadcast %shift_right_logical3A_3771 : i32 to vector<16xi32>
      %shift_right_logical3A_3773 = arith.shrui %add3A_3770, %shift_right_logical3A_3772 : vector<16xi32>
      %mul3A_3774 = arith.constant 2 : i32
      %mul3A_3775 = vector.broadcast %mul3A_3774 : i32 to vector<16xi32>
      %mul3A_3776 = arith.muli %shift_right_logical3A_3773, %mul3A_3775 : vector<16xi32>
      %add3A_3777 = vector.broadcast %mul3A_2 : i32 to vector<16xi32>
      %add3A_3778 = arith.addi %add3A_3777, %mul3A_3776 : vector<16xi32>
      %add3A_3779 = arith.addi %add3A_3778, %gather3A_3765 : vector<16xi32>
      %swap3A_3780 = arith.constant 64 : index
      %swap3A_3781 = tpu.vector_load %arg14[%swap3A_3780] {strides = array<i32>} : memref<128xi32, #tpu.memory_space<vmem>>, vector<16xi32>,
      tpu.vector_store %arg14[%swap3A_3780], %add3A_3779 {strides = array<i32>} : memref<128xi32, #tpu.memory_space<vmem>>, vector<16xi32>,
      %get3A_3782 = arith.constant 2000 : index
      %get3A_3783 = tpu.vector_load %arg11[%get3A_3782] {strides = array<i32>} : memref<2048xi32, #tpu.memory_space<vmem>>, vector<16xi32>,
      %swap3A_3784 = arith.constant 80 : index
      %swap3A_3785 = tpu.vector_load %arg16[%swap3A_3784] {strides = array<i32>} : memref<128xi32, #tpu.memory_space<vmem>>, vector<16xi32>,
      tpu.vector_store %arg16[%swap3A_3784], %get3A_3783 {strides = array<i32>} : memref<128xi32, #tpu.memory_space<vmem>>, vector<16xi32>,
      %shift_right_logical3A_3786 = arith.constant 7 : i32
      %shift_right_logical3A_3787 = vector.broadcast %shift_right_logical3A_3786 : i32 to vector<16xi32>
      %shift_right_logical3A_3788 = arith.shrui %get3A_3783, %shift_right_logical3A_3787 : vector<16xi32>
      %and3A_3789 = arith.constant 127 : i32
      %and3A_3790 = vector.broadcast %and3A_3789 : i32 to vector<16xi32>
      %and3A_3791 = arith.andi %get3A_3783, %and3A_3790 : vector<16xi32>
      %gather3A_3792 = tpu.vector_load_idx %arg10[%shift_right_logical3A_3788, %and3A_3791] : memref<80x128xi32, #tpu.memory_space<vmem>>[vector<16xi32>, vector<16xi32>], vector<16xi32>,
      %swap3A_3793 = arith.constant 2000 : index
      %swap3A_3794 = tpu.vector_load %arg12[%swap3A_3793] {strides = array<i32>} : memref<2048xi32, #tpu.memory_space<vmem>>, vector<16xi32>,
      tpu.vector_store %arg12[%swap3A_3793], %gather3A_3792 {strides = array<i32>} : memref<2048xi32, #tpu.memory_space<vmem>>, vector<16xi32>,
      %add3A_3795 = arith.constant 2000 : i32
      %add3A_3796 = vector.broadcast %add3A_3795 : i32 to vector<16xi32>
      %add3A_3797 = arith.addi %add3A_3796, %iota3A : vector<16xi32>
      %shift_right_logical3A_3798 = arith.constant 5 : i32
      %shift_right_logical3A_3799 = vector.broadcast %shift_right_logical3A_3798 : i32 to vector<16xi32>
      %shift_right_logical3A_3800 = arith.shrui %add3A_3797, %shift_right_logical3A_3799 : vector<16xi32>
      %mul3A_3801 = arith.constant 2 : i32
      %mul3A_3802 = vector.broadcast %mul3A_3801 : i32 to vector<16xi32>
      %mul3A_3803 = arith.muli %shift_right_logical3A_3800, %mul3A_3802 : vector<16xi32>
      %add3A_3804 = vector.broadcast %mul3A_2 : i32 to vector<16xi32>
      %add3A_3805 = arith.addi %add3A_3804, %mul3A_3803 : vector<16xi32>
      %add3A_3806 = arith.addi %add3A_3805, %gather3A_3792 : vector<16xi32>
      %swap3A_3807 = arith.constant 80 : index
      %swap3A_3808 = tpu.vector_load %arg14[%swap3A_3807] {strides = array<i32>} : memref<128xi32, #tpu.memory_space<vmem>>, vector<16xi32>,
      tpu.vector_store %arg14[%swap3A_3807], %add3A_3806 {strides = array<i32>} : memref<128xi32, #tpu.memory_space<vmem>>, vector<16xi32>,
      %get3A_3809 = arith.constant 2016 : index
      %get3A_3810 = tpu.vector_load %arg11[%get3A_3809] {strides = array<i32>} : memref<2048xi32, #tpu.memory_space<vmem>>, vector<16xi32>,
      %swap3A_3811 = arith.constant 96 : index
      %swap3A_3812 = tpu.vector_load %arg16[%swap3A_3811] {strides = array<i32>} : memref<128xi32, #tpu.memory_space<vmem>>, vector<16xi32>,
      tpu.vector_store %arg16[%swap3A_3811], %get3A_3810 {strides = array<i32>} : memref<128xi32, #tpu.memory_space<vmem>>, vector<16xi32>,
      %shift_right_logical3A_3813 = arith.constant 7 : i32
      %shift_right_logical3A_3814 = vector.broadcast %shift_right_logical3A_3813 : i32 to vector<16xi32>
      %shift_right_logical3A_3815 = arith.shrui %get3A_3810, %shift_right_logical3A_3814 : vector<16xi32>
      %and3A_3816 = arith.constant 127 : i32
      %and3A_3817 = vector.broadcast %and3A_3816 : i32 to vector<16xi32>
      %and3A_3818 = arith.andi %get3A_3810, %and3A_3817 : vector<16xi32>
      %gather3A_3819 = tpu.vector_load_idx %arg10[%shift_right_logical3A_3815, %and3A_3818] : memref<80x128xi32, #tpu.memory_space<vmem>>[vector<16xi32>, vector<16xi32>], vector<16xi32>,
      %swap3A_3820 = arith.constant 2016 : index
      %swap3A_3821 = tpu.vector_load %arg12[%swap3A_3820] {strides = array<i32>} : memref<2048xi32, #tpu.memory_space<vmem>>, vector<16xi32>,
      tpu.vector_store %arg12[%swap3A_3820], %gather3A_3819 {strides = array<i32>} : memref<2048xi32, #tpu.memory_space<vmem>>, vector<16xi32>,
      %add3A_3822 = arith.constant 2016 : i32
      %add3A_3823 = vector.broadcast %add3A_3822 : i32 to vector<16xi32>
      %add3A_3824 = arith.addi %add3A_3823, %iota3A : vector<16xi32>
      %shift_right_logical3A_3825 = arith.constant 5 : i32
      %shift_right_logical3A_3826 = vector.broadcast %shift_right_logical3A_3825 : i32 to vector<16xi32>
      %shift_right_logical3A_3827 = arith.shrui %add3A_3824, %shift_right_logical3A_3826 : vector<16xi32>
      %mul3A_3828 = arith.constant 2 : i32
      %mul3A_3829 = vector.broadcast %mul3A_3828 : i32 to vector<16xi32>
      %mul3A_3830 = arith.muli %shift_right_logical3A_3827, %mul3A_3829 : vector<16xi32>
      %add3A_3831 = vector.broadcast %mul3A_2 : i32 to vector<16xi32>
      %add3A_3832 = arith.addi %add3A_3831, %mul3A_3830 : vector<16xi32>
      %add3A_3833 = arith.addi %add3A_3832, %gather3A_3819 : vector<16xi32>
      %swap3A_3834 = arith.constant 96 : index
      %swap3A_3835 = tpu.vector_load %arg14[%swap3A_3834] {strides = array<i32>} : memref<128xi32, #tpu.memory_space<vmem>>, vector<16xi32>,
      tpu.vector_store %arg14[%swap3A_3834], %add3A_3833 {strides = array<i32>} : memref<128xi32, #tpu.memory_space<vmem>>, vector<16xi32>,
      %get3A_3836 = arith.constant 2032 : index
      %get3A_3837 = tpu.vector_load %arg11[%get3A_3836] {strides = array<i32>} : memref<2048xi32, #tpu.memory_space<vmem>>, vector<16xi32>,
      %swap3A_3838 = arith.constant 112 : index
      %swap3A_3839 = tpu.vector_load %arg16[%swap3A_3838] {strides = array<i32>} : memref<128xi32, #tpu.memory_space<vmem>>, vector<16xi32>,
      tpu.vector_store %arg16[%swap3A_3838], %get3A_3837 {strides = array<i32>} : memref<128xi32, #tpu.memory_space<vmem>>, vector<16xi32>,
      %shift_right_logical3A_3840 = arith.constant 7 : i32
      %shift_right_logical3A_3841 = vector.broadcast %shift_right_logical3A_3840 : i32 to vector<16xi32>
      %shift_right_logical3A_3842 = arith.shrui %get3A_3837, %shift_right_logical3A_3841 : vector<16xi32>
      %and3A_3843 = arith.constant 127 : i32
      %and3A_3844 = vector.broadcast %and3A_3843 : i32 to vector<16xi32>
      %and3A_3845 = arith.andi %get3A_3837, %and3A_3844 : vector<16xi32>
      %gather3A_3846 = tpu.vector_load_idx %arg10[%shift_right_logical3A_3842, %and3A_3845] : memref<80x128xi32, #tpu.memory_space<vmem>>[vector<16xi32>, vector<16xi32>], vector<16xi32>,
      %swap3A_3847 = arith.constant 2032 : index
      %swap3A_3848 = tpu.vector_load %arg12[%swap3A_3847] {strides = array<i32>} : memref<2048xi32, #tpu.memory_space<vmem>>, vector<16xi32>,
      tpu.vector_store %arg12[%swap3A_3847], %gather3A_3846 {strides = array<i32>} : memref<2048xi32, #tpu.memory_space<vmem>>, vector<16xi32>,
      %add3A_3849 = arith.constant 2032 : i32
      %add3A_3850 = vector.broadcast %add3A_3849 : i32 to vector<16xi32>
      %add3A_3851 = arith.addi %add3A_3850, %iota3A : vector<16xi32>
      %shift_right_logical3A_3852 = arith.constant 5 : i32
      %shift_right_logical3A_3853 = vector.broadcast %shift_right_logical3A_3852 : i32 to vector<16xi32>
      %shift_right_logical3A_3854 = arith.shrui %add3A_3851, %shift_right_logical3A_3853 : vector<16xi32>
      %mul3A_3855 = arith.constant 2 : i32
      %mul3A_3856 = vector.broadcast %mul3A_3855 : i32 to vector<16xi32>
      %mul3A_3857 = arith.muli %shift_right_logical3A_3854, %mul3A_3856 : vector<16xi32>
      %add3A_3858 = vector.broadcast %mul3A_2 : i32 to vector<16xi32>
      %add3A_3859 = arith.addi %add3A_3858, %mul3A_3857 : vector<16xi32>
      %add3A_3860 = arith.addi %add3A_3859, %gather3A_3846 : vector<16xi32>
      %swap3A_3861 = arith.constant 112 : index
      %swap3A_3862 = tpu.vector_load %arg14[%swap3A_3861] {strides = array<i32>} : memref<128xi32, #tpu.memory_space<vmem>>, vector<16xi32>,
      tpu.vector_store %arg14[%swap3A_3861], %add3A_3860 {strides = array<i32>} : memref<128xi32, #tpu.memory_space<vmem>>, vector<16xi32>,
      %dma_start3A_3863 = arith.constant 0 : i32
      %dma_start3A_3864 = arith.constant 0 : i32
      %dma_start3A_3865 = tpu.memref_slice %arg2[%dma_start3A_3863, %dma_start3A_3864] : memref<10000x128xf32, #tpu.memory_space<hbm>> -> memref<10000x128xf32, #tpu.memory_space<hbm>>
      tpu.enqueue_indirect_dma source(%dma_start3A_3865 : memref<10000x128xf32, #tpu.memory_space<hbm>>) target(%arg18 : memref<128x128xf32, #tpu.memory_space<vmem>>) offsets(%arg16 : memref<128xi32, #tpu.memory_space<vmem>>) semaphore(%arg23 : memref<!tpu.dma_semaphore, #tpu.memory_space<semaphore_mem>>)
      %dma_start3A_3866 = arith.constant 0 : i32
      %dma_start3A_3867 = arith.constant 0 : i32
      %dma_start3A_3868 = tpu.memref_slice %arg3[%dma_start3A_3866, %dma_start3A_3867] : memref<10000x128xf32, #tpu.memory_space<hbm>> -> memref<10000x128xf32, #tpu.memory_space<hbm>>
      tpu.enqueue_indirect_dma source(%dma_start3A_3868 : memref<10000x128xf32, #tpu.memory_space<hbm>>) target(%arg20 : memref<128x128xf32, #tpu.memory_space<vmem>>) offsets(%arg16 : memref<128xi32, #tpu.memory_space<vmem>>) semaphore(%arg23 : memref<!tpu.dma_semaphore, #tpu.memory_space<semaphore_mem>>)
      %dma_wait3A_3869 = arith.constant 0 : i32
      %dma_wait3A_3870 = arith.constant 0 : i32
      %dma_wait3A_3871 = tpu.memref_slice %arg2[%dma_wait3A_3869, %dma_wait3A_3870] : memref<10000x128xf32, #tpu.memory_space<hbm>> -> memref<10000x128xf32, #tpu.memory_space<hbm>>
      tpu.wait_indirect_dma semaphore(%arg22 : memref<!tpu.dma_semaphore, #tpu.memory_space<semaphore_mem>>) src(%dma_wait3A_3871 : memref<10000x128xf32, #tpu.memory_space<hbm>>) dst(%arg17 : memref<128x128xf32, #tpu.memory_space<vmem>>)
      %dma_wait3A_3872 = arith.constant 0 : i32
      %dma_wait3A_3873 = arith.constant 0 : i32
      %dma_wait3A_3874 = tpu.memref_slice %arg3[%dma_wait3A_3872, %dma_wait3A_3873] : memref<10000x128xf32, #tpu.memory_space<hbm>> -> memref<10000x128xf32, #tpu.memory_space<hbm>>
      tpu.wait_indirect_dma semaphore(%arg22 : memref<!tpu.dma_semaphore, #tpu.memory_space<semaphore_mem>>) src(%dma_wait3A_3874 : memref<10000x128xf32, #tpu.memory_space<hbm>>) dst(%arg19 : memref<128x128xf32, #tpu.memory_space<vmem>>)
      %dma_start3A_3875 = arith.constant 0 : i32
      %dma_start3A_3876 = arith.constant 0 : i32
      %dma_start3A_3877 = tpu.memref_slice %arg21[%dma_start3A_3875, %dma_start3A_3876] : memref<2048x128xf32, #tpu.memory_space<vmem_shared>> -> memref<2048x128xf32, #tpu.memory_space<vmem_shared>>
      tpu.enqueue_indirect_dma source(%arg17 : memref<128x128xf32, #tpu.memory_space<vmem>>) target(%dma_start3A_3877 : memref<2048x128xf32, #tpu.memory_space<vmem_shared>>) offsets(%arg13 : memref<128xi32, #tpu.memory_space<vmem>>) semaphore(%arg24 : memref<!tpu.dma_semaphore, #tpu.memory_space<semaphore_mem>>) {add = true}
      %add3A_3878 = arith.constant 1792 : i32
      %add3A_3879 = arith.addi %mul3A_15, %add3A_3878 : i32
      %dma_start3A_3880 = arith.constant 0 : i32
      %dma_start3A_3881 = tpu.memref_slice %arg8[%add3A_3879, %dma_start3A_3880] : memref<327680x128xf32, #tpu.memory_space<hbm>> -> memref<128x128xf32, #tpu.memory_space<hbm>>
      %dma_start3A_3882 = arith.constant 0 : i32
      %dma_start3A_3883 = tpu.memref_slice %arg8[%add3A_3879, %dma_start3A_3882] : memref<327680x128xf32, #tpu.memory_space<hbm>> -> memref<128x128xf32, #tpu.memory_space<hbm>>
      tpu.enqueue_dma source(%arg19 : memref<128x128xf32, #tpu.memory_space<vmem>>) target(%dma_start3A_3883 : memref<128x128xf32, #tpu.memory_space<hbm>>) target_semaphore(%arg26 : memref<!tpu.dma_semaphore, #tpu.memory_space<semaphore_mem>>)
      %dma_wait3A_3884 = arith.constant 0 : i32
      %dma_wait3A_3885 = arith.constant 0 : i32
      %dma_wait3A_3886 = tpu.memref_slice %arg2[%dma_wait3A_3884, %dma_wait3A_3885] : memref<10000x128xf32, #tpu.memory_space<hbm>> -> memref<10000x128xf32, #tpu.memory_space<hbm>>
      tpu.wait_indirect_dma semaphore(%arg23 : memref<!tpu.dma_semaphore, #tpu.memory_space<semaphore_mem>>) src(%dma_wait3A_3886 : memref<10000x128xf32, #tpu.memory_space<hbm>>) dst(%arg18 : memref<128x128xf32, #tpu.memory_space<vmem>>)
      %dma_wait3A_3887 = arith.constant 0 : i32
      %dma_wait3A_3888 = arith.constant 0 : i32
      %dma_wait3A_3889 = tpu.memref_slice %arg3[%dma_wait3A_3887, %dma_wait3A_3888] : memref<10000x128xf32, #tpu.memory_space<hbm>> -> memref<10000x128xf32, #tpu.memory_space<hbm>>
      tpu.wait_indirect_dma semaphore(%arg23 : memref<!tpu.dma_semaphore, #tpu.memory_space<semaphore_mem>>) src(%dma_wait3A_3889 : memref<10000x128xf32, #tpu.memory_space<hbm>>) dst(%arg20 : memref<128x128xf32, #tpu.memory_space<vmem>>)
      %dma_start3A_3890 = arith.constant 0 : i32
      %dma_start3A_3891 = arith.constant 0 : i32
      %dma_start3A_3892 = tpu.memref_slice %arg21[%dma_start3A_3890, %dma_start3A_3891] : memref<2048x128xf32, #tpu.memory_space<vmem_shared>> -> memref<2048x128xf32, #tpu.memory_space<vmem_shared>>
      tpu.enqueue_indirect_dma source(%arg18 : memref<128x128xf32, #tpu.memory_space<vmem>>) target(%dma_start3A_3892 : memref<2048x128xf32, #tpu.memory_space<vmem_shared>>) offsets(%arg14 : memref<128xi32, #tpu.memory_space<vmem>>) semaphore(%arg25 : memref<!tpu.dma_semaphore, #tpu.memory_space<semaphore_mem>>) {add = true}
      %add3A_3893 = arith.constant 1920 : i32
      %add3A_3894 = arith.addi %mul3A_15, %add3A_3893 : i32
      %dma_start3A_3895 = arith.constant 0 : i32
      %dma_start3A_3896 = tpu.memref_slice %arg8[%add3A_3894, %dma_start3A_3895] : memref<327680x128xf32, #tpu.memory_space<hbm>> -> memref<128x128xf32, #tpu.memory_space<hbm>>
      %dma_start3A_3897 = arith.constant 0 : i32
      %dma_start3A_3898 = tpu.memref_slice %arg8[%add3A_3894, %dma_start3A_3897] : memref<327680x128xf32, #tpu.memory_space<hbm>> -> memref<128x128xf32, #tpu.memory_space<hbm>>
      tpu.enqueue_dma source(%arg20 : memref<128x128xf32, #tpu.memory_space<vmem>>) target(%dma_start3A_3898 : memref<128x128xf32, #tpu.memory_space<hbm>>) target_semaphore(%arg27 : memref<!tpu.dma_semaphore, #tpu.memory_space<semaphore_mem>>)
      %dma_wait3A_3899 = arith.constant 0 : i32
      %dma_wait3A_3900 = arith.constant 0 : i32
      %dma_wait3A_3901 = tpu.memref_slice %arg21[%dma_wait3A_3899, %dma_wait3A_3900] : memref<2048x128xf32, #tpu.memory_space<vmem_shared>> -> memref<2048x128xf32, #tpu.memory_space<vmem_shared>>
      tpu.wait_indirect_dma semaphore(%arg24 : memref<!tpu.dma_semaphore, #tpu.memory_space<semaphore_mem>>) src(%arg17 : memref<128x128xf32, #tpu.memory_space<vmem>>) dst(%dma_wait3A_3901 : memref<2048x128xf32, #tpu.memory_space<vmem_shared>>)
      %dma_wait3A_3902 = arith.constant 0 : i32
      %dma_wait3A_3903 = tpu.memref_slice %arg8[%add3A_3879, %dma_wait3A_3902] : memref<327680x128xf32, #tpu.memory_space<hbm>> -> memref<128x128xf32, #tpu.memory_space<hbm>>
      %dma_wait3A_3904 = arith.constant 0 : i32
      %dma_wait3A_3905 = tpu.memref_slice %arg8[%add3A_3879, %dma_wait3A_3904] : memref<327680x128xf32, #tpu.memory_space<hbm>> -> memref<128x128xf32, #tpu.memory_space<hbm>>
      tpu.wait_dma2 semaphore(%arg26 : memref<!tpu.dma_semaphore, #tpu.memory_space<semaphore_mem>>) src(%arg19 : memref<128x128xf32, #tpu.memory_space<vmem>>) dst(%dma_wait3A_3905 : memref<128x128xf32, #tpu.memory_space<hbm>>)
      %dma_wait3A_3906 = arith.constant 0 : i32
      %dma_wait3A_3907 = arith.constant 0 : i32
      %dma_wait3A_3908 = tpu.memref_slice %arg21[%dma_wait3A_3906, %dma_wait3A_3907] : memref<2048x128xf32, #tpu.memory_space<vmem_shared>> -> memref<2048x128xf32, #tpu.memory_space<vmem_shared>>
      tpu.wait_indirect_dma semaphore(%arg25 : memref<!tpu.dma_semaphore, #tpu.memory_space<semaphore_mem>>) src(%arg18 : memref<128x128xf32, #tpu.memory_space<vmem>>) dst(%dma_wait3A_3908 : memref<2048x128xf32, #tpu.memory_space<vmem_shared>>)
      %dma_wait3A_3909 = arith.constant 0 : i32
      %dma_wait3A_3910 = tpu.memref_slice %arg8[%add3A_3894, %dma_wait3A_3909] : memref<327680x128xf32, #tpu.memory_space<hbm>> -> memref<128x128xf32, #tpu.memory_space<hbm>>
      %dma_wait3A_3911 = arith.constant 0 : i32
      %dma_wait3A_3912 = tpu.memref_slice %arg8[%add3A_3894, %dma_wait3A_3911] : memref<327680x128xf32, #tpu.memory_space<hbm>> -> memref<128x128xf32, #tpu.memory_space<hbm>>
      tpu.wait_dma2 semaphore(%arg27 : memref<!tpu.dma_semaphore, #tpu.memory_space<semaphore_mem>>) src(%arg20 : memref<128x128xf32, #tpu.memory_space<vmem>>) dst(%dma_wait3A_3912 : memref<128x128xf32, #tpu.memory_space<hbm>>)
      "tpu.region"() ({
        %run_scoped3A = tpu.sem_alloc : memref<!tpu.dma_semaphore, #tpu.memory_space<semaphore_mem>>
        %dma_start3A_3915 = tpu.memref_slice %arg9[%mul3A_15] : memref<327680xi32, #tpu.memory_space<hbm>> -> memref<2048xi32, #tpu.memory_space<hbm>>
        %dma_start3A_3916 = tpu.memref_slice %arg9[%mul3A_15] : memref<327680xi32, #tpu.memory_space<hbm>> -> memref<2048xi32, #tpu.memory_space<hbm>>
        tpu.enqueue_dma source(%arg12 : memref<2048xi32, #tpu.memory_space<vmem>>) target(%dma_start3A_3916 : memref<2048xi32, #tpu.memory_space<hbm>>) target_semaphore(%run_scoped3A : memref<!tpu.dma_semaphore, #tpu.memory_space<semaphore_mem>>)
        %dma_wait3A_3917 = tpu.memref_slice %arg9[%mul3A_15] : memref<327680xi32, #tpu.memory_space<hbm>> -> memref<2048xi32, #tpu.memory_space<hbm>>
        %dma_wait3A_3918 = tpu.memref_slice %arg9[%mul3A_15] : memref<327680xi32, #tpu.memory_space<hbm>> -> memref<2048xi32, #tpu.memory_space<hbm>>
        tpu.wait_dma2 semaphore(%run_scoped3A : memref<!tpu.dma_semaphore, #tpu.memory_space<semaphore_mem>>) src(%arg12 : memref<2048xi32, #tpu.memory_space<vmem>>) dst(%dma_wait3A_3918 : memref<2048xi32, #tpu.memory_space<hbm>>)
        tpu.yield
      }) : () -> ()
      %mul3A_3913 = arith.constant 2 : i32
      %mul3A_3914 = arith.muli %add3A_13, %mul3A_3913 : i32
      "tpu.region"() ({
        %run_scoped3A = tpu.sem_alloc : memref<!tpu.dma_semaphore, #tpu.memory_space<semaphore_mem>>
        %dma_start3A_3915 = arith.constant 0 : i32
        %dma_start3A_3916 = tpu.memref_slice %arg7[%mul3A_3914, %dma_start3A_3915] : memref<20480x128xf32, #tpu.memory_space<hbm>> -> memref<128x128xf32, #tpu.memory_space<hbm>>
        %dma_start3A_3917 = arith.constant 0 : i32
        %dma_start3A_3918 = tpu.memref_slice %arg21[%mul3A_2, %dma_start3A_3917] : memref<2048x128xf32, #tpu.memory_space<vmem_shared>> -> memref<128x128xf32, #tpu.memory_space<vmem_shared>>
        tpu.enqueue_dma source(%dma_start3A_3918 : memref<128x128xf32, #tpu.memory_space<vmem_shared>>) target(%dma_start3A_3916 : memref<128x128xf32, #tpu.memory_space<hbm>>) target_semaphore(%run_scoped3A : memref<!tpu.dma_semaphore, #tpu.memory_space<semaphore_mem>>)
        %dma_wait3A_3919 = arith.constant 0 : i32
        %dma_wait3A_3920 = tpu.memref_slice %arg7[%mul3A_3914, %dma_wait3A_3919] : memref<20480x128xf32, #tpu.memory_space<hbm>> -> memref<128x128xf32, #tpu.memory_space<hbm>>
        %dma_wait3A_3921 = arith.constant 0 : i32
        %dma_wait3A_3922 = tpu.memref_slice %arg21[%mul3A_2, %dma_wait3A_3921] : memref<2048x128xf32, #tpu.memory_space<vmem_shared>> -> memref<128x128xf32, #tpu.memory_space<vmem_shared>>
        tpu.wait_dma2 semaphore(%run_scoped3A : memref<!tpu.dma_semaphore, #tpu.memory_space<semaphore_mem>>) src(%dma_wait3A_3922 : memref<128x128xf32, #tpu.memory_space<vmem_shared>>) dst(%dma_wait3A_3920 : memref<128x128xf32, #tpu.memory_space<hbm>>)
        tpu.yield
      }) : () -> ()
    }
    %scan3A_7 = arith.constant 5 : i32
    return
  }
}

module attributes {stable_mosaic.version = 14 : i64} {
  func.func @_tc_body(%arg0: i32, %arg1: memref<30000x128xf32, #tpu.memory_space<vmem>>, %arg2: memref<400x256xf32, #tpu.memory_space<vmem>>, %arg3: memref<12800x128xf32, #tpu.memory_space<vmem>>, %arg4: memref<400x32xi32, #tpu.memory_space<vmem>>, %arg5: memref<384x128xf32, #tpu.memory_space<vmem>>, %arg6: memref<384x256xf32, #tpu.memory_space<vmem>>, %arg7: memref<1x384xf32, #tpu.memory_space<vmem>>, %arg8: memref<128x128xf32, #tpu.memory_space<vmem>>, %arg9: memref<256x256xf32, #tpu.memory_space<vmem>>, %arg10: memref<1x256xf32, #tpu.memory_space<vmem>>, %arg11: memref<1x128xf32, #tpu.memory_space<vmem>>, %arg12: memref<400x128xf32, #tpu.memory_space<vmem>>, %arg13: memref<400x128xf32, #tpu.memory_space<vmem>>) attributes {dimension_semantics = [#tpu.dimension_semantics<arbitrary>], iteration_bounds = array<i64: 25>, scalar_prefetch = 0 : i64, scratch_operands = 0 : i64, tpu.core_type = #tpu.core_type<tc>, window_params = [{pipeline_mode = #tpu.pipeline_mode<synchronous>, transform_indices = @transform_0, window_bounds = array<i64: 30000, 128>}, {transform_indices = @transform_1, window_bounds = array<i64: 400, 256>}, {transform_indices = @transform_2, window_bounds = array<i64: 12800, 128>}, {transform_indices = @transform_3, window_bounds = array<i64: 400, 32>}, {pipeline_mode = #tpu.pipeline_mode<synchronous>, transform_indices = @transform_4, window_bounds = array<i64: 384, 128>}, {pipeline_mode = #tpu.pipeline_mode<synchronous>, transform_indices = @transform_5, window_bounds = array<i64: 384, 256>}, {pipeline_mode = #tpu.pipeline_mode<synchronous>, transform_indices = @transform_6, window_bounds = array<i64: 1, 384>}, {pipeline_mode = #tpu.pipeline_mode<synchronous>, transform_indices = @transform_7, window_bounds = array<i64: 128, 128>}, {pipeline_mode = #tpu.pipeline_mode<synchronous>, transform_indices = @transform_8, window_bounds = array<i64: 256, 256>}, {pipeline_mode = #tpu.pipeline_mode<synchronous>, transform_indices = @transform_9, window_bounds = array<i64: 1, 256>}, {pipeline_mode = #tpu.pipeline_mode<synchronous>, transform_indices = @transform_10, window_bounds = array<i64: 1, 128>}, {transform_indices = @transform_11, window_bounds = array<i64: 400, 128>}, {transform_indices = @transform_12, window_bounds = array<i64: 400, 128>}]} {
    %get3A = arith.constant 0 : index
    %get3A_0 = arith.constant 0 : index
    %get3A_1 = vector.load %arg2[%get3A, %get3A_0] : memref<400x256xf32, #tpu.memory_space<vmem>>, vector<400x256xf32>
    %get3A_2 = arith.constant 0 : index
    %get3A_3 = arith.constant 0 : index
    %get3A_4 = vector.load %arg9[%get3A_2, %get3A_3] : memref<256x256xf32, #tpu.memory_space<vmem>>, vector<256x256xf32>
    %dot_general3A = arith.constant dense<0.000000e+00> : vector<400x256xf32>
    %dot_general3A_5 = tpu.matmul %get3A_1, %get3A_4, %dot_general3A {dimension_numbers = #tpu.dot_dimension_numbers<[1], [1], [0], [0], [0, 0, 1, 0], [], []>, transpose_lhs_hint = false} : vector<400x256xf32>, vector<256x256xf32>, vector<400x256xf32> -> vector<400x256xf32>
    %get3A_6 = arith.constant 0 : index
    %get3A_7 = arith.constant 0 : index
    %get3A_8 = vector.load %arg10[%get3A_6, %get3A_7] : memref<1x256xf32, #tpu.memory_space<vmem>>, vector<1x256xf32>
    %add3A = vector.broadcast %get3A_8 : vector<1x256xf32> to vector<400x256xf32>
    %add3A_9 = arith.addf %dot_general3A_5, %add3A : vector<400x256xf32>
    %get3A_10 = arith.constant 0 : index
    %get3A_11 = arith.constant 0 : index
    %get3A_12 = vector.load %arg11[%get3A_10, %get3A_11] : memref<1x128xf32, #tpu.memory_space<vmem>>, vector<1x128xf32>
    %slice3A = vector.extract_strided_slice %add3A_9 {offsets = [0, 0], sizes = [400, 128], strides = [1, 1]} : vector<400x256xf32> to vector<400x128xf32>
    %add3A_13 = vector.broadcast %get3A_12 : vector<1x128xf32> to vector<400x128xf32>
    %add3A_14 = arith.addf %slice3A, %add3A_13 : vector<400x128xf32>
    %slice3A_15 = vector.extract_strided_slice %add3A_9 {offsets = [0, 128], sizes = [400, 128], strides = [1, 1]} : vector<400x256xf32> to vector<400x128xf32>
    %add3A_16 = vector.broadcast %get3A_12 : vector<1x128xf32> to vector<400x128xf32>
    %add3A_17 = arith.addf %slice3A_15, %add3A_16 : vector<400x128xf32>
    %mul3A = arith.constant 400 : i32
    %mul3A_18 = arith.muli %arg0, %mul3A : i32
    %get3A_19 = arith.index_cast %mul3A_18 : i32 to index
    %get3A_20 = arith.constant 0 : index
    %get3A_21 = vector.load %arg1[%get3A_19, %get3A_20] : memref<30000x128xf32, #tpu.memory_space<vmem>>, vector<400x128xf32>
    %get3A_22 = arith.constant 0 : index
    %get3A_23 = arith.constant 0 : index
    %get3A_24 = vector.load %arg5[%get3A_22, %get3A_23] : memref<384x128xf32, #tpu.memory_space<vmem>>, vector<384x128xf32>
    %dot_general3A_25 = arith.constant dense<0.000000e+00> : vector<400x384xf32>
    %dot_general3A_26 = tpu.matmul %get3A_21, %get3A_24, %dot_general3A_25 {dimension_numbers = #tpu.dot_dimension_numbers<[1], [1], [0], [0], [0, 0, 1, 0], [], []>, transpose_lhs_hint = false} : vector<400x128xf32>, vector<384x128xf32>, vector<400x384xf32> -> vector<400x384xf32>
    %get3A_27 = arith.constant 0 : index
    %get3A_28 = arith.constant 0 : index
    %get3A_29 = vector.load %arg6[%get3A_27, %get3A_28] : memref<384x256xf32, #tpu.memory_space<vmem>>, vector<384x256xf32>
    %dot_general3A_30 = arith.constant dense<0.000000e+00> : vector<400x384xf32>
    %dot_general3A_31 = tpu.matmul %get3A_1, %get3A_29, %dot_general3A_30 {dimension_numbers = #tpu.dot_dimension_numbers<[1], [1], [0], [0], [0, 0, 1, 0], [], []>, transpose_lhs_hint = false} : vector<400x256xf32>, vector<384x256xf32>, vector<400x384xf32> -> vector<400x384xf32>
    %add3A_32 = arith.addf %dot_general3A_26, %dot_general3A_31 : vector<400x384xf32>
    %get3A_33 = arith.constant 0 : index
    %get3A_34 = arith.constant 0 : index
    %get3A_35 = vector.load %arg7[%get3A_33, %get3A_34] : memref<1x384xf32, #tpu.memory_space<vmem>>, vector<1x384xf32>
    %add3A_36 = vector.broadcast %get3A_35 : vector<1x384xf32> to vector<400x384xf32>
    %add3A_37 = arith.addf %add3A_32, %add3A_36 : vector<400x384xf32>
    %mul3A_38 = arith.constant 12800 : i32
    %mul3A_39 = arith.muli %arg0, %mul3A_38 : i32
    %jit3A = arith.constant 10000 : i32
    %eq3A = arith.constant 0 : i32
    %eq3A_40 = arith.cmpi eq, %jit3A, %eq3A : i32
    %jit3A_41 = arith.constant 1 : i32
    %select_n3A = arith.select %eq3A_40, %jit3A_41, %jit3A : i32
    %rem3A = arith.remsi %mul3A_39, %select_n3A : i32
    %ne3A = arith.constant 0 : i32
    %ne3A_42 = arith.cmpi ne, %rem3A, %ne3A : i32
    %lt3A = arith.constant 0 : i32
    %lt3A_43 = arith.cmpi slt, %rem3A, %lt3A : i32
    %lt3A_44 = arith.constant 0 : i32
    %lt3A_45 = arith.cmpi slt, %select_n3A, %lt3A_44 : i32
    %ne3A_46 = arith.xori %lt3A_43, %lt3A_45 : i1
    %and3A = arith.andi %ne3A_46, %ne3A_42 : i1
    %add3A_47 = arith.addi %rem3A, %select_n3A : i32
    %select_n3A_48 = arith.select %and3A, %add3A_47, %rem3A : i32
    %get3A_49 = arith.index_cast %select_n3A_48 : i32 to index
    %get3A_50 = arith.constant 0 : index
    %get3A_51 = vector.load %arg1[%get3A_49, %get3A_50] : memref<30000x128xf32, #tpu.memory_space<vmem>>, vector<12800x128xf32>
    %get3A_52 = arith.constant 0 : index
    %get3A_53 = arith.constant 0 : index
    %get3A_54 = vector.load %arg8[%get3A_52, %get3A_53] : memref<128x128xf32, #tpu.memory_space<vmem>>, vector<128x128xf32>
    %dot_general3A_55 = arith.constant dense<0.000000e+00> : vector<12800x128xf32>
    %dot_general3A_56 = tpu.matmul %get3A_51, %get3A_54, %dot_general3A_55 {dimension_numbers = #tpu.dot_dimension_numbers<[1], [1], [0], [0], [0, 0, 1, 0], [], []>, transpose_lhs_hint = false} : vector<12800x128xf32>, vector<128x128xf32>, vector<12800x128xf32> -> vector<12800x128xf32>
    %reshape3A = vector.shape_cast %dot_general3A_56 : vector<12800x128xf32> to vector<400x32x128xf32>
    %get3A_57 = arith.constant 0 : index
    %get3A_58 = arith.constant 0 : index
    %get3A_59 = vector.load %arg4[%get3A_57, %get3A_58] : memref<400x32xi32, #tpu.memory_space<vmem>>, vector<400x32xi32>
    %convert_element_type3A = arith.sitofp %get3A_59 : vector<400x32xi32> to vector<400x32xf32>
    %broadcast_in_dim3A = vector.shape_cast %convert_element_type3A : vector<400x32xf32> to vector<400x32x1xf32>
    %broadcast_in_dim3A_60 = vector.broadcast %broadcast_in_dim3A : vector<400x32x1xf32> to vector<400x32x128xf32>
    %broadcast_in_dim3A_61 = vector.shape_cast %add3A_14 : vector<400x128xf32> to vector<400x1x128xf32>
    %broadcast_in_dim3A_62 = vector.broadcast %broadcast_in_dim3A_61 : vector<400x1x128xf32> to vector<400x32x128xf32>
    %sub3A = arith.subf %add3A_17, %add3A_14 : vector<400x128xf32>
    %broadcast_in_dim3A_63 = vector.shape_cast %sub3A : vector<400x128xf32> to vector<400x1x128xf32>
    %broadcast_in_dim3A_64 = vector.broadcast %broadcast_in_dim3A_63 : vector<400x1x128xf32> to vector<400x32x128xf32>
    %add3A_65 = arith.addf %reshape3A, %broadcast_in_dim3A_62 : vector<400x32x128xf32>
    %mul3A_66 = arith.mulf %broadcast_in_dim3A_60, %broadcast_in_dim3A_64 : vector<400x32x128xf32>
    %add3A_67 = arith.addf %add3A_65, %mul3A_66 : vector<400x32x128xf32>
    %logistic3A = arith.negf %add3A_67 : vector<400x32x128xf32>
    %logistic3A_68 = math.exp %logistic3A : vector<400x32x128xf32>
    %logistic3A_69 = arith.constant 1.000000e+00 : f32
    %logistic3A_70 = vector.broadcast %logistic3A_69 : f32 to vector<400x32x128xf32>
    %logistic3A_71 = arith.addf %logistic3A_70, %logistic3A_68 : vector<400x32x128xf32>
    %logistic3A_72 = arith.divf %logistic3A_70, %logistic3A_71 : vector<400x32x128xf32>
    %get3A_73 = arith.constant 0 : index
    %get3A_74 = arith.constant 0 : index
    %get3A_75 = vector.load %arg3[%get3A_73, %get3A_74] : memref<12800x128xf32, #tpu.memory_space<vmem>>, vector<12800x128xf32>
    %reshape3A_76 = vector.shape_cast %get3A_75 : vector<12800x128xf32> to vector<400x32x128xf32>
    %mul3A_77 = arith.mulf %logistic3A_72, %reshape3A_76 : vector<400x32x128xf32>
    %reduce_sum3A = arith.constant dense<0.000000e+00> : vector<400x128xf32>
    %reduce_sum3A_78 = vector.multi_reduction <add>, %mul3A_77, %reduce_sum3A [1] : vector<400x32x128xf32> to vector<400x128xf32>
    %slice3A_79 = vector.extract_strided_slice %add3A_37 {offsets = [0, 0], sizes = [400, 128], strides = [1, 1]} : vector<400x384xf32> to vector<400x128xf32>
    %logistic3A_80 = arith.negf %slice3A_79 : vector<400x128xf32>
    %logistic3A_81 = math.exp %logistic3A_80 : vector<400x128xf32>
    %logistic3A_82 = arith.constant 1.000000e+00 : f32
    %logistic3A_83 = vector.broadcast %logistic3A_82 : f32 to vector<400x128xf32>
    %logistic3A_84 = arith.addf %logistic3A_83, %logistic3A_81 : vector<400x128xf32>
    %logistic3A_85 = arith.divf %logistic3A_83, %logistic3A_84 : vector<400x128xf32>
    %slice3A_86 = vector.extract_strided_slice %add3A_37 {offsets = [0, 128], sizes = [400, 128], strides = [1, 1]} : vector<400x384xf32> to vector<400x128xf32>
    %logistic3A_87 = arith.negf %slice3A_86 : vector<400x128xf32>
    %logistic3A_88 = math.exp %logistic3A_87 : vector<400x128xf32>
    %logistic3A_89 = arith.constant 1.000000e+00 : f32
    %logistic3A_90 = vector.broadcast %logistic3A_89 : f32 to vector<400x128xf32>
    %logistic3A_91 = arith.addf %logistic3A_90, %logistic3A_88 : vector<400x128xf32>
    %logistic3A_92 = arith.divf %logistic3A_90, %logistic3A_91 : vector<400x128xf32>
    %slice3A_93 = vector.extract_strided_slice %add3A_37 {offsets = [0, 256], sizes = [400, 128], strides = [1, 1]} : vector<400x384xf32> to vector<400x128xf32>
    %tanh3A = math.tanh %slice3A_93 : vector<400x128xf32>
    %mul3A_94 = arith.mulf %logistic3A_85, %tanh3A : vector<400x128xf32>
    %add3A_95 = arith.addf %mul3A_94, %reduce_sum3A_78 : vector<400x128xf32>
    %tanh3A_96 = math.tanh %add3A_95 : vector<400x128xf32>
    %mul3A_97 = arith.mulf %logistic3A_92, %tanh3A_96 : vector<400x128xf32>
    %swap3A = arith.constant 0 : index
    %swap3A_98 = arith.constant 0 : index
    %swap3A_99 = vector.load %arg12[%swap3A, %swap3A_98] : memref<400x128xf32, #tpu.memory_space<vmem>>, vector<400x128xf32>
    tpu.vector_store %arg12[%swap3A, %swap3A_98], %mul3A_97 {strides = array<i32>} : memref<400x128xf32, #tpu.memory_space<vmem>>, vector<400x128xf32>,
    %swap3A_100 = arith.constant 0 : index
    %swap3A_101 = arith.constant 0 : index
    %swap3A_102 = vector.load %arg13[%swap3A_100, %swap3A_101] : memref<400x128xf32, #tpu.memory_space<vmem>>, vector<400x128xf32>
    tpu.vector_store %arg13[%swap3A_100, %swap3A_101], %add3A_95 {strides = array<i32>} : memref<400x128xf32, #tpu.memory_space<vmem>>, vector<400x128xf32>,
    return
  }
  func.func @transform_0(%arg0: i32) -> (i32, i32) {
    %c0_i32 = arith.constant 0 : i32
    %c0_i32_0 = arith.constant 0 : i32
    %c0_i32_1 = arith.constant 0 : i32
    return %c0_i32, %c0_i32_0 : i32, i32
  }
  func.func @transform_1(%arg0: i32) -> (i32, i32) {
    %c0_i32 = arith.constant 0 : i32
    %c0_i32_0 = arith.constant 0 : i32
    return %arg0, %c0_i32 : i32, i32
  }
  func.func @transform_2(%arg0: i32) -> (i32, i32) {
    %c0_i32 = arith.constant 0 : i32
    %c0_i32_0 = arith.constant 0 : i32
    return %arg0, %c0_i32 : i32, i32
  }
  func.func @transform_3(%arg0: i32) -> (i32, i32) {
    %c0_i32 = arith.constant 0 : i32
    %c0_i32_0 = arith.constant 0 : i32
    return %arg0, %c0_i32 : i32, i32
  }
  func.func @transform_4(%arg0: i32) -> (i32, i32) {
    %c0_i32 = arith.constant 0 : i32
    %c0_i32_0 = arith.constant 0 : i32
    %c0_i32_1 = arith.constant 0 : i32
    return %c0_i32, %c0_i32_0 : i32, i32
  }
  func.func @transform_5(%arg0: i32) -> (i32, i32) {
    %c0_i32 = arith.constant 0 : i32
    %c0_i32_0 = arith.constant 0 : i32
    %c0_i32_1 = arith.constant 0 : i32
    return %c0_i32, %c0_i32_0 : i32, i32
  }
  func.func @transform_6(%arg0: i32) -> (i32, i32) {
    %c0_i32 = arith.constant 0 : i32
    %c0_i32_0 = arith.constant 0 : i32
    %c0_i32_1 = arith.constant 0 : i32
    return %c0_i32, %c0_i32_0 : i32, i32
  }
  func.func @transform_7(%arg0: i32) -> (i32, i32) {
    %c0_i32 = arith.constant 0 : i32
    %c0_i32_0 = arith.constant 0 : i32
    %c0_i32_1 = arith.constant 0 : i32
    return %c0_i32, %c0_i32_0 : i32, i32
  }
  func.func @transform_8(%arg0: i32) -> (i32, i32) {
    %c0_i32 = arith.constant 0 : i32
    %c0_i32_0 = arith.constant 0 : i32
    %c0_i32_1 = arith.constant 0 : i32
    return %c0_i32, %c0_i32_0 : i32, i32
  }
  func.func @transform_9(%arg0: i32) -> (i32, i32) {
    %c0_i32 = arith.constant 0 : i32
    %c0_i32_0 = arith.constant 0 : i32
    %c0_i32_1 = arith.constant 0 : i32
    return %c0_i32, %c0_i32_0 : i32, i32
  }
  func.func @transform_10(%arg0: i32) -> (i32, i32) {
    %c0_i32 = arith.constant 0 : i32
    %c0_i32_0 = arith.constant 0 : i32
    %c0_i32_1 = arith.constant 0 : i32
    return %c0_i32, %c0_i32_0 : i32, i32
  }
  func.func @transform_11(%arg0: i32) -> (i32, i32) {
    %c0_i32 = arith.constant 0 : i32
    %c0_i32_0 = arith.constant 0 : i32
    return %arg0, %c0_i32 : i32, i32
  }
  func.func @transform_12(%arg0: i32) -> (i32, i32) {
    %c0_i32 = arith.constant 0 : i32
    %c0_i32_0 = arith.constant 0 : i32
    return %arg0, %c0_i32 : i32, i32
  }
}

</mosaic_0001>

<sc_bundles>
// kernel: kernel.4.cloned.1.call-start
scs
__scs_entry_jumppad:
0x0: {  	(pc) =	sbr.rel $0x88, $3  }
0x1: {  	(tag) =	ssettag $0x0;
	lr =	simm.s32 $0x1  }
0x2: {  	[smem:$0x3F95] =	sst lr;
	_ =	strace $0xD0000000  }
0x3: {  	_ = 	snop  }
0x4: {  	_ = 	snop  }
0x5: {  	_ = 	snop  }
0x6: {  	_ = 	snop  }
0x7: {  	_ = 	snop  }
__scs_overlays_trampoline_lowered:
0x8: {  	[smem:$0x3FA4] =	sst s0  }
0x9: {  	[smem:$0x3FA5] =	sst s1  }
0xa: {  	[smem:$0x3FA6] =	sst s2  }
0xb: {  	[smem:$0x3FA7] =	sst s3  }
0xc: {  	[smem:$0x3FA8] =	sst s4  }
0xd: {  	[smem:$0x3FA9] =	sst s5  }
0xe: {  	[smem:$0x3FAA] =	sst s6  }
0xf: {  	[smem:$0x3FAB] =	sst s7  }
0x10: {  	[smem:$0x3FAC] =	sst s8  }
0x11: {  	[smem:$0x3FAD] =	sst s9;
	s0 =	simm.s32 @!p0 $0x0  }
0x12: {  	s1 =	sld [smem:$0x3F93];
	s0 =	simm.s32 @p0 $0x1  }
0x13: {  	[smem:$0x3FAE] =	sst s0;
	s0 =	simm.s32 @!p1 $0x0  }
0x14: {  	s2 =	sld [smem:$0x3F92];
	s0 =	simm.s32 @p1 $0x1  }
0x15: {  	[smem:$0x3FAF] =	sst s0;
	s0 =	simm.s32 @!p2 $0x0  }
0x16: {  	s3 =	sld [smem:$0x3FDB];
	s0 =	simm.s32 @p2 $0x1  }
0x17: {  	s4 =	simm.s32 $0x1BF5;
	[smem:$0x3FB1] =	sst s0  }
0x18: {  	s0 =	sld [smem:$0x3F94];
	_ =	swait.ge [sflag:s4], $0x0  }
0x19: {  	s7 =	sld [smem:$0x3F95]  }
0x1a: {  	s8 =	sadd.s32 $0xFFFFE003, lr  }
0x1b: {  	s9 =	sadd.s32 $0xFFFFFEF7, lr;
	s5 =	simm.s32 $0xFFFFFFFF;
	p2 =	slt.u32 s8, $0xFFFFF086  }
0x1c: {  	p1 =	slt.u32 s9, $0xF7A;
	s5 =	simm.s32 @!p2 $0x0  }
0x1d: {  	s5 =	simm.s32 @p1 $0x1;
	p0 =	seq.s32 s7, s2  }
0x1e: {  	s7 =	smul.u32 @!p0 $0xF7A, s2;
	p2 =	seq.s32 @!p0 s5, $0x0  }
0x1f: {  	s9 =	smul.u32 $0xF7A, s1;
	s8 =	simm.s32 @!p0 $0x1BF5;
	p2 =	por !p2, p0  }
0x20: {  	[sflag:s8] =	ssyncset.s32 @!p0 $0xFFFFF086;
	s6 =	sadd.s32 @!p0 s3, s7;
	s7 =	simm.s32 @!p0 $0x108  }
0x21: {  	s3 =	sadd.s32 s3, s9;
	s6 =	sadd.s32 @!p0 $0x88, s6;
	s7 =	simm.s32 @p2 $0x1082  }
0x22: {  	[simem:s7], [sflag:s8] =	dma.local @!p0 [hbm:s6], $0xF7A  }
0x23: {  	s9 =	sor.u32 $0xD0000000, s2;
	s6 =	simm.s32 $0x108;
	_ =	swait.ge @!p0 [sflag:s8], $0x0  }
0x24: {  	s3 =	sadd.s32 $0x88, s3;
	s6 =	simm.s32 @!p1 $0x1082;
	[sflag:s4] =	ssyncset.s32 $0xFFFFF086  }
0x25: {  	[simem:s6], [sflag:s4] =	dma.local [hbm:s3], $0xF7A  }
0x26: {  	[smem:$0x3F95] =	sst s1;
	(tag) =	ssettag s2;
	_ =	strace s9  }
0x27: {  	s1 =	sld [smem:$0x3FA5]  }
0x28: {  	s2 =	sld [smem:$0x3FA6]  }
0x29: {  	s4 =	sld [smem:$0x3FA8]  }
0x2a: {  	p0 =	seq.s32 s5, $0x0;
	s5 =	sld [smem:$0x3FA9]  }
0x2b: {  	s6 =	sld [smem:$0x3FAA]  }
0x2c: {  	s7 =	sld [smem:$0x3FAB]  }
0x2d: {  	s3 =	simm.s32 $0x108;
	s8 =	sld [smem:$0x3FAC]  }
0x2e: {  	s3 =	simm.s32 @!p0 $0x1082;
	s9 =	sld [smem:$0x3FAD]  }
0x2f: {  	lr =	sadd.s32 s0, s3;
	s0 =	sld [smem:$0x3FA4]  }
0x30: {  	s3 =	sld [smem:$0x3FA7]  }
0x31: {  	[smem:$0x3FB0] =	sst s10  }
0x32: {  	s10 =	sld [smem:$0x3FAE];
	_ =	sdelay $0x3  }
0x33: {  	p0 =	seq.s32 s10, $0x1;
	s10 =	sld [smem:$0x3FB0];
	_ =	sdelay $0x3  }
0x34: {  	[smem:$0x3FB0] =	sst s10  }
0x35: {  	s10 =	sld [smem:$0x3FAF];
	_ =	sdelay $0x3  }
0x36: {  	p1 =	seq.s32 s10, $0x1;
	s10 =	sld [smem:$0x3FB0];
	_ =	sdelay $0x3  }
0x37: {  	[smem:$0x3FB0] =	sst s10  }
0x38: {  	s10 =	sld [smem:$0x3FB1]  }
0x39: {  	_ = 	snop;
	(pc) =	sbr.ind lr, $3  }
0x3a: {  	_ = 	snop  }
0x3b: {  	_ = 	snop  }
0x3c: {  	p2 =	seq.s32 s10, $0x1;
	s10 =	sld [smem:$0x3FB0]  }
0x3d: {  	_ =	shalt  }
0x3e: {  	_ =	shalt  }
0x3f: {  	_ =	shalt  }
0x40: {  	_ =	shalt  }
0x41: {  	_ =	shalt  }
0x42: {  	_ =	shalt  }
0x43: {  	_ =	shalt  }
0x44: {  	_ =	shalt  }
0x45: {  	_ =	shalt  }
0x46: {  	_ =	shalt  }
0x47: {  	_ =	shalt  }
0x48: {  	_ =	shalt  }
0x49: {  	_ =	shalt  }
0x4a: {  	_ =	shalt  }
0x4b: {  	_ =	shalt  }
0x4c: {  	_ =	shalt  }
0x4d: {  	_ =	shalt  }
0x4e: {  	_ =	shalt  }
0x4f: {  	_ =	shalt  }
0x50: {  	_ =	shalt  }
0x51: {  	_ =	shalt  }
0x52: {  	_ =	shalt  }
0x53: {  	_ =	shalt  }
0x54: {  	_ =	shalt  }
0x55: {  	_ =	shalt  }
0x56: {  	_ =	shalt  }
0x57: {  	_ =	shalt  }
0x58: {  	_ =	shalt  }
0x59: {  	_ =	shalt  }
0x5a: {  	_ =	shalt  }
0x5b: {  	_ =	shalt  }
0x5c: {  	_ =	shalt  }
0x5d: {  	_ =	shalt  }
0x5e: {  	_ =	shalt  }
0x5f: {  	_ =	shalt  }
0x60: {  	_ =	shalt  }
0x61: {  	_ =	shalt  }
0x62: {  	_ =	shalt  }
0x63: {  	_ =	shalt  }
0x64: {  	_ =	shalt  }
0x65: {  	_ =	shalt  }
0x66: {  	_ =	shalt  }
0x67: {  	_ =	shalt  }
0x68: {  	_ =	shalt  }
0x69: {  	_ =	shalt  }
0x6a: {  	_ =	shalt  }
0x6b: {  	_ =	shalt  }
0x6c: {  	_ =	shalt  }
0x6d: {  	_ =	shalt  }
0x6e: {  	_ =	shalt  }
0x6f: {  	_ =	shalt  }
0x70: {  	_ =	shalt  }
0x71: {  	_ =	shalt  }
0x72: {  	_ =	shalt  }
0x73: {  	_ =	shalt  }
0x74: {  	_ =	shalt  }
0x75: {  	_ =	shalt  }
0x76: {  	_ =	shalt  }
0x77: {  	_ =	shalt  }
0x78: {  	_ =	shalt  }
0x79: {  	_ =	shalt  }
0x7a: {  	_ =	shalt  }
0x7b: {  	_ =	shalt  }
0x7c: {  	_ =	shalt  }
0x7d: {  	_ =	shalt  }
0x7e: {  	_ =	shalt  }
0x7f: {  	_ =	shalt  }
0x80: {  	_ =	shalt  }
0x81: {  	_ =	shalt  }
0x82: {  	_ =	shalt  }
0x83: {  	_ =	shalt  }
0x84: {  	_ =	shalt  }
0x85: {  	_ =	shalt  }
0x86: {  	_ =	shalt  }
0x87: {  	_ =	shalt  }
.Lfunc_end0:
.L_simem_size_0:
called_computation_lowered:
.L_overlay_start_0:
0x88: {  	s2 =	sld [smem:$0x3FD9]  }
0x89: {  	s3 =	sld [smem:$0x3FFE];
	_ =	sdelay $0x1  }
0x8a: {  	s1 =	srdreg.scid  }
0x8b: {  	s0 =	sand.u32 $0x1, s1  }
0x8c: {  	s14 =	sshll.u32 s0, $0xA;
	s2 =	sadd.s32 s3, s2  }
0x8d: {  	s2 =	sadd.s32 s2, s14  }
0x8e: {  	[smem:$0x3FBC] =	sst s2  }
0x8f: {  	_ = 	snop  }
0x90: {  	s2 =	sld [smem:$0x3FD0];
	_ =	sdelay $0x1  }
0x91: {  	s15 =	sld [smem:$0x3FC8]  }
0x92: {  	s5 =	simm.s32 $0xA;
	s6 =	simm.s32 $0x10;
	s4 =	sld [smem:$0x3FC7]  }
0x93: {  	[smem:s6], [sflag:s5] =	dma.local [hbm:s2], $0x1  }
0x94: {  	_ =	swait.eq [sflag:s5], $0x1  }
0x95: {  	[sflag:s5] =	ssyncset.done $0x0  }
0x96: {  	s16 =	sld [smem:$0x10];
	[sflag:s5] =	ssyncadd.s32 $0xFFFFFFFF  }
0x97: {  	s17 =	sld [smem:$0x11];
	(tm) =	ssettm $0x1  }
0x98: {  	s18 =	sld [smem:$0x3FFB];
	_ =	sdelay $0x3  }
0x99: {  	_ =	strace s18  }
0x9a: {  	s6 =	sld [smem:$0x3FFC];
	_ =	sdelay $0x3  }
0x9b: {  	_ =	strace s6  }
0x9c: {  	s6 =	sld [smem:$0x3FFD];
	_ =	sdelay $0x3  }
0x9d: {  	_ =	strace s6  }
0x9e: {  	_ =	strace $0x8FFFFFFF  }
0x9f: {  	s19 =	sld [smem:$0x3FDB];
	_ =	sdelay $0x1  }
0xa0: {  	s7 =	simm.s32 $_scs_section_size  }
0xa1: {  	s8 =	simm.s32 $_size__tile_overlayer_lowered;
	s9 =	simm.s32 $_tile_overlayer_lowered  }
0xa2: {  	s22 =	simm.s32 $0x1BFF;
	s21 =	sshll.u32 s9, $0x1;
	s6 =	sadd.s32 s7, s19  }
0xa3: {  	s10 =	simm.s32 $0x0;
	s20 =	sshll.u32 s8, $0x1;
	s8 =	sadd.s32 s21, s6  }
0xa4: {  	[timem:s10], [sflag:s22] =	dma.local [hbm:s8], s20  }
0xa5: {  	_ =	swait.ge [sflag:s22], s20  }
0xa6: {  	s7 =	ssub.s32 $0x0, s20;
	[sflag:s22] =	ssyncset.done $0x0  }
0xa7: {  	[sflag:s22] =	ssyncadd.s32 s7;
	_ =	sdelay $0x1  }
0xa8: {  	s23 =	simm.s32 $0x1B8B  }
0xa9: {  	_ =	swait.ge [sflag:s23], $0x1  }
0xaa: {  	[sflag:s23] =	ssyncset.done $0x0  }
0xab: {  	s25 =	simm.s32 $0x1B8E;
	s24 =	sld [smem:$0x3FFE];
	[sflag:s23] =	ssyncadd.s32 $0xFFFFFFFF  }
0xac: {  	s26 =	simm.s32 $execute0_lowered;
	[smem:$0x3FD2] =	sst s25  }
0xad: {  	s8 =	sshll.u32 s26, $0x1;
	_ =	strace $0x80000046;
	[dreg:$0x1] =	wrdreg $0xFFFFFFFF  }
0xae: {  	s28 =	simm.s32 $_size_execute0_lowered;
	s6 =	sadd.s32 s6, s8;
	[dreg:$0x0] =	wrdreg $0x0  }
0xaf: {  	s8 =	sshll.u32 s28, $0x1;
	[dreg:$0x2] =	wrdreg s6  }
0xb0: {  	[dreg:$0x3] =	wrdreg s8  }
0xb1: {  	[dreg:$0x4] =	wrdreg $0xC0  }
0xb2: {  	_ =	task [dreg:s10], $0x5FFFF  }
0xb3: {  	[dreg:$0x1] =	wrdreg $0xFFFFFFFF  }
0xb4: {  	[dreg:$0x0] =	wrdreg $0x60  }
0xb5: {  	[dreg:$0x2] =	wrdreg s15  }
0xb6: {  	[dreg:$0x3] =	wrdreg s4  }
0xb7: {  	[dreg:$0x4] =	wrdreg s24  }
0xb8: {  	[dreg:$0x5] =	wrdreg s17  }
0xb9: {  	[dreg:$0x6] =	wrdreg s16  }
0xba: {  	[dreg:$0x7] =	wrdreg $0x13A000  }
0xbb: {  	[dreg:$0x8] =	wrdreg $0x9  }
0xbc: {  	_ =	task.clear_ibuf [dreg:s10], $0x9FFFF;
	_ =	strace $0x90000046  }
0xbd: {  	s29 =	simm.s32 $0x9;
	_ =	strace $0x80000048  }
0xbe: {  	_ =	swait.ge [sflag:s29], $0x1  }
0xbf: {  	[sflag:s29] =	ssyncadd.s32 $0xFFFFFFFF  }
0xc0: {  	_ =	strace $0x90000048  }
0xc1: {  	_ =	sfence  }
0xc2: {  	s30 =	sld [smem:$0x0];
	_ =	sdelay $0x2  }
0xc3: {  	s31 =	sshll.u32 s1, $0xD;
	s1 =	sshrl.u32 s1, $0x2  }
0xc4: {  	s3 =	sand.u32 $0x4000, s31;
	s1 =	sadd.s32 s1, s30  }
0xc5: {  	s0 =	sor.u32 s3, s0;
	s1 =	sshll.u32 s1, $0x11  }
0xc6: {  	s0 =	sor.u32 s1, s0  }
0xc7: {  	s0 =	sadd.s32 $0x8F2B, s0  }
0xc8: {  	[sflag:s0] =	ssyncadd.remote.s32 $0x1  }
0xc9: {  	_ =	sfence.sel $0xFFFF  }
0xca: {  	[dreg:$0x0] =	wrdreg $0xFFFFFFFF;
	(pc) =	sbr.abs _section_cstart, $3  }
0xcb: {  	[dreg:$0x1] =	wrdreg $0xFFFFFFFF  }
0xcc: {  	_ =	task.clear_ibuf [dreg:s10], $0x2FFFF;
	_ =	strace $0x9FFFFFFF  }
0xcd: {  	(tm) =	ssettm $0x7FFFFFFF  }
tec
execute0_lowered:
.L_overlay_start_1:
0x0: {  	(tag) =	ssettag $0x1  }
0x1: {  	s14 =	stileid.u32  }
0x2: {  	s4 =	sshll.u32 s14, $0x7  }
0x3: {  	v2 =	vmov s4  }
0x4: {  	v1 =	vor.u32 $0x2, v2  }
0x5: {  	v60 =	vor.u32 $0x4, v2;
	[tilespmem:$0x1FC10] =	vst v1  }
0x6: {  	v61 =	vor.u32 $0x6, v2;
	[tilespmem:$0x1FC20] =	vst v60  }
0x7: {  	v62 =	vor.u32 $0x8, v2;
	[tilespmem:$0x1FC30] =	vst v61  }
0x8: {  	s1 =	rddreg [dreg:$0x0];
	v63 =	vor.u32 $0xA, v2;
	[tilespmem:$0x1FC40] =	vst v62  }
0x9: {  	s2 =	rddreg [dreg:$0x1];
	v8 =	vor.u32 $0xC, v2;
	[tilespmem:$0x1FC50] =	vst v63  }
0xa: {  	s0 =	rddreg [dreg:$0x2];
	v9 =	vor.u32 $0xE, v2;
	[tilespmem:$0x1FC60] =	vst v8  }
0xb: {  	s3 =	rddreg [dreg:$0x3];
	v10 =	vor.u32 $0x10, v2;
	[tilespmem:$0x1FC70] =	vst v9  }
0xc: {  	s6 =	rddreg [dreg:$0x4];
	s5 =	simm.s32 $0x0;
	v11 =	vor.u32 $0x12, v2;
	[tilespmem:$0x1FC80] =	vst v10  }
0xd: {  	[smem:$0x7FF] =	sst s5;
	v12 =	vor.u32 $0x14, v2;
	[tilespmem:$0x1FC90] =	vst v11  }
0xe: {  	s4 =	rddreg [dreg:$0x5];
	v13 =	vor.u32 $0x16, v2;
	_ =	strace $0x80000047;
	[tilespmem:$0x1FCA0] =	vst v12  }
0xf: {  	v14 =	vor.u32 $0x18, v2;
	[tilespmem:$0x1FCB0] =	vst v13  }
0x10: {  	v15 =	vor.u32 $0x1A, v2;
	[tilespmem:$0x1FCC0] =	vst v14  }
0x11: {  	v16 =	vor.u32 $0x1C, v2;
	[tilespmem:$0x1FCD0] =	vst v15  }
0x12: {  	v17 =	vor.u32 $0x1E, v2;
	[tilespmem:$0x1FCE0] =	vst v16  }
0x13: {  	v18 =	vor.u32 $0x20, v2;
	[tilespmem:$0x1FCF0] =	vst v17  }
0x14: {  	v19 =	vor.u32 $0x22, v2;
	[tilespmem:$0x1FD00] =	vst v18  }
0x15: {  	v20 =	vor.u32 $0x24, v2;
	[tilespmem:$0x1FD10] =	vst v19  }
0x16: {  	v21 =	vor.u32 $0x26, v2;
	[tilespmem:$0x1FD20] =	vst v20  }
0x17: {  	v0 =	vor.u32 $0x28, v2;
	[tilespmem:$0x1FD30] =	vst v21  }
0x18: {  	v22 =	vor.u32 $0x2A, v2;
	[tilespmem:$0x1FD40] =	vst v0  }
0x19: {  	v23 =	vor.u32 $0x2C, v2;
	[tilespmem:$0x1FD50] =	vst v22  }
0x1a: {  	v24 =	vor.u32 $0x2E, v2;
	[tilespmem:$0x1FD60] =	vst v23  }
0x1b: {  	v25 =	vor.u32 $0x30, v2;
	[tilespmem:$0x1FD70] =	vst v24  }
0x1c: {  	v26 =	vor.u32 $0x32, v2;
	[tilespmem:$0x1FD80] =	vst v25  }
0x1d: {  	v27 =	vor.u32 $0x34, v2;
	[tilespmem:$0x1FD90] =	vst v26  }
0x1e: {  	v28 =	vor.u32 $0x36, v2;
	[tilespmem:$0x1FDA0] =	vst v27  }
0x1f: {  	v29 =	vor.u32 $0x38, v2;
	[tilespmem:$0x1FDB0] =	vst v28  }
0x20: {  	v30 =	vor.u32 $0x3A, v2;
	[tilespmem:$0x1FDC0] =	vst v29  }
0x21: {  	v31 =	vor.u32 $0x3C, v2;
	[tilespmem:$0x1FDD0] =	vst v30  }
0x22: {  	v32 =	vor.u32 $0x3E, v2;
	[tilespmem:$0x1FDE0] =	vst v31  }
0x23: {  	v33 =	vor.u32 $0x40, v2;
	[tilespmem:$0x1FDF0] =	vst v32  }
0x24: {  	v34 =	vor.u32 $0x42, v2;
	[tilespmem:$0x1FE00] =	vst v33  }
0x25: {  	v35 =	vor.u32 $0x44, v2;
	[tilespmem:$0x1FE10] =	vst v34  }
0x26: {  	v36 =	vor.u32 $0x46, v2;
	[tilespmem:$0x1FE20] =	vst v35  }
0x27: {  	v37 =	vor.u32 $0x48, v2;
	[tilespmem:$0x1FE30] =	vst v36  }
0x28: {  	v38 =	vor.u32 $0x4A, v2;
	[tilespmem:$0x1FE40] =	vst v37  }
0x29: {  	v39 =	vor.u32 $0x4C, v2;
	[tilespmem:$0x1FE50] =	vst v38  }
0x2a: {  	v40 =	vor.u32 $0x4E, v2;
	[tilespmem:$0x1FE60] =	vst v39  }
0x2b: {  	v41 =	vor.u32 $0x50, v2;
	[tilespmem:$0x1FE70] =	vst v40  }
0x2c: {  	v42 =	vor.u32 $0x52, v2;
	[tilespmem:$0x1FE80] =	vst v41  }
0x2d: {  	v43 =	vor.u32 $0x54, v2;
	[tilespmem:$0x1FE90] =	vst v42  }
0x2e: {  	v44 =	vor.u32 $0x56, v2;
	[tilespmem:$0x1FEA0] =	vst v43  }
0x2f: {  	v45 =	vor.u32 $0x58, v2;
	[tilespmem:$0x1FEB0] =	vst v44  }
0x30: {  	v46 =	vor.u32 $0x5A, v2;
	[tilespmem:$0x1FEC0] =	vst v45  }
0x31: {  	s7 =	srdreg.scid;
	v47 =	vor.u32 $0x5C, v2;
	[tilespmem:$0x1FED0] =	vst v46  }
0x32: {  	s25 =	simm.s32 $0x2800;
	s15 =	simm.s32 $0x3900;
	s16 =	simm.s32 $0x3A00;
	v48 =	vor.u32 $0x5E, v2;
	[tilespmem:$0x1FEE0] =	vst v47  }
0x33: {  	s17 =	simm.s32 $0xBA00;
	s31 =	simm.s32 $0x3000;
	s12 =	smul.u32 $0x2800, s14;
	v49 =	vor.u32 $0x60, v2;
	[tilespmem:$0x1FEF0] =	vst v48  }
0x34: {  	s28 =	simm.s32 $0x4;
	s29 =	simm.s32 $0x6;
	s22 =	smul.u32 $0x28000, s14;
	v50 =	vor.u32 $0x62, v2;
	[tilespmem:$0x1FF00] =	vst v49  }
0x35: {  	s30 =	simm.s32 $0x0;
	s7 =	sand.u32 $0x1, s7;
	s24 =	smul.u32 $0x500, s14;
	v51 =	vor.u32 $0x64, v2;
	[tilespmem:$0x1FF10] =	vst v50  }
0x36: {  	s9 =	sadd.s32 $0x2200, s0;
	s11 =	sadd.s32 $0x1C00, s0;
	s8 =	smul.u32 $0x28000, s7;
	v52 =	vor.u32 $0x66, v2;
	[tilespmem:$0x1FF20] =	vst v51  }
0x37: {  	s21 =	sshll.u32 s14, $0xE;
	s26 =	sshll.u32 s14, $0x6;
	s10 =	smul.u32 $0x280000, s7;
	v53 =	vor.u32 $0x68, v2;
	[tilespmem:$0x1FF30] =	vst v52  }
0x38: {  	s14 =	simm.s32 $0x80;
	s19 =	ssub.s32 $0x2, s7;
	s7 =	smul.u32 $0x5000, s7;
	v54 =	vor.u32 $0x6A, v2;
	[tilespmem:$0x1FF40] =	vst v53  }
0x39: {  	s20 =	sshrl.u32 s19, $0x1;
	s13 =	sadd.s32 s21, s4;
	v55 =	vor.u32 $0x6C, v2;
	s21 =	simm.s32 $0x1;
	[tilespmem:$0x1FF50] =	vst v54  }
0x3a: {  	v56 =	vor.u32 $0x6E, v2;
	s8 =	sadd.s32 s8, s0;
	s18 =	sadd.s32 s10, s0;
	s0 =	ssub.s32 s19, s20;
	[tilespmem:$0x1FF60] =	vst v55  }
0x3b: {  	v57 =	vor.u32 $0x70, v2;
	s6 =	sadd.s32 s7, s6;
	s7 =	sadd.s32 s7, s3;
	s13 =	sshrl.u32 s13, $0x3;
	[tilespmem:$0x1FF70] =	vst v56  }
0x3c: {  	v58 =	vor.u32 $0x72, v2;
	s19 =	simm.s32 $0x7A00;
	s20 =	simm.s32 $0xFA00;
	[dreg:$0xb] =	wrdreg s11;
	[tilespmem:$0x1FF80] =	vst v57  }
0x3d: {  	v59 =	vor.u32 $0x74, v2;
	[dreg:$0x7] =	wrdreg s9;
	s0 =	smax.u32 s0, $0x1;
	s23 =	sadd.s32 s12, s8;
	[tilespmem:$0x1FF90] =	vst v58  }
0x3e: {  	v60 =	vor.u32 $0x76, v2;
	s9 =	sadd.s32 s22, s18;
	s3 =	sadd.s32 s24, s6;
	s10 =	sadd.s32 s24, s7;
	[tilespmem:$0x1FFA0] =	vst v59  }
0x3f: {  	v61 =	vor.u32 $0x78, v2;
	s11 =	simm.s32 $0x7;
	[dreg:$0x9] =	wrdreg s25;
	s12 =	sor.u32 $0x1C07, s26;
	[tilespmem:$0x1FFB0] =	vst v60  }
0x40: {  	v62 =	vor.u32 $0x7A, v2;
	s18 =	simm.s32 $0x3980;
	s22 =	simm.s32 $0x3800;
	[tilespmem:$0x1FFC0] =	vst v61;
	[dreg:$0xa] =	wrdreg s31  }
0x41: {  	v63 =	vor.u32 $0x7C, v2;
	s24 =	simm.s32 $0x5;
	[tilespmem:$0x1FFD0] =	vst v62;
	[dreg:$0xc] =	wrdreg s0;
	s0 =	sadd.s32 $0x2A00, s23  }
0x42: {  	s25 =	simm.s32 $0x2;
	[tilespmem:$0x1FFE0] =	vst v63;
	s9 =	sadd.s32 $0x52A00, s9;
	[dreg:$0xd] =	wrdreg s0  }
0x43: {  	v4 =	vor.u32 $0x7E, v2;
	s26 =	simm.s32 $0x3880;
	[tilespmem:$0x1FFF0] =	vst v2;
	s23 =	simm.s32 $0x3;
	[dreg:$0x8] =	wrdreg s9  }
.LBB2_1:
0x44: {  	s0 =	rddreg [dreg:$0xb]  }
0x45: {  	[tilespmem:s5], [sflag:$0x7] =	stream.linear.gather [hbm4b:s0+s5], $0x2800, $0x38;
	[tilespmem:$0x17A00] =	vst v63  }
0x46: {  	_ =	swait.ge [sflag:s11], $0x2800  }
0x47: {  	v6 =	vld [tilespmem:$0x1FC40]  }
0x48: {  	v7 =	vld [tilespmem:$0x1FC50]  }
0x49: {  	v8 =	vld [tilespmem:$0x1FC60]  }
0x4a: {  	v9 =	vld [tilespmem:$0x1FC70]  }
0x4b: {  	v10 =	vld [tilespmem:$0x1FC80]  }
0x4c: {  	v11 =	vld [tilespmem:$0x1FC90]  }
0x4d: {  	v12 =	vld [tilespmem:$0x1FCA0]  }
0x4e: {  	v13 =	vld [tilespmem:$0x1FCB0]  }
0x4f: {  	v14 =	vld [tilespmem:$0x1FCC0]  }
0x50: {  	v15 =	vld [tilespmem:$0x1FCD0]  }
0x51: {  	v16 =	vld [tilespmem:$0x1FCE0]  }
0x52: {  	v17 =	vld [tilespmem:$0x1FCF0]  }
0x53: {  	v18 =	vld [tilespmem:$0x1FD00]  }
0x54: {  	v19 =	vld [tilespmem:$0x1FD10]  }
0x55: {  	v20 =	vld [tilespmem:$0x1FD20]  }
0x56: {  	v21 =	vld [tilespmem:$0x1FD30]  }
0x57: {  	v0 =	vld [tilespmem:$0x1FD40]  }
0x58: {  	v22 =	vld [tilespmem:$0x1FFF0]  }
0x59: {  	v23 =	vld [tilespmem:$0x1FD50]  }
0x5a: {  	v24 =	vld [tilespmem:$0x1FD60]  }
0x5b: {  	v25 =	vld [tilespmem:$0x1FD70]  }
0x5c: {  	v26 =	vld [tilespmem:$0x1FD80]  }
0x5d: {  	v27 =	vld [tilespmem:$0x1FD90]  }
0x5e: {  	v28 =	vld [tilespmem:$0x1FDA0]  }
0x5f: {  	v29 =	vld [tilespmem:$0x1FDB0]  }
0x60: {  	v30 =	vld [tilespmem:$0x1FDC0]  }
0x61: {  	v31 =	vld [tilespmem:$0x1FDD0]  }
0x62: {  	v32 =	vld [tilespmem:$0x1FDE0]  }
0x63: {  	v33 =	vld [tilespmem:$0x1FDF0]  }
0x64: {  	v34 =	vld [tilespmem:$0x1FE00]  }
0x65: {  	v35 =	vld [tilespmem:$0x1FE10]  }
0x66: {  	v36 =	vld [tilespmem:$0x1FE20]  }
0x67: {  	v37 =	vld [tilespmem:$0x1FE30]  }
0x68: {  	v38 =	vld [tilespmem:$0x1FE40]  }
0x69: {  	v39 =	vld [tilespmem:$0x1FE50]  }
0x6a: {  	v40 =	vld [tilespmem:$0x1FE60]  }
0x6b: {  	v41 =	vld [tilespmem:$0x1FE70]  }
0x6c: {  	v42 =	vld [tilespmem:$0x1FE80]  }
0x6d: {  	v43 =	vld [tilespmem:$0x1FEA0]  }
0x6e: {  	v44 =	vld [tilespmem:$0x1FE90]  }
0x6f: {  	v45 =	vld [tilespmem:$0x1FEB0]  }
0x70: {  	v46 =	vld [tilespmem:$0x1FEC0]  }
0x71: {  	v47 =	vld [tilespmem:$0x1FED0]  }
0x72: {  	v48 =	vld [tilespmem:$0x1FEE0]  }
0x73: {  	v49 =	vld [tilespmem:$0x1FEF0]  }
0x74: {  	v50 =	vld [tilespmem:$0x1FF00]  }
0x75: {  	v51 =	vld [tilespmem:$0x1FF10]  }
0x76: {  	v52 =	vld [tilespmem:$0x1FF20]  }
0x77: {  	v53 =	vld [tilespmem:$0x1FF30]  }
0x78: {  	v54 =	vld [tilespmem:$0x1FF40]  }
0x79: {  	v55 =	vld [tilespmem:$0x1FF50]  }
0x7a: {  	v56 =	vld [tilespmem:$0x1FF60]  }
0x7b: {  	v57 =	vld [tilespmem:$0x1FF70]  }
0x7c: {  	v58 =	vld [tilespmem:$0x1FF80]  }
0x7d: {  	v59 =	vld [tilespmem:$0x1FF90]  }
0x7e: {  	v60 =	vld [tilespmem:$0x1FFA0]  }
0x7f: {  	v61 =	vld [tilespmem:$0x1FFB0]  }
0x80: {  	v62 =	vld [tilespmem:$0x1FFC0]  }
0x81: {  	s31 =	smov.u32 s10;
	s9 =	smov.u32 s3;
	[sflag:s11] =	ssyncset.done $0x0;
	v63 =	vld [tilespmem:$0x1FFD0]  }
0x82: {  	s6 =	simm.s32 $0x0;
	s8 =	rddreg [dreg:$0xd];
	v3 =	vld [tilespmem:$0x1FFE0];
	[sflag:s11] =	ssyncadd.s32 $0xFFFFD800  }
.LBB2_2:
0x83: {  	s7 =	rddreg [dreg:$0x9]  }
0x84: {  	[tilespmem:s7], [sflag:$0x7] =	stream.linear.gather [hbm4b:s31+s5], $0x800, $0x38;
	[tilespmem:$0x17A00] =	vst v63  }
0x85: {  	_ =	swait.ge [sflag:s11], $0x800  }
0x86: {  	[sflag:s11] =	ssyncset.done $0x0  }
0x87: {  	s0 =	rddreg [dreg:$0x7];
	[sflag:s11] =	ssyncadd.s32 $0xFFFFF800  }
0x88: {  	[spmem:s13], [sflag:s12] =	dma.local [hbm:s0], $0x800  }
0x89: {  	_ =	swait.ge [sflag:s11], $0x800  }
0x8a: {  	[sflag:s11] =	ssyncset.done $0x0  }
0x8b: {  	[sflag:s11] =	ssyncadd.s32 $0xFFFFF800  }
0x8c: {  	v1 =	vld [tilespmem:$0x2800];
	_ =	sdelay $0x6  }
0x8d: {  	v2 =	vld [tilespmem:$0x2810];
	[tilespmem:$0x3900] =	vst v1  }
0x8e: {  	v1 =	vld.idx.msk [tilespmem:v1+s5+$0x0], $0xffff;
	_ =	sdelay $0x3  }
0x8f: {  	[tilespmem:$0x3910] =	vst v2  }
0x90: {  	[tilespmem:$0x3000] =	vst v1;
	v1 =	vadd.s32 v22, v1  }
0x91: {  	[tilespmem:$0x3800] =	vst v1  }
0x92: {  	v1 =	vld.idx.msk [tilespmem:v2+s5+$0x0], $0xffff  }
0x93: {  	v2 =	vld [tilespmem:$0x2820];
	_ =	sdelay $0x4  }
0x94: {  	[tilespmem:$0x3010] =	vst v1  }
0x95: {  	v1 =	vadd.s32 v22, v1;
	[tilespmem:$0x3920] =	vst v2  }
0x96: {  	[tilespmem:$0x3810] =	vst v1  }
0x97: {  	v1 =	vld.idx.msk [tilespmem:v2+s5+$0x0], $0xffff  }
0x98: {  	v2 =	vld [tilespmem:$0x2830]  }
0x99: {  	v5 =	vld [tilespmem:$0x1FC10];
	_ =	sdelay $0x3  }
0x9a: {  	[tilespmem:$0x3020] =	vst v1  }
0x9b: {  	v1 =	vadd.s32 v5, v1;
	[tilespmem:$0x3930] =	vst v2  }
0x9c: {  	[tilespmem:$0x3820] =	vst v1  }
0x9d: {  	v1 =	vld.idx.msk [tilespmem:v2+s5+$0x0], $0xffff  }
0x9e: {  	v2 =	vld [tilespmem:$0x2840];
	_ =	sdelay $0x4  }
0x9f: {  	[tilespmem:$0x3030] =	vst v1  }
0xa0: {  	v1 =	vadd.s32 v5, v1;
	[tilespmem:$0x3940] =	vst v2  }
0xa1: {  	[tilespmem:$0x3830] =	vst v1  }
0xa2: {  	v1 =	vld.idx.msk [tilespmem:v2+s5+$0x0], $0xffff  }
0xa3: {  	v2 =	vld [tilespmem:$0x2850]  }
0xa4: {  	v5 =	vld [tilespmem:$0x1FC20];
	_ =	sdelay $0x3  }
0xa5: {  	[tilespmem:$0x3040] =	vst v1  }
0xa6: {  	v1 =	vadd.s32 v5, v1;
	[tilespmem:$0x3950] =	vst v2  }
0xa7: {  	[tilespmem:$0x3840] =	vst v1  }
0xa8: {  	v1 =	vld.idx.msk [tilespmem:v2+s5+$0x0], $0xffff  }
0xa9: {  	v2 =	vld [tilespmem:$0x2860];
	_ =	sdelay $0x4  }
0xaa: {  	[tilespmem:$0x3050] =	vst v1  }
0xab: {  	v1 =	vadd.s32 v5, v1;
	[tilespmem:$0x3960] =	vst v2  }
0xac: {  	[tilespmem:$0x3850] =	vst v1  }
0xad: {  	v1 =	vld.idx.msk [tilespmem:v2+s5+$0x0], $0xffff  }
0xae: {  	v2 =	vld [tilespmem:$0x2870]  }
0xaf: {  	v5 =	vld [tilespmem:$0x1FC30];
	_ =	sdelay $0x3  }
0xb0: {  	[tilespmem:$0x3060] =	vst v1  }
0xb1: {  	v1 =	vadd.s32 v5, v1;
	[tilespmem:$0x3970] =	vst v2  }
0xb2: {  	[tilespmem:$0x3860] =	vst v1  }
0xb3: {  	v1 =	vld.idx.msk [tilespmem:v2+s5+$0x0], $0xffff;
	_ =	sdelay $0x4  }
0xb4: {  	[tilespmem:$0x3070] =	vst v1;
	v1 =	vadd.s32 v5, v1  }
0xb5: {  	[tilespmem:$0x3870] =	vst v1  }
0xb6: {  	[tilespmem:s16], [sflag:$0x1] =	stream.indirect.gather [hbm4b:s1+s14], $0x80, s15, s14, $0xb8;
	[tilespmem:$0x17A00] =	vst v63  }
0xb7: {  	_ = 	snop  }
0xb8: {  	[tilespmem:s17], [sflag:$0x1] =	stream.indirect.gather [hbm4b:s2+s14], $0x80, s15, s14, $0xb8;
	[tilespmem:$0x17A00] =	vst v63  }
0xb9: {  	v1 =	vld [tilespmem:$0x2880];
	_ =	sdelay $0x6  }
0xba: {  	v2 =	vld [tilespmem:$0x2890];
	[tilespmem:$0x3980] =	vst v1  }
0xbb: {  	v1 =	vld.idx.msk [tilespmem:v1+s5+$0x0], $0xffff;
	_ =	sdelay $0x3  }
0xbc: {  	[tilespmem:$0x3990] =	vst v2  }
0xbd: {  	[tilespmem:$0x3080] =	vst v1;
	v1 =	vadd.s32 v6, v1  }
0xbe: {  	[tilespmem:$0x3880] =	vst v1  }
0xbf: {  	v1 =	vld.idx.msk [tilespmem:v2+s5+$0x0], $0xffff  }
0xc0: {  	v2 =	vld [tilespmem:$0x28A0];
	_ =	sdelay $0x4  }
0xc1: {  	[tilespmem:$0x3090] =	vst v1  }
0xc2: {  	v1 =	vadd.s32 v6, v1;
	[tilespmem:$0x39A0] =	vst v2  }
0xc3: {  	[tilespmem:$0x3890] =	vst v1  }
0xc4: {  	v1 =	vld.idx.msk [tilespmem:v2+s5+$0x0], $0xffff  }
0xc5: {  	v2 =	vld [tilespmem:$0x28B0];
	_ =	sdelay $0x4  }
0xc6: {  	[tilespmem:$0x30A0] =	vst v1  }
0xc7: {  	v1 =	vadd.s32 v7, v1;
	[tilespmem:$0x39B0] =	vst v2  }
0xc8: {  	[tilespmem:$0x38A0] =	vst v1  }
0xc9: {  	v1 =	vld.idx.msk [tilespmem:v2+s5+$0x0], $0xffff  }
0xca: {  	v2 =	vld [tilespmem:$0x28C0];
	_ =	sdelay $0x4  }
0xcb: {  	[tilespmem:$0x30B0] =	vst v1  }
0xcc: {  	v1 =	vadd.s32 v7, v1;
	[tilespmem:$0x39C0] =	vst v2  }
0xcd: {  	[tilespmem:$0x38B0] =	vst v1  }
0xce: {  	v1 =	vld.idx.msk [tilespmem:v2+s5+$0x0], $0xffff  }
0xcf: {  	v2 =	vld [tilespmem:$0x28D0];
	_ =	sdelay $0x4  }
0xd0: {  	[tilespmem:$0x30C0] =	vst v1  }
0xd1: {  	v1 =	vadd.s32 v8, v1;
	[tilespmem:$0x39D0] =	vst v2  }
0xd2: {  	[tilespmem:$0x38C0] =	vst v1  }
0xd3: {  	v1 =	vld.idx.msk [tilespmem:v2+s5+$0x0], $0xffff  }
0xd4: {  	v2 =	vld [tilespmem:$0x28E0];
	_ =	sdelay $0x4  }
0xd5: {  	[tilespmem:$0x30D0] =	vst v1  }
0xd6: {  	v1 =	vadd.s32 v8, v1;
	[tilespmem:$0x39E0] =	vst v2  }
0xd7: {  	[tilespmem:$0x38D0] =	vst v1  }
0xd8: {  	v1 =	vld.idx.msk [tilespmem:v2+s5+$0x0], $0xffff  }
0xd9: {  	v2 =	vld [tilespmem:$0x28F0];
	_ =	sdelay $0x4  }
0xda: {  	[tilespmem:$0x30E0] =	vst v1  }
0xdb: {  	v1 =	vadd.s32 v9, v1;
	[tilespmem:$0x39F0] =	vst v2  }
0xdc: {  	[tilespmem:$0x38E0] =	vst v1  }
0xdd: {  	v1 =	vld.idx.msk [tilespmem:v2+s5+$0x0], $0xffff;
	_ =	sdelay $0x4  }
0xde: {  	[tilespmem:$0x30F0] =	vst v1;
	v1 =	vadd.s32 v9, v1  }
0xdf: {  	[tilespmem:$0x38F0] =	vst v1  }
0xe0: {  	[tilespmem:s19], [sflag:$0x2] =	stream.indirect.gather [hbm4b:s1+s14], $0x80, s18, s14, $0xb8;
	[tilespmem:$0x17A00] =	vst v63  }
0xe1: {  	_ = 	snop  }
0xe2: {  	[tilespmem:s20], [sflag:$0x2] =	stream.indirect.gather [hbm4b:s2+s14], $0x80, s18, s14, $0xb8;
	[tilespmem:$0x17A00] =	vst v63  }
0xe3: {  	_ =	swait.ge [sflag:s21], $0x4000  }
0xe4: {  	[sflag:s21] =	ssyncset.done $0x0  }
0xe5: {  	[sflag:s21] =	ssyncadd.s32 $0xFFFFC000  }
0xe6: {  	_ =	swait.ge [sflag:s21], $0x4000  }
0xe7: {  	[sflag:s21] =	ssyncset.done $0x0  }
0xe8: {  	s0 =	rddreg [dreg:$0x8];
	[sflag:s21] =	ssyncadd.s32 $0xFFFFC000  }
0xe9: {  	[spmem:s4] =	stream.indirect.scatter.add.f32 [tilespmem:s16], [sflag:$0x3], $0x80, s22, s14, $0xb8;
	[tilespmem:$0x17A00] =	vst v63  }
0xea: {  	s7 =	sadd.s32 s6, s0  }
0xeb: {  	[hbm4b:s7+s5] =	stream.linear.scatter [tilespmem:s17], [sflag:$0x5], $0x4000, $0x38;
	[tilespmem:$0x17A00] =	vst v63  }
0xec: {  	_ =	swait.ge [sflag:s23], $0x4000  }
0xed: {  	[sflag:s23] =	ssyncset.done $0x0  }
0xee: {  	[sflag:s23] =	ssyncadd.s32 $0xFFFFC000  }
0xef: {  	_ =	swait.ge [sflag:s24], $0x4000  }
0xf0: {  	[sflag:s24] =	ssyncset.done $0x0  }
0xf1: {  	[sflag:s24] =	ssyncadd.s32 $0xFFFFC000  }
0xf2: {  	v1 =	vld [tilespmem:$0x2900];
	_ =	sdelay $0x6  }
0xf3: {  	v2 =	vld [tilespmem:$0x2910];
	[tilespmem:$0x3900] =	vst v1  }
0xf4: {  	v1 =	vld.idx.msk [tilespmem:v1+s5+$0x0], $0xffff;
	_ =	sdelay $0x3  }
0xf5: {  	[tilespmem:$0x3910] =	vst v2  }
0xf6: {  	[tilespmem:$0x3100] =	vst v1;
	v1 =	vadd.s32 v10, v1  }
0xf7: {  	[tilespmem:$0x3800] =	vst v1  }
0xf8: {  	v1 =	vld.idx.msk [tilespmem:v2+s5+$0x0], $0xffff  }
0xf9: {  	v2 =	vld [tilespmem:$0x2920];
	_ =	sdelay $0x4  }
0xfa: {  	[tilespmem:$0x3110] =	vst v1  }
0xfb: {  	v1 =	vadd.s32 v10, v1;
	[tilespmem:$0x3920] =	vst v2  }
0xfc: {  	[tilespmem:$0x3810] =	vst v1  }
0xfd: {  	v1 =	vld.idx.msk [tilespmem:v2+s5+$0x0], $0xffff  }
0xfe: {  	v2 =	vld [tilespmem:$0x2930];
	_ =	sdelay $0x4  }
0xff: {  	[tilespmem:$0x3120] =	vst v1  }
0x100: {  	v1 =	vadd.s32 v11, v1;
	[tilespmem:$0x3930] =	vst v2  }
0x101: {  	[tilespmem:$0x3820] =	vst v1  }
0x102: {  	v1 =	vld.idx.msk [tilespmem:v2+s5+$0x0], $0xffff  }
0x103: {  	v2 =	vld [tilespmem:$0x2940];
	_ =	sdelay $0x4  }
0x104: {  	[tilespmem:$0x3130] =	vst v1  }
0x105: {  	v1 =	vadd.s32 v11, v1;
	[tilespmem:$0x3940] =	vst v2  }
0x106: {  	[tilespmem:$0x3830] =	vst v1  }
0x107: {  	v1 =	vld.idx.msk [tilespmem:v2+s5+$0x0], $0xffff  }
0x108: {  	v2 =	vld [tilespmem:$0x2950];
	_ =	sdelay $0x4  }
0x109: {  	[tilespmem:$0x3140] =	vst v1  }
0x10a: {  	v1 =	vadd.s32 v12, v1;
	[tilespmem:$0x3950] =	vst v2  }
0x10b: {  	[tilespmem:$0x3840] =	vst v1  }
0x10c: {  	v1 =	vld.idx.msk [tilespmem:v2+s5+$0x0], $0xffff  }
0x10d: {  	v2 =	vld [tilespmem:$0x2960];
	_ =	sdelay $0x4  }
0x10e: {  	[tilespmem:$0x3150] =	vst v1  }
0x10f: {  	v1 =	vadd.s32 v12, v1;
	[tilespmem:$0x3960] =	vst v2  }
0x110: {  	[tilespmem:$0x3850] =	vst v1  }
0x111: {  	v1 =	vld.idx.msk [tilespmem:v2+s5+$0x0], $0xffff  }
0x112: {  	v2 =	vld [tilespmem:$0x2970];
	_ =	sdelay $0x4  }
0x113: {  	[tilespmem:$0x3160] =	vst v1  }
0x114: {  	v1 =	vadd.s32 v13, v1;
	[tilespmem:$0x3970] =	vst v2  }
0x115: {  	[tilespmem:$0x3860] =	vst v1  }
0x116: {  	v1 =	vld.idx.msk [tilespmem:v2+s5+$0x0], $0xffff;
	_ =	sdelay $0x4  }
0x117: {  	[tilespmem:$0x3170] =	vst v1;
	v1 =	vadd.s32 v13, v1  }
0x118: {  	[tilespmem:$0x3870] =	vst v1  }
0x119: {  	[tilespmem:s16], [sflag:$0x1] =	stream.indirect.gather [hbm4b:s1+s14], $0x80, s15, s14, $0xb8;
	[tilespmem:$0x17A00] =	vst v63  }
0x11a: {  	_ = 	snop  }
0x11b: {  	[tilespmem:s17], [sflag:$0x1] =	stream.indirect.gather [hbm4b:s2+s14], $0x80, s15, s14, $0xb8;
	[tilespmem:$0x17A00] =	vst v63  }
0x11c: {  	_ =	swait.ge [sflag:s25], $0x4000  }
0x11d: {  	[sflag:s25] =	ssyncset.done $0x0  }
0x11e: {  	[sflag:s25] =	ssyncadd.s32 $0xFFFFC000  }
0x11f: {  	_ =	swait.ge [sflag:s25], $0x4000  }
0x120: {  	[sflag:s25] =	ssyncset.done $0x0  }
0x121: {  	[sflag:s25] =	ssyncadd.s32 $0xFFFFC000  }
0x122: {  	[spmem:s4] =	stream.indirect.scatter.add.f32 [tilespmem:s19], [sflag:$0x4], $0x80, s26, s14, $0xb8;
	[tilespmem:$0x17A00] =	vst v63  }
0x123: {  	s0 =	sadd.s32 $0x800, s7  }
0x124: {  	[hbm4b:s0+s5] =	stream.linear.scatter [tilespmem:s20], [sflag:$0x6], $0x4000, $0x38;
	[tilespmem:$0x17A00] =	vst v63  }
0x125: {  	_ =	swait.ge [sflag:s28], $0x4000  }
0x126: {  	[sflag:s28] =	ssyncset.done $0x0  }
0x127: {  	[sflag:s28] =	ssyncadd.s32 $0xFFFFC000  }
0x128: {  	_ =	swait.ge [sflag:s29], $0x4000  }
0x129: {  	[sflag:s29] =	ssyncset.done $0x0  }
0x12a: {  	[sflag:s29] =	ssyncadd.s32 $0xFFFFC000  }
0x12b: {  	v1 =	vld [tilespmem:$0x2980];
	_ =	sdelay $0x6  }
0x12c: {  	v2 =	vld [tilespmem:$0x2990];
	[tilespmem:$0x3980] =	vst v1  }
0x12d: {  	v1 =	vld.idx.msk [tilespmem:v1+s5+$0x0], $0xffff;
	_ =	sdelay $0x3  }
0x12e: {  	[tilespmem:$0x3990] =	vst v2  }
0x12f: {  	[tilespmem:$0x3180] =	vst v1;
	v1 =	vadd.s32 v14, v1  }
0x130: {  	[tilespmem:$0x3880] =	vst v1  }
0x131: {  	v1 =	vld.idx.msk [tilespmem:v2+s5+$0x0], $0xffff  }
0x132: {  	v2 =	vld [tilespmem:$0x29A0];
	_ =	sdelay $0x4  }
0x133: {  	[tilespmem:$0x3190] =	vst v1  }
0x134: {  	v1 =	vadd.s32 v14, v1;
	[tilespmem:$0x39A0] =	vst v2  }
0x135: {  	[tilespmem:$0x3890] =	vst v1  }
0x136: {  	v1 =	vld.idx.msk [tilespmem:v2+s5+$0x0], $0xffff  }
0x137: {  	v2 =	vld [tilespmem:$0x29B0];
	_ =	sdelay $0x4  }
0x138: {  	[tilespmem:$0x31A0] =	vst v1  }
0x139: {  	v1 =	vadd.s32 v15, v1;
	[tilespmem:$0x39B0] =	vst v2  }
0x13a: {  	[tilespmem:$0x38A0] =	vst v1  }
0x13b: {  	v1 =	vld.idx.msk [tilespmem:v2+s5+$0x0], $0xffff  }
0x13c: {  	v2 =	vld [tilespmem:$0x29C0];
	_ =	sdelay $0x4  }
0x13d: {  	[tilespmem:$0x31B0] =	vst v1  }
0x13e: {  	v1 =	vadd.s32 v15, v1;
	[tilespmem:$0x39C0] =	vst v2  }
0x13f: {  	[tilespmem:$0x38B0] =	vst v1  }
0x140: {  	v1 =	vld.idx.msk [tilespmem:v2+s5+$0x0], $0xffff  }
0x141: {  	v2 =	vld [tilespmem:$0x29D0];
	_ =	sdelay $0x4  }
0x142: {  	[tilespmem:$0x31C0] =	vst v1  }
0x143: {  	v1 =	vadd.s32 v16, v1;
	[tilespmem:$0x39D0] =	vst v2  }
0x144: {  	[tilespmem:$0x38C0] =	vst v1  }
0x145: {  	v1 =	vld.idx.msk [tilespmem:v2+s5+$0x0], $0xffff  }
0x146: {  	v2 =	vld [tilespmem:$0x29E0];
	_ =	sdelay $0x4  }
0x147: {  	[tilespmem:$0x31D0] =	vst v1  }
0x148: {  	v1 =	vadd.s32 v16, v1;
	[tilespmem:$0x39E0] =	vst v2  }
0x149: {  	[tilespmem:$0x38D0] =	vst v1  }
0x14a: {  	v1 =	vld.idx.msk [tilespmem:v2+s5+$0x0], $0xffff  }
0x14b: {  	v2 =	vld [tilespmem:$0x29F0];
	_ =	sdelay $0x4  }
0x14c: {  	[tilespmem:$0x31E0] =	vst v1  }
0x14d: {  	v1 =	vadd.s32 v17, v1;
	[tilespmem:$0x39F0] =	vst v2  }
0x14e: {  	[tilespmem:$0x38E0] =	vst v1  }
0x14f: {  	v1 =	vld.idx.msk [tilespmem:v2+s5+$0x0], $0xffff;
	_ =	sdelay $0x4  }
0x150: {  	[tilespmem:$0x31F0] =	vst v1;
	v1 =	vadd.s32 v17, v1  }
0x151: {  	[tilespmem:$0x38F0] =	vst v1  }
0x152: {  	[tilespmem:s19], [sflag:$0x2] =	stream.indirect.gather [hbm4b:s1+s14], $0x80, s18, s14, $0xb8;
	[tilespmem:$0x17A00] =	vst v63  }
0x153: {  	_ = 	snop  }
0x154: {  	[tilespmem:s20], [sflag:$0x2] =	stream.indirect.gather [hbm4b:s2+s14], $0x80, s18, s14, $0xb8;
	[tilespmem:$0x17A00] =	vst v63  }
0x155: {  	_ =	swait.ge [sflag:s21], $0x4000  }
0x156: {  	[sflag:s21] =	ssyncset.done $0x0  }
0x157: {  	[sflag:s21] =	ssyncadd.s32 $0xFFFFC000  }
0x158: {  	_ =	swait.ge [sflag:s21], $0x4000  }
0x159: {  	[sflag:s21] =	ssyncset.done $0x0  }
0x15a: {  	[sflag:s21] =	ssyncadd.s32 $0xFFFFC000  }
0x15b: {  	[spmem:s4] =	stream.indirect.scatter.add.f32 [tilespmem:s16], [sflag:$0x3], $0x80, s22, s14, $0xb8;
	[tilespmem:$0x17A00] =	vst v63  }
0x15c: {  	s0 =	sadd.s32 $0x1000, s7  }
0x15d: {  	[hbm4b:s0+s5] =	stream.linear.scatter [tilespmem:s17], [sflag:$0x5], $0x4000, $0x38;
	[tilespmem:$0x17A00] =	vst v63  }
0x15e: {  	_ =	swait.ge [sflag:s23], $0x4000  }
0x15f: {  	[sflag:s23] =	ssyncset.done $0x0  }
0x160: {  	[sflag:s23] =	ssyncadd.s32 $0xFFFFC000  }
0x161: {  	_ =	swait.ge [sflag:s24], $0x4000  }
0x162: {  	[sflag:s24] =	ssyncset.done $0x0  }
0x163: {  	[sflag:s24] =	ssyncadd.s32 $0xFFFFC000  }
0x164: {  	v1 =	vld [tilespmem:$0x2A00];
	_ =	sdelay $0x6  }
0x165: {  	v2 =	vld [tilespmem:$0x2A10];
	[tilespmem:$0x3900] =	vst v1  }
0x166: {  	v1 =	vld.idx.msk [tilespmem:v1+s5+$0x0], $0xffff;
	_ =	sdelay $0x3  }
0x167: {  	[tilespmem:$0x3910] =	vst v2  }
0x168: {  	[tilespmem:$0x3200] =	vst v1;
	v1 =	vadd.s32 v18, v1  }
0x169: {  	[tilespmem:$0x3800] =	vst v1  }
0x16a: {  	v1 =	vld.idx.msk [tilespmem:v2+s5+$0x0], $0xffff  }
0x16b: {  	v2 =	vld [tilespmem:$0x2A20];
	_ =	sdelay $0x4  }
0x16c: {  	[tilespmem:$0x3210] =	vst v1  }
0x16d: {  	v1 =	vadd.s32 v18, v1;
	[tilespmem:$0x3920] =	vst v2  }
0x16e: {  	[tilespmem:$0x3810] =	vst v1  }
0x16f: {  	v1 =	vld.idx.msk [tilespmem:v2+s5+$0x0], $0xffff  }
0x170: {  	v2 =	vld [tilespmem:$0x2A30];
	_ =	sdelay $0x4  }
0x171: {  	[tilespmem:$0x3220] =	vst v1  }
0x172: {  	v1 =	vadd.s32 v19, v1;
	[tilespmem:$0x3930] =	vst v2  }
0x173: {  	[tilespmem:$0x3820] =	vst v1  }
0x174: {  	v1 =	vld.idx.msk [tilespmem:v2+s5+$0x0], $0xffff  }
0x175: {  	v2 =	vld [tilespmem:$0x2A40];
	_ =	sdelay $0x4  }
0x176: {  	[tilespmem:$0x3230] =	vst v1  }
0x177: {  	v1 =	vadd.s32 v19, v1;
	[tilespmem:$0x3940] =	vst v2  }
0x178: {  	[tilespmem:$0x3830] =	vst v1  }
0x179: {  	v1 =	vld.idx.msk [tilespmem:v2+s5+$0x0], $0xffff  }
0x17a: {  	v2 =	vld [tilespmem:$0x2A50];
	_ =	sdelay $0x4  }
0x17b: {  	[tilespmem:$0x3240] =	vst v1  }
0x17c: {  	v1 =	vadd.s32 v20, v1;
	[tilespmem:$0x3950] =	vst v2  }
0x17d: {  	[tilespmem:$0x3840] =	vst v1  }
0x17e: {  	v1 =	vld.idx.msk [tilespmem:v2+s5+$0x0], $0xffff  }
0x17f: {  	v2 =	vld [tilespmem:$0x2A60];
	_ =	sdelay $0x4  }
0x180: {  	[tilespmem:$0x3250] =	vst v1  }
0x181: {  	v1 =	vadd.s32 v20, v1;
	[tilespmem:$0x3960] =	vst v2  }
0x182: {  	[tilespmem:$0x3850] =	vst v1  }
0x183: {  	v1 =	vld.idx.msk [tilespmem:v2+s5+$0x0], $0xffff  }
0x184: {  	v2 =	vld [tilespmem:$0x2A70];
	_ =	sdelay $0x4  }
0x185: {  	[tilespmem:$0x3260] =	vst v1  }
0x186: {  	v1 =	vadd.s32 v21, v1;
	[tilespmem:$0x3970] =	vst v2  }
0x187: {  	[tilespmem:$0x3860] =	vst v1  }
0x188: {  	v1 =	vld.idx.msk [tilespmem:v2+s5+$0x0], $0xffff;
	_ =	sdelay $0x4  }
0x189: {  	[tilespmem:$0x3270] =	vst v1;
	v1 =	vadd.s32 v21, v1  }
0x18a: {  	[tilespmem:$0x3870] =	vst v1  }
0x18b: {  	[tilespmem:s16], [sflag:$0x1] =	stream.indirect.gather [hbm4b:s1+s14], $0x80, s15, s14, $0xb8;
	[tilespmem:$0x17A00] =	vst v63  }
0x18c: {  	_ = 	snop  }
0x18d: {  	[tilespmem:s17], [sflag:$0x1] =	stream.indirect.gather [hbm4b:s2+s14], $0x80, s15, s14, $0xb8;
	[tilespmem:$0x17A00] =	vst v63  }
0x18e: {  	_ =	swait.ge [sflag:s25], $0x4000  }
0x18f: {  	[sflag:s25] =	ssyncset.done $0x0  }
0x190: {  	[sflag:s25] =	ssyncadd.s32 $0xFFFFC000  }
0x191: {  	_ =	swait.ge [sflag:s25], $0x4000  }
0x192: {  	[sflag:s25] =	ssyncset.done $0x0  }
0x193: {  	[sflag:s25] =	ssyncadd.s32 $0xFFFFC000  }
0x194: {  	[spmem:s4] =	stream.indirect.scatter.add.f32 [tilespmem:s19], [sflag:$0x4], $0x80, s26, s14, $0xb8;
	[tilespmem:$0x17A00] =	vst v63  }
0x195: {  	s0 =	sadd.s32 $0x1800, s7  }
0x196: {  	[hbm4b:s0+s5] =	stream.linear.scatter [tilespmem:s20], [sflag:$0x6], $0x4000, $0x38;
	[tilespmem:$0x17A00] =	vst v63  }
0x197: {  	_ =	swait.ge [sflag:s28], $0x4000  }
0x198: {  	[sflag:s28] =	ssyncset.done $0x0  }
0x199: {  	[sflag:s28] =	ssyncadd.s32 $0xFFFFC000  }
0x19a: {  	_ =	swait.ge [sflag:s29], $0x4000  }
0x19b: {  	[sflag:s29] =	ssyncset.done $0x0  }
0x19c: {  	[sflag:s29] =	ssyncadd.s32 $0xFFFFC000  }
0x19d: {  	v1 =	vld [tilespmem:$0x2A80];
	_ =	sdelay $0x6  }
0x19e: {  	v2 =	vld [tilespmem:$0x2A90];
	[tilespmem:$0x3980] =	vst v1  }
0x19f: {  	v1 =	vld.idx.msk [tilespmem:v1+s5+$0x0], $0xffff;
	_ =	sdelay $0x3  }
0x1a0: {  	[tilespmem:$0x3990] =	vst v2  }
0x1a1: {  	[tilespmem:$0x3280] =	vst v1;
	v1 =	vadd.s32 v0, v1  }
0x1a2: {  	[tilespmem:$0x3880] =	vst v1  }
0x1a3: {  	v1 =	vld.idx.msk [tilespmem:v2+s5+$0x0], $0xffff  }
0x1a4: {  	v2 =	vld [tilespmem:$0x2AA0];
	_ =	sdelay $0x4  }
0x1a5: {  	[tilespmem:$0x3290] =	vst v1  }
0x1a6: {  	v1 =	vadd.s32 v0, v1;
	[tilespmem:$0x39A0] =	vst v2  }
0x1a7: {  	[tilespmem:$0x3890] =	vst v1  }
0x1a8: {  	v1 =	vld.idx.msk [tilespmem:v2+s5+$0x0], $0xffff  }
0x1a9: {  	v2 =	vld [tilespmem:$0x2AB0];
	_ =	sdelay $0x4  }
0x1aa: {  	[tilespmem:$0x32A0] =	vst v1  }
0x1ab: {  	v1 =	vadd.s32 v23, v1;
	[tilespmem:$0x39B0] =	vst v2  }
0x1ac: {  	[tilespmem:$0x38A0] =	vst v1  }
0x1ad: {  	v1 =	vld.idx.msk [tilespmem:v2+s5+$0x0], $0xffff  }
0x1ae: {  	v2 =	vld [tilespmem:$0x2AC0];
	_ =	sdelay $0x4  }
0x1af: {  	[tilespmem:$0x32B0] =	vst v1  }
0x1b0: {  	v1 =	vadd.s32 v23, v1;
	[tilespmem:$0x39C0] =	vst v2  }
0x1b1: {  	[tilespmem:$0x38B0] =	vst v1  }
0x1b2: {  	v1 =	vld.idx.msk [tilespmem:v2+s5+$0x0], $0xffff  }
0x1b3: {  	v2 =	vld [tilespmem:$0x2AD0];
	_ =	sdelay $0x4  }
0x1b4: {  	[tilespmem:$0x32C0] =	vst v1  }
0x1b5: {  	v1 =	vadd.s32 v24, v1;
	[tilespmem:$0x39D0] =	vst v2  }
0x1b6: {  	[tilespmem:$0x38C0] =	vst v1  }
0x1b7: {  	v1 =	vld.idx.msk [tilespmem:v2+s5+$0x0], $0xffff  }
0x1b8: {  	v2 =	vld [tilespmem:$0x2AE0];
	_ =	sdelay $0x4  }
0x1b9: {  	[tilespmem:$0x32D0] =	vst v1  }
0x1ba: {  	v1 =	vadd.s32 v24, v1;
	[tilespmem:$0x39E0] =	vst v2  }
0x1bb: {  	[tilespmem:$0x38D0] =	vst v1  }
0x1bc: {  	v1 =	vld.idx.msk [tilespmem:v2+s5+$0x0], $0xffff  }
0x1bd: {  	v2 =	vld [tilespmem:$0x2AF0];
	_ =	sdelay $0x4  }
0x1be: {  	[tilespmem:$0x32E0] =	vst v1  }
0x1bf: {  	v1 =	vadd.s32 v25, v1;
	[tilespmem:$0x39F0] =	vst v2  }
0x1c0: {  	[tilespmem:$0x38E0] =	vst v1  }
0x1c1: {  	v1 =	vld.idx.msk [tilespmem:v2+s5+$0x0], $0xffff;
	_ =	sdelay $0x4  }
0x1c2: {  	[tilespmem:$0x32F0] =	vst v1;
	v1 =	vadd.s32 v25, v1  }
0x1c3: {  	[tilespmem:$0x38F0] =	vst v1  }
0x1c4: {  	[tilespmem:s19], [sflag:$0x2] =	stream.indirect.gather [hbm4b:s1+s14], $0x80, s18, s14, $0xb8;
	[tilespmem:$0x17A00] =	vst v63  }
0x1c5: {  	_ = 	snop  }
0x1c6: {  	[tilespmem:s20], [sflag:$0x2] =	stream.indirect.gather [hbm4b:s2+s14], $0x80, s18, s14, $0xb8;
	[tilespmem:$0x17A00] =	vst v63  }
0x1c7: {  	_ =	swait.ge [sflag:s21], $0x4000  }
0x1c8: {  	[sflag:s21] =	ssyncset.done $0x0  }
0x1c9: {  	[sflag:s21] =	ssyncadd.s32 $0xFFFFC000  }
0x1ca: {  	_ =	swait.ge [sflag:s21], $0x4000  }
0x1cb: {  	[sflag:s21] =	ssyncset.done $0x0  }
0x1cc: {  	[sflag:s21] =	ssyncadd.s32 $0xFFFFC000  }
0x1cd: {  	[spmem:s4] =	stream.indirect.scatter.add.f32 [tilespmem:s16], [sflag:$0x3], $0x80, s22, s14, $0xb8;
	[tilespmem:$0x17A00] =	vst v63  }
0x1ce: {  	s0 =	sadd.s32 $0x2000, s7  }
0x1cf: {  	[hbm4b:s0+s5] =	stream.linear.scatter [tilespmem:s17], [sflag:$0x5], $0x4000, $0x38;
	[tilespmem:$0x17A00] =	vst v63  }
0x1d0: {  	_ =	swait.ge [sflag:s23], $0x4000  }
0x1d1: {  	[sflag:s23] =	ssyncset.done $0x0  }
0x1d2: {  	[sflag:s23] =	ssyncadd.s32 $0xFFFFC000  }
0x1d3: {  	_ =	swait.ge [sflag:s24], $0x4000  }
0x1d4: {  	[sflag:s24] =	ssyncset.done $0x0  }
0x1d5: {  	[sflag:s24] =	ssyncadd.s32 $0xFFFFC000  }
0x1d6: {  	v1 =	vld [tilespmem:$0x2B00];
	_ =	sdelay $0x6  }
0x1d7: {  	v2 =	vld [tilespmem:$0x2B10];
	[tilespmem:$0x3900] =	vst v1  }
0x1d8: {  	v1 =	vld.idx.msk [tilespmem:v1+s5+$0x0], $0xffff;
	_ =	sdelay $0x3  }
0x1d9: {  	[tilespmem:$0x3910] =	vst v2  }
0x1da: {  	[tilespmem:$0x3300] =	vst v1;
	v1 =	vadd.s32 v26, v1  }
0x1db: {  	[tilespmem:$0x3800] =	vst v1  }
0x1dc: {  	v1 =	vld.idx.msk [tilespmem:v2+s5+$0x0], $0xffff  }
0x1dd: {  	v2 =	vld [tilespmem:$0x2B20];
	_ =	sdelay $0x4  }
0x1de: {  	[tilespmem:$0x3310] =	vst v1  }
0x1df: {  	v1 =	vadd.s32 v26, v1;
	[tilespmem:$0x3920] =	vst v2  }
0x1e0: {  	[tilespmem:$0x3810] =	vst v1  }
0x1e1: {  	v1 =	vld.idx.msk [tilespmem:v2+s5+$0x0], $0xffff  }
0x1e2: {  	v2 =	vld [tilespmem:$0x2B30];
	_ =	sdelay $0x4  }
0x1e3: {  	[tilespmem:$0x3320] =	vst v1  }
0x1e4: {  	v1 =	vadd.s32 v27, v1;
	[tilespmem:$0x3930] =	vst v2  }
0x1e5: {  	[tilespmem:$0x3820] =	vst v1  }
0x1e6: {  	v1 =	vld.idx.msk [tilespmem:v2+s5+$0x0], $0xffff  }
0x1e7: {  	v2 =	vld [tilespmem:$0x2B40];
	_ =	sdelay $0x4  }
0x1e8: {  	[tilespmem:$0x3330] =	vst v1  }
0x1e9: {  	v1 =	vadd.s32 v27, v1;
	[tilespmem:$0x3940] =	vst v2  }
0x1ea: {  	[tilespmem:$0x3830] =	vst v1  }
0x1eb: {  	v1 =	vld.idx.msk [tilespmem:v2+s5+$0x0], $0xffff  }
0x1ec: {  	v2 =	vld [tilespmem:$0x2B50];
	_ =	sdelay $0x4  }
0x1ed: {  	[tilespmem:$0x3340] =	vst v1  }
0x1ee: {  	v1 =	vadd.s32 v28, v1;
	[tilespmem:$0x3950] =	vst v2  }
0x1ef: {  	[tilespmem:$0x3840] =	vst v1  }
0x1f0: {  	v1 =	vld.idx.msk [tilespmem:v2+s5+$0x0], $0xffff  }
0x1f1: {  	v2 =	vld [tilespmem:$0x2B60];
	_ =	sdelay $0x4  }
0x1f2: {  	[tilespmem:$0x3350] =	vst v1  }
0x1f3: {  	v1 =	vadd.s32 v28, v1;
	[tilespmem:$0x3960] =	vst v2  }
0x1f4: {  	[tilespmem:$0x3850] =	vst v1  }
0x1f5: {  	v1 =	vld.idx.msk [tilespmem:v2+s5+$0x0], $0xffff  }
0x1f6: {  	v2 =	vld [tilespmem:$0x2B70];
	_ =	sdelay $0x4  }
0x1f7: {  	[tilespmem:$0x3360] =	vst v1;
	v1 =	vadd.s32 v29, v1  }
0x1f8: {  	[tilespmem:$0x3860] =	vst v1  }
0x1f9: {  	[tilespmem:$0x3970] =	vst v2  }
0x1fa: {  	v1 =	vld.idx.msk [tilespmem:v2+s5+$0x0], $0xffff;
	_ =	sdelay $0x4  }
0x1fb: {  	[tilespmem:$0x3370] =	vst v1;
	v1 =	vadd.s32 v29, v1  }
0x1fc: {  	[tilespmem:$0x3870] =	vst v1  }
0x1fd: {  	[tilespmem:s16], [sflag:$0x1] =	stream.indirect.gather [hbm4b:s1+s14], $0x80, s15, s14, $0xb8;
	[tilespmem:$0x17A00] =	vst v63  }
0x1fe: {  	_ = 	snop  }
0x1ff: {  	[tilespmem:s17], [sflag:$0x1] =	stream.indirect.gather [hbm4b:s2+s14], $0x80, s15, s14, $0xb8;
	[tilespmem:$0x17A00] =	vst v63  }
0x200: {  	_ =	swait.ge [sflag:s25], $0x4000  }
0x201: {  	[sflag:s25] =	ssyncset.done $0x0  }
0x202: {  	[sflag:s25] =	ssyncadd.s32 $0xFFFFC000  }
0x203: {  	_ =	swait.ge [sflag:s25], $0x4000  }
0x204: {  	[sflag:s25] =	ssyncset.done $0x0  }
0x205: {  	[sflag:s25] =	ssyncadd.s32 $0xFFFFC000  }
0x206: {  	[spmem:s4] =	stream.indirect.scatter.add.f32 [tilespmem:s19], [sflag:$0x4], $0x80, s26, s14, $0xb8;
	[tilespmem:$0x17A00] =	vst v63  }
0x207: {  	s0 =	sadd.s32 $0x2800, s7  }
0x208: {  	[hbm4b:s0+s5] =	stream.linear.scatter [tilespmem:s20], [sflag:$0x6], $0x4000, $0x38;
	[tilespmem:$0x17A00] =	vst v63  }
0x209: {  	_ =	swait.ge [sflag:s28], $0x4000  }
0x20a: {  	[sflag:s28] =	ssyncset.done $0x0  }
0x20b: {  	[sflag:s28] =	ssyncadd.s32 $0xFFFFC000  }
0x20c: {  	_ =	swait.ge [sflag:s29], $0x4000  }
0x20d: {  	[sflag:s29] =	ssyncset.done $0x0  }
0x20e: {  	[sflag:s29] =	ssyncadd.s32 $0xFFFFC000  }
0x20f: {  	v1 =	vld [tilespmem:$0x2B80];
	_ =	sdelay $0x6  }
0x210: {  	v2 =	vld [tilespmem:$0x2B90];
	[tilespmem:$0x3980] =	vst v1  }
0x211: {  	v1 =	vld.idx.msk [tilespmem:v1+s5+$0x0], $0xffff;
	_ =	sdelay $0x3  }
0x212: {  	[tilespmem:$0x3990] =	vst v2  }
0x213: {  	[tilespmem:$0x3380] =	vst v1;
	v1 =	vadd.s32 v30, v1  }
0x214: {  	[tilespmem:$0x3880] =	vst v1  }
0x215: {  	v1 =	vld.idx.msk [tilespmem:v2+s5+$0x0], $0xffff  }
0x216: {  	v2 =	vld [tilespmem:$0x2BA0];
	_ =	sdelay $0x4  }
0x217: {  	[tilespmem:$0x3390] =	vst v1  }
0x218: {  	v1 =	vadd.s32 v30, v1;
	[tilespmem:$0x39A0] =	vst v2  }
0x219: {  	[tilespmem:$0x3890] =	vst v1  }
0x21a: {  	v1 =	vld.idx.msk [tilespmem:v2+s5+$0x0], $0xffff  }
0x21b: {  	v2 =	vld [tilespmem:$0x2BB0];
	_ =	sdelay $0x4  }
0x21c: {  	[tilespmem:$0x33A0] =	vst v1  }
0x21d: {  	v1 =	vadd.s32 v31, v1;
	[tilespmem:$0x39B0] =	vst v2  }
0x21e: {  	[tilespmem:$0x38A0] =	vst v1  }
0x21f: {  	v1 =	vld.idx.msk [tilespmem:v2+s5+$0x0], $0xffff  }
0x220: {  	v2 =	vld [tilespmem:$0x2BC0];
	_ =	sdelay $0x4  }
0x221: {  	[tilespmem:$0x33B0] =	vst v1  }
0x222: {  	v1 =	vadd.s32 v31, v1;
	[tilespmem:$0x39C0] =	vst v2  }
0x223: {  	[tilespmem:$0x38B0] =	vst v1  }
0x224: {  	v1 =	vld.idx.msk [tilespmem:v2+s5+$0x0], $0xffff  }
0x225: {  	v2 =	vld [tilespmem:$0x2BD0];
	_ =	sdelay $0x4  }
0x226: {  	[tilespmem:$0x33C0] =	vst v1  }
0x227: {  	v1 =	vadd.s32 v32, v1;
	[tilespmem:$0x39D0] =	vst v2  }
0x228: {  	[tilespmem:$0x38C0] =	vst v1  }
0x229: {  	v1 =	vld.idx.msk [tilespmem:v2+s5+$0x0], $0xffff  }
0x22a: {  	v2 =	vld [tilespmem:$0x2BE0];
	_ =	sdelay $0x4  }
0x22b: {  	[tilespmem:$0x33D0] =	vst v1  }
0x22c: {  	v1 =	vadd.s32 v32, v1;
	[tilespmem:$0x39E0] =	vst v2  }
0x22d: {  	[tilespmem:$0x38D0] =	vst v1  }
0x22e: {  	v1 =	vld.idx.msk [tilespmem:v2+s5+$0x0], $0xffff  }
0x22f: {  	v2 =	vld [tilespmem:$0x2BF0];
	_ =	sdelay $0x4  }
0x230: {  	[tilespmem:$0x33E0] =	vst v1  }
0x231: {  	v1 =	vadd.s32 v33, v1;
	[tilespmem:$0x39F0] =	vst v2  }
0x232: {  	[tilespmem:$0x38E0] =	vst v1  }
0x233: {  	v1 =	vld.idx.msk [tilespmem:v2+s5+$0x0], $0xffff;
	_ =	sdelay $0x4  }
0x234: {  	[tilespmem:$0x33F0] =	vst v1;
	v1 =	vadd.s32 v33, v1  }
0x235: {  	[tilespmem:$0x38F0] =	vst v1  }
0x236: {  	[tilespmem:s19], [sflag:$0x2] =	stream.indirect.gather [hbm4b:s1+s14], $0x80, s18, s14, $0xb8;
	[tilespmem:$0x17A00] =	vst v63  }
0x237: {  	_ = 	snop  }
0x238: {  	[tilespmem:s20], [sflag:$0x2] =	stream.indirect.gather [hbm4b:s2+s14], $0x80, s18, s14, $0xb8;
	[tilespmem:$0x17A00] =	vst v63  }
0x239: {  	_ =	swait.ge [sflag:s21], $0x4000  }
0x23a: {  	[sflag:s21] =	ssyncset.done $0x0  }
0x23b: {  	[sflag:s21] =	ssyncadd.s32 $0xFFFFC000  }
0x23c: {  	_ =	swait.ge [sflag:s21], $0x4000  }
0x23d: {  	[sflag:s21] =	ssyncset.done $0x0  }
0x23e: {  	[sflag:s21] =	ssyncadd.s32 $0xFFFFC000  }
0x23f: {  	[spmem:s4] =	stream.indirect.scatter.add.f32 [tilespmem:s16], [sflag:$0x3], $0x80, s22, s14, $0xb8;
	[tilespmem:$0x17A00] =	vst v63  }
0x240: {  	s0 =	sadd.s32 $0x3000, s7  }
0x241: {  	[hbm4b:s0+s5] =	stream.linear.scatter [tilespmem:s17], [sflag:$0x5], $0x4000, $0x38;
	[tilespmem:$0x17A00] =	vst v63  }
0x242: {  	_ =	swait.ge [sflag:s23], $0x4000  }
0x243: {  	[sflag:s23] =	ssyncset.done $0x0  }
0x244: {  	[sflag:s23] =	ssyncadd.s32 $0xFFFFC000  }
0x245: {  	_ =	swait.ge [sflag:s24], $0x4000  }
0x246: {  	[sflag:s24] =	ssyncset.done $0x0  }
0x247: {  	[sflag:s24] =	ssyncadd.s32 $0xFFFFC000  }
0x248: {  	v1 =	vld [tilespmem:$0x2C00];
	_ =	sdelay $0x6  }
0x249: {  	v2 =	vld [tilespmem:$0x2C10];
	[tilespmem:$0x3900] =	vst v1  }
0x24a: {  	v1 =	vld.idx.msk [tilespmem:v1+s5+$0x0], $0xffff;
	_ =	sdelay $0x3  }
0x24b: {  	[tilespmem:$0x3910] =	vst v2  }
0x24c: {  	[tilespmem:$0x3400] =	vst v1;
	v1 =	vadd.s32 v34, v1  }
0x24d: {  	[tilespmem:$0x3800] =	vst v1  }
0x24e: {  	v1 =	vld.idx.msk [tilespmem:v2+s5+$0x0], $0xffff  }
0x24f: {  	v2 =	vld [tilespmem:$0x2C20];
	_ =	sdelay $0x4  }
0x250: {  	[tilespmem:$0x3410] =	vst v1  }
0x251: {  	v1 =	vadd.s32 v34, v1;
	[tilespmem:$0x3920] =	vst v2  }
0x252: {  	[tilespmem:$0x3810] =	vst v1  }
0x253: {  	v1 =	vld.idx.msk [tilespmem:v2+s5+$0x0], $0xffff  }
0x254: {  	v2 =	vld [tilespmem:$0x2C30];
	_ =	sdelay $0x4  }
0x255: {  	[tilespmem:$0x3420] =	vst v1  }
0x256: {  	v1 =	vadd.s32 v35, v1;
	[tilespmem:$0x3930] =	vst v2  }
0x257: {  	[tilespmem:$0x3820] =	vst v1  }
0x258: {  	v1 =	vld.idx.msk [tilespmem:v2+s5+$0x0], $0xffff  }
0x259: {  	v2 =	vld [tilespmem:$0x2C40];
	_ =	sdelay $0x4  }
0x25a: {  	[tilespmem:$0x3430] =	vst v1  }
0x25b: {  	v1 =	vadd.s32 v35, v1;
	[tilespmem:$0x3940] =	vst v2  }
0x25c: {  	[tilespmem:$0x3830] =	vst v1  }
0x25d: {  	v1 =	vld.idx.msk [tilespmem:v2+s5+$0x0], $0xffff  }
0x25e: {  	v2 =	vld [tilespmem:$0x2C50];
	_ =	sdelay $0x4  }
0x25f: {  	[tilespmem:$0x3440] =	vst v1  }
0x260: {  	v1 =	vadd.s32 v36, v1;
	[tilespmem:$0x3950] =	vst v2  }
0x261: {  	[tilespmem:$0x3840] =	vst v1  }
0x262: {  	v1 =	vld.idx.msk [tilespmem:v2+s5+$0x0], $0xffff  }
0x263: {  	v2 =	vld [tilespmem:$0x2C60];
	_ =	sdelay $0x4  }
0x264: {  	[tilespmem:$0x3450] =	vst v1  }
0x265: {  	v1 =	vadd.s32 v36, v1;
	[tilespmem:$0x3960] =	vst v2  }
0x266: {  	[tilespmem:$0x3850] =	vst v1  }
0x267: {  	v1 =	vld.idx.msk [tilespmem:v2+s5+$0x0], $0xffff  }
0x268: {  	v2 =	vld [tilespmem:$0x2C70];
	_ =	sdelay $0x4  }
0x269: {  	[tilespmem:$0x3460] =	vst v1  }
0x26a: {  	v1 =	vadd.s32 v37, v1;
	[tilespmem:$0x3970] =	vst v2  }
0x26b: {  	[tilespmem:$0x3860] =	vst v1  }
0x26c: {  	v1 =	vld.idx.msk [tilespmem:v2+s5+$0x0], $0xffff;
	_ =	sdelay $0x4  }
0x26d: {  	[tilespmem:$0x3470] =	vst v1;
	v1 =	vadd.s32 v37, v1  }
0x26e: {  	[tilespmem:$0x3870] =	vst v1  }
0x26f: {  	[tilespmem:s16], [sflag:$0x1] =	stream.indirect.gather [hbm4b:s1+s14], $0x80, s15, s14, $0xb8;
	[tilespmem:$0x17A00] =	vst v63  }
0x270: {  	_ = 	snop  }
0x271: {  	[tilespmem:s17], [sflag:$0x1] =	stream.indirect.gather [hbm4b:s2+s14], $0x80, s15, s14, $0xb8;
	[tilespmem:$0x17A00] =	vst v63  }
0x272: {  	_ =	swait.ge [sflag:s25], $0x4000  }
0x273: {  	[sflag:s25] =	ssyncset.done $0x0  }
0x274: {  	[sflag:s25] =	ssyncadd.s32 $0xFFFFC000  }
0x275: {  	_ =	swait.ge [sflag:s25], $0x4000  }
0x276: {  	[sflag:s25] =	ssyncset.done $0x0  }
0x277: {  	[sflag:s25] =	ssyncadd.s32 $0xFFFFC000  }
0x278: {  	[spmem:s4] =	stream.indirect.scatter.add.f32 [tilespmem:s19], [sflag:$0x4], $0x80, s26, s14, $0xb8;
	[tilespmem:$0x17A00] =	vst v63  }
0x279: {  	s0 =	sadd.s32 $0x3800, s7  }
0x27a: {  	[hbm4b:s0+s5] =	stream.linear.scatter [tilespmem:s20], [sflag:$0x6], $0x4000, $0x38;
	[tilespmem:$0x17A00] =	vst v63  }
0x27b: {  	_ =	swait.ge [sflag:s28], $0x4000  }
0x27c: {  	[sflag:s28] =	ssyncset.done $0x0  }
0x27d: {  	[sflag:s28] =	ssyncadd.s32 $0xFFFFC000  }
0x27e: {  	_ =	swait.ge [sflag:s29], $0x4000  }
0x27f: {  	[sflag:s29] =	ssyncset.done $0x0  }
0x280: {  	[sflag:s29] =	ssyncadd.s32 $0xFFFFC000  }
0x281: {  	v1 =	vld [tilespmem:$0x2C80];
	_ =	sdelay $0x6  }
0x282: {  	v2 =	vld [tilespmem:$0x2C90];
	[tilespmem:$0x3980] =	vst v1  }
0x283: {  	v1 =	vld.idx.msk [tilespmem:v1+s5+$0x0], $0xffff;
	_ =	sdelay $0x3  }
0x284: {  	[tilespmem:$0x3990] =	vst v2  }
0x285: {  	[tilespmem:$0x3480] =	vst v1;
	v1 =	vadd.s32 v38, v1  }
0x286: {  	[tilespmem:$0x3880] =	vst v1  }
0x287: {  	v1 =	vld.idx.msk [tilespmem:v2+s5+$0x0], $0xffff  }
0x288: {  	v2 =	vld [tilespmem:$0x2CA0];
	_ =	sdelay $0x4  }
0x289: {  	[tilespmem:$0x3490] =	vst v1  }
0x28a: {  	v1 =	vadd.s32 v38, v1;
	[tilespmem:$0x39A0] =	vst v2  }
0x28b: {  	[tilespmem:$0x3890] =	vst v1  }
0x28c: {  	v1 =	vld.idx.msk [tilespmem:v2+s5+$0x0], $0xffff  }
0x28d: {  	v2 =	vld [tilespmem:$0x2CB0];
	_ =	sdelay $0x4  }
0x28e: {  	[tilespmem:$0x34A0] =	vst v1  }
0x28f: {  	v1 =	vadd.s32 v39, v1;
	[tilespmem:$0x39B0] =	vst v2  }
0x290: {  	[tilespmem:$0x38A0] =	vst v1  }
0x291: {  	v1 =	vld.idx.msk [tilespmem:v2+s5+$0x0], $0xffff  }
0x292: {  	v2 =	vld [tilespmem:$0x2CC0];
	_ =	sdelay $0x4  }
0x293: {  	[tilespmem:$0x34B0] =	vst v1  }
0x294: {  	v1 =	vadd.s32 v39, v1;
	[tilespmem:$0x39C0] =	vst v2  }
0x295: {  	[tilespmem:$0x38B0] =	vst v1  }
0x296: {  	v1 =	vld.idx.msk [tilespmem:v2+s5+$0x0], $0xffff  }
0x297: {  	v2 =	vld [tilespmem:$0x2CD0];
	_ =	sdelay $0x4  }
0x298: {  	[tilespmem:$0x34C0] =	vst v1  }
0x299: {  	v1 =	vadd.s32 v40, v1;
	[tilespmem:$0x39D0] =	vst v2  }
0x29a: {  	[tilespmem:$0x38C0] =	vst v1  }
0x29b: {  	v1 =	vld.idx.msk [tilespmem:v2+s5+$0x0], $0xffff  }
0x29c: {  	v2 =	vld [tilespmem:$0x2CE0];
	_ =	sdelay $0x4  }
0x29d: {  	[tilespmem:$0x34D0] =	vst v1  }
0x29e: {  	v1 =	vadd.s32 v40, v1;
	[tilespmem:$0x39E0] =	vst v2  }
0x29f: {  	[tilespmem:$0x38D0] =	vst v1  }
0x2a0: {  	v1 =	vld.idx.msk [tilespmem:v2+s5+$0x0], $0xffff  }
0x2a1: {  	v2 =	vld [tilespmem:$0x2CF0];
	_ =	sdelay $0x4  }
0x2a2: {  	[tilespmem:$0x34E0] =	vst v1  }
0x2a3: {  	v1 =	vadd.s32 v41, v1;
	[tilespmem:$0x39F0] =	vst v2  }
0x2a4: {  	[tilespmem:$0x38E0] =	vst v1  }
0x2a5: {  	v1 =	vld.idx.msk [tilespmem:v2+s5+$0x0], $0xffff;
	_ =	sdelay $0x4  }
0x2a6: {  	[tilespmem:$0x34F0] =	vst v1;
	v1 =	vadd.s32 v41, v1  }
0x2a7: {  	[tilespmem:$0x38F0] =	vst v1  }
0x2a8: {  	[tilespmem:s19], [sflag:$0x2] =	stream.indirect.gather [hbm4b:s1+s14], $0x80, s18, s14, $0xb8;
	[tilespmem:$0x17A00] =	vst v63  }
0x2a9: {  	_ = 	snop  }
0x2aa: {  	[tilespmem:s20], [sflag:$0x2] =	stream.indirect.gather [hbm4b:s2+s14], $0x80, s18, s14, $0xb8;
	[tilespmem:$0x17A00] =	vst v63  }
0x2ab: {  	_ =	swait.ge [sflag:s21], $0x4000  }
0x2ac: {  	[sflag:s21] =	ssyncset.done $0x0  }
0x2ad: {  	[sflag:s21] =	ssyncadd.s32 $0xFFFFC000  }
0x2ae: {  	_ =	swait.ge [sflag:s21], $0x4000  }
0x2af: {  	[sflag:s21] =	ssyncset.done $0x0  }
0x2b0: {  	[sflag:s21] =	ssyncadd.s32 $0xFFFFC000  }
0x2b1: {  	[spmem:s4] =	stream.indirect.scatter.add.f32 [tilespmem:s16], [sflag:$0x3], $0x80, s22, s14, $0xb8;
	[tilespmem:$0x17A00] =	vst v63  }
0x2b2: {  	s0 =	sadd.s32 $0x4000, s7  }
0x2b3: {  	[hbm4b:s0+s5] =	stream.linear.scatter [tilespmem:s17], [sflag:$0x5], $0x4000, $0x38;
	[tilespmem:$0x17A00] =	vst v63  }
0x2b4: {  	_ =	swait.ge [sflag:s23], $0x4000  }
0x2b5: {  	[sflag:s23] =	ssyncset.done $0x0  }
0x2b6: {  	[sflag:s23] =	ssyncadd.s32 $0xFFFFC000  }
0x2b7: {  	_ =	swait.ge [sflag:s24], $0x4000  }
0x2b8: {  	[sflag:s24] =	ssyncset.done $0x0  }
0x2b9: {  	[sflag:s24] =	ssyncadd.s32 $0xFFFFC000  }
0x2ba: {  	v1 =	vld [tilespmem:$0x2D00];
	_ =	sdelay $0x6  }
0x2bb: {  	v2 =	vld [tilespmem:$0x2D10];
	[tilespmem:$0x3900] =	vst v1  }
0x2bc: {  	v1 =	vld.idx.msk [tilespmem:v1+s5+$0x0], $0xffff;
	_ =	sdelay $0x3  }
0x2bd: {  	[tilespmem:$0x3910] =	vst v2  }
0x2be: {  	[tilespmem:$0x3500] =	vst v1;
	v1 =	vadd.s32 v42, v1  }
0x2bf: {  	[tilespmem:$0x3800] =	vst v1  }
0x2c0: {  	v1 =	vld.idx.msk [tilespmem:v2+s5+$0x0], $0xffff  }
0x2c1: {  	v2 =	vld [tilespmem:$0x2D20];
	_ =	sdelay $0x4  }
0x2c2: {  	[tilespmem:$0x3510] =	vst v1  }
0x2c3: {  	v1 =	vadd.s32 v42, v1;
	[tilespmem:$0x3920] =	vst v2  }
0x2c4: {  	[tilespmem:$0x3810] =	vst v1  }
0x2c5: {  	v1 =	vld.idx.msk [tilespmem:v2+s5+$0x0], $0xffff  }
0x2c6: {  	v2 =	vld [tilespmem:$0x2D30];
	_ =	sdelay $0x4  }
0x2c7: {  	[tilespmem:$0x3520] =	vst v1  }
0x2c8: {  	v1 =	vadd.s32 v44, v1;
	[tilespmem:$0x3930] =	vst v2  }
0x2c9: {  	[tilespmem:$0x3820] =	vst v1  }
0x2ca: {  	v1 =	vld.idx.msk [tilespmem:v2+s5+$0x0], $0xffff  }
0x2cb: {  	v2 =	vld [tilespmem:$0x2D40];
	_ =	sdelay $0x4  }
0x2cc: {  	[tilespmem:$0x3530] =	vst v1  }
0x2cd: {  	v1 =	vadd.s32 v44, v1;
	[tilespmem:$0x3940] =	vst v2  }
0x2ce: {  	[tilespmem:$0x3830] =	vst v1  }
0x2cf: {  	v1 =	vld.idx.msk [tilespmem:v2+s5+$0x0], $0xffff  }
0x2d0: {  	v2 =	vld [tilespmem:$0x2D50];
	_ =	sdelay $0x4  }
0x2d1: {  	[tilespmem:$0x3540] =	vst v1  }
0x2d2: {  	v1 =	vadd.s32 v43, v1;
	[tilespmem:$0x3950] =	vst v2  }
0x2d3: {  	[tilespmem:$0x3840] =	vst v1  }
0x2d4: {  	v1 =	vld.idx.msk [tilespmem:v2+s5+$0x0], $0xffff  }
0x2d5: {  	v2 =	vld [tilespmem:$0x2D60];
	_ =	sdelay $0x4  }
0x2d6: {  	[tilespmem:$0x3550] =	vst v1  }
0x2d7: {  	v1 =	vadd.s32 v43, v1;
	[tilespmem:$0x3960] =	vst v2  }
0x2d8: {  	[tilespmem:$0x3850] =	vst v1  }
0x2d9: {  	v1 =	vld.idx.msk [tilespmem:v2+s5+$0x0], $0xffff  }
0x2da: {  	v2 =	vld [tilespmem:$0x2D70];
	_ =	sdelay $0x4  }
0x2db: {  	[tilespmem:$0x3560] =	vst v1  }
0x2dc: {  	v1 =	vadd.s32 v45, v1;
	[tilespmem:$0x3970] =	vst v2  }
0x2dd: {  	[tilespmem:$0x3860] =	vst v1  }
0x2de: {  	v1 =	vld.idx.msk [tilespmem:v2+s5+$0x0], $0xffff;
	_ =	sdelay $0x4  }
0x2df: {  	[tilespmem:$0x3570] =	vst v1;
	v1 =	vadd.s32 v45, v1  }
0x2e0: {  	[tilespmem:$0x3870] =	vst v1  }
0x2e1: {  	[tilespmem:s16], [sflag:$0x1] =	stream.indirect.gather [hbm4b:s1+s14], $0x80, s15, s14, $0xb8;
	[tilespmem:$0x17A00] =	vst v63  }
0x2e2: {  	_ = 	snop  }
0x2e3: {  	[tilespmem:s17], [sflag:$0x1] =	stream.indirect.gather [hbm4b:s2+s14], $0x80, s15, s14, $0xb8;
	[tilespmem:$0x17A00] =	vst v63  }
0x2e4: {  	_ =	swait.ge [sflag:s25], $0x4000  }
0x2e5: {  	[sflag:s25] =	ssyncset.done $0x0  }
0x2e6: {  	[sflag:s25] =	ssyncadd.s32 $0xFFFFC000  }
0x2e7: {  	_ =	swait.ge [sflag:s25], $0x4000  }
0x2e8: {  	[sflag:s25] =	ssyncset.done $0x0  }
0x2e9: {  	[sflag:s25] =	ssyncadd.s32 $0xFFFFC000  }
0x2ea: {  	[spmem:s4] =	stream.indirect.scatter.add.f32 [tilespmem:s19], [sflag:$0x4], $0x80, s26, s14, $0xb8;
	[tilespmem:$0x17A00] =	vst v63  }
0x2eb: {  	s0 =	sadd.s32 $0x4800, s7  }
0x2ec: {  	[hbm4b:s0+s5] =	stream.linear.scatter [tilespmem:s20], [sflag:$0x6], $0x4000, $0x38;
	[tilespmem:$0x17A00] =	vst v63  }
0x2ed: {  	_ =	swait.ge [sflag:s28], $0x4000  }
0x2ee: {  	[sflag:s28] =	ssyncset.done $0x0  }
0x2ef: {  	[sflag:s28] =	ssyncadd.s32 $0xFFFFC000  }
0x2f0: {  	_ =	swait.ge [sflag:s29], $0x4000  }
0x2f1: {  	[sflag:s29] =	ssyncset.done $0x0  }
0x2f2: {  	[sflag:s29] =	ssyncadd.s32 $0xFFFFC000  }
0x2f3: {  	v1 =	vld [tilespmem:$0x2D80];
	_ =	sdelay $0x6  }
0x2f4: {  	v2 =	vld [tilespmem:$0x2D90];
	[tilespmem:$0x3980] =	vst v1  }
0x2f5: {  	v1 =	vld.idx.msk [tilespmem:v1+s5+$0x0], $0xffff;
	_ =	sdelay $0x3  }
0x2f6: {  	[tilespmem:$0x3990] =	vst v2  }
0x2f7: {  	[tilespmem:$0x3580] =	vst v1;
	v1 =	vadd.s32 v46, v1  }
0x2f8: {  	[tilespmem:$0x3880] =	vst v1  }
0x2f9: {  	v1 =	vld.idx.msk [tilespmem:v2+s5+$0x0], $0xffff  }
0x2fa: {  	v2 =	vld [tilespmem:$0x2DA0];
	_ =	sdelay $0x4  }
0x2fb: {  	[tilespmem:$0x3590] =	vst v1  }
0x2fc: {  	v1 =	vadd.s32 v46, v1;
	[tilespmem:$0x39A0] =	vst v2  }
0x2fd: {  	[tilespmem:$0x3890] =	vst v1  }
0x2fe: {  	v1 =	vld.idx.msk [tilespmem:v2+s5+$0x0], $0xffff  }
0x2ff: {  	v2 =	vld [tilespmem:$0x2DB0];
	_ =	sdelay $0x4  }
0x300: {  	[tilespmem:$0x35A0] =	vst v1  }
0x301: {  	v1 =	vadd.s32 v47, v1;
	[tilespmem:$0x39B0] =	vst v2  }
0x302: {  	[tilespmem:$0x38A0] =	vst v1  }
0x303: {  	v1 =	vld.idx.msk [tilespmem:v2+s5+$0x0], $0xffff  }
0x304: {  	v2 =	vld [tilespmem:$0x2DC0];
	_ =	sdelay $0x4  }
0x305: {  	[tilespmem:$0x35B0] =	vst v1  }
0x306: {  	v1 =	vadd.s32 v47, v1;
	[tilespmem:$0x39C0] =	vst v2  }
0x307: {  	[tilespmem:$0x38B0] =	vst v1  }
0x308: {  	v1 =	vld.idx.msk [tilespmem:v2+s5+$0x0], $0xffff  }
0x309: {  	v2 =	vld [tilespmem:$0x2DD0];
	_ =	sdelay $0x4  }
0x30a: {  	[tilespmem:$0x35C0] =	vst v1  }
0x30b: {  	v1 =	vadd.s32 v48, v1;
	[tilespmem:$0x39D0] =	vst v2  }
0x30c: {  	[tilespmem:$0x38C0] =	vst v1  }
0x30d: {  	v1 =	vld.idx.msk [tilespmem:v2+s5+$0x0], $0xffff  }
0x30e: {  	v2 =	vld [tilespmem:$0x2DE0];
	_ =	sdelay $0x4  }
0x30f: {  	[tilespmem:$0x35D0] =	vst v1  }
0x310: {  	v1 =	vadd.s32 v48, v1;
	[tilespmem:$0x39E0] =	vst v2  }
0x311: {  	[tilespmem:$0x38D0] =	vst v1  }
0x312: {  	v1 =	vld.idx.msk [tilespmem:v2+s5+$0x0], $0xffff  }
0x313: {  	v2 =	vld [tilespmem:$0x2DF0];
	_ =	sdelay $0x4  }
0x314: {  	[tilespmem:$0x35E0] =	vst v1  }
0x315: {  	v1 =	vadd.s32 v49, v1;
	[tilespmem:$0x39F0] =	vst v2  }
0x316: {  	[tilespmem:$0x38E0] =	vst v1  }
0x317: {  	v1 =	vld.idx.msk [tilespmem:v2+s5+$0x0], $0xffff;
	_ =	sdelay $0x4  }
0x318: {  	[tilespmem:$0x35F0] =	vst v1;
	v1 =	vadd.s32 v49, v1  }
0x319: {  	[tilespmem:$0x38F0] =	vst v1  }
0x31a: {  	[tilespmem:s19], [sflag:$0x2] =	stream.indirect.gather [hbm4b:s1+s14], $0x80, s18, s14, $0xb8;
	[tilespmem:$0x17A00] =	vst v63  }
0x31b: {  	_ = 	snop  }
0x31c: {  	[tilespmem:s20], [sflag:$0x2] =	stream.indirect.gather [hbm4b:s2+s14], $0x80, s18, s14, $0xb8;
	[tilespmem:$0x17A00] =	vst v63  }
0x31d: {  	_ =	swait.ge [sflag:s21], $0x4000  }
0x31e: {  	[sflag:s21] =	ssyncset.done $0x0  }
0x31f: {  	[sflag:s21] =	ssyncadd.s32 $0xFFFFC000  }
0x320: {  	_ =	swait.ge [sflag:s21], $0x4000  }
0x321: {  	[sflag:s21] =	ssyncset.done $0x0  }
0x322: {  	[sflag:s21] =	ssyncadd.s32 $0xFFFFC000  }
0x323: {  	[spmem:s4] =	stream.indirect.scatter.add.f32 [tilespmem:s16], [sflag:$0x3], $0x80, s22, s14, $0xb8;
	[tilespmem:$0x17A00] =	vst v63  }
0x324: {  	s0 =	sadd.s32 $0x5000, s7  }
0x325: {  	[hbm4b:s0+s5] =	stream.linear.scatter [tilespmem:s17], [sflag:$0x5], $0x4000, $0x38;
	[tilespmem:$0x17A00] =	vst v63  }
0x326: {  	_ =	swait.ge [sflag:s23], $0x4000  }
0x327: {  	[sflag:s23] =	ssyncset.done $0x0  }
0x328: {  	[sflag:s23] =	ssyncadd.s32 $0xFFFFC000  }
0x329: {  	_ =	swait.ge [sflag:s24], $0x4000  }
0x32a: {  	[sflag:s24] =	ssyncset.done $0x0  }
0x32b: {  	[sflag:s24] =	ssyncadd.s32 $0xFFFFC000  }
0x32c: {  	v1 =	vld [tilespmem:$0x2E00];
	_ =	sdelay $0x6  }
0x32d: {  	v2 =	vld [tilespmem:$0x2E10];
	[tilespmem:$0x3900] =	vst v1  }
0x32e: {  	v1 =	vld.idx.msk [tilespmem:v1+s5+$0x0], $0xffff;
	_ =	sdelay $0x3  }
0x32f: {  	[tilespmem:$0x3910] =	vst v2  }
0x330: {  	[tilespmem:$0x3600] =	vst v1;
	v1 =	vadd.s32 v50, v1  }
0x331: {  	[tilespmem:$0x3800] =	vst v1  }
0x332: {  	v1 =	vld.idx.msk [tilespmem:v2+s5+$0x0], $0xffff  }
0x333: {  	v2 =	vld [tilespmem:$0x2E20];
	_ =	sdelay $0x4  }
0x334: {  	[tilespmem:$0x3610] =	vst v1  }
0x335: {  	v1 =	vadd.s32 v50, v1;
	[tilespmem:$0x3920] =	vst v2  }
0x336: {  	[tilespmem:$0x3810] =	vst v1  }
0x337: {  	v1 =	vld.idx.msk [tilespmem:v2+s5+$0x0], $0xffff  }
0x338: {  	v2 =	vld [tilespmem:$0x2E30];
	_ =	sdelay $0x4  }
0x339: {  	[tilespmem:$0x3620] =	vst v1  }
0x33a: {  	v1 =	vadd.s32 v51, v1;
	[tilespmem:$0x3930] =	vst v2  }
0x33b: {  	[tilespmem:$0x3820] =	vst v1  }
0x33c: {  	v1 =	vld.idx.msk [tilespmem:v2+s5+$0x0], $0xffff  }
0x33d: {  	v2 =	vld [tilespmem:$0x2E40];
	_ =	sdelay $0x4  }
0x33e: {  	[tilespmem:$0x3630] =	vst v1  }
0x33f: {  	v1 =	vadd.s32 v51, v1;
	[tilespmem:$0x3940] =	vst v2  }
0x340: {  	[tilespmem:$0x3830] =	vst v1  }
0x341: {  	v1 =	vld.idx.msk [tilespmem:v2+s5+$0x0], $0xffff  }
0x342: {  	v2 =	vld [tilespmem:$0x2E50];
	_ =	sdelay $0x4  }
0x343: {  	[tilespmem:$0x3640] =	vst v1  }
0x344: {  	v1 =	vadd.s32 v52, v1;
	[tilespmem:$0x3950] =	vst v2  }
0x345: {  	[tilespmem:$0x3840] =	vst v1  }
0x346: {  	v1 =	vld.idx.msk [tilespmem:v2+s5+$0x0], $0xffff  }
0x347: {  	v2 =	vld [tilespmem:$0x2E60];
	_ =	sdelay $0x4  }
0x348: {  	[tilespmem:$0x3650] =	vst v1  }
0x349: {  	v1 =	vadd.s32 v52, v1;
	[tilespmem:$0x3960] =	vst v2  }
0x34a: {  	[tilespmem:$0x3850] =	vst v1  }
0x34b: {  	v1 =	vld.idx.msk [tilespmem:v2+s5+$0x0], $0xffff  }
0x34c: {  	v2 =	vld [tilespmem:$0x2E70];
	_ =	sdelay $0x4  }
0x34d: {  	[tilespmem:$0x3660] =	vst v1  }
0x34e: {  	v1 =	vadd.s32 v53, v1;
	[tilespmem:$0x3970] =	vst v2  }
0x34f: {  	[tilespmem:$0x3860] =	vst v1  }
0x350: {  	v1 =	vld.idx.msk [tilespmem:v2+s5+$0x0], $0xffff;
	_ =	sdelay $0x4  }
0x351: {  	[tilespmem:$0x3670] =	vst v1;
	v1 =	vadd.s32 v53, v1  }
0x352: {  	[tilespmem:$0x3870] =	vst v1  }
0x353: {  	[tilespmem:s16], [sflag:$0x1] =	stream.indirect.gather [hbm4b:s1+s14], $0x80, s15, s14, $0xb8;
	[tilespmem:$0x17A00] =	vst v63  }
0x354: {  	_ = 	snop  }
0x355: {  	[tilespmem:s17], [sflag:$0x1] =	stream.indirect.gather [hbm4b:s2+s14], $0x80, s15, s14, $0xb8;
	[tilespmem:$0x17A00] =	vst v63  }
0x356: {  	_ =	swait.ge [sflag:s25], $0x4000  }
0x357: {  	[sflag:s25] =	ssyncset.done $0x0  }
0x358: {  	[sflag:s25] =	ssyncadd.s32 $0xFFFFC000  }
0x359: {  	_ =	swait.ge [sflag:s25], $0x4000  }
0x35a: {  	[sflag:s25] =	ssyncset.done $0x0  }
0x35b: {  	[sflag:s25] =	ssyncadd.s32 $0xFFFFC000  }
0x35c: {  	[spmem:s4] =	stream.indirect.scatter.add.f32 [tilespmem:s19], [sflag:$0x4], $0x80, s26, s14, $0xb8;
	[tilespmem:$0x17A00] =	vst v63  }
0x35d: {  	s0 =	sadd.s32 $0x5800, s7  }
0x35e: {  	[hbm4b:s0+s5] =	stream.linear.scatter [tilespmem:s20], [sflag:$0x6], $0x4000, $0x38;
	[tilespmem:$0x17A00] =	vst v63  }
0x35f: {  	_ =	swait.ge [sflag:s28], $0x4000  }
0x360: {  	[sflag:s28] =	ssyncset.done $0x0  }
0x361: {  	[sflag:s28] =	ssyncadd.s32 $0xFFFFC000  }
0x362: {  	_ =	swait.ge [sflag:s29], $0x4000  }
0x363: {  	[sflag:s29] =	ssyncset.done $0x0  }
0x364: {  	[sflag:s29] =	ssyncadd.s32 $0xFFFFC000  }
0x365: {  	v1 =	vld [tilespmem:$0x2E80];
	_ =	sdelay $0x6  }
0x366: {  	v2 =	vld [tilespmem:$0x2E90];
	[tilespmem:$0x3980] =	vst v1  }
0x367: {  	v1 =	vld.idx.msk [tilespmem:v1+s5+$0x0], $0xffff;
	_ =	sdelay $0x3  }
0x368: {  	[tilespmem:$0x3990] =	vst v2  }
0x369: {  	[tilespmem:$0x3680] =	vst v1;
	v1 =	vadd.s32 v54, v1  }
0x36a: {  	[tilespmem:$0x3880] =	vst v1  }
0x36b: {  	v1 =	vld.idx.msk [tilespmem:v2+s5+$0x0], $0xffff  }
0x36c: {  	v2 =	vld [tilespmem:$0x2EA0];
	_ =	sdelay $0x4  }
0x36d: {  	[tilespmem:$0x3690] =	vst v1  }
0x36e: {  	v1 =	vadd.s32 v54, v1;
	[tilespmem:$0x39A0] =	vst v2  }
0x36f: {  	[tilespmem:$0x3890] =	vst v1  }
0x370: {  	v1 =	vld.idx.msk [tilespmem:v2+s5+$0x0], $0xffff  }
0x371: {  	v2 =	vld [tilespmem:$0x2EB0];
	_ =	sdelay $0x4  }
0x372: {  	[tilespmem:$0x36A0] =	vst v1  }
0x373: {  	v1 =	vadd.s32 v55, v1;
	[tilespmem:$0x39B0] =	vst v2  }
0x374: {  	[tilespmem:$0x38A0] =	vst v1  }
0x375: {  	v1 =	vld.idx.msk [tilespmem:v2+s5+$0x0], $0xffff  }
0x376: {  	v2 =	vld [tilespmem:$0x2EC0];
	_ =	sdelay $0x4  }
0x377: {  	[tilespmem:$0x36B0] =	vst v1  }
0x378: {  	v1 =	vadd.s32 v55, v1;
	[tilespmem:$0x39C0] =	vst v2  }
0x379: {  	[tilespmem:$0x38B0] =	vst v1  }
0x37a: {  	v1 =	vld.idx.msk [tilespmem:v2+s5+$0x0], $0xffff  }
0x37b: {  	v2 =	vld [tilespmem:$0x2ED0];
	_ =	sdelay $0x4  }
0x37c: {  	[tilespmem:$0x36C0] =	vst v1  }
0x37d: {  	v1 =	vadd.s32 v56, v1;
	[tilespmem:$0x39D0] =	vst v2  }
0x37e: {  	[tilespmem:$0x38C0] =	vst v1  }
0x37f: {  	v1 =	vld.idx.msk [tilespmem:v2+s5+$0x0], $0xffff  }
0x380: {  	v2 =	vld [tilespmem:$0x2EE0];
	_ =	sdelay $0x4  }
0x381: {  	[tilespmem:$0x36D0] =	vst v1  }
0x382: {  	v1 =	vadd.s32 v56, v1;
	[tilespmem:$0x39E0] =	vst v2  }
0x383: {  	[tilespmem:$0x38D0] =	vst v1  }
0x384: {  	v1 =	vld.idx.msk [tilespmem:v2+s5+$0x0], $0xffff  }
0x385: {  	v2 =	vld [tilespmem:$0x2EF0];
	_ =	sdelay $0x4  }
0x386: {  	[tilespmem:$0x36E0] =	vst v1  }
0x387: {  	v1 =	vadd.s32 v57, v1;
	[tilespmem:$0x39F0] =	vst v2  }
0x388: {  	[tilespmem:$0x38E0] =	vst v1  }
0x389: {  	v1 =	vld.idx.msk [tilespmem:v2+s5+$0x0], $0xffff;
	_ =	sdelay $0x4  }
0x38a: {  	[tilespmem:$0x36F0] =	vst v1;
	v1 =	vadd.s32 v57, v1  }
0x38b: {  	[tilespmem:$0x38F0] =	vst v1  }
0x38c: {  	[tilespmem:s19], [sflag:$0x2] =	stream.indirect.gather [hbm4b:s1+s14], $0x80, s18, s14, $0xb8;
	[tilespmem:$0x17A00] =	vst v63  }
0x38d: {  	_ = 	snop  }
0x38e: {  	[tilespmem:s20], [sflag:$0x2] =	stream.indirect.gather [hbm4b:s2+s14], $0x80, s18, s14, $0xb8;
	[tilespmem:$0x17A00] =	vst v63  }
0x38f: {  	_ =	swait.ge [sflag:s21], $0x4000  }
0x390: {  	[sflag:s21] =	ssyncset.done $0x0  }
0x391: {  	[sflag:s21] =	ssyncadd.s32 $0xFFFFC000  }
0x392: {  	_ =	swait.ge [sflag:s21], $0x4000  }
0x393: {  	[sflag:s21] =	ssyncset.done $0x0  }
0x394: {  	[sflag:s21] =	ssyncadd.s32 $0xFFFFC000  }
0x395: {  	[spmem:s4] =	stream.indirect.scatter.add.f32 [tilespmem:s16], [sflag:$0x3], $0x80, s22, s14, $0xb8;
	[tilespmem:$0x17A00] =	vst v63  }
0x396: {  	s0 =	sadd.s32 $0x6000, s7  }
0x397: {  	[hbm4b:s0+s5] =	stream.linear.scatter [tilespmem:s17], [sflag:$0x5], $0x4000, $0x38;
	[tilespmem:$0x17A00] =	vst v63  }
0x398: {  	_ =	swait.ge [sflag:s23], $0x4000  }
0x399: {  	[sflag:s23] =	ssyncset.done $0x0  }
0x39a: {  	[sflag:s23] =	ssyncadd.s32 $0xFFFFC000  }
0x39b: {  	_ =	swait.ge [sflag:s24], $0x4000  }
0x39c: {  	[sflag:s24] =	ssyncset.done $0x0  }
0x39d: {  	[sflag:s24] =	ssyncadd.s32 $0xFFFFC000  }
0x39e: {  	v1 =	vld [tilespmem:$0x2F00];
	_ =	sdelay $0x6  }
0x39f: {  	v2 =	vld [tilespmem:$0x2F10];
	[tilespmem:$0x3900] =	vst v1  }
0x3a0: {  	v1 =	vld.idx.msk [tilespmem:v1+s5+$0x0], $0xffff;
	_ =	sdelay $0x3  }
0x3a1: {  	[tilespmem:$0x3910] =	vst v2  }
0x3a2: {  	[tilespmem:$0x3700] =	vst v1;
	v1 =	vadd.s32 v58, v1  }
0x3a3: {  	[tilespmem:$0x3800] =	vst v1  }
0x3a4: {  	v1 =	vld.idx.msk [tilespmem:v2+s5+$0x0], $0xffff  }
0x3a5: {  	v2 =	vld [tilespmem:$0x2F20];
	_ =	sdelay $0x4  }
0x3a6: {  	[tilespmem:$0x3710] =	vst v1  }
0x3a7: {  	v1 =	vadd.s32 v58, v1;
	[tilespmem:$0x3920] =	vst v2  }
0x3a8: {  	[tilespmem:$0x3810] =	vst v1  }
0x3a9: {  	v1 =	vld.idx.msk [tilespmem:v2+s5+$0x0], $0xffff  }
0x3aa: {  	v2 =	vld [tilespmem:$0x2F30];
	_ =	sdelay $0x4  }
0x3ab: {  	[tilespmem:$0x3720] =	vst v1  }
0x3ac: {  	v1 =	vadd.s32 v59, v1;
	[tilespmem:$0x3930] =	vst v2  }
0x3ad: {  	[tilespmem:$0x3820] =	vst v1  }
0x3ae: {  	v1 =	vld.idx.msk [tilespmem:v2+s5+$0x0], $0xffff  }
0x3af: {  	v2 =	vld [tilespmem:$0x2F40];
	_ =	sdelay $0x4  }
0x3b0: {  	[tilespmem:$0x3730] =	vst v1  }
0x3b1: {  	v1 =	vadd.s32 v59, v1;
	[tilespmem:$0x3940] =	vst v2  }
0x3b2: {  	[tilespmem:$0x3830] =	vst v1  }
0x3b3: {  	v1 =	vld.idx.msk [tilespmem:v2+s5+$0x0], $0xffff  }
0x3b4: {  	v2 =	vld [tilespmem:$0x2F50];
	_ =	sdelay $0x4  }
0x3b5: {  	[tilespmem:$0x3740] =	vst v1  }
0x3b6: {  	v1 =	vadd.s32 v60, v1;
	[tilespmem:$0x3950] =	vst v2  }
0x3b7: {  	[tilespmem:$0x3840] =	vst v1  }
0x3b8: {  	v1 =	vld.idx.msk [tilespmem:v2+s5+$0x0], $0xffff  }
0x3b9: {  	v2 =	vld [tilespmem:$0x2F60];
	_ =	sdelay $0x4  }
0x3ba: {  	[tilespmem:$0x3750] =	vst v1  }
0x3bb: {  	v1 =	vadd.s32 v60, v1;
	[tilespmem:$0x3960] =	vst v2  }
0x3bc: {  	[tilespmem:$0x3850] =	vst v1  }
0x3bd: {  	v1 =	vld.idx.msk [tilespmem:v2+s5+$0x0], $0xffff  }
0x3be: {  	v2 =	vld [tilespmem:$0x2F70];
	_ =	sdelay $0x4  }
0x3bf: {  	[tilespmem:$0x3760] =	vst v1  }
0x3c0: {  	v1 =	vadd.s32 v61, v1;
	[tilespmem:$0x3970] =	vst v2  }
0x3c1: {  	[tilespmem:$0x3860] =	vst v1  }
0x3c2: {  	v1 =	vld.idx.msk [tilespmem:v2+s5+$0x0], $0xffff;
	_ =	sdelay $0x4  }
0x3c3: {  	[tilespmem:$0x3770] =	vst v1;
	v1 =	vadd.s32 v61, v1  }
0x3c4: {  	[tilespmem:$0x3870] =	vst v1  }
0x3c5: {  	[tilespmem:s16], [sflag:$0x1] =	stream.indirect.gather [hbm4b:s1+s14], $0x80, s15, s14, $0xb8;
	[tilespmem:$0x17A00] =	vst v63  }
0x3c6: {  	_ = 	snop  }
0x3c7: {  	[tilespmem:s17], [sflag:$0x1] =	stream.indirect.gather [hbm4b:s2+s14], $0x80, s15, s14, $0xb8;
	[tilespmem:$0x17A00] =	vst v63  }
0x3c8: {  	_ =	swait.ge [sflag:s25], $0x4000  }
0x3c9: {  	[sflag:s25] =	ssyncset.done $0x0  }
0x3ca: {  	[sflag:s25] =	ssyncadd.s32 $0xFFFFC000  }
0x3cb: {  	_ =	swait.ge [sflag:s25], $0x4000  }
0x3cc: {  	[sflag:s25] =	ssyncset.done $0x0  }
0x3cd: {  	[sflag:s25] =	ssyncadd.s32 $0xFFFFC000  }
0x3ce: {  	[spmem:s4] =	stream.indirect.scatter.add.f32 [tilespmem:s19], [sflag:$0x4], $0x80, s26, s14, $0xb8;
	[tilespmem:$0x17A00] =	vst v63  }
0x3cf: {  	s0 =	sadd.s32 $0x6800, s7  }
0x3d0: {  	[hbm4b:s0+s5] =	stream.linear.scatter [tilespmem:s20], [sflag:$0x6], $0x4000, $0x38;
	[tilespmem:$0x17A00] =	vst v63  }
0x3d1: {  	_ =	swait.ge [sflag:s28], $0x4000  }
0x3d2: {  	[sflag:s28] =	ssyncset.done $0x0  }
0x3d3: {  	[sflag:s28] =	ssyncadd.s32 $0xFFFFC000  }
0x3d4: {  	_ =	swait.ge [sflag:s29], $0x4000  }
0x3d5: {  	[sflag:s29] =	ssyncset.done $0x0  }
0x3d6: {  	[sflag:s29] =	ssyncadd.s32 $0xFFFFC000  }
0x3d7: {  	v1 =	vld [tilespmem:$0x2F80];
	_ =	sdelay $0x6  }
0x3d8: {  	v2 =	vld [tilespmem:$0x2F90];
	[tilespmem:$0x3980] =	vst v1  }
0x3d9: {  	v1 =	vld.idx.msk [tilespmem:v1+s5+$0x0], $0xffff;
	_ =	sdelay $0x3  }
0x3da: {  	[tilespmem:$0x3990] =	vst v2  }
0x3db: {  	[tilespmem:$0x3780] =	vst v1;
	v1 =	vadd.s32 v62, v1  }
0x3dc: {  	[tilespmem:$0x3880] =	vst v1  }
0x3dd: {  	v1 =	vld.idx.msk [tilespmem:v2+s5+$0x0], $0xffff  }
0x3de: {  	v2 =	vld [tilespmem:$0x2FA0];
	_ =	sdelay $0x4  }
0x3df: {  	[tilespmem:$0x3790] =	vst v1  }
0x3e0: {  	v1 =	vadd.s32 v62, v1;
	[tilespmem:$0x39A0] =	vst v2  }
0x3e1: {  	[tilespmem:$0x3890] =	vst v1  }
0x3e2: {  	v1 =	vld.idx.msk [tilespmem:v2+s5+$0x0], $0xffff  }
0x3e3: {  	v2 =	vld [tilespmem:$0x2FB0];
	_ =	sdelay $0x4  }
0x3e4: {  	[tilespmem:$0x37A0] =	vst v1  }
0x3e5: {  	v1 =	vadd.s32 v63, v1;
	[tilespmem:$0x39B0] =	vst v2  }
0x3e6: {  	[tilespmem:$0x38A0] =	vst v1  }
0x3e7: {  	v1 =	vld.idx.msk [tilespmem:v2+s5+$0x0], $0xffff  }
0x3e8: {  	v2 =	vld [tilespmem:$0x2FC0];
	_ =	sdelay $0x4  }
0x3e9: {  	[tilespmem:$0x37B0] =	vst v1  }
0x3ea: {  	v1 =	vadd.s32 v63, v1;
	[tilespmem:$0x39C0] =	vst v2  }
0x3eb: {  	[tilespmem:$0x38B0] =	vst v1  }
0x3ec: {  	v1 =	vld.idx.msk [tilespmem:v2+s5+$0x0], $0xffff  }
0x3ed: {  	v2 =	vld [tilespmem:$0x2FD0];
	_ =	sdelay $0x4  }
0x3ee: {  	[tilespmem:$0x37C0] =	vst v1  }
0x3ef: {  	v1 =	vadd.s32 v3, v1;
	[tilespmem:$0x39D0] =	vst v2  }
0x3f0: {  	[tilespmem:$0x38C0] =	vst v1  }
0x3f1: {  	v1 =	vld.idx.msk [tilespmem:v2+s5+$0x0], $0xffff  }
0x3f2: {  	v2 =	vld [tilespmem:$0x2FE0];
	_ =	sdelay $0x4  }
0x3f3: {  	[tilespmem:$0x37D0] =	vst v1  }
0x3f4: {  	v1 =	vadd.s32 v3, v1;
	[tilespmem:$0x39E0] =	vst v2  }
0x3f5: {  	[tilespmem:$0x38D0] =	vst v1  }
0x3f6: {  	v1 =	vld.idx.msk [tilespmem:v2+s5+$0x0], $0xffff  }
0x3f7: {  	v2 =	vld [tilespmem:$0x2FF0];
	_ =	sdelay $0x4  }
0x3f8: {  	[tilespmem:$0x37E0] =	vst v1  }
0x3f9: {  	v1 =	vadd.s32 v4, v1;
	[tilespmem:$0x39F0] =	vst v2  }
0x3fa: {  	[tilespmem:$0x38E0] =	vst v1  }
0x3fb: {  	v1 =	vld.idx.msk [tilespmem:v2+s5+$0x0], $0xffff;
	_ =	sdelay $0x4  }
0x3fc: {  	[tilespmem:$0x37F0] =	vst v1;
	v1 =	vadd.s32 v4, v1  }
0x3fd: {  	[tilespmem:$0x38F0] =	vst v1  }
0x3fe: {  	[tilespmem:s19], [sflag:$0x2] =	stream.indirect.gather [hbm4b:s1+s14], $0x80, s18, s14, $0xb8;
	[tilespmem:$0x17A00] =	vst v63  }
0x3ff: {  	_ = 	snop  }
0x400: {  	[tilespmem:s20], [sflag:$0x2] =	stream.indirect.gather [hbm4b:s2+s14], $0x80, s18, s14, $0xb8;
	[tilespmem:$0x17A00] =	vst v63  }
0x401: {  	_ =	swait.ge [sflag:s21], $0x4000  }
0x402: {  	[sflag:s21] =	ssyncset.done $0x0  }
0x403: {  	[sflag:s21] =	ssyncadd.s32 $0xFFFFC000  }
0x404: {  	_ =	swait.ge [sflag:s21], $0x4000  }
0x405: {  	[sflag:s21] =	ssyncset.done $0x0  }
0x406: {  	[sflag:s21] =	ssyncadd.s32 $0xFFFFC000  }
0x407: {  	[spmem:s4] =	stream.indirect.scatter.add.f32 [tilespmem:s16], [sflag:$0x3], $0x80, s22, s14, $0xb8;
	[tilespmem:$0x17A00] =	vst v63  }
0x408: {  	s0 =	sadd.s32 $0x7000, s7  }
0x409: {  	[hbm4b:s0+s5] =	stream.linear.scatter [tilespmem:s17], [sflag:$0x5], $0x4000, $0x38;
	[tilespmem:$0x17A00] =	vst v63  }
0x40a: {  	_ =	swait.ge [sflag:s25], $0x4000  }
0x40b: {  	[sflag:s25] =	ssyncset.done $0x0  }
0x40c: {  	[sflag:s25] =	ssyncadd.s32 $0xFFFFC000  }
0x40d: {  	_ =	swait.ge [sflag:s25], $0x4000  }
0x40e: {  	[sflag:s25] =	ssyncset.done $0x0  }
0x40f: {  	[sflag:s25] =	ssyncadd.s32 $0xFFFFC000  }
0x410: {  	[spmem:s4] =	stream.indirect.scatter.add.f32 [tilespmem:s19], [sflag:$0x4], $0x80, s26, s14, $0xb8;
	[tilespmem:$0x17A00] =	vst v63  }
0x411: {  	s7 =	sadd.s32 $0x7800, s7  }
0x412: {  	[hbm4b:s7+s5] =	stream.linear.scatter [tilespmem:s20], [sflag:$0x6], $0x4000, $0x38;
	[tilespmem:$0x17A00] =	vst v63  }
0x413: {  	_ =	swait.ge [sflag:s23], $0x4000  }
0x414: {  	[sflag:s23] =	ssyncset.done $0x0  }
0x415: {  	[sflag:s23] =	ssyncadd.s32 $0xFFFFC000  }
0x416: {  	_ =	swait.ge [sflag:s24], $0x4000  }
0x417: {  	[sflag:s24] =	ssyncset.done $0x0  }
0x418: {  	[sflag:s24] =	ssyncadd.s32 $0xFFFFC000  }
0x419: {  	_ =	swait.ge [sflag:s28], $0x4000  }
0x41a: {  	[sflag:s28] =	ssyncset.done $0x0  }
0x41b: {  	[sflag:s28] =	ssyncadd.s32 $0xFFFFC000  }
0x41c: {  	_ =	swait.ge [sflag:s29], $0x4000  }
0x41d: {  	[sflag:s29] =	ssyncset.done $0x0  }
0x41e: {  	s7 =	rddreg [dreg:$0xa];
	[sflag:s29] =	ssyncadd.s32 $0xFFFFC000  }
0x41f: {  	[hbm4b:s9+s5] =	stream.linear.scatter [tilespmem:s7], [sflag:$0x7], $0x800, $0x38;
	[tilespmem:$0x17A00] =	vst v63  }
0x420: {  	_ =	swait.ge [sflag:s11], $0x800  }
0x421: {  	p0 =	sne.s32 s6, $0x20000;
	[sflag:s11] =	ssyncset.done $0x0  }
.Ltmp0:
0x422: {  	[sflag:s11] =	ssyncadd.s32 $0xFFFFF800;
	(pc) =	sbr.rel @p0 .LBB2_2-.Ltmp0, $4  }
0x423: {  	[hbm:s8], [sflag:s12] =	dma.local [spmem:s13], $0x800  }
0x424: {  	_ =	swait.ge [sflag:s11], $0x800  }
0x425: {  	s31 =	sadd.s32 $0x100, s31;
	s6 =	sadd.s32 $0x8000, s6;
	[sflag:s11] =	ssyncset.done $0x0  }
0x426: {  	s9 =	sadd.s32 $0x100, s9;
	s8 =	sadd.s32 $0x800, s8;
	[sflag:s11] =	ssyncadd.s32 $0xFFFFF800  }
0x427: {  	s30 =	sadd.s32 $0x1, s30;
	s0 =	rddreg [dreg:$0xc]  }
0x428: {  	p0 =	sne.s32 s30, s0  }
.Ltmp1:
0x429: {  	_ = 	snop;
	(pc) =	sbr.rel @p0 .LBB2_1-.Ltmp1, $1  }
0x42a: {  	_ =	sdelay $0x3  }
0x42b: {  	_ =	sfence.sel $0x180000  }
0x42c: {  	[bflag:$0x0] =	sbarrier.arrive $0xFFFF  }
0x42d: {  	_ =	strace $0x90000047  }
0x42e: {  	s0 =	stileid.u32;
	[bflag:$0x2] =	sbarrier.arrive $0xFFFF  }
0x42f: {  	p0 =	sne.s32 s0, $0x0;
	s0 =	rddreg [dreg:$0x6]  }
0x430: {  	s0 =	sadd.s32 @!p0 $0x100000, s0  }
0x431: {  	[sflag:s0] =	ssyncadd.tile.s32 @!p0 $0x1;
	_ =	shalt  }
.Lfunc_end2:
_tile_overlayer_lowered:
.L_overlay_start_2:
0x432: {  	(tag) =	ssettag $0x2  }
0x433: {  	s0 =	rddreg [dreg:$0x0];
	s2 =	stileid.u32  }
0x434: {  	s1 =	rddreg [dreg:$0x1];
	p0 =	sne.s32 s2, $0x0  }
0x435: {  	s3 =	rddreg [dreg:$0x2];
	[bflag:$0x3] =	sbarrier.arrive $0xFFFF;
	s2 =	simm.s32 @!p0 $0x1C07  }
0x436: {  	[timem:s3], [sflag:s2] =	dma.local @!p0 [hbm:s0], s1  }
0x437: {  	s0 =	simm.s32 @!p0 $0x7  }
0x438: {  	_ =	swait.ge @!p0 [sflag:s0], s1  }
0x439: {  	s1 =	ssub.s32 @!p0 $0x0, s1;
	[sflag:s0] =	ssyncset.done @!p0 $0x0  }
0x43a: {  	[sflag:s0] =	ssyncadd.s32 @!p0 s1  }
0x43b: {  	[bflag:$0x3] =	sbarrier.arrive $0xFFFF  }
0x43c: {  	_ =	shalt  }

</sc_bundles>
